<compile_context>
chip_gen: v7x
topology: tpu7x:2x2x1
jax: 0.10.2.dev20260603
libtpu: 0.0.44.dev20260713+nightly
codegen_flags: <defaults>
</compile_context>

<pallas_src>
import functools

import jax
import jax.numpy as jnp
from jax import lax
from jax.experimental import pallas as pl
from jax.experimental.pallas import tpu as pltpu
from jax.experimental.pallas import tpu_sc as plsc

QDIM = 512
LDIM = 1024
HID = 128
EDIM = 16
NQ = 5000
NL = 5000
N = NQ + NL
E = 160000
ESEE = 120000
EPRED = 40000

F = 2 * HID
H = HID
EW = 128
C = 128
DUMP = N
NPAD = 10112
RPT = NPAD // 16
ZCH = ((0, 128), (128, 128), (256, 128), (384, 128), (512, RPT - 512))

K1 = 59
EP1 = 16 * K1 * C
K2 = 30
EP2 = 32 * K2 * C
C3 = 128
K3 = 10
EP3 = 32 * K3 * C3

_MESH = plsc.VectorSubcoreMesh(core_axis_name="c", subcore_axis_name="s")


def _zero_vmem(ref, rows, cols):
    z16 = jnp.zeros((16,), jnp.float32)

    def body(r, carry):
        for j in range(cols // 16):
            ref[r, pl.ds(j * 16, 16)] = z16
        return carry
    lax.fori_loop(0, rows, body, 0)


def _zero_acc(acc, rows_v, base):
    for off, ln in ZCH:
        pltpu.sync_copy(rows_v.at[pl.ds(0, ln)], acc.at[pl.ds(base + off, ln)])


def _drain_acc(acc, rows_v, base, out, obase=0):
    for off, ln in ZCH:
        pltpu.sync_copy(acc.at[pl.ds(base + off, ln)], rows_v.at[pl.ds(0, ln)])
        pltpu.sync_copy(rows_v.at[pl.ds(0, ln)],
                        out.at[pl.ds(obase + base + off, ln)])


def _gather_scatter_pipelined(k, x_hbm, idx_v, dst_v, r0, r1, s0, s1, acc):
    assert k % 2 == 1 and k >= 3

    def gather(j, buf, sem):
        pltpu.async_copy(x_hbm.at[idx_v.at[j]], buf, sem)

    def wait(j, buf, sem):
        pltpu.make_async_copy(x_hbm.at[idx_v.at[j]], buf, sem).wait()

    def scat(j, buf):
        pltpu.sync_copy(buf, acc.at[dst_v.at[j]], add=True)

    gather(0, r0, s0)

    def pair(p, carry):
        j0 = 2 * p
        gather(j0 + 1, r1, s1)
        wait(j0, r0, s0)
        scat(j0, r0)
        gather(j0 + 2, r0, s0)
        wait(j0 + 1, r1, s1)
        scat(j0 + 1, r1)
        return carry
    lax.fori_loop(0, (k - 1) // 2, pair, 0)
    wait(k - 1, r0, s0)
    scat(k - 1, r0)


def _gather_scatter_serial(k, x_hbm, idx_v, dst_v, buf, sem, acc):
    def chunk(j, carry):
        pltpu.async_copy(x_hbm.at[idx_v.at[j]], buf, sem).wait()
        pltpu.sync_copy(buf, acc.at[dst_v.at[j]], add=True)
        return carry
    lax.fori_loop(0, k, chunk, 0)


@functools.partial(
    pl.kernel,
    mesh=_MESH,
    out_type=jax.ShapeDtypeStruct((2 * NPAD, H), jnp.float32),
    scratch_types=[
        pltpu.VMEM((K1, C), jnp.int32),
        pltpu.VMEM((K1, C), jnp.int32),
        pltpu.VMEM((C, H), jnp.float32),
        pltpu.VMEM((C, H), jnp.float32),
        pltpu.VMEM_SHARED((NPAD, H), jnp.float32),
        pltpu.SemaphoreType.DMA,
        pltpu.SemaphoreType.DMA,
    ],
)
def _segsum_sc(xv, srcs, dsts, out, src_v, dst_v, r0, r1, acc, s0, s1):
    cid = lax.axis_index("c")
    sid = lax.axis_index("s")
    base = sid * RPT

    _zero_vmem(r0, C, H)
    _zero_acc(acc, r0, base)
    pltpu.sync_copy(srcs.at[sid], src_v)
    pltpu.sync_copy(dsts.at[sid], dst_v)
    off = jnp.broadcast_to(cid * N, (16,)).astype(jnp.int32)

    def shift(r, carry):
        for j in range(C // 16):
            src_v[r, pl.ds(j * 16, 16)] = src_v[r, pl.ds(j * 16, 16)] + off
        return carry
    lax.fori_loop(0, K1, shift, 0)
    plsc.subcore_barrier()

    _gather_scatter_pipelined(K1, xv, src_v, dst_v, r0, r1, s0, s1, acc)

    plsc.subcore_barrier()
    _drain_acc(acc, r0, base, out, cid * NPAD)


@functools.partial(
    pl.kernel,
    mesh=_MESH,
    out_type=jax.ShapeDtypeStruct((2 * NPAD, EW), jnp.float32),
    scratch_types=[
        pltpu.VMEM((K2, C), jnp.int32),
        pltpu.VMEM((K2, C), jnp.int32),
        pltpu.VMEM((C, EW), jnp.float32),
        pltpu.VMEM_SHARED((NPAD, EW), jnp.float32),
        pltpu.SemaphoreType.DMA,
    ],
)
def _ewsum_sc(z, gidx, didx, out, g_v, d_v, r0, acc, s0):
    cid = lax.axis_index("c")
    sid = lax.axis_index("s")
    wid = cid * 16 + sid
    base = sid * RPT

    _zero_vmem(r0, C, EW)
    _zero_acc(acc, r0, base)
    pltpu.sync_copy(gidx.at[wid], g_v)
    pltpu.sync_copy(didx.at[wid], d_v)
    plsc.subcore_barrier()

    _gather_scatter_serial(K2, z, g_v, d_v, r0, s0, acc)

    plsc.subcore_barrier()
    _drain_acc(acc, r0, base, out, cid * NPAD)


@functools.partial(
    pl.kernel,
    mesh=_MESH,
    out_type=jax.ShapeDtypeStruct((EP3, 16), jnp.float32),
    scratch_types=[
        pltpu.VMEM((K3, C3), jnp.int32),
        pltpu.VMEM((K3, C3), jnp.int32),
        pltpu.VMEM((C3, F), jnp.float32),
        pltpu.VMEM((C3, F), jnp.float32),
        pltpu.VMEM((C3, 16), jnp.float32),
        pltpu.SemaphoreType.DMA,
    ],
)
def _pred_sc(xa, xb, aidx, bidx, out, ai_v, bi_v, a_v, b_v, res_v, sem):
    cid = lax.axis_index("c")
    sid = lax.axis_index("s")
    wid = cid * 16 + sid

    pltpu.sync_copy(aidx.at[wid], ai_v)
    pltpu.sync_copy(bidx.at[wid], bi_v)

    def chunk(j, carry):
        ca = pltpu.async_copy(xa.at[ai_v.at[j]], a_v, sem)
        cb = pltpu.async_copy(xb.at[bi_v.at[j]], b_v, sem)
        ca.wait()
        cb.wait()

        def edge(e, c2):
            acc = a_v[e, pl.ds(0, 16)] * b_v[e, pl.ds(0, 16)]
            for k in range(1, F // 16):
                acc = acc + a_v[e, pl.ds(16 * k, 16)] * b_v[e, pl.ds(16 * k, 16)]
            res_v[e, :] = acc
            return c2
        lax.fori_loop(0, C3, edge, 0)
        pltpu.sync_copy(res_v, out.at[pl.ds(wid * (K3 * C3) + j * C3, C3)])
        return carry
    lax.fori_loop(0, K3, chunk, 0)


def _mm_body(a_ref, w_ref, b_ref, o_ref):
    o_ref[...] = (jnp.dot(a_ref[...], w_ref[...],
                          preferred_element_type=jnp.float32) + b_ref[...])


def _matmul(a, w, b, bm):
    m, k = a.shape
    n = w.shape[1]
    return pl.pallas_call(
        _mm_body,
        grid=(m // bm,),
        in_specs=[pl.BlockSpec((bm, k), lambda i: (i, 0)),
                  pl.BlockSpec((k, n), lambda i: (0, 0)),
                  pl.BlockSpec((1, n), lambda i: (0, 0))],
        out_specs=pl.BlockSpec((bm, n), lambda i: (i, 0)),
        out_shape=jax.ShapeDtypeStruct((m, n), jnp.float32),
    )(a, w, b.reshape(1, n))


def _z_body(ew_ref, w_ref, b_ref, o_ref):
    t = (jnp.dot(ew_ref[...], w_ref[...],
                 preferred_element_type=jnp.float32) + b_ref[...])
    t = jnp.where(t >= 0, t, 0.01 * t)
    bm = t.shape[0]
    o_ref[...] = jnp.concatenate(
        [t, jnp.ones((bm, 1), jnp.float32),
         jnp.zeros((bm, EW - EDIM - 1), jnp.float32)], axis=1)


def _edge_z(edge_weight, we, be):
    bm = 1000
    return pl.pallas_call(
        _z_body,
        grid=(E // bm,),
        in_specs=[pl.BlockSpec((bm, EDIM), lambda i: (i, 0)),
                  pl.BlockSpec((EDIM, EDIM), lambda i: (0, 0)),
                  pl.BlockSpec((1, EDIM), lambda i: (0, 0))],
        out_specs=pl.BlockSpec((bm, EW), lambda i: (i, 0)),
        out_shape=jax.ShapeDtypeStruct((E, EW), jnp.float32),
    )(edge_weight, we, be.reshape(1, EDIM))


def _conv_body(s_ref, e0_ref, e1_ref, xp_ref, wm_ref, we_ref, y_ref, st_ref):
    y = jnp.dot(s_ref[...], wm_ref[...], preferred_element_type=jnp.float32)
    y = y + jnp.dot(e0_ref[...] + e1_ref[...], we_ref[...],
                    preferred_element_type=jnp.float32)
    y = y + xp_ref[...]
    y_ref[...] = y
    blk = jnp.concatenate(
        [jnp.sum(y, axis=0, keepdims=True),
         jnp.sum(y * y, axis=0, keepdims=True),
         jnp.zeros((6, F), jnp.float32)], axis=0)

    @pl.when(pl.program_id(0) == 0)
    def _():
        st_ref[...] = blk

    @pl.when(pl.program_id(0) > 0)
    def _():
        st_ref[...] = st_ref[...] + blk


def _conv_combine(s, e0, e1, xprev, wm, wed_aug):
    bm = 1000
    return pl.pallas_call(
        _conv_body,
        grid=(N // bm,),
        in_specs=[pl.BlockSpec((bm, F), lambda i: (i, 0)),
                  pl.BlockSpec((bm, EW), lambda i: (i, 0)),
                  pl.BlockSpec((bm, EW), lambda i: (i, 0)),
                  pl.BlockSpec((bm, F), lambda i: (i, 0)),
                  pl.BlockSpec((F, F), lambda i: (0, 0)),
                  pl.BlockSpec((EW, F), lambda i: (0, 0))],
        out_specs=[pl.BlockSpec((bm, F), lambda i: (i, 0)),
                   pl.BlockSpec((8, F), lambda i: (0, 0))],
        out_shape=[jax.ShapeDtypeStruct((N, F), jnp.float32),
                   jax.ShapeDtypeStruct((8, F), jnp.float32)],
    )(s, e0, e1, xprev, wm, wed_aug)


def _bn_body(y_ref, st_ref, g_ref, b_ref, o_ref, *, lrelu):
    mu = st_ref[0:1, :] * (1.0 / N)
    var = st_ref[1:2, :] * (1.0 / N) - mu * mu
    rs = lax.rsqrt(var + 1e-5)
    o = (y_ref[...] - mu) * (rs * g_ref[...]) + b_ref[...]
    if lrelu:
        o = jnp.where(o > 0, o, 0.01 * o)
    o_ref[...] = o


def _bn_apply(y, st, gamma, beta, lrelu):
    bm = 1000
    return pl.pallas_call(
        functools.partial(_bn_body, lrelu=lrelu),
        grid=(N // bm,),
        in_specs=[pl.BlockSpec((bm, F), lambda i: (i, 0)),
                  pl.BlockSpec((8, F), lambda i: (0, 0)),
                  pl.BlockSpec((1, F), lambda i: (0, 0)),
                  pl.BlockSpec((1, F), lambda i: (0, 0))],
        out_specs=pl.BlockSpec((bm, F), lambda i: (i, 0)),
        out_shape=jax.ShapeDtypeStruct((N, F), jnp.float32),
    )(y, st, gamma.reshape(1, F), beta.reshape(1, F))


def _predfin_body(p_ref, o_ref):
    s = jnp.sum(p_ref[...], axis=1) * (1.0 / F)
    o_ref[...] = 1.0 / (1.0 + jnp.exp(-s))


def _pred_finalize(p):
    bm = 4096
    assert EP3 % bm == 0
    return pl.pallas_call(
        _predfin_body,
        grid=(EP3 // bm,),
        in_specs=[pl.BlockSpec((bm, 16), lambda i: (i, 0))],
        out_specs=pl.BlockSpec((bm,), lambda i: (i,)),
        out_shape=jax.ShapeDtypeStruct((EP3,), jnp.float32),
    )(p)


def _pad_reshape(idx, total, ntiles, k, fill, c=C):
    npad = total - idx.shape[0]
    if fill == DUMP:
        pad = N + jnp.arange(npad, dtype=jnp.int32) % (NPAD - N)
    else:
        pad = jnp.arange(npad, dtype=jnp.int32) % fill
    return jnp.concatenate([idx, pad]).reshape(ntiles, k, c)


def kernel(task_id, query_features, llm_features, edge_weight, Wtask, btask,
           Wq, bq, Wllm, bllm, We_mlp, be_mlp, Wm1, bm1, Wed1, bed1, Wm2, bm2,
           Wed2, bed2, gamma1, beta1, gamma2, beta2, edge_index, edge_mask,
           edge_can_see):
    src_see = jnp.take(edge_index[0], edge_can_see)
    dst_see = jnp.take(edge_index[1], edge_can_see)
    sp = jnp.take(edge_index[0], edge_mask)
    dp = jnp.take(edge_index[1], edge_mask)

    srcs = _pad_reshape(src_see, EP1, 16, K1, N)
    dsts = _pad_reshape(dst_see, EP1, 16, K1, DUMP)
    gidx = _pad_reshape(edge_can_see, EP2, 32, K2, E)
    didx = _pad_reshape(dst_see, EP2, 32, K2, DUMP)
    aidx = _pad_reshape(sp, EP3, 32, K3, N, C3)
    bidx = _pad_reshape(dp, EP3, 32, K3, N, C3)

    wed1_aug = (jnp.zeros((EW, F), jnp.float32)
                .at[:EDIM].set(Wed1).at[EDIM].set(bm1 + bed1))
    wed2_aug = (jnp.zeros((EW, F), jnp.float32)
                .at[:EDIM].set(Wed2).at[EDIM].set(bm2 + bed2))

    at = _matmul(task_id, Wtask, btask, 1000)
    aq = _matmul(query_features, Wq, bq, 1000)
    al = _matmul(llm_features, Wllm, bllm, 1000)
    x_ini = jnp.concatenate([jnp.concatenate([at, aq], axis=1), al], axis=0)
    z = _edge_z(edge_weight, We_mlp, be_mlp)

    esum = _ewsum_sc(z, gidx, didx)
    e0 = esum[:N]
    e1 = esum[NPAD:NPAD + N]

    sv = _segsum_sc(jnp.concatenate([x_ini[:, :H], x_ini[:, H:]], 0),
                    srcs, dsts)
    s = jnp.concatenate([sv[:N], sv[NPAD:NPAD + N]], axis=1)
    y1, st1 = _conv_combine(s, e0, e1, x_ini, Wm1, wed1_aug)
    x1 = _bn_apply(y1, st1, gamma1, beta1, lrelu=True)

    sv = _segsum_sc(jnp.concatenate([x1[:, :H], x1[:, H:]], 0), srcs, dsts)
    s = jnp.concatenate([sv[:N], sv[NPAD:NPAD + N]], axis=1)
    y2, st2 = _conv_combine(s, e0, e1, x1, Wm2, wed2_aug)
    x2 = _bn_apply(y2, st2, gamma2, beta2, lrelu=False)

    p = _pred_sc(x_ini, x2, aidx, bidx)
    return _pred_finalize(p)[:EPRED]

# --- scband reference (transcript-rebuilt; emitter-appended) ---
"""Pipeline reference for scband-encoder-decoder-net-5411658793354 (READ-ONLY COPY).

The authoritative reference and input builder live on the scoring server;
editing this copy changes nothing except your own understanding.
"""

import jax, jax.numpy as jnp
import numpy as np

QDIM = 512; LDIM = 1024; HID = 128; EDIM = 16
NQ = 5000; NL = 5000; N = NQ + NL
E = 160000; ESEE = 120000; EPRED = 40000


def setup_inputs(seed: int = 0) -> dict:
    key = jax.random.key(seed)
    ks = jax.random.split(key, 20)
    d = {}
    d["task_id"] = jax.random.normal(ks[0], (NQ, LDIM), dtype=jnp.float32)
    d["query_features"] = jax.random.normal(ks[1], (NQ, QDIM), dtype=jnp.float32)
    d["llm_features"] = jax.random.normal(ks[2], (NL, LDIM), dtype=jnp.float32)
    d["edge_weight"] = jax.random.normal(ks[3], (E, EDIM), dtype=jnp.float32)
    # FeatureAlign params
    d["Wtask"] = 0.02 * jax.random.normal(ks[4], (LDIM, HID), dtype=jnp.float32)
    d["btask"] = jnp.zeros((HID,), dtype=jnp.float32)
    d["Wq"] = 0.02 * jax.random.normal(ks[5], (QDIM, HID), dtype=jnp.float32)
    d["bq"] = jnp.zeros((HID,), dtype=jnp.float32)
    d["Wllm"] = 0.02 * jax.random.normal(ks[6], (LDIM, 2 * HID), dtype=jnp.float32)
    d["bllm"] = jnp.zeros((2 * HID,), dtype=jnp.float32)
    # edge MLP
    d["We_mlp"] = 0.02 * jax.random.normal(ks[7], (EDIM, EDIM), dtype=jnp.float32)
    d["be_mlp"] = jnp.zeros((EDIM,), dtype=jnp.float32)
    # GeneralConv 1 (lin_msg + lin_edge; lin_self is Identity since in==out)
    d["Wm1"] = 0.02 * jax.random.normal(ks[8], (2 * HID, 2 * HID), dtype=jnp.float32)
    d["bm1"] = jnp.zeros((2 * HID,), dtype=jnp.float32)
    d["Wed1"] = 0.02 * jax.random.normal(ks[9], (EDIM, 2 * HID), dtype=jnp.float32)
    d["bed1"] = jnp.zeros((2 * HID,), dtype=jnp.float32)
    # GeneralConv 2
    d["Wm2"] = 0.02 * jax.random.normal(ks[10], (2 * HID, 2 * HID), dtype=jnp.float32)
    d["bm2"] = jnp.zeros((2 * HID,), dtype=jnp.float32)
    d["Wed2"] = 0.02 * jax.random.normal(ks[11], (EDIM, 2 * HID), dtype=jnp.float32)
    d["bed2"] = jnp.zeros((2 * HID,), dtype=jnp.float32)
    # BatchNorm affine params
    d["gamma1"] = jnp.ones((2 * HID,), dtype=jnp.float32)
    d["beta1"] = jnp.zeros((2 * HID,), dtype=jnp.float32)
    d["gamma2"] = jnp.ones((2 * HID,), dtype=jnp.float32)
    d["beta2"] = jnp.zeros((2 * HID,), dtype=jnp.float32)
    # integer inputs
    d["edge_index"] = jax.random.randint(ks[12], (2, E), 0, N, dtype=jnp.int32)
    d["edge_mask"] = jax.random.randint(ks[13], (EPRED,), 0, E, dtype=jnp.int32)
    d["edge_can_see"] = jax.random.randint(ks[14], (ESEE,), 0, E, dtype=jnp.int32)
    return d


def _batchnorm(x, gamma, beta):
    mu = jnp.mean(x, axis=0)
    var = jnp.var(x, axis=0)
    return (x - mu) / jnp.sqrt(var + 1e-5) * gamma + beta


def _forward(task_id, query_features, llm_features, edge_weight,
             Wtask, btask, Wq, bq, Wllm, bllm, We_mlp, be_mlp,
             Wm1, bm1, Wed1, bed1, Wm2, bm2, Wed2, bed2,
             gamma1, beta1, gamma2, beta2,
             edge_index, edge_mask, edge_can_see):
    ei_mask = edge_index[:, edge_can_see]
    ei_pred = edge_index[:, edge_mask]
    ew = edge_weight[edge_can_see]
    ew = jax.nn.leaky_relu(ew.reshape(-1, EDIM) @ We_mlp + be_mlp)
    ew = ew.reshape(-1, EDIM)
    # FeatureAlign
    at = task_id @ Wtask + btask
    aq = query_features @ Wq + bq
    al = llm_features @ Wllm + bllm
    x_ini = jnp.concatenate([jnp.concatenate([at, aq], axis=1), al], axis=0)

    def conv(x, Wm, bm, Wed, bed):
        msg = x[ei_mask[0]] @ Wm + bm + ew @ Wed + bed
        agg = jax.ops.segment_sum(msg, ei_mask[1], num_segments=x.shape[0])
        return agg + x  # lin_self is Identity (in_channels == out_channels)

    x = jax.nn.leaky_relu(_batchnorm(conv(x_ini, Wm1, bm1, Wed1, bed1), gamma1, beta1))
    x = _batchnorm(conv(x, Wm2, bm2, Wed2, bed2), gamma2, beta2)
    edge_predict = jax.nn.sigmoid(jnp.mean(x_ini[ei_pred[0]] * x[ei_pred[1]], axis=-1))
    return edge_predict


def reference(task_id, query_features, llm_features, edge_weight,
              Wtask, btask, Wq, bq, Wllm, bllm, We_mlp, be_mlp,
              Wm1, bm1, Wed1, bed1, Wm2, bm2, Wed2, bed2,
              gamma1, beta1, gamma2, beta2,
              edge_index, edge_mask, edge_can_see):
    return _forward(task_id=task_id, query_features=query_features,
                    llm_features=llm_features, edge_weight=edge_weight,
                    Wtask=Wtask, btask=btask, Wq=Wq, bq=bq, Wllm=Wllm, bllm=bllm,
                    We_mlp=We_mlp, be_mlp=be_mlp,
                    Wm1=Wm1, bm1=bm1, Wed1=Wed1, bed1=bed1,
                    Wm2=Wm2, bm2=bm2, Wed2=Wed2, bed2=bed2,
                    gamma1=gamma1, beta1=beta1, gamma2=gamma2, beta2=beta2,
                    edge_index=edge_index, edge_mask=edge_mask,
                    edge_can_see=edge_can_see)

if __name__ == "__main__":
    import jax
    _d = setup_inputs()
    print(jax.jit(kernel)(*tuple(_d.values())))

</pallas_src>

<mosaic_0001>
#map = affine_map<(d0, d1) -> (0, 0)>
#map1 = affine_map<(d0, d1) -> (0, 0, 0)>
module attributes {stable_mosaic.version = 14 : i64} {
  func.func @_ewsum_sc(%arg0: i32, %arg1: i32, %arg2: memref<160000x128xf32, #tpu.memory_space<hbm>>, %arg3: memref<32x30x128xi32, #tpu.memory_space<hbm>>, %arg4: memref<32x30x128xi32, #tpu.memory_space<hbm>>, %arg5: memref<20224x128xf32, #tpu.memory_space<hbm>>, %arg6: memref<30x128xi32, #tpu.memory_space<vmem>>, %arg7: memref<30x128xi32, #tpu.memory_space<vmem>>, %arg8: memref<128x128xf32, #tpu.memory_space<vmem>>, %arg9: memref<10112x128xf32, #tpu.memory_space<vmem_shared>>, %arg10: memref<!tpu.dma_semaphore, #tpu.memory_space<semaphore_mem>>) attributes {dimension_semantics = [#tpu.dimension_semantics<core_parallel>, #tpu.dimension_semantics<subcore_parallel>], iteration_bounds = array<i64: 2, 16>, scalar_prefetch = 0 : i64, scratch_operands = 5 : i64, tpu.core_type = #tpu.core_type<sc_vector_subcore>, window_params = [{transform_indices = #map}, {transform_indices = #map1}, {transform_indices = #map1}, {transform_indices = #map}]} {
    %mul3A = arith.constant 16 : i32
    %mul3A_0 = arith.muli %arg0, %mul3A : i32
    %add3A = arith.addi %mul3A_0, %arg1 : i32
    %mul3A_1 = arith.constant 632 : i32
    %mul3A_2 = arith.muli %arg1, %mul3A_1 : i32
    %broadcast_in_dim3A = arith.constant 0.000000e+00 : f32
    %broadcast_in_dim3A_3 = vector.broadcast %broadcast_in_dim3A : f32 to vector<16xf32>
    %scan3A = arith.constant 0 : i32
    %scan3A_4 = arith.constant 0 : i32
    %scan3A_5 = arith.constant 128 : i32
    %scan3A_6 = arith.addi %scan3A_4, %scan3A_5 : i32
    %scan3A_7 = arith.constant 1 : i32
    scf.for %scan3A_53 = %scan3A_4 to %scan3A_6 step %scan3A_7  : i32 {
      %swap3A = arith.index_cast %scan3A_53 : i32 to index
      %swap3A_54 = arith.constant 0 : index
      %swap3A_55 = tpu.vector_load %arg8[%swap3A, %swap3A_54] {strides = array<i32>} : memref<128x128xf32, #tpu.memory_space<vmem>>, vector<1x16xf32>,
      %swap3A_56 = vector.shape_cast %swap3A_55 : vector<1x16xf32> to vector<16xf32>
      %swap3A_57 = vector.shape_cast %broadcast_in_dim3A_3 : vector<16xf32> to vector<1x16xf32>
      tpu.vector_store %arg8[%swap3A, %swap3A_54], %swap3A_57 {strides = array<i32>} : memref<128x128xf32, #tpu.memory_space<vmem>>, vector<1x16xf32>,
      %swap3A_58 = arith.index_cast %scan3A_53 : i32 to index
      %swap3A_59 = arith.constant 16 : index
      %swap3A_60 = tpu.vector_load %arg8[%swap3A_58, %swap3A_59] {strides = array<i32>} : memref<128x128xf32, #tpu.memory_space<vmem>>, vector<1x16xf32>,
      %swap3A_61 = vector.shape_cast %swap3A_60 : vector<1x16xf32> to vector<16xf32>
      %swap3A_62 = vector.shape_cast %broadcast_in_dim3A_3 : vector<16xf32> to vector<1x16xf32>
      tpu.vector_store %arg8[%swap3A_58, %swap3A_59], %swap3A_62 {strides = array<i32>} : memref<128x128xf32, #tpu.memory_space<vmem>>, vector<1x16xf32>,
      %swap3A_63 = arith.index_cast %scan3A_53 : i32 to index
      %swap3A_64 = arith.constant 32 : index
      %swap3A_65 = tpu.vector_load %arg8[%swap3A_63, %swap3A_64] {strides = array<i32>} : memref<128x128xf32, #tpu.memory_space<vmem>>, vector<1x16xf32>,
      %swap3A_66 = vector.shape_cast %swap3A_65 : vector<1x16xf32> to vector<16xf32>
      %swap3A_67 = vector.shape_cast %broadcast_in_dim3A_3 : vector<16xf32> to vector<1x16xf32>
      tpu.vector_store %arg8[%swap3A_63, %swap3A_64], %swap3A_67 {strides = array<i32>} : memref<128x128xf32, #tpu.memory_space<vmem>>, vector<1x16xf32>,
      %swap3A_68 = arith.index_cast %scan3A_53 : i32 to index
      %swap3A_69 = arith.constant 48 : index
      %swap3A_70 = tpu.vector_load %arg8[%swap3A_68, %swap3A_69] {strides = array<i32>} : memref<128x128xf32, #tpu.memory_space<vmem>>, vector<1x16xf32>,
      %swap3A_71 = vector.shape_cast %swap3A_70 : vector<1x16xf32> to vector<16xf32>
      %swap3A_72 = vector.shape_cast %broadcast_in_dim3A_3 : vector<16xf32> to vector<1x16xf32>
      tpu.vector_store %arg8[%swap3A_68, %swap3A_69], %swap3A_72 {strides = array<i32>} : memref<128x128xf32, #tpu.memory_space<vmem>>, vector<1x16xf32>,
      %swap3A_73 = arith.index_cast %scan3A_53 : i32 to index
      %swap3A_74 = arith.constant 64 : index
      %swap3A_75 = tpu.vector_load %arg8[%swap3A_73, %swap3A_74] {strides = array<i32>} : memref<128x128xf32, #tpu.memory_space<vmem>>, vector<1x16xf32>,
      %swap3A_76 = vector.shape_cast %swap3A_75 : vector<1x16xf32> to vector<16xf32>
      %swap3A_77 = vector.shape_cast %broadcast_in_dim3A_3 : vector<16xf32> to vector<1x16xf32>
      tpu.vector_store %arg8[%swap3A_73, %swap3A_74], %swap3A_77 {strides = array<i32>} : memref<128x128xf32, #tpu.memory_space<vmem>>, vector<1x16xf32>,
      %swap3A_78 = arith.index_cast %scan3A_53 : i32 to index
      %swap3A_79 = arith.constant 80 : index
      %swap3A_80 = tpu.vector_load %arg8[%swap3A_78, %swap3A_79] {strides = array<i32>} : memref<128x128xf32, #tpu.memory_space<vmem>>, vector<1x16xf32>,
      %swap3A_81 = vector.shape_cast %swap3A_80 : vector<1x16xf32> to vector<16xf32>
      %swap3A_82 = vector.shape_cast %broadcast_in_dim3A_3 : vector<16xf32> to vector<1x16xf32>
      tpu.vector_store %arg8[%swap3A_78, %swap3A_79], %swap3A_82 {strides = array<i32>} : memref<128x128xf32, #tpu.memory_space<vmem>>, vector<1x16xf32>,
      %swap3A_83 = arith.index_cast %scan3A_53 : i32 to index
      %swap3A_84 = arith.constant 96 : index
      %swap3A_85 = tpu.vector_load %arg8[%swap3A_83, %swap3A_84] {strides = array<i32>} : memref<128x128xf32, #tpu.memory_space<vmem>>, vector<1x16xf32>,
      %swap3A_86 = vector.shape_cast %swap3A_85 : vector<1x16xf32> to vector<16xf32>
      %swap3A_87 = vector.shape_cast %broadcast_in_dim3A_3 : vector<16xf32> to vector<1x16xf32>
      tpu.vector_store %arg8[%swap3A_83, %swap3A_84], %swap3A_87 {strides = array<i32>} : memref<128x128xf32, #tpu.memory_space<vmem>>, vector<1x16xf32>,
      %swap3A_88 = arith.index_cast %scan3A_53 : i32 to index
      %swap3A_89 = arith.constant 112 : index
      %swap3A_90 = tpu.vector_load %arg8[%swap3A_88, %swap3A_89] {strides = array<i32>} : memref<128x128xf32, #tpu.memory_space<vmem>>, vector<1x16xf32>,
      %swap3A_91 = vector.shape_cast %swap3A_90 : vector<1x16xf32> to vector<16xf32>
      %swap3A_92 = vector.shape_cast %broadcast_in_dim3A_3 : vector<16xf32> to vector<1x16xf32>
      tpu.vector_store %arg8[%swap3A_88, %swap3A_89], %swap3A_92 {strides = array<i32>} : memref<128x128xf32, #tpu.memory_space<vmem>>, vector<1x16xf32>,
    }
    %scan3A_8 = arith.constant 128 : i32
    %add3A_9 = arith.constant 0 : i32
    %add3A_10 = arith.addi %mul3A_2, %add3A_9 : i32
    "tpu.region"() ({
      %run_scoped3A = tpu.sem_alloc : memref<!tpu.dma_semaphore, #tpu.memory_space<semaphore_mem>>
      %dma_start3A = arith.constant 0 : i32
      %dma_start3A_53 = arith.constant 0 : i32
      %dma_start3A_54 = tpu.memref_slice %arg8[%dma_start3A, %dma_start3A_53] : memref<128x128xf32, #tpu.memory_space<vmem>> -> memref<128x128xf32, #tpu.memory_space<vmem>>
      %dma_start3A_55 = arith.constant 0 : i32
      %dma_start3A_56 = tpu.memref_slice %arg9[%add3A_10, %dma_start3A_55] : memref<10112x128xf32, #tpu.memory_space<vmem_shared>> -> memref<128x128xf32, #tpu.memory_space<vmem_shared>>
      %dma_start3A_57 = arith.constant 0 : i32
      %dma_start3A_58 = tpu.memref_slice %arg9[%add3A_10, %dma_start3A_57] : memref<10112x128xf32, #tpu.memory_space<vmem_shared>> -> memref<128x128xf32, #tpu.memory_space<vmem_shared>>
      %dma_start3A_59 = arith.constant 0 : i32
      %dma_start3A_60 = arith.constant 0 : i32
      %dma_start3A_61 = tpu.memref_slice %arg8[%dma_start3A_59, %dma_start3A_60] : memref<128x128xf32, #tpu.memory_space<vmem>> -> memref<128x128xf32, #tpu.memory_space<vmem>>
      tpu.enqueue_dma source(%dma_start3A_61 : memref<128x128xf32, #tpu.memory_space<vmem>>) target(%dma_start3A_58 : memref<128x128xf32, #tpu.memory_space<vmem_shared>>) target_semaphore(%run_scoped3A : memref<!tpu.dma_semaphore, #tpu.memory_space<semaphore_mem>>)
      %dma_wait3A = arith.constant 0 : i32
      %dma_wait3A_62 = arith.constant 0 : i32
      %dma_wait3A_63 = tpu.memref_slice %arg8[%dma_wait3A, %dma_wait3A_62] : memref<128x128xf32, #tpu.memory_space<vmem>> -> memref<128x128xf32, #tpu.memory_space<vmem>>
      %dma_wait3A_64 = arith.constant 0 : i32
      %dma_wait3A_65 = tpu.memref_slice %arg9[%add3A_10, %dma_wait3A_64] : memref<10112x128xf32, #tpu.memory_space<vmem_shared>> -> memref<128x128xf32, #tpu.memory_space<vmem_shared>>
      %dma_wait3A_66 = arith.constant 0 : i32
      %dma_wait3A_67 = tpu.memref_slice %arg9[%add3A_10, %dma_wait3A_66] : memref<10112x128xf32, #tpu.memory_space<vmem_shared>> -> memref<128x128xf32, #tpu.memory_space<vmem_shared>>
      %dma_wait3A_68 = arith.constant 0 : i32
      %dma_wait3A_69 = arith.constant 0 : i32
      %dma_wait3A_70 = tpu.memref_slice %arg8[%dma_wait3A_68, %dma_wait3A_69] : memref<128x128xf32, #tpu.memory_space<vmem>> -> memref<128x128xf32, #tpu.memory_space<vmem>>
      tpu.wait_dma2 semaphore(%run_scoped3A : memref<!tpu.dma_semaphore, #tpu.memory_space<semaphore_mem>>) src(%dma_wait3A_70 : memref<128x128xf32, #tpu.memory_space<vmem>>) dst(%dma_wait3A_67 : memref<128x128xf32, #tpu.memory_space<vmem_shared>>)
      tpu.yield
    }) : () -> ()
    %add3A_11 = arith.constant 128 : i32
    %add3A_12 = arith.addi %mul3A_2, %add3A_11 : i32
    "tpu.region"() ({
      %run_scoped3A = tpu.sem_alloc : memref<!tpu.dma_semaphore, #tpu.memory_space<semaphore_mem>>
      %dma_start3A = arith.constant 0 : i32
      %dma_start3A_53 = arith.constant 0 : i32
      %dma_start3A_54 = tpu.memref_slice %arg8[%dma_start3A, %dma_start3A_53] : memref<128x128xf32, #tpu.memory_space<vmem>> -> memref<128x128xf32, #tpu.memory_space<vmem>>
      %dma_start3A_55 = arith.constant 0 : i32
      %dma_start3A_56 = tpu.memref_slice %arg9[%add3A_12, %dma_start3A_55] : memref<10112x128xf32, #tpu.memory_space<vmem_shared>> -> memref<128x128xf32, #tpu.memory_space<vmem_shared>>
      %dma_start3A_57 = arith.constant 0 : i32
      %dma_start3A_58 = tpu.memref_slice %arg9[%add3A_12, %dma_start3A_57] : memref<10112x128xf32, #tpu.memory_space<vmem_shared>> -> memref<128x128xf32, #tpu.memory_space<vmem_shared>>
      %dma_start3A_59 = arith.constant 0 : i32
      %dma_start3A_60 = arith.constant 0 : i32
      %dma_start3A_61 = tpu.memref_slice %arg8[%dma_start3A_59, %dma_start3A_60] : memref<128x128xf32, #tpu.memory_space<vmem>> -> memref<128x128xf32, #tpu.memory_space<vmem>>
      tpu.enqueue_dma source(%dma_start3A_61 : memref<128x128xf32, #tpu.memory_space<vmem>>) target(%dma_start3A_58 : memref<128x128xf32, #tpu.memory_space<vmem_shared>>) target_semaphore(%run_scoped3A : memref<!tpu.dma_semaphore, #tpu.memory_space<semaphore_mem>>)
      %dma_wait3A = arith.constant 0 : i32
      %dma_wait3A_62 = arith.constant 0 : i32
      %dma_wait3A_63 = tpu.memref_slice %arg8[%dma_wait3A, %dma_wait3A_62] : memref<128x128xf32, #tpu.memory_space<vmem>> -> memref<128x128xf32, #tpu.memory_space<vmem>>
      %dma_wait3A_64 = arith.constant 0 : i32
      %dma_wait3A_65 = tpu.memref_slice %arg9[%add3A_12, %dma_wait3A_64] : memref<10112x128xf32, #tpu.memory_space<vmem_shared>> -> memref<128x128xf32, #tpu.memory_space<vmem_shared>>
      %dma_wait3A_66 = arith.constant 0 : i32
      %dma_wait3A_67 = tpu.memref_slice %arg9[%add3A_12, %dma_wait3A_66] : memref<10112x128xf32, #tpu.memory_space<vmem_shared>> -> memref<128x128xf32, #tpu.memory_space<vmem_shared>>
      %dma_wait3A_68 = arith.constant 0 : i32
      %dma_wait3A_69 = arith.constant 0 : i32
      %dma_wait3A_70 = tpu.memref_slice %arg8[%dma_wait3A_68, %dma_wait3A_69] : memref<128x128xf32, #tpu.memory_space<vmem>> -> memref<128x128xf32, #tpu.memory_space<vmem>>
      tpu.wait_dma2 semaphore(%run_scoped3A : memref<!tpu.dma_semaphore, #tpu.memory_space<semaphore_mem>>) src(%dma_wait3A_70 : memref<128x128xf32, #tpu.memory_space<vmem>>) dst(%dma_wait3A_67 : memref<128x128xf32, #tpu.memory_space<vmem_shared>>)
      tpu.yield
    }) : () -> ()
    %add3A_13 = arith.constant 256 : i32
    %add3A_14 = arith.addi %mul3A_2, %add3A_13 : i32
    "tpu.region"() ({
      %run_scoped3A = tpu.sem_alloc : memref<!tpu.dma_semaphore, #tpu.memory_space<semaphore_mem>>
      %dma_start3A = arith.constant 0 : i32
      %dma_start3A_53 = arith.constant 0 : i32
      %dma_start3A_54 = tpu.memref_slice %arg8[%dma_start3A, %dma_start3A_53] : memref<128x128xf32, #tpu.memory_space<vmem>> -> memref<128x128xf32, #tpu.memory_space<vmem>>
      %dma_start3A_55 = arith.constant 0 : i32
      %dma_start3A_56 = tpu.memref_slice %arg9[%add3A_14, %dma_start3A_55] : memref<10112x128xf32, #tpu.memory_space<vmem_shared>> -> memref<128x128xf32, #tpu.memory_space<vmem_shared>>
      %dma_start3A_57 = arith.constant 0 : i32
      %dma_start3A_58 = tpu.memref_slice %arg9[%add3A_14, %dma_start3A_57] : memref<10112x128xf32, #tpu.memory_space<vmem_shared>> -> memref<128x128xf32, #tpu.memory_space<vmem_shared>>
      %dma_start3A_59 = arith.constant 0 : i32
      %dma_start3A_60 = arith.constant 0 : i32
      %dma_start3A_61 = tpu.memref_slice %arg8[%dma_start3A_59, %dma_start3A_60] : memref<128x128xf32, #tpu.memory_space<vmem>> -> memref<128x128xf32, #tpu.memory_space<vmem>>
      tpu.enqueue_dma source(%dma_start3A_61 : memref<128x128xf32, #tpu.memory_space<vmem>>) target(%dma_start3A_58 : memref<128x128xf32, #tpu.memory_space<vmem_shared>>) target_semaphore(%run_scoped3A : memref<!tpu.dma_semaphore, #tpu.memory_space<semaphore_mem>>)
      %dma_wait3A = arith.constant 0 : i32
      %dma_wait3A_62 = arith.constant 0 : i32
      %dma_wait3A_63 = tpu.memref_slice %arg8[%dma_wait3A, %dma_wait3A_62] : memref<128x128xf32, #tpu.memory_space<vmem>> -> memref<128x128xf32, #tpu.memory_space<vmem>>
      %dma_wait3A_64 = arith.constant 0 : i32
      %dma_wait3A_65 = tpu.memref_slice %arg9[%add3A_14, %dma_wait3A_64] : memref<10112x128xf32, #tpu.memory_space<vmem_shared>> -> memref<128x128xf32, #tpu.memory_space<vmem_shared>>
      %dma_wait3A_66 = arith.constant 0 : i32
      %dma_wait3A_67 = tpu.memref_slice %arg9[%add3A_14, %dma_wait3A_66] : memref<10112x128xf32, #tpu.memory_space<vmem_shared>> -> memref<128x128xf32, #tpu.memory_space<vmem_shared>>
      %dma_wait3A_68 = arith.constant 0 : i32
      %dma_wait3A_69 = arith.constant 0 : i32
      %dma_wait3A_70 = tpu.memref_slice %arg8[%dma_wait3A_68, %dma_wait3A_69] : memref<128x128xf32, #tpu.memory_space<vmem>> -> memref<128x128xf32, #tpu.memory_space<vmem>>
      tpu.wait_dma2 semaphore(%run_scoped3A : memref<!tpu.dma_semaphore, #tpu.memory_space<semaphore_mem>>) src(%dma_wait3A_70 : memref<128x128xf32, #tpu.memory_space<vmem>>) dst(%dma_wait3A_67 : memref<128x128xf32, #tpu.memory_space<vmem_shared>>)
      tpu.yield
    }) : () -> ()
    %add3A_15 = arith.constant 384 : i32
    %add3A_16 = arith.addi %mul3A_2, %add3A_15 : i32
    "tpu.region"() ({
      %run_scoped3A = tpu.sem_alloc : memref<!tpu.dma_semaphore, #tpu.memory_space<semaphore_mem>>
      %dma_start3A = arith.constant 0 : i32
      %dma_start3A_53 = arith.constant 0 : i32
      %dma_start3A_54 = tpu.memref_slice %arg8[%dma_start3A, %dma_start3A_53] : memref<128x128xf32, #tpu.memory_space<vmem>> -> memref<128x128xf32, #tpu.memory_space<vmem>>
      %dma_start3A_55 = arith.constant 0 : i32
      %dma_start3A_56 = tpu.memref_slice %arg9[%add3A_16, %dma_start3A_55] : memref<10112x128xf32, #tpu.memory_space<vmem_shared>> -> memref<128x128xf32, #tpu.memory_space<vmem_shared>>
      %dma_start3A_57 = arith.constant 0 : i32
      %dma_start3A_58 = tpu.memref_slice %arg9[%add3A_16, %dma_start3A_57] : memref<10112x128xf32, #tpu.memory_space<vmem_shared>> -> memref<128x128xf32, #tpu.memory_space<vmem_shared>>
      %dma_start3A_59 = arith.constant 0 : i32
      %dma_start3A_60 = arith.constant 0 : i32
      %dma_start3A_61 = tpu.memref_slice %arg8[%dma_start3A_59, %dma_start3A_60] : memref<128x128xf32, #tpu.memory_space<vmem>> -> memref<128x128xf32, #tpu.memory_space<vmem>>
      tpu.enqueue_dma source(%dma_start3A_61 : memref<128x128xf32, #tpu.memory_space<vmem>>) target(%dma_start3A_58 : memref<128x128xf32, #tpu.memory_space<vmem_shared>>) target_semaphore(%run_scoped3A : memref<!tpu.dma_semaphore, #tpu.memory_space<semaphore_mem>>)
      %dma_wait3A = arith.constant 0 : i32
      %dma_wait3A_62 = arith.constant 0 : i32
      %dma_wait3A_63 = tpu.memref_slice %arg8[%dma_wait3A, %dma_wait3A_62] : memref<128x128xf32, #tpu.memory_space<vmem>> -> memref<128x128xf32, #tpu.memory_space<vmem>>
      %dma_wait3A_64 = arith.constant 0 : i32
      %dma_wait3A_65 = tpu.memref_slice %arg9[%add3A_16, %dma_wait3A_64] : memref<10112x128xf32, #tpu.memory_space<vmem_shared>> -> memref<128x128xf32, #tpu.memory_space<vmem_shared>>
      %dma_wait3A_66 = arith.constant 0 : i32
      %dma_wait3A_67 = tpu.memref_slice %arg9[%add3A_16, %dma_wait3A_66] : memref<10112x128xf32, #tpu.memory_space<vmem_shared>> -> memref<128x128xf32, #tpu.memory_space<vmem_shared>>
      %dma_wait3A_68 = arith.constant 0 : i32
      %dma_wait3A_69 = arith.constant 0 : i32
      %dma_wait3A_70 = tpu.memref_slice %arg8[%dma_wait3A_68, %dma_wait3A_69] : memref<128x128xf32, #tpu.memory_space<vmem>> -> memref<128x128xf32, #tpu.memory_space<vmem>>
      tpu.wait_dma2 semaphore(%run_scoped3A : memref<!tpu.dma_semaphore, #tpu.memory_space<semaphore_mem>>) src(%dma_wait3A_70 : memref<128x128xf32, #tpu.memory_space<vmem>>) dst(%dma_wait3A_67 : memref<128x128xf32, #tpu.memory_space<vmem_shared>>)
      tpu.yield
    }) : () -> ()
    %add3A_17 = arith.constant 512 : i32
    %add3A_18 = arith.addi %mul3A_2, %add3A_17 : i32
    "tpu.region"() ({
      %run_scoped3A = tpu.sem_alloc : memref<!tpu.dma_semaphore, #tpu.memory_space<semaphore_mem>>
      %dma_start3A = arith.constant 0 : i32
      %dma_start3A_53 = arith.constant 0 : i32
      %dma_start3A_54 = tpu.memref_slice %arg8[%dma_start3A, %dma_start3A_53] : memref<128x128xf32, #tpu.memory_space<vmem>> -> memref<120x128xf32, #tpu.memory_space<vmem>>
      %dma_start3A_55 = arith.constant 0 : i32
      %dma_start3A_56 = tpu.memref_slice %arg9[%add3A_18, %dma_start3A_55] : memref<10112x128xf32, #tpu.memory_space<vmem_shared>> -> memref<120x128xf32, #tpu.memory_space<vmem_shared>>
      %dma_start3A_57 = arith.constant 0 : i32
      %dma_start3A_58 = tpu.memref_slice %arg9[%add3A_18, %dma_start3A_57] : memref<10112x128xf32, #tpu.memory_space<vmem_shared>> -> memref<120x128xf32, #tpu.memory_space<vmem_shared>>
      %dma_start3A_59 = arith.constant 0 : i32
      %dma_start3A_60 = arith.constant 0 : i32
      %dma_start3A_61 = tpu.memref_slice %arg8[%dma_start3A_59, %dma_start3A_60] : memref<128x128xf32, #tpu.memory_space<vmem>> -> memref<120x128xf32, #tpu.memory_space<vmem>>
      tpu.enqueue_dma source(%dma_start3A_61 : memref<120x128xf32, #tpu.memory_space<vmem>>) target(%dma_start3A_58 : memref<120x128xf32, #tpu.memory_space<vmem_shared>>) target_semaphore(%run_scoped3A : memref<!tpu.dma_semaphore, #tpu.memory_space<semaphore_mem>>)
      %dma_wait3A = arith.constant 0 : i32
      %dma_wait3A_62 = arith.constant 0 : i32
      %dma_wait3A_63 = tpu.memref_slice %arg8[%dma_wait3A, %dma_wait3A_62] : memref<128x128xf32, #tpu.memory_space<vmem>> -> memref<120x128xf32, #tpu.memory_space<vmem>>
      %dma_wait3A_64 = arith.constant 0 : i32
      %dma_wait3A_65 = tpu.memref_slice %arg9[%add3A_18, %dma_wait3A_64] : memref<10112x128xf32, #tpu.memory_space<vmem_shared>> -> memref<120x128xf32, #tpu.memory_space<vmem_shared>>
      %dma_wait3A_66 = arith.constant 0 : i32
      %dma_wait3A_67 = tpu.memref_slice %arg9[%add3A_18, %dma_wait3A_66] : memref<10112x128xf32, #tpu.memory_space<vmem_shared>> -> memref<120x128xf32, #tpu.memory_space<vmem_shared>>
      %dma_wait3A_68 = arith.constant 0 : i32
      %dma_wait3A_69 = arith.constant 0 : i32
      %dma_wait3A_70 = tpu.memref_slice %arg8[%dma_wait3A_68, %dma_wait3A_69] : memref<128x128xf32, #tpu.memory_space<vmem>> -> memref<120x128xf32, #tpu.memory_space<vmem>>
      tpu.wait_dma2 semaphore(%run_scoped3A : memref<!tpu.dma_semaphore, #tpu.memory_space<semaphore_mem>>) src(%dma_wait3A_70 : memref<120x128xf32, #tpu.memory_space<vmem>>) dst(%dma_wait3A_67 : memref<120x128xf32, #tpu.memory_space<vmem_shared>>)
      tpu.yield
    }) : () -> ()
    "tpu.region"() ({
      %run_scoped3A = tpu.sem_alloc : memref<!tpu.dma_semaphore, #tpu.memory_space<semaphore_mem>>
      %dma_start3A = arith.constant 0 : i32
      %dma_start3A_53 = arith.constant 0 : i32
      %dma_start3A_54 = tpu.memref_slice %arg3[%add3A, %dma_start3A, %dma_start3A_53] : memref<32x30x128xi32, #tpu.memory_space<hbm>> -> memref<1x30x128xi32, #tpu.memory_space<hbm>>
      %dma_start3A_55 = tpu.memref_squeeze %dma_start3A_54 : memref<1x30x128xi32, #tpu.memory_space<hbm>> -> memref<30x128xi32, #tpu.memory_space<hbm>>
      %dma_start3A_56 = arith.constant 0 : i32
      %dma_start3A_57 = arith.constant 0 : i32
      %dma_start3A_58 = tpu.memref_slice %arg3[%add3A, %dma_start3A_56, %dma_start3A_57] : memref<32x30x128xi32, #tpu.memory_space<hbm>> -> memref<1x30x128xi32, #tpu.memory_space<hbm>>
      %dma_start3A_59 = tpu.memref_squeeze %dma_start3A_58 : memref<1x30x128xi32, #tpu.memory_space<hbm>> -> memref<30x128xi32, #tpu.memory_space<hbm>>
      tpu.enqueue_dma source(%dma_start3A_59 : memref<30x128xi32, #tpu.memory_space<hbm>>) target(%arg6 : memref<30x128xi32, #tpu.memory_space<vmem>>) target_semaphore(%run_scoped3A : memref<!tpu.dma_semaphore, #tpu.memory_space<semaphore_mem>>)
      %dma_wait3A = arith.constant 0 : i32
      %dma_wait3A_60 = arith.constant 0 : i32
      %dma_wait3A_61 = tpu.memref_slice %arg3[%add3A, %dma_wait3A, %dma_wait3A_60] : memref<32x30x128xi32, #tpu.memory_space<hbm>> -> memref<1x30x128xi32, #tpu.memory_space<hbm>>
      %dma_wait3A_62 = tpu.memref_squeeze %dma_wait3A_61 : memref<1x30x128xi32, #tpu.memory_space<hbm>> -> memref<30x128xi32, #tpu.memory_space<hbm>>
      %dma_wait3A_63 = arith.constant 0 : i32
      %dma_wait3A_64 = arith.constant 0 : i32
      %dma_wait3A_65 = tpu.memref_slice %arg3[%add3A, %dma_wait3A_63, %dma_wait3A_64] : memref<32x30x128xi32, #tpu.memory_space<hbm>> -> memref<1x30x128xi32, #tpu.memory_space<hbm>>
      %dma_wait3A_66 = tpu.memref_squeeze %dma_wait3A_65 : memref<1x30x128xi32, #tpu.memory_space<hbm>> -> memref<30x128xi32, #tpu.memory_space<hbm>>
      tpu.wait_dma2 semaphore(%run_scoped3A : memref<!tpu.dma_semaphore, #tpu.memory_space<semaphore_mem>>) src(%dma_wait3A_66 : memref<30x128xi32, #tpu.memory_space<hbm>>) dst(%arg6 : memref<30x128xi32, #tpu.memory_space<vmem>>)
      tpu.yield
    }) : () -> ()
    "tpu.region"() ({
      %run_scoped3A = tpu.sem_alloc : memref<!tpu.dma_semaphore, #tpu.memory_space<semaphore_mem>>
      %dma_start3A = arith.constant 0 : i32
      %dma_start3A_53 = arith.constant 0 : i32
      %dma_start3A_54 = tpu.memref_slice %arg4[%add3A, %dma_start3A, %dma_start3A_53] : memref<32x30x128xi32, #tpu.memory_space<hbm>> -> memref<1x30x128xi32, #tpu.memory_space<hbm>>
      %dma_start3A_55 = tpu.memref_squeeze %dma_start3A_54 : memref<1x30x128xi32, #tpu.memory_space<hbm>> -> memref<30x128xi32, #tpu.memory_space<hbm>>
      %dma_start3A_56 = arith.constant 0 : i32
      %dma_start3A_57 = arith.constant 0 : i32
      %dma_start3A_58 = tpu.memref_slice %arg4[%add3A, %dma_start3A_56, %dma_start3A_57] : memref<32x30x128xi32, #tpu.memory_space<hbm>> -> memref<1x30x128xi32, #tpu.memory_space<hbm>>
      %dma_start3A_59 = tpu.memref_squeeze %dma_start3A_58 : memref<1x30x128xi32, #tpu.memory_space<hbm>> -> memref<30x128xi32, #tpu.memory_space<hbm>>
      tpu.enqueue_dma source(%dma_start3A_59 : memref<30x128xi32, #tpu.memory_space<hbm>>) target(%arg7 : memref<30x128xi32, #tpu.memory_space<vmem>>) target_semaphore(%run_scoped3A : memref<!tpu.dma_semaphore, #tpu.memory_space<semaphore_mem>>)
      %dma_wait3A = arith.constant 0 : i32
      %dma_wait3A_60 = arith.constant 0 : i32
      %dma_wait3A_61 = tpu.memref_slice %arg4[%add3A, %dma_wait3A, %dma_wait3A_60] : memref<32x30x128xi32, #tpu.memory_space<hbm>> -> memref<1x30x128xi32, #tpu.memory_space<hbm>>
      %dma_wait3A_62 = tpu.memref_squeeze %dma_wait3A_61 : memref<1x30x128xi32, #tpu.memory_space<hbm>> -> memref<30x128xi32, #tpu.memory_space<hbm>>
      %dma_wait3A_63 = arith.constant 0 : i32
      %dma_wait3A_64 = arith.constant 0 : i32
      %dma_wait3A_65 = tpu.memref_slice %arg4[%add3A, %dma_wait3A_63, %dma_wait3A_64] : memref<32x30x128xi32, #tpu.memory_space<hbm>> -> memref<1x30x128xi32, #tpu.memory_space<hbm>>
      %dma_wait3A_66 = tpu.memref_squeeze %dma_wait3A_65 : memref<1x30x128xi32, #tpu.memory_space<hbm>> -> memref<30x128xi32, #tpu.memory_space<hbm>>
      tpu.wait_dma2 semaphore(%run_scoped3A : memref<!tpu.dma_semaphore, #tpu.memory_space<semaphore_mem>>) src(%dma_wait3A_66 : memref<30x128xi32, #tpu.memory_space<hbm>>) dst(%arg7 : memref<30x128xi32, #tpu.memory_space<vmem>>)
      tpu.yield
    }) : () -> ()
    %barrier3A = arith.constant 0 : index
    tpu.barrier barrier_id(%barrier3A)
    %scan3A_19 = arith.constant 0 : i32
    %scan3A_20 = arith.constant 0 : i32
    %scan3A_21 = arith.constant 30 : i32
    %scan3A_22 = arith.addi %scan3A_20, %scan3A_21 : i32
    %scan3A_23 = arith.constant 1 : i32
    scf.for %scan3A_53 = %scan3A_20 to %scan3A_22 step %scan3A_23  : i32 {
      %dma_start3A = arith.constant 0 : i32
      %dma_start3A_54 = tpu.memref_slice %arg6[%scan3A_53, %dma_start3A] : memref<30x128xi32, #tpu.memory_space<vmem>> -> memref<1x128xi32, #tpu.memory_space<vmem>>
      %dma_start3A_55 = tpu.memref_squeeze %dma_start3A_54 : memref<1x128xi32, #tpu.memory_space<vmem>> -> memref<128xi32, #tpu.memory_space<vmem>>
      %dma_start3A_56 = arith.constant 0 : i32
      %dma_start3A_57 = arith.constant 0 : i32
      %dma_start3A_58 = tpu.memref_slice %arg2[%dma_start3A_56, %dma_start3A_57] : memref<160000x128xf32, #tpu.memory_space<hbm>> -> memref<160000x128xf32, #tpu.memory_space<hbm>>
      tpu.enqueue_indirect_dma source(%dma_start3A_58 : memref<160000x128xf32, #tpu.memory_space<hbm>>) target(%arg8 : memref<128x128xf32, #tpu.memory_space<vmem>>) offsets(%dma_start3A_55 : memref<128xi32, #tpu.memory_space<vmem>>) semaphore(%arg10 : memref<!tpu.dma_semaphore, #tpu.memory_space<semaphore_mem>>)
      %dma_wait3A = arith.constant 0 : i32
      %dma_wait3A_59 = tpu.memref_slice %arg6[%scan3A_53, %dma_wait3A] : memref<30x128xi32, #tpu.memory_space<vmem>> -> memref<1x128xi32, #tpu.memory_space<vmem>>
      %dma_wait3A_60 = tpu.memref_squeeze %dma_wait3A_59 : memref<1x128xi32, #tpu.memory_space<vmem>> -> memref<128xi32, #tpu.memory_space<vmem>>
      %dma_wait3A_61 = arith.constant 0 : i32
      %dma_wait3A_62 = arith.constant 0 : i32
      %dma_wait3A_63 = tpu.memref_slice %arg2[%dma_wait3A_61, %dma_wait3A_62] : memref<160000x128xf32, #tpu.memory_space<hbm>> -> memref<160000x128xf32, #tpu.memory_space<hbm>>
      tpu.wait_indirect_dma semaphore(%arg10 : memref<!tpu.dma_semaphore, #tpu.memory_space<semaphore_mem>>) src(%dma_wait3A_63 : memref<160000x128xf32, #tpu.memory_space<hbm>>) dst(%arg8 : memref<128x128xf32, #tpu.memory_space<vmem>>)
      "tpu.region"() ({
        %run_scoped3A = tpu.sem_alloc : memref<!tpu.dma_semaphore, #tpu.memory_space<semaphore_mem>>
        %dma_start3A_64 = arith.constant 0 : i32
        %dma_start3A_65 = tpu.memref_slice %arg7[%scan3A_53, %dma_start3A_64] : memref<30x128xi32, #tpu.memory_space<vmem>> -> memref<1x128xi32, #tpu.memory_space<vmem>>
        %dma_start3A_66 = tpu.memref_squeeze %dma_start3A_65 : memref<1x128xi32, #tpu.memory_space<vmem>> -> memref<128xi32, #tpu.memory_space<vmem>>
        %dma_start3A_67 = arith.constant 0 : i32
        %dma_start3A_68 = arith.constant 0 : i32
        %dma_start3A_69 = tpu.memref_slice %arg9[%dma_start3A_67, %dma_start3A_68] : memref<10112x128xf32, #tpu.memory_space<vmem_shared>> -> memref<10112x128xf32, #tpu.memory_space<vmem_shared>>
        tpu.enqueue_indirect_dma source(%arg8 : memref<128x128xf32, #tpu.memory_space<vmem>>) target(%dma_start3A_69 : memref<10112x128xf32, #tpu.memory_space<vmem_shared>>) offsets(%dma_start3A_66 : memref<128xi32, #tpu.memory_space<vmem>>) semaphore(%run_scoped3A : memref<!tpu.dma_semaphore, #tpu.memory_space<semaphore_mem>>) {add = true}
        %dma_wait3A_70 = arith.constant 0 : i32
        %dma_wait3A_71 = tpu.memref_slice %arg7[%scan3A_53, %dma_wait3A_70] : memref<30x128xi32, #tpu.memory_space<vmem>> -> memref<1x128xi32, #tpu.memory_space<vmem>>
        %dma_wait3A_72 = tpu.memref_squeeze %dma_wait3A_71 : memref<1x128xi32, #tpu.memory_space<vmem>> -> memref<128xi32, #tpu.memory_space<vmem>>
        %dma_wait3A_73 = arith.constant 0 : i32
        %dma_wait3A_74 = arith.constant 0 : i32
        %dma_wait3A_75 = tpu.memref_slice %arg9[%dma_wait3A_73, %dma_wait3A_74] : memref<10112x128xf32, #tpu.memory_space<vmem_shared>> -> memref<10112x128xf32, #tpu.memory_space<vmem_shared>>
        tpu.wait_indirect_dma semaphore(%run_scoped3A : memref<!tpu.dma_semaphore, #tpu.memory_space<semaphore_mem>>) src(%arg8 : memref<128x128xf32, #tpu.memory_space<vmem>>) dst(%dma_wait3A_75 : memref<10112x128xf32, #tpu.memory_space<vmem_shared>>)
        tpu.yield
      }) : () -> ()
    }
    %scan3A_24 = arith.constant 30 : i32
    %barrier3A_25 = arith.constant 0 : index
    tpu.barrier barrier_id(%barrier3A_25)
    %mul3A_26 = arith.constant 10112 : i32
    %mul3A_27 = arith.muli %arg0, %mul3A_26 : i32
    %add3A_28 = arith.constant 0 : i32
    %add3A_29 = arith.addi %mul3A_2, %add3A_28 : i32
    "tpu.region"() ({
      %run_scoped3A = tpu.sem_alloc : memref<!tpu.dma_semaphore, #tpu.memory_space<semaphore_mem>>
      %dma_start3A = arith.constant 0 : i32
      %dma_start3A_53 = arith.constant 0 : i32
      %dma_start3A_54 = tpu.memref_slice %arg8[%dma_start3A, %dma_start3A_53] : memref<128x128xf32, #tpu.memory_space<vmem>> -> memref<128x128xf32, #tpu.memory_space<vmem>>
      %dma_start3A_55 = arith.constant 0 : i32
      %dma_start3A_56 = tpu.memref_slice %arg9[%add3A_29, %dma_start3A_55] : memref<10112x128xf32, #tpu.memory_space<vmem_shared>> -> memref<128x128xf32, #tpu.memory_space<vmem_shared>>
      %dma_start3A_57 = arith.constant 0 : i32
      %dma_start3A_58 = arith.constant 0 : i32
      %dma_start3A_59 = tpu.memref_slice %arg8[%dma_start3A_57, %dma_start3A_58] : memref<128x128xf32, #tpu.memory_space<vmem>> -> memref<128x128xf32, #tpu.memory_space<vmem>>
      %dma_start3A_60 = arith.constant 0 : i32
      %dma_start3A_61 = tpu.memref_slice %arg9[%add3A_29, %dma_start3A_60] : memref<10112x128xf32, #tpu.memory_space<vmem_shared>> -> memref<128x128xf32, #tpu.memory_space<vmem_shared>>
      tpu.enqueue_dma source(%dma_start3A_61 : memref<128x128xf32, #tpu.memory_space<vmem_shared>>) target(%dma_start3A_59 : memref<128x128xf32, #tpu.memory_space<vmem>>) target_semaphore(%run_scoped3A : memref<!tpu.dma_semaphore, #tpu.memory_space<semaphore_mem>>)
      %dma_wait3A = arith.constant 0 : i32
      %dma_wait3A_62 = arith.constant 0 : i32
      %dma_wait3A_63 = tpu.memref_slice %arg8[%dma_wait3A, %dma_wait3A_62] : memref<128x128xf32, #tpu.memory_space<vmem>> -> memref<128x128xf32, #tpu.memory_space<vmem>>
      %dma_wait3A_64 = arith.constant 0 : i32
      %dma_wait3A_65 = tpu.memref_slice %arg9[%add3A_29, %dma_wait3A_64] : memref<10112x128xf32, #tpu.memory_space<vmem_shared>> -> memref<128x128xf32, #tpu.memory_space<vmem_shared>>
      %dma_wait3A_66 = arith.constant 0 : i32
      %dma_wait3A_67 = arith.constant 0 : i32
      %dma_wait3A_68 = tpu.memref_slice %arg8[%dma_wait3A_66, %dma_wait3A_67] : memref<128x128xf32, #tpu.memory_space<vmem>> -> memref<128x128xf32, #tpu.memory_space<vmem>>
      %dma_wait3A_69 = arith.constant 0 : i32
      %dma_wait3A_70 = tpu.memref_slice %arg9[%add3A_29, %dma_wait3A_69] : memref<10112x128xf32, #tpu.memory_space<vmem_shared>> -> memref<128x128xf32, #tpu.memory_space<vmem_shared>>
      tpu.wait_dma2 semaphore(%run_scoped3A : memref<!tpu.dma_semaphore, #tpu.memory_space<semaphore_mem>>) src(%dma_wait3A_70 : memref<128x128xf32, #tpu.memory_space<vmem_shared>>) dst(%dma_wait3A_68 : memref<128x128xf32, #tpu.memory_space<vmem>>)
      tpu.yield
    }) : () -> ()
    %add3A_30 = arith.addi %mul3A_27, %mul3A_2 : i32
    %add3A_31 = arith.constant 0 : i32
    %add3A_32 = arith.addi %add3A_30, %add3A_31 : i32
    "tpu.region"() ({
      %run_scoped3A = tpu.sem_alloc : memref<!tpu.dma_semaphore, #tpu.memory_space<semaphore_mem>>
      %dma_start3A = arith.constant 0 : i32
      %dma_start3A_53 = arith.constant 0 : i32
      %dma_start3A_54 = tpu.memref_slice %arg8[%dma_start3A, %dma_start3A_53] : memref<128x128xf32, #tpu.memory_space<vmem>> -> memref<128x128xf32, #tpu.memory_space<vmem>>
      %dma_start3A_55 = arith.constant 0 : i32
      %dma_start3A_56 = tpu.memref_slice %arg5[%add3A_32, %dma_start3A_55] : memref<20224x128xf32, #tpu.memory_space<hbm>> -> memref<128x128xf32, #tpu.memory_space<hbm>>
      %dma_start3A_57 = arith.constant 0 : i32
      %dma_start3A_58 = tpu.memref_slice %arg5[%add3A_32, %dma_start3A_57] : memref<20224x128xf32, #tpu.memory_space<hbm>> -> memref<128x128xf32, #tpu.memory_space<hbm>>
      %dma_start3A_59 = arith.constant 0 : i32
      %dma_start3A_60 = arith.constant 0 : i32
      %dma_start3A_61 = tpu.memref_slice %arg8[%dma_start3A_59, %dma_start3A_60] : memref<128x128xf32, #tpu.memory_space<vmem>> -> memref<128x128xf32, #tpu.memory_space<vmem>>
      tpu.enqueue_dma source(%dma_start3A_61 : memref<128x128xf32, #tpu.memory_space<vmem>>) target(%dma_start3A_58 : memref<128x128xf32, #tpu.memory_space<hbm>>) target_semaphore(%run_scoped3A : memref<!tpu.dma_semaphore, #tpu.memory_space<semaphore_mem>>)
      %dma_wait3A = arith.constant 0 : i32
      %dma_wait3A_62 = arith.constant 0 : i32
      %dma_wait3A_63 = tpu.memref_slice %arg8[%dma_wait3A, %dma_wait3A_62] : memref<128x128xf32, #tpu.memory_space<vmem>> -> memref<128x128xf32, #tpu.memory_space<vmem>>
      %dma_wait3A_64 = arith.constant 0 : i32
      %dma_wait3A_65 = tpu.memref_slice %arg5[%add3A_32, %dma_wait3A_64] : memref<20224x128xf32, #tpu.memory_space<hbm>> -> memref<128x128xf32, #tpu.memory_space<hbm>>
      %dma_wait3A_66 = arith.constant 0 : i32
      %dma_wait3A_67 = tpu.memref_slice %arg5[%add3A_32, %dma_wait3A_66] : memref<20224x128xf32, #tpu.memory_space<hbm>> -> memref<128x128xf32, #tpu.memory_space<hbm>>
      %dma_wait3A_68 = arith.constant 0 : i32
      %dma_wait3A_69 = arith.constant 0 : i32
      %dma_wait3A_70 = tpu.memref_slice %arg8[%dma_wait3A_68, %dma_wait3A_69] : memref<128x128xf32, #tpu.memory_space<vmem>> -> memref<128x128xf32, #tpu.memory_space<vmem>>
      tpu.wait_dma2 semaphore(%run_scoped3A : memref<!tpu.dma_semaphore, #tpu.memory_space<semaphore_mem>>) src(%dma_wait3A_70 : memref<128x128xf32, #tpu.memory_space<vmem>>) dst(%dma_wait3A_67 : memref<128x128xf32, #tpu.memory_space<hbm>>)
      tpu.yield
    }) : () -> ()
    %add3A_33 = arith.constant 128 : i32
    %add3A_34 = arith.addi %mul3A_2, %add3A_33 : i32
    "tpu.region"() ({
      %run_scoped3A = tpu.sem_alloc : memref<!tpu.dma_semaphore, #tpu.memory_space<semaphore_mem>>
      %dma_start3A = arith.constant 0 : i32
      %dma_start3A_53 = arith.constant 0 : i32
      %dma_start3A_54 = tpu.memref_slice %arg8[%dma_start3A, %dma_start3A_53] : memref<128x128xf32, #tpu.memory_space<vmem>> -> memref<128x128xf32, #tpu.memory_space<vmem>>
      %dma_start3A_55 = arith.constant 0 : i32
      %dma_start3A_56 = tpu.memref_slice %arg9[%add3A_34, %dma_start3A_55] : memref<10112x128xf32, #tpu.memory_space<vmem_shared>> -> memref<128x128xf32, #tpu.memory_space<vmem_shared>>
      %dma_start3A_57 = arith.constant 0 : i32
      %dma_start3A_58 = arith.constant 0 : i32
      %dma_start3A_59 = tpu.memref_slice %arg8[%dma_start3A_57, %dma_start3A_58] : memref<128x128xf32, #tpu.memory_space<vmem>> -> memref<128x128xf32, #tpu.memory_space<vmem>>
      %dma_start3A_60 = arith.constant 0 : i32
      %dma_start3A_61 = tpu.memref_slice %arg9[%add3A_34, %dma_start3A_60] : memref<10112x128xf32, #tpu.memory_space<vmem_shared>> -> memref<128x128xf32, #tpu.memory_space<vmem_shared>>
      tpu.enqueue_dma source(%dma_start3A_61 : memref<128x128xf32, #tpu.memory_space<vmem_shared>>) target(%dma_start3A_59 : memref<128x128xf32, #tpu.memory_space<vmem>>) target_semaphore(%run_scoped3A : memref<!tpu.dma_semaphore, #tpu.memory_space<semaphore_mem>>)
      %dma_wait3A = arith.constant 0 : i32
      %dma_wait3A_62 = arith.constant 0 : i32
      %dma_wait3A_63 = tpu.memref_slice %arg8[%dma_wait3A, %dma_wait3A_62] : memref<128x128xf32, #tpu.memory_space<vmem>> -> memref<128x128xf32, #tpu.memory_space<vmem>>
      %dma_wait3A_64 = arith.constant 0 : i32
      %dma_wait3A_65 = tpu.memref_slice %arg9[%add3A_34, %dma_wait3A_64] : memref<10112x128xf32, #tpu.memory_space<vmem_shared>> -> memref<128x128xf32, #tpu.memory_space<vmem_shared>>
      %dma_wait3A_66 = arith.constant 0 : i32
      %dma_wait3A_67 = arith.constant 0 : i32
      %dma_wait3A_68 = tpu.memref_slice %arg8[%dma_wait3A_66, %dma_wait3A_67] : memref<128x128xf32, #tpu.memory_space<vmem>> -> memref<128x128xf32, #tpu.memory_space<vmem>>
      %dma_wait3A_69 = arith.constant 0 : i32
      %dma_wait3A_70 = tpu.memref_slice %arg9[%add3A_34, %dma_wait3A_69] : memref<10112x128xf32, #tpu.memory_space<vmem_shared>> -> memref<128x128xf32, #tpu.memory_space<vmem_shared>>
      tpu.wait_dma2 semaphore(%run_scoped3A : memref<!tpu.dma_semaphore, #tpu.memory_space<semaphore_mem>>) src(%dma_wait3A_70 : memref<128x128xf32, #tpu.memory_space<vmem_shared>>) dst(%dma_wait3A_68 : memref<128x128xf32, #tpu.memory_space<vmem>>)
      tpu.yield
    }) : () -> ()
    %add3A_35 = arith.addi %mul3A_27, %mul3A_2 : i32
    %add3A_36 = arith.constant 128 : i32
    %add3A_37 = arith.addi %add3A_35, %add3A_36 : i32
    "tpu.region"() ({
      %run_scoped3A = tpu.sem_alloc : memref<!tpu.dma_semaphore, #tpu.memory_space<semaphore_mem>>
      %dma_start3A = arith.constant 0 : i32
      %dma_start3A_53 = arith.constant 0 : i32
      %dma_start3A_54 = tpu.memref_slice %arg8[%dma_start3A, %dma_start3A_53] : memref<128x128xf32, #tpu.memory_space<vmem>> -> memref<128x128xf32, #tpu.memory_space<vmem>>
      %dma_start3A_55 = arith.constant 0 : i32
      %dma_start3A_56 = tpu.memref_slice %arg5[%add3A_37, %dma_start3A_55] : memref<20224x128xf32, #tpu.memory_space<hbm>> -> memref<128x128xf32, #tpu.memory_space<hbm>>
      %dma_start3A_57 = arith.constant 0 : i32
      %dma_start3A_58 = tpu.memref_slice %arg5[%add3A_37, %dma_start3A_57] : memref<20224x128xf32, #tpu.memory_space<hbm>> -> memref<128x128xf32, #tpu.memory_space<hbm>>
      %dma_start3A_59 = arith.constant 0 : i32
      %dma_start3A_60 = arith.constant 0 : i32
      %dma_start3A_61 = tpu.memref_slice %arg8[%dma_start3A_59, %dma_start3A_60] : memref<128x128xf32, #tpu.memory_space<vmem>> -> memref<128x128xf32, #tpu.memory_space<vmem>>
      tpu.enqueue_dma source(%dma_start3A_61 : memref<128x128xf32, #tpu.memory_space<vmem>>) target(%dma_start3A_58 : memref<128x128xf32, #tpu.memory_space<hbm>>) target_semaphore(%run_scoped3A : memref<!tpu.dma_semaphore, #tpu.memory_space<semaphore_mem>>)
      %dma_wait3A = arith.constant 0 : i32
      %dma_wait3A_62 = arith.constant 0 : i32
      %dma_wait3A_63 = tpu.memref_slice %arg8[%dma_wait3A, %dma_wait3A_62] : memref<128x128xf32, #tpu.memory_space<vmem>> -> memref<128x128xf32, #tpu.memory_space<vmem>>
      %dma_wait3A_64 = arith.constant 0 : i32
      %dma_wait3A_65 = tpu.memref_slice %arg5[%add3A_37, %dma_wait3A_64] : memref<20224x128xf32, #tpu.memory_space<hbm>> -> memref<128x128xf32, #tpu.memory_space<hbm>>
      %dma_wait3A_66 = arith.constant 0 : i32
      %dma_wait3A_67 = tpu.memref_slice %arg5[%add3A_37, %dma_wait3A_66] : memref<20224x128xf32, #tpu.memory_space<hbm>> -> memref<128x128xf32, #tpu.memory_space<hbm>>
      %dma_wait3A_68 = arith.constant 0 : i32
      %dma_wait3A_69 = arith.constant 0 : i32
      %dma_wait3A_70 = tpu.memref_slice %arg8[%dma_wait3A_68, %dma_wait3A_69] : memref<128x128xf32, #tpu.memory_space<vmem>> -> memref<128x128xf32, #tpu.memory_space<vmem>>
      tpu.wait_dma2 semaphore(%run_scoped3A : memref<!tpu.dma_semaphore, #tpu.memory_space<semaphore_mem>>) src(%dma_wait3A_70 : memref<128x128xf32, #tpu.memory_space<vmem>>) dst(%dma_wait3A_67 : memref<128x128xf32, #tpu.memory_space<hbm>>)
      tpu.yield
    }) : () -> ()
    %add3A_38 = arith.constant 256 : i32
    %add3A_39 = arith.addi %mul3A_2, %add3A_38 : i32
    "tpu.region"() ({
      %run_scoped3A = tpu.sem_alloc : memref<!tpu.dma_semaphore, #tpu.memory_space<semaphore_mem>>
      %dma_start3A = arith.constant 0 : i32
      %dma_start3A_53 = arith.constant 0 : i32
      %dma_start3A_54 = tpu.memref_slice %arg8[%dma_start3A, %dma_start3A_53] : memref<128x128xf32, #tpu.memory_space<vmem>> -> memref<128x128xf32, #tpu.memory_space<vmem>>
      %dma_start3A_55 = arith.constant 0 : i32
      %dma_start3A_56 = tpu.memref_slice %arg9[%add3A_39, %dma_start3A_55] : memref<10112x128xf32, #tpu.memory_space<vmem_shared>> -> memref<128x128xf32, #tpu.memory_space<vmem_shared>>
      %dma_start3A_57 = arith.constant 0 : i32
      %dma_start3A_58 = arith.constant 0 : i32
      %dma_start3A_59 = tpu.memref_slice %arg8[%dma_start3A_57, %dma_start3A_58] : memref<128x128xf32, #tpu.memory_space<vmem>> -> memref<128x128xf32, #tpu.memory_space<vmem>>
      %dma_start3A_60 = arith.constant 0 : i32
      %dma_start3A_61 = tpu.memref_slice %arg9[%add3A_39, %dma_start3A_60] : memref<10112x128xf32, #tpu.memory_space<vmem_shared>> -> memref<128x128xf32, #tpu.memory_space<vmem_shared>>
      tpu.enqueue_dma source(%dma_start3A_61 : memref<128x128xf32, #tpu.memory_space<vmem_shared>>) target(%dma_start3A_59 : memref<128x128xf32, #tpu.memory_space<vmem>>) target_semaphore(%run_scoped3A : memref<!tpu.dma_semaphore, #tpu.memory_space<semaphore_mem>>)
      %dma_wait3A = arith.constant 0 : i32
      %dma_wait3A_62 = arith.constant 0 : i32
      %dma_wait3A_63 = tpu.memref_slice %arg8[%dma_wait3A, %dma_wait3A_62] : memref<128x128xf32, #tpu.memory_space<vmem>> -> memref<128x128xf32, #tpu.memory_space<vmem>>
      %dma_wait3A_64 = arith.constant 0 : i32
      %dma_wait3A_65 = tpu.memref_slice %arg9[%add3A_39, %dma_wait3A_64] : memref<10112x128xf32, #tpu.memory_space<vmem_shared>> -> memref<128x128xf32, #tpu.memory_space<vmem_shared>>
      %dma_wait3A_66 = arith.constant 0 : i32
      %dma_wait3A_67 = arith.constant 0 : i32
      %dma_wait3A_68 = tpu.memref_slice %arg8[%dma_wait3A_66, %dma_wait3A_67] : memref<128x128xf32, #tpu.memory_space<vmem>> -> memref<128x128xf32, #tpu.memory_space<vmem>>
      %dma_wait3A_69 = arith.constant 0 : i32
      %dma_wait3A_70 = tpu.memref_slice %arg9[%add3A_39, %dma_wait3A_69] : memref<10112x128xf32, #tpu.memory_space<vmem_shared>> -> memref<128x128xf32, #tpu.memory_space<vmem_shared>>
      tpu.wait_dma2 semaphore(%run_scoped3A : memref<!tpu.dma_semaphore, #tpu.memory_space<semaphore_mem>>) src(%dma_wait3A_70 : memref<128x128xf32, #tpu.memory_space<vmem_shared>>) dst(%dma_wait3A_68 : memref<128x128xf32, #tpu.memory_space<vmem>>)
      tpu.yield
    }) : () -> ()
    %add3A_40 = arith.addi %mul3A_27, %mul3A_2 : i32
    %add3A_41 = arith.constant 256 : i32
    %add3A_42 = arith.addi %add3A_40, %add3A_41 : i32
    "tpu.region"() ({
      %run_scoped3A = tpu.sem_alloc : memref<!tpu.dma_semaphore, #tpu.memory_space<semaphore_mem>>
      %dma_start3A = arith.constant 0 : i32
      %dma_start3A_53 = arith.constant 0 : i32
      %dma_start3A_54 = tpu.memref_slice %arg8[%dma_start3A, %dma_start3A_53] : memref<128x128xf32, #tpu.memory_space<vmem>> -> memref<128x128xf32, #tpu.memory_space<vmem>>
      %dma_start3A_55 = arith.constant 0 : i32
      %dma_start3A_56 = tpu.memref_slice %arg5[%add3A_42, %dma_start3A_55] : memref<20224x128xf32, #tpu.memory_space<hbm>> -> memref<128x128xf32, #tpu.memory_space<hbm>>
      %dma_start3A_57 = arith.constant 0 : i32
      %dma_start3A_58 = tpu.memref_slice %arg5[%add3A_42, %dma_start3A_57] : memref<20224x128xf32, #tpu.memory_space<hbm>> -> memref<128x128xf32, #tpu.memory_space<hbm>>
      %dma_start3A_59 = arith.constant 0 : i32
      %dma_start3A_60 = arith.constant 0 : i32
      %dma_start3A_61 = tpu.memref_slice %arg8[%dma_start3A_59, %dma_start3A_60] : memref<128x128xf32, #tpu.memory_space<vmem>> -> memref<128x128xf32, #tpu.memory_space<vmem>>
      tpu.enqueue_dma source(%dma_start3A_61 : memref<128x128xf32, #tpu.memory_space<vmem>>) target(%dma_start3A_58 : memref<128x128xf32, #tpu.memory_space<hbm>>) target_semaphore(%run_scoped3A : memref<!tpu.dma_semaphore, #tpu.memory_space<semaphore_mem>>)
      %dma_wait3A = arith.constant 0 : i32
      %dma_wait3A_62 = arith.constant 0 : i32
      %dma_wait3A_63 = tpu.memref_slice %arg8[%dma_wait3A, %dma_wait3A_62] : memref<128x128xf32, #tpu.memory_space<vmem>> -> memref<128x128xf32, #tpu.memory_space<vmem>>
      %dma_wait3A_64 = arith.constant 0 : i32
      %dma_wait3A_65 = tpu.memref_slice %arg5[%add3A_42, %dma_wait3A_64] : memref<20224x128xf32, #tpu.memory_space<hbm>> -> memref<128x128xf32, #tpu.memory_space<hbm>>
      %dma_wait3A_66 = arith.constant 0 : i32
      %dma_wait3A_67 = tpu.memref_slice %arg5[%add3A_42, %dma_wait3A_66] : memref<20224x128xf32, #tpu.memory_space<hbm>> -> memref<128x128xf32, #tpu.memory_space<hbm>>
      %dma_wait3A_68 = arith.constant 0 : i32
      %dma_wait3A_69 = arith.constant 0 : i32
      %dma_wait3A_70 = tpu.memref_slice %arg8[%dma_wait3A_68, %dma_wait3A_69] : memref<128x128xf32, #tpu.memory_space<vmem>> -> memref<128x128xf32, #tpu.memory_space<vmem>>
      tpu.wait_dma2 semaphore(%run_scoped3A : memref<!tpu.dma_semaphore, #tpu.memory_space<semaphore_mem>>) src(%dma_wait3A_70 : memref<128x128xf32, #tpu.memory_space<vmem>>) dst(%dma_wait3A_67 : memref<128x128xf32, #tpu.memory_space<hbm>>)
      tpu.yield
    }) : () -> ()
    %add3A_43 = arith.constant 384 : i32
    %add3A_44 = arith.addi %mul3A_2, %add3A_43 : i32
    "tpu.region"() ({
      %run_scoped3A = tpu.sem_alloc : memref<!tpu.dma_semaphore, #tpu.memory_space<semaphore_mem>>
      %dma_start3A = arith.constant 0 : i32
      %dma_start3A_53 = arith.constant 0 : i32
      %dma_start3A_54 = tpu.memref_slice %arg8[%dma_start3A, %dma_start3A_53] : memref<128x128xf32, #tpu.memory_space<vmem>> -> memref<128x128xf32, #tpu.memory_space<vmem>>
      %dma_start3A_55 = arith.constant 0 : i32
      %dma_start3A_56 = tpu.memref_slice %arg9[%add3A_44, %dma_start3A_55] : memref<10112x128xf32, #tpu.memory_space<vmem_shared>> -> memref<128x128xf32, #tpu.memory_space<vmem_shared>>
      %dma_start3A_57 = arith.constant 0 : i32
      %dma_start3A_58 = arith.constant 0 : i32
      %dma_start3A_59 = tpu.memref_slice %arg8[%dma_start3A_57, %dma_start3A_58] : memref<128x128xf32, #tpu.memory_space<vmem>> -> memref<128x128xf32, #tpu.memory_space<vmem>>
      %dma_start3A_60 = arith.constant 0 : i32
      %dma_start3A_61 = tpu.memref_slice %arg9[%add3A_44, %dma_start3A_60] : memref<10112x128xf32, #tpu.memory_space<vmem_shared>> -> memref<128x128xf32, #tpu.memory_space<vmem_shared>>
      tpu.enqueue_dma source(%dma_start3A_61 : memref<128x128xf32, #tpu.memory_space<vmem_shared>>) target(%dma_start3A_59 : memref<128x128xf32, #tpu.memory_space<vmem>>) target_semaphore(%run_scoped3A : memref<!tpu.dma_semaphore, #tpu.memory_space<semaphore_mem>>)
      %dma_wait3A = arith.constant 0 : i32
      %dma_wait3A_62 = arith.constant 0 : i32
      %dma_wait3A_63 = tpu.memref_slice %arg8[%dma_wait3A, %dma_wait3A_62] : memref<128x128xf32, #tpu.memory_space<vmem>> -> memref<128x128xf32, #tpu.memory_space<vmem>>
      %dma_wait3A_64 = arith.constant 0 : i32
      %dma_wait3A_65 = tpu.memref_slice %arg9[%add3A_44, %dma_wait3A_64] : memref<10112x128xf32, #tpu.memory_space<vmem_shared>> -> memref<128x128xf32, #tpu.memory_space<vmem_shared>>
      %dma_wait3A_66 = arith.constant 0 : i32
      %dma_wait3A_67 = arith.constant 0 : i32
      %dma_wait3A_68 = tpu.memref_slice %arg8[%dma_wait3A_66, %dma_wait3A_67] : memref<128x128xf32, #tpu.memory_space<vmem>> -> memref<128x128xf32, #tpu.memory_space<vmem>>
      %dma_wait3A_69 = arith.constant 0 : i32
      %dma_wait3A_70 = tpu.memref_slice %arg9[%add3A_44, %dma_wait3A_69] : memref<10112x128xf32, #tpu.memory_space<vmem_shared>> -> memref<128x128xf32, #tpu.memory_space<vmem_shared>>
      tpu.wait_dma2 semaphore(%run_scoped3A : memref<!tpu.dma_semaphore, #tpu.memory_space<semaphore_mem>>) src(%dma_wait3A_70 : memref<128x128xf32, #tpu.memory_space<vmem_shared>>) dst(%dma_wait3A_68 : memref<128x128xf32, #tpu.memory_space<vmem>>)
      tpu.yield
    }) : () -> ()
    %add3A_45 = arith.addi %mul3A_27, %mul3A_2 : i32
    %add3A_46 = arith.constant 384 : i32
    %add3A_47 = arith.addi %add3A_45, %add3A_46 : i32
    "tpu.region"() ({
      %run_scoped3A = tpu.sem_alloc : memref<!tpu.dma_semaphore, #tpu.memory_space<semaphore_mem>>
      %dma_start3A = arith.constant 0 : i32
      %dma_start3A_53 = arith.constant 0 : i32
      %dma_start3A_54 = tpu.memref_slice %arg8[%dma_start3A, %dma_start3A_53] : memref<128x128xf32, #tpu.memory_space<vmem>> -> memref<128x128xf32, #tpu.memory_space<vmem>>
      %dma_start3A_55 = arith.constant 0 : i32
      %dma_start3A_56 = tpu.memref_slice %arg5[%add3A_47, %dma_start3A_55] : memref<20224x128xf32, #tpu.memory_space<hbm>> -> memref<128x128xf32, #tpu.memory_space<hbm>>
      %dma_start3A_57 = arith.constant 0 : i32
      %dma_start3A_58 = tpu.memref_slice %arg5[%add3A_47, %dma_start3A_57] : memref<20224x128xf32, #tpu.memory_space<hbm>> -> memref<128x128xf32, #tpu.memory_space<hbm>>
      %dma_start3A_59 = arith.constant 0 : i32
      %dma_start3A_60 = arith.constant 0 : i32
      %dma_start3A_61 = tpu.memref_slice %arg8[%dma_start3A_59, %dma_start3A_60] : memref<128x128xf32, #tpu.memory_space<vmem>> -> memref<128x128xf32, #tpu.memory_space<vmem>>
      tpu.enqueue_dma source(%dma_start3A_61 : memref<128x128xf32, #tpu.memory_space<vmem>>) target(%dma_start3A_58 : memref<128x128xf32, #tpu.memory_space<hbm>>) target_semaphore(%run_scoped3A : memref<!tpu.dma_semaphore, #tpu.memory_space<semaphore_mem>>)
      %dma_wait3A = arith.constant 0 : i32
      %dma_wait3A_62 = arith.constant 0 : i32
      %dma_wait3A_63 = tpu.memref_slice %arg8[%dma_wait3A, %dma_wait3A_62] : memref<128x128xf32, #tpu.memory_space<vmem>> -> memref<128x128xf32, #tpu.memory_space<vmem>>
      %dma_wait3A_64 = arith.constant 0 : i32
      %dma_wait3A_65 = tpu.memref_slice %arg5[%add3A_47, %dma_wait3A_64] : memref<20224x128xf32, #tpu.memory_space<hbm>> -> memref<128x128xf32, #tpu.memory_space<hbm>>
      %dma_wait3A_66 = arith.constant 0 : i32
      %dma_wait3A_67 = tpu.memref_slice %arg5[%add3A_47, %dma_wait3A_66] : memref<20224x128xf32, #tpu.memory_space<hbm>> -> memref<128x128xf32, #tpu.memory_space<hbm>>
      %dma_wait3A_68 = arith.constant 0 : i32
      %dma_wait3A_69 = arith.constant 0 : i32
      %dma_wait3A_70 = tpu.memref_slice %arg8[%dma_wait3A_68, %dma_wait3A_69] : memref<128x128xf32, #tpu.memory_space<vmem>> -> memref<128x128xf32, #tpu.memory_space<vmem>>
      tpu.wait_dma2 semaphore(%run_scoped3A : memref<!tpu.dma_semaphore, #tpu.memory_space<semaphore_mem>>) src(%dma_wait3A_70 : memref<128x128xf32, #tpu.memory_space<vmem>>) dst(%dma_wait3A_67 : memref<128x128xf32, #tpu.memory_space<hbm>>)
      tpu.yield
    }) : () -> ()
    %add3A_48 = arith.constant 512 : i32
    %add3A_49 = arith.addi %mul3A_2, %add3A_48 : i32
    "tpu.region"() ({
      %run_scoped3A = tpu.sem_alloc : memref<!tpu.dma_semaphore, #tpu.memory_space<semaphore_mem>>
      %dma_start3A = arith.constant 0 : i32
      %dma_start3A_53 = arith.constant 0 : i32
      %dma_start3A_54 = tpu.memref_slice %arg8[%dma_start3A, %dma_start3A_53] : memref<128x128xf32, #tpu.memory_space<vmem>> -> memref<120x128xf32, #tpu.memory_space<vmem>>
      %dma_start3A_55 = arith.constant 0 : i32
      %dma_start3A_56 = tpu.memref_slice %arg9[%add3A_49, %dma_start3A_55] : memref<10112x128xf32, #tpu.memory_space<vmem_shared>> -> memref<120x128xf32, #tpu.memory_space<vmem_shared>>
      %dma_start3A_57 = arith.constant 0 : i32
      %dma_start3A_58 = arith.constant 0 : i32
      %dma_start3A_59 = tpu.memref_slice %arg8[%dma_start3A_57, %dma_start3A_58] : memref<128x128xf32, #tpu.memory_space<vmem>> -> memref<120x128xf32, #tpu.memory_space<vmem>>
      %dma_start3A_60 = arith.constant 0 : i32
      %dma_start3A_61 = tpu.memref_slice %arg9[%add3A_49, %dma_start3A_60] : memref<10112x128xf32, #tpu.memory_space<vmem_shared>> -> memref<120x128xf32, #tpu.memory_space<vmem_shared>>
      tpu.enqueue_dma source(%dma_start3A_61 : memref<120x128xf32, #tpu.memory_space<vmem_shared>>) target(%dma_start3A_59 : memref<120x128xf32, #tpu.memory_space<vmem>>) target_semaphore(%run_scoped3A : memref<!tpu.dma_semaphore, #tpu.memory_space<semaphore_mem>>)
      %dma_wait3A = arith.constant 0 : i32
      %dma_wait3A_62 = arith.constant 0 : i32
      %dma_wait3A_63 = tpu.memref_slice %arg8[%dma_wait3A, %dma_wait3A_62] : memref<128x128xf32, #tpu.memory_space<vmem>> -> memref<120x128xf32, #tpu.memory_space<vmem>>
      %dma_wait3A_64 = arith.constant 0 : i32
      %dma_wait3A_65 = tpu.memref_slice %arg9[%add3A_49, %dma_wait3A_64] : memref<10112x128xf32, #tpu.memory_space<vmem_shared>> -> memref<120x128xf32, #tpu.memory_space<vmem_shared>>
      %dma_wait3A_66 = arith.constant 0 : i32
      %dma_wait3A_67 = arith.constant 0 : i32
      %dma_wait3A_68 = tpu.memref_slice %arg8[%dma_wait3A_66, %dma_wait3A_67] : memref<128x128xf32, #tpu.memory_space<vmem>> -> memref<120x128xf32, #tpu.memory_space<vmem>>
      %dma_wait3A_69 = arith.constant 0 : i32
      %dma_wait3A_70 = tpu.memref_slice %arg9[%add3A_49, %dma_wait3A_69] : memref<10112x128xf32, #tpu.memory_space<vmem_shared>> -> memref<120x128xf32, #tpu.memory_space<vmem_shared>>
      tpu.wait_dma2 semaphore(%run_scoped3A : memref<!tpu.dma_semaphore, #tpu.memory_space<semaphore_mem>>) src(%dma_wait3A_70 : memref<120x128xf32, #tpu.memory_space<vmem_shared>>) dst(%dma_wait3A_68 : memref<120x128xf32, #tpu.memory_space<vmem>>)
      tpu.yield
    }) : () -> ()
    %add3A_50 = arith.addi %mul3A_27, %mul3A_2 : i32
    %add3A_51 = arith.constant 512 : i32
    %add3A_52 = arith.addi %add3A_50, %add3A_51 : i32
    "tpu.region"() ({
      %run_scoped3A = tpu.sem_alloc : memref<!tpu.dma_semaphore, #tpu.memory_space<semaphore_mem>>
      %dma_start3A = arith.constant 0 : i32
      %dma_start3A_53 = arith.constant 0 : i32
      %dma_start3A_54 = tpu.memref_slice %arg8[%dma_start3A, %dma_start3A_53] : memref<128x128xf32, #tpu.memory_space<vmem>> -> memref<120x128xf32, #tpu.memory_space<vmem>>
      %dma_start3A_55 = arith.constant 0 : i32
      %dma_start3A_56 = tpu.memref_slice %arg5[%add3A_52, %dma_start3A_55] : memref<20224x128xf32, #tpu.memory_space<hbm>> -> memref<120x128xf32, #tpu.memory_space<hbm>>
      %dma_start3A_57 = arith.constant 0 : i32
      %dma_start3A_58 = tpu.memref_slice %arg5[%add3A_52, %dma_start3A_57] : memref<20224x128xf32, #tpu.memory_space<hbm>> -> memref<120x128xf32, #tpu.memory_space<hbm>>
      %dma_start3A_59 = arith.constant 0 : i32
      %dma_start3A_60 = arith.constant 0 : i32
      %dma_start3A_61 = tpu.memref_slice %arg8[%dma_start3A_59, %dma_start3A_60] : memref<128x128xf32, #tpu.memory_space<vmem>> -> memref<120x128xf32, #tpu.memory_space<vmem>>
      tpu.enqueue_dma source(%dma_start3A_61 : memref<120x128xf32, #tpu.memory_space<vmem>>) target(%dma_start3A_58 : memref<120x128xf32, #tpu.memory_space<hbm>>) target_semaphore(%run_scoped3A : memref<!tpu.dma_semaphore, #tpu.memory_space<semaphore_mem>>)
      %dma_wait3A = arith.constant 0 : i32
      %dma_wait3A_62 = arith.constant 0 : i32
      %dma_wait3A_63 = tpu.memref_slice %arg8[%dma_wait3A, %dma_wait3A_62] : memref<128x128xf32, #tpu.memory_space<vmem>> -> memref<120x128xf32, #tpu.memory_space<vmem>>
      %dma_wait3A_64 = arith.constant 0 : i32
      %dma_wait3A_65 = tpu.memref_slice %arg5[%add3A_52, %dma_wait3A_64] : memref<20224x128xf32, #tpu.memory_space<hbm>> -> memref<120x128xf32, #tpu.memory_space<hbm>>
      %dma_wait3A_66 = arith.constant 0 : i32
      %dma_wait3A_67 = tpu.memref_slice %arg5[%add3A_52, %dma_wait3A_66] : memref<20224x128xf32, #tpu.memory_space<hbm>> -> memref<120x128xf32, #tpu.memory_space<hbm>>
      %dma_wait3A_68 = arith.constant 0 : i32
      %dma_wait3A_69 = arith.constant 0 : i32
      %dma_wait3A_70 = tpu.memref_slice %arg8[%dma_wait3A_68, %dma_wait3A_69] : memref<128x128xf32, #tpu.memory_space<vmem>> -> memref<120x128xf32, #tpu.memory_space<vmem>>
      tpu.wait_dma2 semaphore(%run_scoped3A : memref<!tpu.dma_semaphore, #tpu.memory_space<semaphore_mem>>) src(%dma_wait3A_70 : memref<120x128xf32, #tpu.memory_space<vmem>>) dst(%dma_wait3A_67 : memref<120x128xf32, #tpu.memory_space<hbm>>)
      tpu.yield
    }) : () -> ()
    return
  }
}

#map = affine_map<(d0, d1) -> (0, 0)>
#map1 = affine_map<(d0, d1) -> (0, 0, 0)>
module attributes {stable_mosaic.version = 14 : i64} {
  func.func @_segsum_sc(%arg0: i32, %arg1: i32, %arg2: memref<20000x128xf32, #tpu.memory_space<hbm>>, %arg3: memref<16x59x128xi32, #tpu.memory_space<hbm>>, %arg4: memref<16x59x128xi32, #tpu.memory_space<hbm>>, %arg5: memref<20224x128xf32, #tpu.memory_space<hbm>>, %arg6: memref<59x128xi32, #tpu.memory_space<vmem>>, %arg7: memref<59x128xi32, #tpu.memory_space<vmem>>, %arg8: memref<128x128xf32, #tpu.memory_space<vmem>>, %arg9: memref<128x128xf32, #tpu.memory_space<vmem>>, %arg10: memref<10112x128xf32, #tpu.memory_space<vmem_shared>>, %arg11: memref<!tpu.dma_semaphore, #tpu.memory_space<semaphore_mem>>, %arg12: memref<!tpu.dma_semaphore, #tpu.memory_space<semaphore_mem>>) attributes {dimension_semantics = [#tpu.dimension_semantics<core_parallel>, #tpu.dimension_semantics<subcore_parallel>], iteration_bounds = array<i64: 2, 16>, scalar_prefetch = 0 : i64, scratch_operands = 7 : i64, tpu.core_type = #tpu.core_type<sc_vector_subcore>, window_params = [{transform_indices = #map}, {transform_indices = #map1}, {transform_indices = #map1}, {transform_indices = #map}]} {
    %mul3A = arith.constant 632 : i32
    %mul3A_0 = arith.muli %arg1, %mul3A : i32
    %broadcast_in_dim3A = arith.constant 0.000000e+00 : f32
    %broadcast_in_dim3A_1 = vector.broadcast %broadcast_in_dim3A : f32 to vector<16xf32>
    %scan3A = arith.constant 0 : i32
    %scan3A_2 = arith.constant 0 : i32
    %scan3A_3 = arith.constant 128 : i32
    %scan3A_4 = arith.addi %scan3A_2, %scan3A_3 : i32
    %scan3A_5 = arith.constant 1 : i32
    scf.for %scan3A_71 = %scan3A_2 to %scan3A_4 step %scan3A_5  : i32 {
      %swap3A = arith.index_cast %scan3A_71 : i32 to index
      %swap3A_72 = arith.constant 0 : index
      %swap3A_73 = tpu.vector_load %arg8[%swap3A, %swap3A_72] {strides = array<i32>} : memref<128x128xf32, #tpu.memory_space<vmem>>, vector<1x16xf32>,
      %swap3A_74 = vector.shape_cast %swap3A_73 : vector<1x16xf32> to vector<16xf32>
      %swap3A_75 = vector.shape_cast %broadcast_in_dim3A_1 : vector<16xf32> to vector<1x16xf32>
      tpu.vector_store %arg8[%swap3A, %swap3A_72], %swap3A_75 {strides = array<i32>} : memref<128x128xf32, #tpu.memory_space<vmem>>, vector<1x16xf32>,
      %swap3A_76 = arith.index_cast %scan3A_71 : i32 to index
      %swap3A_77 = arith.constant 16 : index
      %swap3A_78 = tpu.vector_load %arg8[%swap3A_76, %swap3A_77] {strides = array<i32>} : memref<128x128xf32, #tpu.memory_space<vmem>>, vector<1x16xf32>,
      %swap3A_79 = vector.shape_cast %swap3A_78 : vector<1x16xf32> to vector<16xf32>
      %swap3A_80 = vector.shape_cast %broadcast_in_dim3A_1 : vector<16xf32> to vector<1x16xf32>
      tpu.vector_store %arg8[%swap3A_76, %swap3A_77], %swap3A_80 {strides = array<i32>} : memref<128x128xf32, #tpu.memory_space<vmem>>, vector<1x16xf32>,
      %swap3A_81 = arith.index_cast %scan3A_71 : i32 to index
      %swap3A_82 = arith.constant 32 : index
      %swap3A_83 = tpu.vector_load %arg8[%swap3A_81, %swap3A_82] {strides = array<i32>} : memref<128x128xf32, #tpu.memory_space<vmem>>, vector<1x16xf32>,
      %swap3A_84 = vector.shape_cast %swap3A_83 : vector<1x16xf32> to vector<16xf32>
      %swap3A_85 = vector.shape_cast %broadcast_in_dim3A_1 : vector<16xf32> to vector<1x16xf32>
      tpu.vector_store %arg8[%swap3A_81, %swap3A_82], %swap3A_85 {strides = array<i32>} : memref<128x128xf32, #tpu.memory_space<vmem>>, vector<1x16xf32>,
      %swap3A_86 = arith.index_cast %scan3A_71 : i32 to index
      %swap3A_87 = arith.constant 48 : index
      %swap3A_88 = tpu.vector_load %arg8[%swap3A_86, %swap3A_87] {strides = array<i32>} : memref<128x128xf32, #tpu.memory_space<vmem>>, vector<1x16xf32>,
      %swap3A_89 = vector.shape_cast %swap3A_88 : vector<1x16xf32> to vector<16xf32>
      %swap3A_90 = vector.shape_cast %broadcast_in_dim3A_1 : vector<16xf32> to vector<1x16xf32>
      tpu.vector_store %arg8[%swap3A_86, %swap3A_87], %swap3A_90 {strides = array<i32>} : memref<128x128xf32, #tpu.memory_space<vmem>>, vector<1x16xf32>,
      %swap3A_91 = arith.index_cast %scan3A_71 : i32 to index
      %swap3A_92 = arith.constant 64 : index
      %swap3A_93 = tpu.vector_load %arg8[%swap3A_91, %swap3A_92] {strides = array<i32>} : memref<128x128xf32, #tpu.memory_space<vmem>>, vector<1x16xf32>,
      %swap3A_94 = vector.shape_cast %swap3A_93 : vector<1x16xf32> to vector<16xf32>
      %swap3A_95 = vector.shape_cast %broadcast_in_dim3A_1 : vector<16xf32> to vector<1x16xf32>
      tpu.vector_store %arg8[%swap3A_91, %swap3A_92], %swap3A_95 {strides = array<i32>} : memref<128x128xf32, #tpu.memory_space<vmem>>, vector<1x16xf32>,
      %swap3A_96 = arith.index_cast %scan3A_71 : i32 to index
      %swap3A_97 = arith.constant 80 : index
      %swap3A_98 = tpu.vector_load %arg8[%swap3A_96, %swap3A_97] {strides = array<i32>} : memref<128x128xf32, #tpu.memory_space<vmem>>, vector<1x16xf32>,
      %swap3A_99 = vector.shape_cast %swap3A_98 : vector<1x16xf32> to vector<16xf32>
      %swap3A_100 = vector.shape_cast %broadcast_in_dim3A_1 : vector<16xf32> to vector<1x16xf32>
      tpu.vector_store %arg8[%swap3A_96, %swap3A_97], %swap3A_100 {strides = array<i32>} : memref<128x128xf32, #tpu.memory_space<vmem>>, vector<1x16xf32>,
      %swap3A_101 = arith.index_cast %scan3A_71 : i32 to index
      %swap3A_102 = arith.constant 96 : index
      %swap3A_103 = tpu.vector_load %arg8[%swap3A_101, %swap3A_102] {strides = array<i32>} : memref<128x128xf32, #tpu.memory_space<vmem>>, vector<1x16xf32>,
      %swap3A_104 = vector.shape_cast %swap3A_103 : vector<1x16xf32> to vector<16xf32>
      %swap3A_105 = vector.shape_cast %broadcast_in_dim3A_1 : vector<16xf32> to vector<1x16xf32>
      tpu.vector_store %arg8[%swap3A_101, %swap3A_102], %swap3A_105 {strides = array<i32>} : memref<128x128xf32, #tpu.memory_space<vmem>>, vector<1x16xf32>,
      %swap3A_106 = arith.index_cast %scan3A_71 : i32 to index
      %swap3A_107 = arith.constant 112 : index
      %swap3A_108 = tpu.vector_load %arg8[%swap3A_106, %swap3A_107] {strides = array<i32>} : memref<128x128xf32, #tpu.memory_space<vmem>>, vector<1x16xf32>,
      %swap3A_109 = vector.shape_cast %swap3A_108 : vector<1x16xf32> to vector<16xf32>
      %swap3A_110 = vector.shape_cast %broadcast_in_dim3A_1 : vector<16xf32> to vector<1x16xf32>
      tpu.vector_store %arg8[%swap3A_106, %swap3A_107], %swap3A_110 {strides = array<i32>} : memref<128x128xf32, #tpu.memory_space<vmem>>, vector<1x16xf32>,
    }
    %scan3A_6 = arith.constant 128 : i32
    %add3A = arith.constant 0 : i32
    %add3A_7 = arith.addi %mul3A_0, %add3A : i32
    "tpu.region"() ({
      %run_scoped3A_71 = tpu.sem_alloc : memref<!tpu.dma_semaphore, #tpu.memory_space<semaphore_mem>>
      %dma_start3A_72 = arith.constant 0 : i32
      %dma_start3A_73 = arith.constant 0 : i32
      %dma_start3A_74 = tpu.memref_slice %arg8[%dma_start3A_72, %dma_start3A_73] : memref<128x128xf32, #tpu.memory_space<vmem>> -> memref<128x128xf32, #tpu.memory_space<vmem>>
      %dma_start3A_75 = arith.constant 0 : i32
      %dma_start3A_76 = tpu.memref_slice %arg10[%add3A_7, %dma_start3A_75] : memref<10112x128xf32, #tpu.memory_space<vmem_shared>> -> memref<128x128xf32, #tpu.memory_space<vmem_shared>>
      %dma_start3A_77 = arith.constant 0 : i32
      %dma_start3A_78 = tpu.memref_slice %arg10[%add3A_7, %dma_start3A_77] : memref<10112x128xf32, #tpu.memory_space<vmem_shared>> -> memref<128x128xf32, #tpu.memory_space<vmem_shared>>
      %dma_start3A_79 = arith.constant 0 : i32
      %dma_start3A_80 = arith.constant 0 : i32
      %dma_start3A_81 = tpu.memref_slice %arg8[%dma_start3A_79, %dma_start3A_80] : memref<128x128xf32, #tpu.memory_space<vmem>> -> memref<128x128xf32, #tpu.memory_space<vmem>>
      tpu.enqueue_dma source(%dma_start3A_81 : memref<128x128xf32, #tpu.memory_space<vmem>>) target(%dma_start3A_78 : memref<128x128xf32, #tpu.memory_space<vmem_shared>>) target_semaphore(%run_scoped3A_71 : memref<!tpu.dma_semaphore, #tpu.memory_space<semaphore_mem>>)
      %dma_wait3A_82 = arith.constant 0 : i32
      %dma_wait3A_83 = arith.constant 0 : i32
      %dma_wait3A_84 = tpu.memref_slice %arg8[%dma_wait3A_82, %dma_wait3A_83] : memref<128x128xf32, #tpu.memory_space<vmem>> -> memref<128x128xf32, #tpu.memory_space<vmem>>
      %dma_wait3A_85 = arith.constant 0 : i32
      %dma_wait3A_86 = tpu.memref_slice %arg10[%add3A_7, %dma_wait3A_85] : memref<10112x128xf32, #tpu.memory_space<vmem_shared>> -> memref<128x128xf32, #tpu.memory_space<vmem_shared>>
      %dma_wait3A_87 = arith.constant 0 : i32
      %dma_wait3A_88 = tpu.memref_slice %arg10[%add3A_7, %dma_wait3A_87] : memref<10112x128xf32, #tpu.memory_space<vmem_shared>> -> memref<128x128xf32, #tpu.memory_space<vmem_shared>>
      %dma_wait3A_89 = arith.constant 0 : i32
      %dma_wait3A_90 = arith.constant 0 : i32
      %dma_wait3A_91 = tpu.memref_slice %arg8[%dma_wait3A_89, %dma_wait3A_90] : memref<128x128xf32, #tpu.memory_space<vmem>> -> memref<128x128xf32, #tpu.memory_space<vmem>>
      tpu.wait_dma2 semaphore(%run_scoped3A_71 : memref<!tpu.dma_semaphore, #tpu.memory_space<semaphore_mem>>) src(%dma_wait3A_91 : memref<128x128xf32, #tpu.memory_space<vmem>>) dst(%dma_wait3A_88 : memref<128x128xf32, #tpu.memory_space<vmem_shared>>)
      tpu.yield
    }) : () -> ()
    %add3A_8 = arith.constant 128 : i32
    %add3A_9 = arith.addi %mul3A_0, %add3A_8 : i32
    "tpu.region"() ({
      %run_scoped3A_71 = tpu.sem_alloc : memref<!tpu.dma_semaphore, #tpu.memory_space<semaphore_mem>>
      %dma_start3A_72 = arith.constant 0 : i32
      %dma_start3A_73 = arith.constant 0 : i32
      %dma_start3A_74 = tpu.memref_slice %arg8[%dma_start3A_72, %dma_start3A_73] : memref<128x128xf32, #tpu.memory_space<vmem>> -> memref<128x128xf32, #tpu.memory_space<vmem>>
      %dma_start3A_75 = arith.constant 0 : i32
      %dma_start3A_76 = tpu.memref_slice %arg10[%add3A_9, %dma_start3A_75] : memref<10112x128xf32, #tpu.memory_space<vmem_shared>> -> memref<128x128xf32, #tpu.memory_space<vmem_shared>>
      %dma_start3A_77 = arith.constant 0 : i32
      %dma_start3A_78 = tpu.memref_slice %arg10[%add3A_9, %dma_start3A_77] : memref<10112x128xf32, #tpu.memory_space<vmem_shared>> -> memref<128x128xf32, #tpu.memory_space<vmem_shared>>
      %dma_start3A_79 = arith.constant 0 : i32
      %dma_start3A_80 = arith.constant 0 : i32
      %dma_start3A_81 = tpu.memref_slice %arg8[%dma_start3A_79, %dma_start3A_80] : memref<128x128xf32, #tpu.memory_space<vmem>> -> memref<128x128xf32, #tpu.memory_space<vmem>>
      tpu.enqueue_dma source(%dma_start3A_81 : memref<128x128xf32, #tpu.memory_space<vmem>>) target(%dma_start3A_78 : memref<128x128xf32, #tpu.memory_space<vmem_shared>>) target_semaphore(%run_scoped3A_71 : memref<!tpu.dma_semaphore, #tpu.memory_space<semaphore_mem>>)
      %dma_wait3A_82 = arith.constant 0 : i32
      %dma_wait3A_83 = arith.constant 0 : i32
      %dma_wait3A_84 = tpu.memref_slice %arg8[%dma_wait3A_82, %dma_wait3A_83] : memref<128x128xf32, #tpu.memory_space<vmem>> -> memref<128x128xf32, #tpu.memory_space<vmem>>
      %dma_wait3A_85 = arith.constant 0 : i32
      %dma_wait3A_86 = tpu.memref_slice %arg10[%add3A_9, %dma_wait3A_85] : memref<10112x128xf32, #tpu.memory_space<vmem_shared>> -> memref<128x128xf32, #tpu.memory_space<vmem_shared>>
      %dma_wait3A_87 = arith.constant 0 : i32
      %dma_wait3A_88 = tpu.memref_slice %arg10[%add3A_9, %dma_wait3A_87] : memref<10112x128xf32, #tpu.memory_space<vmem_shared>> -> memref<128x128xf32, #tpu.memory_space<vmem_shared>>
      %dma_wait3A_89 = arith.constant 0 : i32
      %dma_wait3A_90 = arith.constant 0 : i32
      %dma_wait3A_91 = tpu.memref_slice %arg8[%dma_wait3A_89, %dma_wait3A_90] : memref<128x128xf32, #tpu.memory_space<vmem>> -> memref<128x128xf32, #tpu.memory_space<vmem>>
      tpu.wait_dma2 semaphore(%run_scoped3A_71 : memref<!tpu.dma_semaphore, #tpu.memory_space<semaphore_mem>>) src(%dma_wait3A_91 : memref<128x128xf32, #tpu.memory_space<vmem>>) dst(%dma_wait3A_88 : memref<128x128xf32, #tpu.memory_space<vmem_shared>>)
      tpu.yield
    }) : () -> ()
    %add3A_10 = arith.constant 256 : i32
    %add3A_11 = arith.addi %mul3A_0, %add3A_10 : i32
    "tpu.region"() ({
      %run_scoped3A_71 = tpu.sem_alloc : memref<!tpu.dma_semaphore, #tpu.memory_space<semaphore_mem>>
      %dma_start3A_72 = arith.constant 0 : i32
      %dma_start3A_73 = arith.constant 0 : i32
      %dma_start3A_74 = tpu.memref_slice %arg8[%dma_start3A_72, %dma_start3A_73] : memref<128x128xf32, #tpu.memory_space<vmem>> -> memref<128x128xf32, #tpu.memory_space<vmem>>
      %dma_start3A_75 = arith.constant 0 : i32
      %dma_start3A_76 = tpu.memref_slice %arg10[%add3A_11, %dma_start3A_75] : memref<10112x128xf32, #tpu.memory_space<vmem_shared>> -> memref<128x128xf32, #tpu.memory_space<vmem_shared>>
      %dma_start3A_77 = arith.constant 0 : i32
      %dma_start3A_78 = tpu.memref_slice %arg10[%add3A_11, %dma_start3A_77] : memref<10112x128xf32, #tpu.memory_space<vmem_shared>> -> memref<128x128xf32, #tpu.memory_space<vmem_shared>>
      %dma_start3A_79 = arith.constant 0 : i32
      %dma_start3A_80 = arith.constant 0 : i32
      %dma_start3A_81 = tpu.memref_slice %arg8[%dma_start3A_79, %dma_start3A_80] : memref<128x128xf32, #tpu.memory_space<vmem>> -> memref<128x128xf32, #tpu.memory_space<vmem>>
      tpu.enqueue_dma source(%dma_start3A_81 : memref<128x128xf32, #tpu.memory_space<vmem>>) target(%dma_start3A_78 : memref<128x128xf32, #tpu.memory_space<vmem_shared>>) target_semaphore(%run_scoped3A_71 : memref<!tpu.dma_semaphore, #tpu.memory_space<semaphore_mem>>)
      %dma_wait3A_82 = arith.constant 0 : i32
      %dma_wait3A_83 = arith.constant 0 : i32
      %dma_wait3A_84 = tpu.memref_slice %arg8[%dma_wait3A_82, %dma_wait3A_83] : memref<128x128xf32, #tpu.memory_space<vmem>> -> memref<128x128xf32, #tpu.memory_space<vmem>>
      %dma_wait3A_85 = arith.constant 0 : i32
      %dma_wait3A_86 = tpu.memref_slice %arg10[%add3A_11, %dma_wait3A_85] : memref<10112x128xf32, #tpu.memory_space<vmem_shared>> -> memref<128x128xf32, #tpu.memory_space<vmem_shared>>
      %dma_wait3A_87 = arith.constant 0 : i32
      %dma_wait3A_88 = tpu.memref_slice %arg10[%add3A_11, %dma_wait3A_87] : memref<10112x128xf32, #tpu.memory_space<vmem_shared>> -> memref<128x128xf32, #tpu.memory_space<vmem_shared>>
      %dma_wait3A_89 = arith.constant 0 : i32
      %dma_wait3A_90 = arith.constant 0 : i32
      %dma_wait3A_91 = tpu.memref_slice %arg8[%dma_wait3A_89, %dma_wait3A_90] : memref<128x128xf32, #tpu.memory_space<vmem>> -> memref<128x128xf32, #tpu.memory_space<vmem>>
      tpu.wait_dma2 semaphore(%run_scoped3A_71 : memref<!tpu.dma_semaphore, #tpu.memory_space<semaphore_mem>>) src(%dma_wait3A_91 : memref<128x128xf32, #tpu.memory_space<vmem>>) dst(%dma_wait3A_88 : memref<128x128xf32, #tpu.memory_space<vmem_shared>>)
      tpu.yield
    }) : () -> ()
    %add3A_12 = arith.constant 384 : i32
    %add3A_13 = arith.addi %mul3A_0, %add3A_12 : i32
    "tpu.region"() ({
      %run_scoped3A_71 = tpu.sem_alloc : memref<!tpu.dma_semaphore, #tpu.memory_space<semaphore_mem>>
      %dma_start3A_72 = arith.constant 0 : i32
      %dma_start3A_73 = arith.constant 0 : i32
      %dma_start3A_74 = tpu.memref_slice %arg8[%dma_start3A_72, %dma_start3A_73] : memref<128x128xf32, #tpu.memory_space<vmem>> -> memref<128x128xf32, #tpu.memory_space<vmem>>
      %dma_start3A_75 = arith.constant 0 : i32
      %dma_start3A_76 = tpu.memref_slice %arg10[%add3A_13, %dma_start3A_75] : memref<10112x128xf32, #tpu.memory_space<vmem_shared>> -> memref<128x128xf32, #tpu.memory_space<vmem_shared>>
      %dma_start3A_77 = arith.constant 0 : i32
      %dma_start3A_78 = tpu.memref_slice %arg10[%add3A_13, %dma_start3A_77] : memref<10112x128xf32, #tpu.memory_space<vmem_shared>> -> memref<128x128xf32, #tpu.memory_space<vmem_shared>>
      %dma_start3A_79 = arith.constant 0 : i32
      %dma_start3A_80 = arith.constant 0 : i32
      %dma_start3A_81 = tpu.memref_slice %arg8[%dma_start3A_79, %dma_start3A_80] : memref<128x128xf32, #tpu.memory_space<vmem>> -> memref<128x128xf32, #tpu.memory_space<vmem>>
      tpu.enqueue_dma source(%dma_start3A_81 : memref<128x128xf32, #tpu.memory_space<vmem>>) target(%dma_start3A_78 : memref<128x128xf32, #tpu.memory_space<vmem_shared>>) target_semaphore(%run_scoped3A_71 : memref<!tpu.dma_semaphore, #tpu.memory_space<semaphore_mem>>)
      %dma_wait3A_82 = arith.constant 0 : i32
      %dma_wait3A_83 = arith.constant 0 : i32
      %dma_wait3A_84 = tpu.memref_slice %arg8[%dma_wait3A_82, %dma_wait3A_83] : memref<128x128xf32, #tpu.memory_space<vmem>> -> memref<128x128xf32, #tpu.memory_space<vmem>>
      %dma_wait3A_85 = arith.constant 0 : i32
      %dma_wait3A_86 = tpu.memref_slice %arg10[%add3A_13, %dma_wait3A_85] : memref<10112x128xf32, #tpu.memory_space<vmem_shared>> -> memref<128x128xf32, #tpu.memory_space<vmem_shared>>
      %dma_wait3A_87 = arith.constant 0 : i32
      %dma_wait3A_88 = tpu.memref_slice %arg10[%add3A_13, %dma_wait3A_87] : memref<10112x128xf32, #tpu.memory_space<vmem_shared>> -> memref<128x128xf32, #tpu.memory_space<vmem_shared>>
      %dma_wait3A_89 = arith.constant 0 : i32
      %dma_wait3A_90 = arith.constant 0 : i32
      %dma_wait3A_91 = tpu.memref_slice %arg8[%dma_wait3A_89, %dma_wait3A_90] : memref<128x128xf32, #tpu.memory_space<vmem>> -> memref<128x128xf32, #tpu.memory_space<vmem>>
      tpu.wait_dma2 semaphore(%run_scoped3A_71 : memref<!tpu.dma_semaphore, #tpu.memory_space<semaphore_mem>>) src(%dma_wait3A_91 : memref<128x128xf32, #tpu.memory_space<vmem>>) dst(%dma_wait3A_88 : memref<128x128xf32, #tpu.memory_space<vmem_shared>>)
      tpu.yield
    }) : () -> ()
    %add3A_14 = arith.constant 512 : i32
    %add3A_15 = arith.addi %mul3A_0, %add3A_14 : i32
    "tpu.region"() ({
      %run_scoped3A_71 = tpu.sem_alloc : memref<!tpu.dma_semaphore, #tpu.memory_space<semaphore_mem>>
      %dma_start3A_72 = arith.constant 0 : i32
      %dma_start3A_73 = arith.constant 0 : i32
      %dma_start3A_74 = tpu.memref_slice %arg8[%dma_start3A_72, %dma_start3A_73] : memref<128x128xf32, #tpu.memory_space<vmem>> -> memref<120x128xf32, #tpu.memory_space<vmem>>
      %dma_start3A_75 = arith.constant 0 : i32
      %dma_start3A_76 = tpu.memref_slice %arg10[%add3A_15, %dma_start3A_75] : memref<10112x128xf32, #tpu.memory_space<vmem_shared>> -> memref<120x128xf32, #tpu.memory_space<vmem_shared>>
      %dma_start3A_77 = arith.constant 0 : i32
      %dma_start3A_78 = tpu.memref_slice %arg10[%add3A_15, %dma_start3A_77] : memref<10112x128xf32, #tpu.memory_space<vmem_shared>> -> memref<120x128xf32, #tpu.memory_space<vmem_shared>>
      %dma_start3A_79 = arith.constant 0 : i32
      %dma_start3A_80 = arith.constant 0 : i32
      %dma_start3A_81 = tpu.memref_slice %arg8[%dma_start3A_79, %dma_start3A_80] : memref<128x128xf32, #tpu.memory_space<vmem>> -> memref<120x128xf32, #tpu.memory_space<vmem>>
      tpu.enqueue_dma source(%dma_start3A_81 : memref<120x128xf32, #tpu.memory_space<vmem>>) target(%dma_start3A_78 : memref<120x128xf32, #tpu.memory_space<vmem_shared>>) target_semaphore(%run_scoped3A_71 : memref<!tpu.dma_semaphore, #tpu.memory_space<semaphore_mem>>)
      %dma_wait3A_82 = arith.constant 0 : i32
      %dma_wait3A_83 = arith.constant 0 : i32
      %dma_wait3A_84 = tpu.memref_slice %arg8[%dma_wait3A_82, %dma_wait3A_83] : memref<128x128xf32, #tpu.memory_space<vmem>> -> memref<120x128xf32, #tpu.memory_space<vmem>>
      %dma_wait3A_85 = arith.constant 0 : i32
      %dma_wait3A_86 = tpu.memref_slice %arg10[%add3A_15, %dma_wait3A_85] : memref<10112x128xf32, #tpu.memory_space<vmem_shared>> -> memref<120x128xf32, #tpu.memory_space<vmem_shared>>
      %dma_wait3A_87 = arith.constant 0 : i32
      %dma_wait3A_88 = tpu.memref_slice %arg10[%add3A_15, %dma_wait3A_87] : memref<10112x128xf32, #tpu.memory_space<vmem_shared>> -> memref<120x128xf32, #tpu.memory_space<vmem_shared>>
      %dma_wait3A_89 = arith.constant 0 : i32
      %dma_wait3A_90 = arith.constant 0 : i32
      %dma_wait3A_91 = tpu.memref_slice %arg8[%dma_wait3A_89, %dma_wait3A_90] : memref<128x128xf32, #tpu.memory_space<vmem>> -> memref<120x128xf32, #tpu.memory_space<vmem>>
      tpu.wait_dma2 semaphore(%run_scoped3A_71 : memref<!tpu.dma_semaphore, #tpu.memory_space<semaphore_mem>>) src(%dma_wait3A_91 : memref<120x128xf32, #tpu.memory_space<vmem>>) dst(%dma_wait3A_88 : memref<120x128xf32, #tpu.memory_space<vmem_shared>>)
      tpu.yield
    }) : () -> ()
    "tpu.region"() ({
      %run_scoped3A_71 = tpu.sem_alloc : memref<!tpu.dma_semaphore, #tpu.memory_space<semaphore_mem>>
      %dma_start3A_72 = arith.constant 0 : i32
      %dma_start3A_73 = arith.constant 0 : i32
      %dma_start3A_74 = tpu.memref_slice %arg3[%arg1, %dma_start3A_72, %dma_start3A_73] : memref<16x59x128xi32, #tpu.memory_space<hbm>> -> memref<1x59x128xi32, #tpu.memory_space<hbm>>
      %dma_start3A_75 = tpu.memref_squeeze %dma_start3A_74 : memref<1x59x128xi32, #tpu.memory_space<hbm>> -> memref<59x128xi32, #tpu.memory_space<hbm>>
      %dma_start3A_76 = arith.constant 0 : i32
      %dma_start3A_77 = arith.constant 0 : i32
      %dma_start3A_78 = tpu.memref_slice %arg3[%arg1, %dma_start3A_76, %dma_start3A_77] : memref<16x59x128xi32, #tpu.memory_space<hbm>> -> memref<1x59x128xi32, #tpu.memory_space<hbm>>
      %dma_start3A_79 = tpu.memref_squeeze %dma_start3A_78 : memref<1x59x128xi32, #tpu.memory_space<hbm>> -> memref<59x128xi32, #tpu.memory_space<hbm>>
      tpu.enqueue_dma source(%dma_start3A_79 : memref<59x128xi32, #tpu.memory_space<hbm>>) target(%arg6 : memref<59x128xi32, #tpu.memory_space<vmem>>) target_semaphore(%run_scoped3A_71 : memref<!tpu.dma_semaphore, #tpu.memory_space<semaphore_mem>>)
      %dma_wait3A_80 = arith.constant 0 : i32
      %dma_wait3A_81 = arith.constant 0 : i32
      %dma_wait3A_82 = tpu.memref_slice %arg3[%arg1, %dma_wait3A_80, %dma_wait3A_81] : memref<16x59x128xi32, #tpu.memory_space<hbm>> -> memref<1x59x128xi32, #tpu.memory_space<hbm>>
      %dma_wait3A_83 = tpu.memref_squeeze %dma_wait3A_82 : memref<1x59x128xi32, #tpu.memory_space<hbm>> -> memref<59x128xi32, #tpu.memory_space<hbm>>
      %dma_wait3A_84 = arith.constant 0 : i32
      %dma_wait3A_85 = arith.constant 0 : i32
      %dma_wait3A_86 = tpu.memref_slice %arg3[%arg1, %dma_wait3A_84, %dma_wait3A_85] : memref<16x59x128xi32, #tpu.memory_space<hbm>> -> memref<1x59x128xi32, #tpu.memory_space<hbm>>
      %dma_wait3A_87 = tpu.memref_squeeze %dma_wait3A_86 : memref<1x59x128xi32, #tpu.memory_space<hbm>> -> memref<59x128xi32, #tpu.memory_space<hbm>>
      tpu.wait_dma2 semaphore(%run_scoped3A_71 : memref<!tpu.dma_semaphore, #tpu.memory_space<semaphore_mem>>) src(%dma_wait3A_87 : memref<59x128xi32, #tpu.memory_space<hbm>>) dst(%arg6 : memref<59x128xi32, #tpu.memory_space<vmem>>)
      tpu.yield
    }) : () -> ()
    "tpu.region"() ({
      %run_scoped3A_71 = tpu.sem_alloc : memref<!tpu.dma_semaphore, #tpu.memory_space<semaphore_mem>>
      %dma_start3A_72 = arith.constant 0 : i32
      %dma_start3A_73 = arith.constant 0 : i32
      %dma_start3A_74 = tpu.memref_slice %arg4[%arg1, %dma_start3A_72, %dma_start3A_73] : memref<16x59x128xi32, #tpu.memory_space<hbm>> -> memref<1x59x128xi32, #tpu.memory_space<hbm>>
      %dma_start3A_75 = tpu.memref_squeeze %dma_start3A_74 : memref<1x59x128xi32, #tpu.memory_space<hbm>> -> memref<59x128xi32, #tpu.memory_space<hbm>>
      %dma_start3A_76 = arith.constant 0 : i32
      %dma_start3A_77 = arith.constant 0 : i32
      %dma_start3A_78 = tpu.memref_slice %arg4[%arg1, %dma_start3A_76, %dma_start3A_77] : memref<16x59x128xi32, #tpu.memory_space<hbm>> -> memref<1x59x128xi32, #tpu.memory_space<hbm>>
      %dma_start3A_79 = tpu.memref_squeeze %dma_start3A_78 : memref<1x59x128xi32, #tpu.memory_space<hbm>> -> memref<59x128xi32, #tpu.memory_space<hbm>>
      tpu.enqueue_dma source(%dma_start3A_79 : memref<59x128xi32, #tpu.memory_space<hbm>>) target(%arg7 : memref<59x128xi32, #tpu.memory_space<vmem>>) target_semaphore(%run_scoped3A_71 : memref<!tpu.dma_semaphore, #tpu.memory_space<semaphore_mem>>)
      %dma_wait3A_80 = arith.constant 0 : i32
      %dma_wait3A_81 = arith.constant 0 : i32
      %dma_wait3A_82 = tpu.memref_slice %arg4[%arg1, %dma_wait3A_80, %dma_wait3A_81] : memref<16x59x128xi32, #tpu.memory_space<hbm>> -> memref<1x59x128xi32, #tpu.memory_space<hbm>>
      %dma_wait3A_83 = tpu.memref_squeeze %dma_wait3A_82 : memref<1x59x128xi32, #tpu.memory_space<hbm>> -> memref<59x128xi32, #tpu.memory_space<hbm>>
      %dma_wait3A_84 = arith.constant 0 : i32
      %dma_wait3A_85 = arith.constant 0 : i32
      %dma_wait3A_86 = tpu.memref_slice %arg4[%arg1, %dma_wait3A_84, %dma_wait3A_85] : memref<16x59x128xi32, #tpu.memory_space<hbm>> -> memref<1x59x128xi32, #tpu.memory_space<hbm>>
      %dma_wait3A_87 = tpu.memref_squeeze %dma_wait3A_86 : memref<1x59x128xi32, #tpu.memory_space<hbm>> -> memref<59x128xi32, #tpu.memory_space<hbm>>
      tpu.wait_dma2 semaphore(%run_scoped3A_71 : memref<!tpu.dma_semaphore, #tpu.memory_space<semaphore_mem>>) src(%dma_wait3A_87 : memref<59x128xi32, #tpu.memory_space<hbm>>) dst(%arg7 : memref<59x128xi32, #tpu.memory_space<vmem>>)
      tpu.yield
    }) : () -> ()
    %mul3A_16 = arith.constant 10000 : i32
    %mul3A_17 = arith.muli %arg0, %mul3A_16 : i32
    %broadcast_in_dim3A_18 = vector.broadcast %mul3A_17 : i32 to vector<16xi32>
    %scan3A_19 = arith.constant 0 : i32
    %scan3A_20 = arith.constant 0 : i32
    %scan3A_21 = arith.constant 59 : i32
    %scan3A_22 = arith.addi %scan3A_20, %scan3A_21 : i32
    %scan3A_23 = arith.constant 1 : i32
    scf.for %scan3A_71 = %scan3A_20 to %scan3A_22 step %scan3A_23  : i32 {
      %get3A = arith.index_cast %scan3A_71 : i32 to index
      %get3A_72 = arith.constant 0 : index
      %get3A_73 = tpu.vector_load %arg6[%get3A, %get3A_72] {strides = array<i32>} : memref<59x128xi32, #tpu.memory_space<vmem>>, vector<1x16xi32>,
      %get3A_74 = vector.shape_cast %get3A_73 : vector<1x16xi32> to vector<16xi32>
      %add3A_75 = arith.addi %get3A_74, %broadcast_in_dim3A_18 : vector<16xi32>
      %swap3A = arith.index_cast %scan3A_71 : i32 to index
      %swap3A_76 = arith.constant 0 : index
      %swap3A_77 = tpu.vector_load %arg6[%swap3A, %swap3A_76] {strides = array<i32>} : memref<59x128xi32, #tpu.memory_space<vmem>>, vector<1x16xi32>,
      %swap3A_78 = vector.shape_cast %swap3A_77 : vector<1x16xi32> to vector<16xi32>
      %swap3A_79 = vector.shape_cast %add3A_75 : vector<16xi32> to vector<1x16xi32>
      tpu.vector_store %arg6[%swap3A, %swap3A_76], %swap3A_79 {strides = array<i32>} : memref<59x128xi32, #tpu.memory_space<vmem>>, vector<1x16xi32>,
      %get3A_80 = arith.index_cast %scan3A_71 : i32 to index
      %get3A_81 = arith.constant 16 : index
      %get3A_82 = tpu.vector_load %arg6[%get3A_80, %get3A_81] {strides = array<i32>} : memref<59x128xi32, #tpu.memory_space<vmem>>, vector<1x16xi32>,
      %get3A_83 = vector.shape_cast %get3A_82 : vector<1x16xi32> to vector<16xi32>
      %add3A_84 = arith.addi %get3A_83, %broadcast_in_dim3A_18 : vector<16xi32>
      %swap3A_85 = arith.index_cast %scan3A_71 : i32 to index
      %swap3A_86 = arith.constant 16 : index
      %swap3A_87 = tpu.vector_load %arg6[%swap3A_85, %swap3A_86] {strides = array<i32>} : memref<59x128xi32, #tpu.memory_space<vmem>>, vector<1x16xi32>,
      %swap3A_88 = vector.shape_cast %swap3A_87 : vector<1x16xi32> to vector<16xi32>
      %swap3A_89 = vector.shape_cast %add3A_84 : vector<16xi32> to vector<1x16xi32>
      tpu.vector_store %arg6[%swap3A_85, %swap3A_86], %swap3A_89 {strides = array<i32>} : memref<59x128xi32, #tpu.memory_space<vmem>>, vector<1x16xi32>,
      %get3A_90 = arith.index_cast %scan3A_71 : i32 to index
      %get3A_91 = arith.constant 32 : index
      %get3A_92 = tpu.vector_load %arg6[%get3A_90, %get3A_91] {strides = array<i32>} : memref<59x128xi32, #tpu.memory_space<vmem>>, vector<1x16xi32>,
      %get3A_93 = vector.shape_cast %get3A_92 : vector<1x16xi32> to vector<16xi32>
      %add3A_94 = arith.addi %get3A_93, %broadcast_in_dim3A_18 : vector<16xi32>
      %swap3A_95 = arith.index_cast %scan3A_71 : i32 to index
      %swap3A_96 = arith.constant 32 : index
      %swap3A_97 = tpu.vector_load %arg6[%swap3A_95, %swap3A_96] {strides = array<i32>} : memref<59x128xi32, #tpu.memory_space<vmem>>, vector<1x16xi32>,
      %swap3A_98 = vector.shape_cast %swap3A_97 : vector<1x16xi32> to vector<16xi32>
      %swap3A_99 = vector.shape_cast %add3A_94 : vector<16xi32> to vector<1x16xi32>
      tpu.vector_store %arg6[%swap3A_95, %swap3A_96], %swap3A_99 {strides = array<i32>} : memref<59x128xi32, #tpu.memory_space<vmem>>, vector<1x16xi32>,
      %get3A_100 = arith.index_cast %scan3A_71 : i32 to index
      %get3A_101 = arith.constant 48 : index
      %get3A_102 = tpu.vector_load %arg6[%get3A_100, %get3A_101] {strides = array<i32>} : memref<59x128xi32, #tpu.memory_space<vmem>>, vector<1x16xi32>,
      %get3A_103 = vector.shape_cast %get3A_102 : vector<1x16xi32> to vector<16xi32>
      %add3A_104 = arith.addi %get3A_103, %broadcast_in_dim3A_18 : vector<16xi32>
      %swap3A_105 = arith.index_cast %scan3A_71 : i32 to index
      %swap3A_106 = arith.constant 48 : index
      %swap3A_107 = tpu.vector_load %arg6[%swap3A_105, %swap3A_106] {strides = array<i32>} : memref<59x128xi32, #tpu.memory_space<vmem>>, vector<1x16xi32>,
      %swap3A_108 = vector.shape_cast %swap3A_107 : vector<1x16xi32> to vector<16xi32>
      %swap3A_109 = vector.shape_cast %add3A_104 : vector<16xi32> to vector<1x16xi32>
      tpu.vector_store %arg6[%swap3A_105, %swap3A_106], %swap3A_109 {strides = array<i32>} : memref<59x128xi32, #tpu.memory_space<vmem>>, vector<1x16xi32>,
      %get3A_110 = arith.index_cast %scan3A_71 : i32 to index
      %get3A_111 = arith.constant 64 : index
      %get3A_112 = tpu.vector_load %arg6[%get3A_110, %get3A_111] {strides = array<i32>} : memref<59x128xi32, #tpu.memory_space<vmem>>, vector<1x16xi32>,
      %get3A_113 = vector.shape_cast %get3A_112 : vector<1x16xi32> to vector<16xi32>
      %add3A_114 = arith.addi %get3A_113, %broadcast_in_dim3A_18 : vector<16xi32>
      %swap3A_115 = arith.index_cast %scan3A_71 : i32 to index
      %swap3A_116 = arith.constant 64 : index
      %swap3A_117 = tpu.vector_load %arg6[%swap3A_115, %swap3A_116] {strides = array<i32>} : memref<59x128xi32, #tpu.memory_space<vmem>>, vector<1x16xi32>,
      %swap3A_118 = vector.shape_cast %swap3A_117 : vector<1x16xi32> to vector<16xi32>
      %swap3A_119 = vector.shape_cast %add3A_114 : vector<16xi32> to vector<1x16xi32>
      tpu.vector_store %arg6[%swap3A_115, %swap3A_116], %swap3A_119 {strides = array<i32>} : memref<59x128xi32, #tpu.memory_space<vmem>>, vector<1x16xi32>,
      %get3A_120 = arith.index_cast %scan3A_71 : i32 to index
      %get3A_121 = arith.constant 80 : index
      %get3A_122 = tpu.vector_load %arg6[%get3A_120, %get3A_121] {strides = array<i32>} : memref<59x128xi32, #tpu.memory_space<vmem>>, vector<1x16xi32>,
      %get3A_123 = vector.shape_cast %get3A_122 : vector<1x16xi32> to vector<16xi32>
      %add3A_124 = arith.addi %get3A_123, %broadcast_in_dim3A_18 : vector<16xi32>
      %swap3A_125 = arith.index_cast %scan3A_71 : i32 to index
      %swap3A_126 = arith.constant 80 : index
      %swap3A_127 = tpu.vector_load %arg6[%swap3A_125, %swap3A_126] {strides = array<i32>} : memref<59x128xi32, #tpu.memory_space<vmem>>, vector<1x16xi32>,
      %swap3A_128 = vector.shape_cast %swap3A_127 : vector<1x16xi32> to vector<16xi32>
      %swap3A_129 = vector.shape_cast %add3A_124 : vector<16xi32> to vector<1x16xi32>
      tpu.vector_store %arg6[%swap3A_125, %swap3A_126], %swap3A_129 {strides = array<i32>} : memref<59x128xi32, #tpu.memory_space<vmem>>, vector<1x16xi32>,
      %get3A_130 = arith.index_cast %scan3A_71 : i32 to index
      %get3A_131 = arith.constant 96 : index
      %get3A_132 = tpu.vector_load %arg6[%get3A_130, %get3A_131] {strides = array<i32>} : memref<59x128xi32, #tpu.memory_space<vmem>>, vector<1x16xi32>,
      %get3A_133 = vector.shape_cast %get3A_132 : vector<1x16xi32> to vector<16xi32>
      %add3A_134 = arith.addi %get3A_133, %broadcast_in_dim3A_18 : vector<16xi32>
      %swap3A_135 = arith.index_cast %scan3A_71 : i32 to index
      %swap3A_136 = arith.constant 96 : index
      %swap3A_137 = tpu.vector_load %arg6[%swap3A_135, %swap3A_136] {strides = array<i32>} : memref<59x128xi32, #tpu.memory_space<vmem>>, vector<1x16xi32>,
      %swap3A_138 = vector.shape_cast %swap3A_137 : vector<1x16xi32> to vector<16xi32>
      %swap3A_139 = vector.shape_cast %add3A_134 : vector<16xi32> to vector<1x16xi32>
      tpu.vector_store %arg6[%swap3A_135, %swap3A_136], %swap3A_139 {strides = array<i32>} : memref<59x128xi32, #tpu.memory_space<vmem>>, vector<1x16xi32>,
      %get3A_140 = arith.index_cast %scan3A_71 : i32 to index
      %get3A_141 = arith.constant 112 : index
      %get3A_142 = tpu.vector_load %arg6[%get3A_140, %get3A_141] {strides = array<i32>} : memref<59x128xi32, #tpu.memory_space<vmem>>, vector<1x16xi32>,
      %get3A_143 = vector.shape_cast %get3A_142 : vector<1x16xi32> to vector<16xi32>
      %add3A_144 = arith.addi %get3A_143, %broadcast_in_dim3A_18 : vector<16xi32>
      %swap3A_145 = arith.index_cast %scan3A_71 : i32 to index
      %swap3A_146 = arith.constant 112 : index
      %swap3A_147 = tpu.vector_load %arg6[%swap3A_145, %swap3A_146] {strides = array<i32>} : memref<59x128xi32, #tpu.memory_space<vmem>>, vector<1x16xi32>,
      %swap3A_148 = vector.shape_cast %swap3A_147 : vector<1x16xi32> to vector<16xi32>
      %swap3A_149 = vector.shape_cast %add3A_144 : vector<16xi32> to vector<1x16xi32>
      tpu.vector_store %arg6[%swap3A_145, %swap3A_146], %swap3A_149 {strides = array<i32>} : memref<59x128xi32, #tpu.memory_space<vmem>>, vector<1x16xi32>,
    }
    %scan3A_24 = arith.constant 59 : i32
    %barrier3A = arith.constant 0 : index
    tpu.barrier barrier_id(%barrier3A)
    %dma_start3A = arith.constant 0 : i32
    %dma_start3A_25 = arith.constant 0 : i32
    %dma_start3A_26 = tpu.memref_slice %arg6[%dma_start3A, %dma_start3A_25] : memref<59x128xi32, #tpu.memory_space<vmem>> -> memref<1x128xi32, #tpu.memory_space<vmem>>
    %dma_start3A_27 = tpu.memref_squeeze %dma_start3A_26 : memref<1x128xi32, #tpu.memory_space<vmem>> -> memref<128xi32, #tpu.memory_space<vmem>>
    %dma_start3A_28 = arith.constant 0 : i32
    %dma_start3A_29 = arith.constant 0 : i32
    %dma_start3A_30 = tpu.memref_slice %arg2[%dma_start3A_28, %dma_start3A_29] : memref<20000x128xf32, #tpu.memory_space<hbm>> -> memref<20000x128xf32, #tpu.memory_space<hbm>>
    tpu.enqueue_indirect_dma source(%dma_start3A_30 : memref<20000x128xf32, #tpu.memory_space<hbm>>) target(%arg8 : memref<128x128xf32, #tpu.memory_space<vmem>>) offsets(%dma_start3A_27 : memref<128xi32, #tpu.memory_space<vmem>>) semaphore(%arg11 : memref<!tpu.dma_semaphore, #tpu.memory_space<semaphore_mem>>)
    %scan3A_31 = arith.constant 0 : i32
    %scan3A_32 = arith.constant 0 : i32
    %scan3A_33 = arith.constant 29 : i32
    %scan3A_34 = arith.addi %scan3A_32, %scan3A_33 : i32
    %scan3A_35 = arith.constant 1 : i32
    scf.for %scan3A_71 = %scan3A_32 to %scan3A_34 step %scan3A_35  : i32 {
      %mul3A_72 = arith.constant 2 : i32
      %mul3A_73 = arith.muli %mul3A_72, %scan3A_71 : i32
      %add3A_74 = arith.constant 1 : i32
      %add3A_75 = arith.addi %mul3A_73, %add3A_74 : i32
      %dma_start3A_76 = arith.constant 0 : i32
      %dma_start3A_77 = tpu.memref_slice %arg6[%add3A_75, %dma_start3A_76] : memref<59x128xi32, #tpu.memory_space<vmem>> -> memref<1x128xi32, #tpu.memory_space<vmem>>
      %dma_start3A_78 = tpu.memref_squeeze %dma_start3A_77 : memref<1x128xi32, #tpu.memory_space<vmem>> -> memref<128xi32, #tpu.memory_space<vmem>>
      %dma_start3A_79 = arith.constant 0 : i32
      %dma_start3A_80 = arith.constant 0 : i32
      %dma_start3A_81 = tpu.memref_slice %arg2[%dma_start3A_79, %dma_start3A_80] : memref<20000x128xf32, #tpu.memory_space<hbm>> -> memref<20000x128xf32, #tpu.memory_space<hbm>>
      tpu.enqueue_indirect_dma source(%dma_start3A_81 : memref<20000x128xf32, #tpu.memory_space<hbm>>) target(%arg9 : memref<128x128xf32, #tpu.memory_space<vmem>>) offsets(%dma_start3A_78 : memref<128xi32, #tpu.memory_space<vmem>>) semaphore(%arg12 : memref<!tpu.dma_semaphore, #tpu.memory_space<semaphore_mem>>)
      %dma_wait3A_82 = arith.constant 0 : i32
      %dma_wait3A_83 = tpu.memref_slice %arg6[%mul3A_73, %dma_wait3A_82] : memref<59x128xi32, #tpu.memory_space<vmem>> -> memref<1x128xi32, #tpu.memory_space<vmem>>
      %dma_wait3A_84 = tpu.memref_squeeze %dma_wait3A_83 : memref<1x128xi32, #tpu.memory_space<vmem>> -> memref<128xi32, #tpu.memory_space<vmem>>
      %dma_wait3A_85 = arith.constant 0 : i32
      %dma_wait3A_86 = arith.constant 0 : i32
      %dma_wait3A_87 = tpu.memref_slice %arg2[%dma_wait3A_85, %dma_wait3A_86] : memref<20000x128xf32, #tpu.memory_space<hbm>> -> memref<20000x128xf32, #tpu.memory_space<hbm>>
      tpu.wait_indirect_dma semaphore(%arg11 : memref<!tpu.dma_semaphore, #tpu.memory_space<semaphore_mem>>) src(%dma_wait3A_87 : memref<20000x128xf32, #tpu.memory_space<hbm>>) dst(%arg8 : memref<128x128xf32, #tpu.memory_space<vmem>>)
      "tpu.region"() ({
        %run_scoped3A_106 = tpu.sem_alloc : memref<!tpu.dma_semaphore, #tpu.memory_space<semaphore_mem>>
        %dma_start3A_107 = arith.constant 0 : i32
        %dma_start3A_108 = tpu.memref_slice %arg7[%mul3A_73, %dma_start3A_107] : memref<59x128xi32, #tpu.memory_space<vmem>> -> memref<1x128xi32, #tpu.memory_space<vmem>>
        %dma_start3A_109 = tpu.memref_squeeze %dma_start3A_108 : memref<1x128xi32, #tpu.memory_space<vmem>> -> memref<128xi32, #tpu.memory_space<vmem>>
        %dma_start3A_110 = arith.constant 0 : i32
        %dma_start3A_111 = arith.constant 0 : i32
        %dma_start3A_112 = tpu.memref_slice %arg10[%dma_start3A_110, %dma_start3A_111] : memref<10112x128xf32, #tpu.memory_space<vmem_shared>> -> memref<10112x128xf32, #tpu.memory_space<vmem_shared>>
        tpu.enqueue_indirect_dma source(%arg8 : memref<128x128xf32, #tpu.memory_space<vmem>>) target(%dma_start3A_112 : memref<10112x128xf32, #tpu.memory_space<vmem_shared>>) offsets(%dma_start3A_109 : memref<128xi32, #tpu.memory_space<vmem>>) semaphore(%run_scoped3A_106 : memref<!tpu.dma_semaphore, #tpu.memory_space<semaphore_mem>>) {add = true}
        %dma_wait3A_113 = arith.constant 0 : i32
        %dma_wait3A_114 = tpu.memref_slice %arg7[%mul3A_73, %dma_wait3A_113] : memref<59x128xi32, #tpu.memory_space<vmem>> -> memref<1x128xi32, #tpu.memory_space<vmem>>
        %dma_wait3A_115 = tpu.memref_squeeze %dma_wait3A_114 : memref<1x128xi32, #tpu.memory_space<vmem>> -> memref<128xi32, #tpu.memory_space<vmem>>
        %dma_wait3A_116 = arith.constant 0 : i32
        %dma_wait3A_117 = arith.constant 0 : i32
        %dma_wait3A_118 = tpu.memref_slice %arg10[%dma_wait3A_116, %dma_wait3A_117] : memref<10112x128xf32, #tpu.memory_space<vmem_shared>> -> memref<10112x128xf32, #tpu.memory_space<vmem_shared>>
        tpu.wait_indirect_dma semaphore(%run_scoped3A_106 : memref<!tpu.dma_semaphore, #tpu.memory_space<semaphore_mem>>) src(%arg8 : memref<128x128xf32, #tpu.memory_space<vmem>>) dst(%dma_wait3A_118 : memref<10112x128xf32, #tpu.memory_space<vmem_shared>>)
        tpu.yield
      }) : () -> ()
      %add3A_88 = arith.constant 2 : i32
      %add3A_89 = arith.addi %mul3A_73, %add3A_88 : i32
      %dma_start3A_90 = arith.constant 0 : i32
      %dma_start3A_91 = tpu.memref_slice %arg6[%add3A_89, %dma_start3A_90] : memref<59x128xi32, #tpu.memory_space<vmem>> -> memref<1x128xi32, #tpu.memory_space<vmem>>
      %dma_start3A_92 = tpu.memref_squeeze %dma_start3A_91 : memref<1x128xi32, #tpu.memory_space<vmem>> -> memref<128xi32, #tpu.memory_space<vmem>>
      %dma_start3A_93 = arith.constant 0 : i32
      %dma_start3A_94 = arith.constant 0 : i32
      %dma_start3A_95 = tpu.memref_slice %arg2[%dma_start3A_93, %dma_start3A_94] : memref<20000x128xf32, #tpu.memory_space<hbm>> -> memref<20000x128xf32, #tpu.memory_space<hbm>>
      tpu.enqueue_indirect_dma source(%dma_start3A_95 : memref<20000x128xf32, #tpu.memory_space<hbm>>) target(%arg8 : memref<128x128xf32, #tpu.memory_space<vmem>>) offsets(%dma_start3A_92 : memref<128xi32, #tpu.memory_space<vmem>>) semaphore(%arg11 : memref<!tpu.dma_semaphore, #tpu.memory_space<semaphore_mem>>)
      %add3A_96 = arith.constant 1 : i32
      %add3A_97 = arith.addi %mul3A_73, %add3A_96 : i32
      %dma_wait3A_98 = arith.constant 0 : i32
      %dma_wait3A_99 = tpu.memref_slice %arg6[%add3A_97, %dma_wait3A_98] : memref<59x128xi32, #tpu.memory_space<vmem>> -> memref<1x128xi32, #tpu.memory_space<vmem>>
      %dma_wait3A_100 = tpu.memref_squeeze %dma_wait3A_99 : memref<1x128xi32, #tpu.memory_space<vmem>> -> memref<128xi32, #tpu.memory_space<vmem>>
      %dma_wait3A_101 = arith.constant 0 : i32
      %dma_wait3A_102 = arith.constant 0 : i32
      %dma_wait3A_103 = tpu.memref_slice %arg2[%dma_wait3A_101, %dma_wait3A_102] : memref<20000x128xf32, #tpu.memory_space<hbm>> -> memref<20000x128xf32, #tpu.memory_space<hbm>>
      tpu.wait_indirect_dma semaphore(%arg12 : memref<!tpu.dma_semaphore, #tpu.memory_space<semaphore_mem>>) src(%dma_wait3A_103 : memref<20000x128xf32, #tpu.memory_space<hbm>>) dst(%arg9 : memref<128x128xf32, #tpu.memory_space<vmem>>)
      %add3A_104 = arith.constant 1 : i32
      %add3A_105 = arith.addi %mul3A_73, %add3A_104 : i32
      "tpu.region"() ({
        %run_scoped3A_106 = tpu.sem_alloc : memref<!tpu.dma_semaphore, #tpu.memory_space<semaphore_mem>>
        %dma_start3A_107 = arith.constant 0 : i32
        %dma_start3A_108 = tpu.memref_slice %arg7[%add3A_105, %dma_start3A_107] : memref<59x128xi32, #tpu.memory_space<vmem>> -> memref<1x128xi32, #tpu.memory_space<vmem>>
        %dma_start3A_109 = tpu.memref_squeeze %dma_start3A_108 : memref<1x128xi32, #tpu.memory_space<vmem>> -> memref<128xi32, #tpu.memory_space<vmem>>
        %dma_start3A_110 = arith.constant 0 : i32
        %dma_start3A_111 = arith.constant 0 : i32
        %dma_start3A_112 = tpu.memref_slice %arg10[%dma_start3A_110, %dma_start3A_111] : memref<10112x128xf32, #tpu.memory_space<vmem_shared>> -> memref<10112x128xf32, #tpu.memory_space<vmem_shared>>
        tpu.enqueue_indirect_dma source(%arg9 : memref<128x128xf32, #tpu.memory_space<vmem>>) target(%dma_start3A_112 : memref<10112x128xf32, #tpu.memory_space<vmem_shared>>) offsets(%dma_start3A_109 : memref<128xi32, #tpu.memory_space<vmem>>) semaphore(%run_scoped3A_106 : memref<!tpu.dma_semaphore, #tpu.memory_space<semaphore_mem>>) {add = true}
        %dma_wait3A_113 = arith.constant 0 : i32
        %dma_wait3A_114 = tpu.memref_slice %arg7[%add3A_105, %dma_wait3A_113] : memref<59x128xi32, #tpu.memory_space<vmem>> -> memref<1x128xi32, #tpu.memory_space<vmem>>
        %dma_wait3A_115 = tpu.memref_squeeze %dma_wait3A_114 : memref<1x128xi32, #tpu.memory_space<vmem>> -> memref<128xi32, #tpu.memory_space<vmem>>
        %dma_wait3A_116 = arith.constant 0 : i32
        %dma_wait3A_117 = arith.constant 0 : i32
        %dma_wait3A_118 = tpu.memref_slice %arg10[%dma_wait3A_116, %dma_wait3A_117] : memref<10112x128xf32, #tpu.memory_space<vmem_shared>> -> memref<10112x128xf32, #tpu.memory_space<vmem_shared>>
        tpu.wait_indirect_dma semaphore(%run_scoped3A_106 : memref<!tpu.dma_semaphore, #tpu.memory_space<semaphore_mem>>) src(%arg9 : memref<128x128xf32, #tpu.memory_space<vmem>>) dst(%dma_wait3A_118 : memref<10112x128xf32, #tpu.memory_space<vmem_shared>>)
        tpu.yield
      }) : () -> ()
    }
    %scan3A_36 = arith.constant 29 : i32
    %dma_wait3A = arith.constant 58 : i32
    %dma_wait3A_37 = arith.constant 0 : i32
    %dma_wait3A_38 = tpu.memref_slice %arg6[%dma_wait3A, %dma_wait3A_37] : memref<59x128xi32, #tpu.memory_space<vmem>> -> memref<1x128xi32, #tpu.memory_space<vmem>>
    %dma_wait3A_39 = tpu.memref_squeeze %dma_wait3A_38 : memref<1x128xi32, #tpu.memory_space<vmem>> -> memref<128xi32, #tpu.memory_space<vmem>>
    %dma_wait3A_40 = arith.constant 0 : i32
    %dma_wait3A_41 = arith.constant 0 : i32
    %dma_wait3A_42 = tpu.memref_slice %arg2[%dma_wait3A_40, %dma_wait3A_41] : memref<20000x128xf32, #tpu.memory_space<hbm>> -> memref<20000x128xf32, #tpu.memory_space<hbm>>
    tpu.wait_indirect_dma semaphore(%arg11 : memref<!tpu.dma_semaphore, #tpu.memory_space<semaphore_mem>>) src(%dma_wait3A_42 : memref<20000x128xf32, #tpu.memory_space<hbm>>) dst(%arg8 : memref<128x128xf32, #tpu.memory_space<vmem>>)
    %run_scoped3A = arith.constant 58 : i32
    "tpu.region"() ({
      %run_scoped3A_71 = tpu.sem_alloc : memref<!tpu.dma_semaphore, #tpu.memory_space<semaphore_mem>>
      %dma_start3A_72 = arith.constant 0 : i32
      %dma_start3A_73 = tpu.memref_slice %arg7[%run_scoped3A, %dma_start3A_72] : memref<59x128xi32, #tpu.memory_space<vmem>> -> memref<1x128xi32, #tpu.memory_space<vmem>>
      %dma_start3A_74 = tpu.memref_squeeze %dma_start3A_73 : memref<1x128xi32, #tpu.memory_space<vmem>> -> memref<128xi32, #tpu.memory_space<vmem>>
      %dma_start3A_75 = arith.constant 0 : i32
      %dma_start3A_76 = arith.constant 0 : i32
      %dma_start3A_77 = tpu.memref_slice %arg10[%dma_start3A_75, %dma_start3A_76] : memref<10112x128xf32, #tpu.memory_space<vmem_shared>> -> memref<10112x128xf32, #tpu.memory_space<vmem_shared>>
      tpu.enqueue_indirect_dma source(%arg8 : memref<128x128xf32, #tpu.memory_space<vmem>>) target(%dma_start3A_77 : memref<10112x128xf32, #tpu.memory_space<vmem_shared>>) offsets(%dma_start3A_74 : memref<128xi32, #tpu.memory_space<vmem>>) semaphore(%run_scoped3A_71 : memref<!tpu.dma_semaphore, #tpu.memory_space<semaphore_mem>>) {add = true}
      %dma_wait3A_78 = arith.constant 0 : i32
      %dma_wait3A_79 = tpu.memref_slice %arg7[%run_scoped3A, %dma_wait3A_78] : memref<59x128xi32, #tpu.memory_space<vmem>> -> memref<1x128xi32, #tpu.memory_space<vmem>>
      %dma_wait3A_80 = tpu.memref_squeeze %dma_wait3A_79 : memref<1x128xi32, #tpu.memory_space<vmem>> -> memref<128xi32, #tpu.memory_space<vmem>>
      %dma_wait3A_81 = arith.constant 0 : i32
      %dma_wait3A_82 = arith.constant 0 : i32
      %dma_wait3A_83 = tpu.memref_slice %arg10[%dma_wait3A_81, %dma_wait3A_82] : memref<10112x128xf32, #tpu.memory_space<vmem_shared>> -> memref<10112x128xf32, #tpu.memory_space<vmem_shared>>
      tpu.wait_indirect_dma semaphore(%run_scoped3A_71 : memref<!tpu.dma_semaphore, #tpu.memory_space<semaphore_mem>>) src(%arg8 : memref<128x128xf32, #tpu.memory_space<vmem>>) dst(%dma_wait3A_83 : memref<10112x128xf32, #tpu.memory_space<vmem_shared>>)
      tpu.yield
    }) : () -> ()
    %barrier3A_43 = arith.constant 0 : index
    tpu.barrier barrier_id(%barrier3A_43)
    %mul3A_44 = arith.constant 10112 : i32
    %mul3A_45 = arith.muli %arg0, %mul3A_44 : i32
    %add3A_46 = arith.constant 0 : i32
    %add3A_47 = arith.addi %mul3A_0, %add3A_46 : i32
    "tpu.region"() ({
      %run_scoped3A_71 = tpu.sem_alloc : memref<!tpu.dma_semaphore, #tpu.memory_space<semaphore_mem>>
      %dma_start3A_72 = arith.constant 0 : i32
      %dma_start3A_73 = arith.constant 0 : i32
      %dma_start3A_74 = tpu.memref_slice %arg8[%dma_start3A_72, %dma_start3A_73] : memref<128x128xf32, #tpu.memory_space<vmem>> -> memref<128x128xf32, #tpu.memory_space<vmem>>
      %dma_start3A_75 = arith.constant 0 : i32
      %dma_start3A_76 = tpu.memref_slice %arg10[%add3A_47, %dma_start3A_75] : memref<10112x128xf32, #tpu.memory_space<vmem_shared>> -> memref<128x128xf32, #tpu.memory_space<vmem_shared>>
      %dma_start3A_77 = arith.constant 0 : i32
      %dma_start3A_78 = arith.constant 0 : i32
      %dma_start3A_79 = tpu.memref_slice %arg8[%dma_start3A_77, %dma_start3A_78] : memref<128x128xf32, #tpu.memory_space<vmem>> -> memref<128x128xf32, #tpu.memory_space<vmem>>
      %dma_start3A_80 = arith.constant 0 : i32
      %dma_start3A_81 = tpu.memref_slice %arg10[%add3A_47, %dma_start3A_80] : memref<10112x128xf32, #tpu.memory_space<vmem_shared>> -> memref<128x128xf32, #tpu.memory_space<vmem_shared>>
      tpu.enqueue_dma source(%dma_start3A_81 : memref<128x128xf32, #tpu.memory_space<vmem_shared>>) target(%dma_start3A_79 : memref<128x128xf32, #tpu.memory_space<vmem>>) target_semaphore(%run_scoped3A_71 : memref<!tpu.dma_semaphore, #tpu.memory_space<semaphore_mem>>)
      %dma_wait3A_82 = arith.constant 0 : i32
      %dma_wait3A_83 = arith.constant 0 : i32
      %dma_wait3A_84 = tpu.memref_slice %arg8[%dma_wait3A_82, %dma_wait3A_83] : memref<128x128xf32, #tpu.memory_space<vmem>> -> memref<128x128xf32, #tpu.memory_space<vmem>>
      %dma_wait3A_85 = arith.constant 0 : i32
      %dma_wait3A_86 = tpu.memref_slice %arg10[%add3A_47, %dma_wait3A_85] : memref<10112x128xf32, #tpu.memory_space<vmem_shared>> -> memref<128x128xf32, #tpu.memory_space<vmem_shared>>
      %dma_wait3A_87 = arith.constant 0 : i32
      %dma_wait3A_88 = arith.constant 0 : i32
      %dma_wait3A_89 = tpu.memref_slice %arg8[%dma_wait3A_87, %dma_wait3A_88] : memref<128x128xf32, #tpu.memory_space<vmem>> -> memref<128x128xf32, #tpu.memory_space<vmem>>
      %dma_wait3A_90 = arith.constant 0 : i32
      %dma_wait3A_91 = tpu.memref_slice %arg10[%add3A_47, %dma_wait3A_90] : memref<10112x128xf32, #tpu.memory_space<vmem_shared>> -> memref<128x128xf32, #tpu.memory_space<vmem_shared>>
      tpu.wait_dma2 semaphore(%run_scoped3A_71 : memref<!tpu.dma_semaphore, #tpu.memory_space<semaphore_mem>>) src(%dma_wait3A_91 : memref<128x128xf32, #tpu.memory_space<vmem_shared>>) dst(%dma_wait3A_89 : memref<128x128xf32, #tpu.memory_space<vmem>>)
      tpu.yield
    }) : () -> ()
    %add3A_48 = arith.addi %mul3A_45, %mul3A_0 : i32
    %add3A_49 = arith.constant 0 : i32
    %add3A_50 = arith.addi %add3A_48, %add3A_49 : i32
    "tpu.region"() ({
      %run_scoped3A_71 = tpu.sem_alloc : memref<!tpu.dma_semaphore, #tpu.memory_space<semaphore_mem>>
      %dma_start3A_72 = arith.constant 0 : i32
      %dma_start3A_73 = arith.constant 0 : i32
      %dma_start3A_74 = tpu.memref_slice %arg8[%dma_start3A_72, %dma_start3A_73] : memref<128x128xf32, #tpu.memory_space<vmem>> -> memref<128x128xf32, #tpu.memory_space<vmem>>
      %dma_start3A_75 = arith.constant 0 : i32
      %dma_start3A_76 = tpu.memref_slice %arg5[%add3A_50, %dma_start3A_75] : memref<20224x128xf32, #tpu.memory_space<hbm>> -> memref<128x128xf32, #tpu.memory_space<hbm>>
      %dma_start3A_77 = arith.constant 0 : i32
      %dma_start3A_78 = tpu.memref_slice %arg5[%add3A_50, %dma_start3A_77] : memref<20224x128xf32, #tpu.memory_space<hbm>> -> memref<128x128xf32, #tpu.memory_space<hbm>>
      %dma_start3A_79 = arith.constant 0 : i32
      %dma_start3A_80 = arith.constant 0 : i32
      %dma_start3A_81 = tpu.memref_slice %arg8[%dma_start3A_79, %dma_start3A_80] : memref<128x128xf32, #tpu.memory_space<vmem>> -> memref<128x128xf32, #tpu.memory_space<vmem>>
      tpu.enqueue_dma source(%dma_start3A_81 : memref<128x128xf32, #tpu.memory_space<vmem>>) target(%dma_start3A_78 : memref<128x128xf32, #tpu.memory_space<hbm>>) target_semaphore(%run_scoped3A_71 : memref<!tpu.dma_semaphore, #tpu.memory_space<semaphore_mem>>)
      %dma_wait3A_82 = arith.constant 0 : i32
      %dma_wait3A_83 = arith.constant 0 : i32
      %dma_wait3A_84 = tpu.memref_slice %arg8[%dma_wait3A_82, %dma_wait3A_83] : memref<128x128xf32, #tpu.memory_space<vmem>> -> memref<128x128xf32, #tpu.memory_space<vmem>>
      %dma_wait3A_85 = arith.constant 0 : i32
      %dma_wait3A_86 = tpu.memref_slice %arg5[%add3A_50, %dma_wait3A_85] : memref<20224x128xf32, #tpu.memory_space<hbm>> -> memref<128x128xf32, #tpu.memory_space<hbm>>
      %dma_wait3A_87 = arith.constant 0 : i32
      %dma_wait3A_88 = tpu.memref_slice %arg5[%add3A_50, %dma_wait3A_87] : memref<20224x128xf32, #tpu.memory_space<hbm>> -> memref<128x128xf32, #tpu.memory_space<hbm>>
      %dma_wait3A_89 = arith.constant 0 : i32
      %dma_wait3A_90 = arith.constant 0 : i32
      %dma_wait3A_91 = tpu.memref_slice %arg8[%dma_wait3A_89, %dma_wait3A_90] : memref<128x128xf32, #tpu.memory_space<vmem>> -> memref<128x128xf32, #tpu.memory_space<vmem>>
      tpu.wait_dma2 semaphore(%run_scoped3A_71 : memref<!tpu.dma_semaphore, #tpu.memory_space<semaphore_mem>>) src(%dma_wait3A_91 : memref<128x128xf32, #tpu.memory_space<vmem>>) dst(%dma_wait3A_88 : memref<128x128xf32, #tpu.memory_space<hbm>>)
      tpu.yield
    }) : () -> ()
    %add3A_51 = arith.constant 128 : i32
    %add3A_52 = arith.addi %mul3A_0, %add3A_51 : i32
    "tpu.region"() ({
      %run_scoped3A_71 = tpu.sem_alloc : memref<!tpu.dma_semaphore, #tpu.memory_space<semaphore_mem>>
      %dma_start3A_72 = arith.constant 0 : i32
      %dma_start3A_73 = arith.constant 0 : i32
      %dma_start3A_74 = tpu.memref_slice %arg8[%dma_start3A_72, %dma_start3A_73] : memref<128x128xf32, #tpu.memory_space<vmem>> -> memref<128x128xf32, #tpu.memory_space<vmem>>
      %dma_start3A_75 = arith.constant 0 : i32
      %dma_start3A_76 = tpu.memref_slice %arg10[%add3A_52, %dma_start3A_75] : memref<10112x128xf32, #tpu.memory_space<vmem_shared>> -> memref<128x128xf32, #tpu.memory_space<vmem_shared>>
      %dma_start3A_77 = arith.constant 0 : i32
      %dma_start3A_78 = arith.constant 0 : i32
      %dma_start3A_79 = tpu.memref_slice %arg8[%dma_start3A_77, %dma_start3A_78] : memref<128x128xf32, #tpu.memory_space<vmem>> -> memref<128x128xf32, #tpu.memory_space<vmem>>
      %dma_start3A_80 = arith.constant 0 : i32
      %dma_start3A_81 = tpu.memref_slice %arg10[%add3A_52, %dma_start3A_80] : memref<10112x128xf32, #tpu.memory_space<vmem_shared>> -> memref<128x128xf32, #tpu.memory_space<vmem_shared>>
      tpu.enqueue_dma source(%dma_start3A_81 : memref<128x128xf32, #tpu.memory_space<vmem_shared>>) target(%dma_start3A_79 : memref<128x128xf32, #tpu.memory_space<vmem>>) target_semaphore(%run_scoped3A_71 : memref<!tpu.dma_semaphore, #tpu.memory_space<semaphore_mem>>)
      %dma_wait3A_82 = arith.constant 0 : i32
      %dma_wait3A_83 = arith.constant 0 : i32
      %dma_wait3A_84 = tpu.memref_slice %arg8[%dma_wait3A_82, %dma_wait3A_83] : memref<128x128xf32, #tpu.memory_space<vmem>> -> memref<128x128xf32, #tpu.memory_space<vmem>>
      %dma_wait3A_85 = arith.constant 0 : i32
      %dma_wait3A_86 = tpu.memref_slice %arg10[%add3A_52, %dma_wait3A_85] : memref<10112x128xf32, #tpu.memory_space<vmem_shared>> -> memref<128x128xf32, #tpu.memory_space<vmem_shared>>
      %dma_wait3A_87 = arith.constant 0 : i32
      %dma_wait3A_88 = arith.constant 0 : i32
      %dma_wait3A_89 = tpu.memref_slice %arg8[%dma_wait3A_87, %dma_wait3A_88] : memref<128x128xf32, #tpu.memory_space<vmem>> -> memref<128x128xf32, #tpu.memory_space<vmem>>
      %dma_wait3A_90 = arith.constant 0 : i32
      %dma_wait3A_91 = tpu.memref_slice %arg10[%add3A_52, %dma_wait3A_90] : memref<10112x128xf32, #tpu.memory_space<vmem_shared>> -> memref<128x128xf32, #tpu.memory_space<vmem_shared>>
      tpu.wait_dma2 semaphore(%run_scoped3A_71 : memref<!tpu.dma_semaphore, #tpu.memory_space<semaphore_mem>>) src(%dma_wait3A_91 : memref<128x128xf32, #tpu.memory_space<vmem_shared>>) dst(%dma_wait3A_89 : memref<128x128xf32, #tpu.memory_space<vmem>>)
      tpu.yield
    }) : () -> ()
    %add3A_53 = arith.addi %mul3A_45, %mul3A_0 : i32
    %add3A_54 = arith.constant 128 : i32
    %add3A_55 = arith.addi %add3A_53, %add3A_54 : i32
    "tpu.region"() ({
      %run_scoped3A_71 = tpu.sem_alloc : memref<!tpu.dma_semaphore, #tpu.memory_space<semaphore_mem>>
      %dma_start3A_72 = arith.constant 0 : i32
      %dma_start3A_73 = arith.constant 0 : i32
      %dma_start3A_74 = tpu.memref_slice %arg8[%dma_start3A_72, %dma_start3A_73] : memref<128x128xf32, #tpu.memory_space<vmem>> -> memref<128x128xf32, #tpu.memory_space<vmem>>
      %dma_start3A_75 = arith.constant 0 : i32
      %dma_start3A_76 = tpu.memref_slice %arg5[%add3A_55, %dma_start3A_75] : memref<20224x128xf32, #tpu.memory_space<hbm>> -> memref<128x128xf32, #tpu.memory_space<hbm>>
      %dma_start3A_77 = arith.constant 0 : i32
      %dma_start3A_78 = tpu.memref_slice %arg5[%add3A_55, %dma_start3A_77] : memref<20224x128xf32, #tpu.memory_space<hbm>> -> memref<128x128xf32, #tpu.memory_space<hbm>>
      %dma_start3A_79 = arith.constant 0 : i32
      %dma_start3A_80 = arith.constant 0 : i32
      %dma_start3A_81 = tpu.memref_slice %arg8[%dma_start3A_79, %dma_start3A_80] : memref<128x128xf32, #tpu.memory_space<vmem>> -> memref<128x128xf32, #tpu.memory_space<vmem>>
      tpu.enqueue_dma source(%dma_start3A_81 : memref<128x128xf32, #tpu.memory_space<vmem>>) target(%dma_start3A_78 : memref<128x128xf32, #tpu.memory_space<hbm>>) target_semaphore(%run_scoped3A_71 : memref<!tpu.dma_semaphore, #tpu.memory_space<semaphore_mem>>)
      %dma_wait3A_82 = arith.constant 0 : i32
      %dma_wait3A_83 = arith.constant 0 : i32
      %dma_wait3A_84 = tpu.memref_slice %arg8[%dma_wait3A_82, %dma_wait3A_83] : memref<128x128xf32, #tpu.memory_space<vmem>> -> memref<128x128xf32, #tpu.memory_space<vmem>>
      %dma_wait3A_85 = arith.constant 0 : i32
      %dma_wait3A_86 = tpu.memref_slice %arg5[%add3A_55, %dma_wait3A_85] : memref<20224x128xf32, #tpu.memory_space<hbm>> -> memref<128x128xf32, #tpu.memory_space<hbm>>
      %dma_wait3A_87 = arith.constant 0 : i32
      %dma_wait3A_88 = tpu.memref_slice %arg5[%add3A_55, %dma_wait3A_87] : memref<20224x128xf32, #tpu.memory_space<hbm>> -> memref<128x128xf32, #tpu.memory_space<hbm>>
      %dma_wait3A_89 = arith.constant 0 : i32
      %dma_wait3A_90 = arith.constant 0 : i32
      %dma_wait3A_91 = tpu.memref_slice %arg8[%dma_wait3A_89, %dma_wait3A_90] : memref<128x128xf32, #tpu.memory_space<vmem>> -> memref<128x128xf32, #tpu.memory_space<vmem>>
      tpu.wait_dma2 semaphore(%run_scoped3A_71 : memref<!tpu.dma_semaphore, #tpu.memory_space<semaphore_mem>>) src(%dma_wait3A_91 : memref<128x128xf32, #tpu.memory_space<vmem>>) dst(%dma_wait3A_88 : memref<128x128xf32, #tpu.memory_space<hbm>>)
      tpu.yield
    }) : () -> ()
    %add3A_56 = arith.constant 256 : i32
    %add3A_57 = arith.addi %mul3A_0, %add3A_56 : i32
    "tpu.region"() ({
      %run_scoped3A_71 = tpu.sem_alloc : memref<!tpu.dma_semaphore, #tpu.memory_space<semaphore_mem>>
      %dma_start3A_72 = arith.constant 0 : i32
      %dma_start3A_73 = arith.constant 0 : i32
      %dma_start3A_74 = tpu.memref_slice %arg8[%dma_start3A_72, %dma_start3A_73] : memref<128x128xf32, #tpu.memory_space<vmem>> -> memref<128x128xf32, #tpu.memory_space<vmem>>
      %dma_start3A_75 = arith.constant 0 : i32
      %dma_start3A_76 = tpu.memref_slice %arg10[%add3A_57, %dma_start3A_75] : memref<10112x128xf32, #tpu.memory_space<vmem_shared>> -> memref<128x128xf32, #tpu.memory_space<vmem_shared>>
      %dma_start3A_77 = arith.constant 0 : i32
      %dma_start3A_78 = arith.constant 0 : i32
      %dma_start3A_79 = tpu.memref_slice %arg8[%dma_start3A_77, %dma_start3A_78] : memref<128x128xf32, #tpu.memory_space<vmem>> -> memref<128x128xf32, #tpu.memory_space<vmem>>
      %dma_start3A_80 = arith.constant 0 : i32
      %dma_start3A_81 = tpu.memref_slice %arg10[%add3A_57, %dma_start3A_80] : memref<10112x128xf32, #tpu.memory_space<vmem_shared>> -> memref<128x128xf32, #tpu.memory_space<vmem_shared>>
      tpu.enqueue_dma source(%dma_start3A_81 : memref<128x128xf32, #tpu.memory_space<vmem_shared>>) target(%dma_start3A_79 : memref<128x128xf32, #tpu.memory_space<vmem>>) target_semaphore(%run_scoped3A_71 : memref<!tpu.dma_semaphore, #tpu.memory_space<semaphore_mem>>)
      %dma_wait3A_82 = arith.constant 0 : i32
      %dma_wait3A_83 = arith.constant 0 : i32
      %dma_wait3A_84 = tpu.memref_slice %arg8[%dma_wait3A_82, %dma_wait3A_83] : memref<128x128xf32, #tpu.memory_space<vmem>> -> memref<128x128xf32, #tpu.memory_space<vmem>>
      %dma_wait3A_85 = arith.constant 0 : i32
      %dma_wait3A_86 = tpu.memref_slice %arg10[%add3A_57, %dma_wait3A_85] : memref<10112x128xf32, #tpu.memory_space<vmem_shared>> -> memref<128x128xf32, #tpu.memory_space<vmem_shared>>
      %dma_wait3A_87 = arith.constant 0 : i32
      %dma_wait3A_88 = arith.constant 0 : i32
      %dma_wait3A_89 = tpu.memref_slice %arg8[%dma_wait3A_87, %dma_wait3A_88] : memref<128x128xf32, #tpu.memory_space<vmem>> -> memref<128x128xf32, #tpu.memory_space<vmem>>
      %dma_wait3A_90 = arith.constant 0 : i32
      %dma_wait3A_91 = tpu.memref_slice %arg10[%add3A_57, %dma_wait3A_90] : memref<10112x128xf32, #tpu.memory_space<vmem_shared>> -> memref<128x128xf32, #tpu.memory_space<vmem_shared>>
      tpu.wait_dma2 semaphore(%run_scoped3A_71 : memref<!tpu.dma_semaphore, #tpu.memory_space<semaphore_mem>>) src(%dma_wait3A_91 : memref<128x128xf32, #tpu.memory_space<vmem_shared>>) dst(%dma_wait3A_89 : memref<128x128xf32, #tpu.memory_space<vmem>>)
      tpu.yield
    }) : () -> ()
    %add3A_58 = arith.addi %mul3A_45, %mul3A_0 : i32
    %add3A_59 = arith.constant 256 : i32
    %add3A_60 = arith.addi %add3A_58, %add3A_59 : i32
    "tpu.region"() ({
      %run_scoped3A_71 = tpu.sem_alloc : memref<!tpu.dma_semaphore, #tpu.memory_space<semaphore_mem>>
      %dma_start3A_72 = arith.constant 0 : i32
      %dma_start3A_73 = arith.constant 0 : i32
      %dma_start3A_74 = tpu.memref_slice %arg8[%dma_start3A_72, %dma_start3A_73] : memref<128x128xf32, #tpu.memory_space<vmem>> -> memref<128x128xf32, #tpu.memory_space<vmem>>
      %dma_start3A_75 = arith.constant 0 : i32
      %dma_start3A_76 = tpu.memref_slice %arg5[%add3A_60, %dma_start3A_75] : memref<20224x128xf32, #tpu.memory_space<hbm>> -> memref<128x128xf32, #tpu.memory_space<hbm>>
      %dma_start3A_77 = arith.constant 0 : i32
      %dma_start3A_78 = tpu.memref_slice %arg5[%add3A_60, %dma_start3A_77] : memref<20224x128xf32, #tpu.memory_space<hbm>> -> memref<128x128xf32, #tpu.memory_space<hbm>>
      %dma_start3A_79 = arith.constant 0 : i32
      %dma_start3A_80 = arith.constant 0 : i32
      %dma_start3A_81 = tpu.memref_slice %arg8[%dma_start3A_79, %dma_start3A_80] : memref<128x128xf32, #tpu.memory_space<vmem>> -> memref<128x128xf32, #tpu.memory_space<vmem>>
      tpu.enqueue_dma source(%dma_start3A_81 : memref<128x128xf32, #tpu.memory_space<vmem>>) target(%dma_start3A_78 : memref<128x128xf32, #tpu.memory_space<hbm>>) target_semaphore(%run_scoped3A_71 : memref<!tpu.dma_semaphore, #tpu.memory_space<semaphore_mem>>)
      %dma_wait3A_82 = arith.constant 0 : i32
      %dma_wait3A_83 = arith.constant 0 : i32
      %dma_wait3A_84 = tpu.memref_slice %arg8[%dma_wait3A_82, %dma_wait3A_83] : memref<128x128xf32, #tpu.memory_space<vmem>> -> memref<128x128xf32, #tpu.memory_space<vmem>>
      %dma_wait3A_85 = arith.constant 0 : i32
      %dma_wait3A_86 = tpu.memref_slice %arg5[%add3A_60, %dma_wait3A_85] : memref<20224x128xf32, #tpu.memory_space<hbm>> -> memref<128x128xf32, #tpu.memory_space<hbm>>
      %dma_wait3A_87 = arith.constant 0 : i32
      %dma_wait3A_88 = tpu.memref_slice %arg5[%add3A_60, %dma_wait3A_87] : memref<20224x128xf32, #tpu.memory_space<hbm>> -> memref<128x128xf32, #tpu.memory_space<hbm>>
      %dma_wait3A_89 = arith.constant 0 : i32
      %dma_wait3A_90 = arith.constant 0 : i32
      %dma_wait3A_91 = tpu.memref_slice %arg8[%dma_wait3A_89, %dma_wait3A_90] : memref<128x128xf32, #tpu.memory_space<vmem>> -> memref<128x128xf32, #tpu.memory_space<vmem>>
      tpu.wait_dma2 semaphore(%run_scoped3A_71 : memref<!tpu.dma_semaphore, #tpu.memory_space<semaphore_mem>>) src(%dma_wait3A_91 : memref<128x128xf32, #tpu.memory_space<vmem>>) dst(%dma_wait3A_88 : memref<128x128xf32, #tpu.memory_space<hbm>>)
      tpu.yield
    }) : () -> ()
    %add3A_61 = arith.constant 384 : i32
    %add3A_62 = arith.addi %mul3A_0, %add3A_61 : i32
    "tpu.region"() ({
      %run_scoped3A_71 = tpu.sem_alloc : memref<!tpu.dma_semaphore, #tpu.memory_space<semaphore_mem>>
      %dma_start3A_72 = arith.constant 0 : i32
      %dma_start3A_73 = arith.constant 0 : i32
      %dma_start3A_74 = tpu.memref_slice %arg8[%dma_start3A_72, %dma_start3A_73] : memref<128x128xf32, #tpu.memory_space<vmem>> -> memref<128x128xf32, #tpu.memory_space<vmem>>
      %dma_start3A_75 = arith.constant 0 : i32
      %dma_start3A_76 = tpu.memref_slice %arg10[%add3A_62, %dma_start3A_75] : memref<10112x128xf32, #tpu.memory_space<vmem_shared>> -> memref<128x128xf32, #tpu.memory_space<vmem_shared>>
      %dma_start3A_77 = arith.constant 0 : i32
      %dma_start3A_78 = arith.constant 0 : i32
      %dma_start3A_79 = tpu.memref_slice %arg8[%dma_start3A_77, %dma_start3A_78] : memref<128x128xf32, #tpu.memory_space<vmem>> -> memref<128x128xf32, #tpu.memory_space<vmem>>
      %dma_start3A_80 = arith.constant 0 : i32
      %dma_start3A_81 = tpu.memref_slice %arg10[%add3A_62, %dma_start3A_80] : memref<10112x128xf32, #tpu.memory_space<vmem_shared>> -> memref<128x128xf32, #tpu.memory_space<vmem_shared>>
      tpu.enqueue_dma source(%dma_start3A_81 : memref<128x128xf32, #tpu.memory_space<vmem_shared>>) target(%dma_start3A_79 : memref<128x128xf32, #tpu.memory_space<vmem>>) target_semaphore(%run_scoped3A_71 : memref<!tpu.dma_semaphore, #tpu.memory_space<semaphore_mem>>)
      %dma_wait3A_82 = arith.constant 0 : i32
      %dma_wait3A_83 = arith.constant 0 : i32
      %dma_wait3A_84 = tpu.memref_slice %arg8[%dma_wait3A_82, %dma_wait3A_83] : memref<128x128xf32, #tpu.memory_space<vmem>> -> memref<128x128xf32, #tpu.memory_space<vmem>>
      %dma_wait3A_85 = arith.constant 0 : i32
      %dma_wait3A_86 = tpu.memref_slice %arg10[%add3A_62, %dma_wait3A_85] : memref<10112x128xf32, #tpu.memory_space<vmem_shared>> -> memref<128x128xf32, #tpu.memory_space<vmem_shared>>
      %dma_wait3A_87 = arith.constant 0 : i32
      %dma_wait3A_88 = arith.constant 0 : i32
      %dma_wait3A_89 = tpu.memref_slice %arg8[%dma_wait3A_87, %dma_wait3A_88] : memref<128x128xf32, #tpu.memory_space<vmem>> -> memref<128x128xf32, #tpu.memory_space<vmem>>
      %dma_wait3A_90 = arith.constant 0 : i32
      %dma_wait3A_91 = tpu.memref_slice %arg10[%add3A_62, %dma_wait3A_90] : memref<10112x128xf32, #tpu.memory_space<vmem_shared>> -> memref<128x128xf32, #tpu.memory_space<vmem_shared>>
      tpu.wait_dma2 semaphore(%run_scoped3A_71 : memref<!tpu.dma_semaphore, #tpu.memory_space<semaphore_mem>>) src(%dma_wait3A_91 : memref<128x128xf32, #tpu.memory_space<vmem_shared>>) dst(%dma_wait3A_89 : memref<128x128xf32, #tpu.memory_space<vmem>>)
      tpu.yield
    }) : () -> ()
    %add3A_63 = arith.addi %mul3A_45, %mul3A_0 : i32
    %add3A_64 = arith.constant 384 : i32
    %add3A_65 = arith.addi %add3A_63, %add3A_64 : i32
    "tpu.region"() ({
      %run_scoped3A_71 = tpu.sem_alloc : memref<!tpu.dma_semaphore, #tpu.memory_space<semaphore_mem>>
      %dma_start3A_72 = arith.constant 0 : i32
      %dma_start3A_73 = arith.constant 0 : i32
      %dma_start3A_74 = tpu.memref_slice %arg8[%dma_start3A_72, %dma_start3A_73] : memref<128x128xf32, #tpu.memory_space<vmem>> -> memref<128x128xf32, #tpu.memory_space<vmem>>
      %dma_start3A_75 = arith.constant 0 : i32
      %dma_start3A_76 = tpu.memref_slice %arg5[%add3A_65, %dma_start3A_75] : memref<20224x128xf32, #tpu.memory_space<hbm>> -> memref<128x128xf32, #tpu.memory_space<hbm>>
      %dma_start3A_77 = arith.constant 0 : i32
      %dma_start3A_78 = tpu.memref_slice %arg5[%add3A_65, %dma_start3A_77] : memref<20224x128xf32, #tpu.memory_space<hbm>> -> memref<128x128xf32, #tpu.memory_space<hbm>>
      %dma_start3A_79 = arith.constant 0 : i32
      %dma_start3A_80 = arith.constant 0 : i32
      %dma_start3A_81 = tpu.memref_slice %arg8[%dma_start3A_79, %dma_start3A_80] : memref<128x128xf32, #tpu.memory_space<vmem>> -> memref<128x128xf32, #tpu.memory_space<vmem>>
      tpu.enqueue_dma source(%dma_start3A_81 : memref<128x128xf32, #tpu.memory_space<vmem>>) target(%dma_start3A_78 : memref<128x128xf32, #tpu.memory_space<hbm>>) target_semaphore(%run_scoped3A_71 : memref<!tpu.dma_semaphore, #tpu.memory_space<semaphore_mem>>)
      %dma_wait3A_82 = arith.constant 0 : i32
      %dma_wait3A_83 = arith.constant 0 : i32
      %dma_wait3A_84 = tpu.memref_slice %arg8[%dma_wait3A_82, %dma_wait3A_83] : memref<128x128xf32, #tpu.memory_space<vmem>> -> memref<128x128xf32, #tpu.memory_space<vmem>>
      %dma_wait3A_85 = arith.constant 0 : i32
      %dma_wait3A_86 = tpu.memref_slice %arg5[%add3A_65, %dma_wait3A_85] : memref<20224x128xf32, #tpu.memory_space<hbm>> -> memref<128x128xf32, #tpu.memory_space<hbm>>
      %dma_wait3A_87 = arith.constant 0 : i32
      %dma_wait3A_88 = tpu.memref_slice %arg5[%add3A_65, %dma_wait3A_87] : memref<20224x128xf32, #tpu.memory_space<hbm>> -> memref<128x128xf32, #tpu.memory_space<hbm>>
      %dma_wait3A_89 = arith.constant 0 : i32
      %dma_wait3A_90 = arith.constant 0 : i32
      %dma_wait3A_91 = tpu.memref_slice %arg8[%dma_wait3A_89, %dma_wait3A_90] : memref<128x128xf32, #tpu.memory_space<vmem>> -> memref<128x128xf32, #tpu.memory_space<vmem>>
      tpu.wait_dma2 semaphore(%run_scoped3A_71 : memref<!tpu.dma_semaphore, #tpu.memory_space<semaphore_mem>>) src(%dma_wait3A_91 : memref<128x128xf32, #tpu.memory_space<vmem>>) dst(%dma_wait3A_88 : memref<128x128xf32, #tpu.memory_space<hbm>>)
      tpu.yield
    }) : () -> ()
    %add3A_66 = arith.constant 512 : i32
    %add3A_67 = arith.addi %mul3A_0, %add3A_66 : i32
    "tpu.region"() ({
      %run_scoped3A_71 = tpu.sem_alloc : memref<!tpu.dma_semaphore, #tpu.memory_space<semaphore_mem>>
      %dma_start3A_72 = arith.constant 0 : i32
      %dma_start3A_73 = arith.constant 0 : i32
      %dma_start3A_74 = tpu.memref_slice %arg8[%dma_start3A_72, %dma_start3A_73] : memref<128x128xf32, #tpu.memory_space<vmem>> -> memref<120x128xf32, #tpu.memory_space<vmem>>
      %dma_start3A_75 = arith.constant 0 : i32
      %dma_start3A_76 = tpu.memref_slice %arg10[%add3A_67, %dma_start3A_75] : memref<10112x128xf32, #tpu.memory_space<vmem_shared>> -> memref<120x128xf32, #tpu.memory_space<vmem_shared>>
      %dma_start3A_77 = arith.constant 0 : i32
      %dma_start3A_78 = arith.constant 0 : i32
      %dma_start3A_79 = tpu.memref_slice %arg8[%dma_start3A_77, %dma_start3A_78] : memref<128x128xf32, #tpu.memory_space<vmem>> -> memref<120x128xf32, #tpu.memory_space<vmem>>
      %dma_start3A_80 = arith.constant 0 : i32
      %dma_start3A_81 = tpu.memref_slice %arg10[%add3A_67, %dma_start3A_80] : memref<10112x128xf32, #tpu.memory_space<vmem_shared>> -> memref<120x128xf32, #tpu.memory_space<vmem_shared>>
      tpu.enqueue_dma source(%dma_start3A_81 : memref<120x128xf32, #tpu.memory_space<vmem_shared>>) target(%dma_start3A_79 : memref<120x128xf32, #tpu.memory_space<vmem>>) target_semaphore(%run_scoped3A_71 : memref<!tpu.dma_semaphore, #tpu.memory_space<semaphore_mem>>)
      %dma_wait3A_82 = arith.constant 0 : i32
      %dma_wait3A_83 = arith.constant 0 : i32
      %dma_wait3A_84 = tpu.memref_slice %arg8[%dma_wait3A_82, %dma_wait3A_83] : memref<128x128xf32, #tpu.memory_space<vmem>> -> memref<120x128xf32, #tpu.memory_space<vmem>>
      %dma_wait3A_85 = arith.constant 0 : i32
      %dma_wait3A_86 = tpu.memref_slice %arg10[%add3A_67, %dma_wait3A_85] : memref<10112x128xf32, #tpu.memory_space<vmem_shared>> -> memref<120x128xf32, #tpu.memory_space<vmem_shared>>
      %dma_wait3A_87 = arith.constant 0 : i32
      %dma_wait3A_88 = arith.constant 0 : i32
      %dma_wait3A_89 = tpu.memref_slice %arg8[%dma_wait3A_87, %dma_wait3A_88] : memref<128x128xf32, #tpu.memory_space<vmem>> -> memref<120x128xf32, #tpu.memory_space<vmem>>
      %dma_wait3A_90 = arith.constant 0 : i32
      %dma_wait3A_91 = tpu.memref_slice %arg10[%add3A_67, %dma_wait3A_90] : memref<10112x128xf32, #tpu.memory_space<vmem_shared>> -> memref<120x128xf32, #tpu.memory_space<vmem_shared>>
      tpu.wait_dma2 semaphore(%run_scoped3A_71 : memref<!tpu.dma_semaphore, #tpu.memory_space<semaphore_mem>>) src(%dma_wait3A_91 : memref<120x128xf32, #tpu.memory_space<vmem_shared>>) dst(%dma_wait3A_89 : memref<120x128xf32, #tpu.memory_space<vmem>>)
      tpu.yield
    }) : () -> ()
    %add3A_68 = arith.addi %mul3A_45, %mul3A_0 : i32
    %add3A_69 = arith.constant 512 : i32
    %add3A_70 = arith.addi %add3A_68, %add3A_69 : i32
    "tpu.region"() ({
      %run_scoped3A_71 = tpu.sem_alloc : memref<!tpu.dma_semaphore, #tpu.memory_space<semaphore_mem>>
      %dma_start3A_72 = arith.constant 0 : i32
      %dma_start3A_73 = arith.constant 0 : i32
      %dma_start3A_74 = tpu.memref_slice %arg8[%dma_start3A_72, %dma_start3A_73] : memref<128x128xf32, #tpu.memory_space<vmem>> -> memref<120x128xf32, #tpu.memory_space<vmem>>
      %dma_start3A_75 = arith.constant 0 : i32
      %dma_start3A_76 = tpu.memref_slice %arg5[%add3A_70, %dma_start3A_75] : memref<20224x128xf32, #tpu.memory_space<hbm>> -> memref<120x128xf32, #tpu.memory_space<hbm>>
      %dma_start3A_77 = arith.constant 0 : i32
      %dma_start3A_78 = tpu.memref_slice %arg5[%add3A_70, %dma_start3A_77] : memref<20224x128xf32, #tpu.memory_space<hbm>> -> memref<120x128xf32, #tpu.memory_space<hbm>>
      %dma_start3A_79 = arith.constant 0 : i32
      %dma_start3A_80 = arith.constant 0 : i32
      %dma_start3A_81 = tpu.memref_slice %arg8[%dma_start3A_79, %dma_start3A_80] : memref<128x128xf32, #tpu.memory_space<vmem>> -> memref<120x128xf32, #tpu.memory_space<vmem>>
      tpu.enqueue_dma source(%dma_start3A_81 : memref<120x128xf32, #tpu.memory_space<vmem>>) target(%dma_start3A_78 : memref<120x128xf32, #tpu.memory_space<hbm>>) target_semaphore(%run_scoped3A_71 : memref<!tpu.dma_semaphore, #tpu.memory_space<semaphore_mem>>)
      %dma_wait3A_82 = arith.constant 0 : i32
      %dma_wait3A_83 = arith.constant 0 : i32
      %dma_wait3A_84 = tpu.memref_slice %arg8[%dma_wait3A_82, %dma_wait3A_83] : memref<128x128xf32, #tpu.memory_space<vmem>> -> memref<120x128xf32, #tpu.memory_space<vmem>>
      %dma_wait3A_85 = arith.constant 0 : i32
      %dma_wait3A_86 = tpu.memref_slice %arg5[%add3A_70, %dma_wait3A_85] : memref<20224x128xf32, #tpu.memory_space<hbm>> -> memref<120x128xf32, #tpu.memory_space<hbm>>
      %dma_wait3A_87 = arith.constant 0 : i32
      %dma_wait3A_88 = tpu.memref_slice %arg5[%add3A_70, %dma_wait3A_87] : memref<20224x128xf32, #tpu.memory_space<hbm>> -> memref<120x128xf32, #tpu.memory_space<hbm>>
      %dma_wait3A_89 = arith.constant 0 : i32
      %dma_wait3A_90 = arith.constant 0 : i32
      %dma_wait3A_91 = tpu.memref_slice %arg8[%dma_wait3A_89, %dma_wait3A_90] : memref<128x128xf32, #tpu.memory_space<vmem>> -> memref<120x128xf32, #tpu.memory_space<vmem>>
      tpu.wait_dma2 semaphore(%run_scoped3A_71 : memref<!tpu.dma_semaphore, #tpu.memory_space<semaphore_mem>>) src(%dma_wait3A_91 : memref<120x128xf32, #tpu.memory_space<vmem>>) dst(%dma_wait3A_88 : memref<120x128xf32, #tpu.memory_space<hbm>>)
      tpu.yield
    }) : () -> ()
    return
  }
}

#map = affine_map<(d0, d1) -> (0, 0)>
#map1 = affine_map<(d0, d1) -> (0, 0, 0)>
module attributes {stable_mosaic.version = 14 : i64} {
  func.func @_segsum_sc(%arg0: i32, %arg1: i32, %arg2: memref<20000x128xf32, #tpu.memory_space<hbm>>, %arg3: memref<16x59x128xi32, #tpu.memory_space<hbm>>, %arg4: memref<16x59x128xi32, #tpu.memory_space<hbm>>, %arg5: memref<20224x128xf32, #tpu.memory_space<hbm>>, %arg6: memref<59x128xi32, #tpu.memory_space<vmem>>, %arg7: memref<59x128xi32, #tpu.memory_space<vmem>>, %arg8: memref<128x128xf32, #tpu.memory_space<vmem>>, %arg9: memref<128x128xf32, #tpu.memory_space<vmem>>, %arg10: memref<10112x128xf32, #tpu.memory_space<vmem_shared>>, %arg11: memref<!tpu.dma_semaphore, #tpu.memory_space<semaphore_mem>>, %arg12: memref<!tpu.dma_semaphore, #tpu.memory_space<semaphore_mem>>) attributes {dimension_semantics = [#tpu.dimension_semantics<core_parallel>, #tpu.dimension_semantics<subcore_parallel>], iteration_bounds = array<i64: 2, 16>, scalar_prefetch = 0 : i64, scratch_operands = 7 : i64, tpu.core_type = #tpu.core_type<sc_vector_subcore>, window_params = [{transform_indices = #map}, {transform_indices = #map1}, {transform_indices = #map1}, {transform_indices = #map}]} {
    %mul3A = arith.constant 632 : i32
    %mul3A_0 = arith.muli %arg1, %mul3A : i32
    %broadcast_in_dim3A = arith.constant 0.000000e+00 : f32
    %broadcast_in_dim3A_1 = vector.broadcast %broadcast_in_dim3A : f32 to vector<16xf32>
    %scan3A = arith.constant 0 : i32
    %scan3A_2 = arith.constant 0 : i32
    %scan3A_3 = arith.constant 128 : i32
    %scan3A_4 = arith.addi %scan3A_2, %scan3A_3 : i32
    %scan3A_5 = arith.constant 1 : i32
    scf.for %scan3A_71 = %scan3A_2 to %scan3A_4 step %scan3A_5  : i32 {
      %swap3A = arith.index_cast %scan3A_71 : i32 to index
      %swap3A_72 = arith.constant 0 : index
      %swap3A_73 = tpu.vector_load %arg8[%swap3A, %swap3A_72] {strides = array<i32>} : memref<128x128xf32, #tpu.memory_space<vmem>>, vector<1x16xf32>,
      %swap3A_74 = vector.shape_cast %swap3A_73 : vector<1x16xf32> to vector<16xf32>
      %swap3A_75 = vector.shape_cast %broadcast_in_dim3A_1 : vector<16xf32> to vector<1x16xf32>
      tpu.vector_store %arg8[%swap3A, %swap3A_72], %swap3A_75 {strides = array<i32>} : memref<128x128xf32, #tpu.memory_space<vmem>>, vector<1x16xf32>,
      %swap3A_76 = arith.index_cast %scan3A_71 : i32 to index
      %swap3A_77 = arith.constant 16 : index
      %swap3A_78 = tpu.vector_load %arg8[%swap3A_76, %swap3A_77] {strides = array<i32>} : memref<128x128xf32, #tpu.memory_space<vmem>>, vector<1x16xf32>,
      %swap3A_79 = vector.shape_cast %swap3A_78 : vector<1x16xf32> to vector<16xf32>
      %swap3A_80 = vector.shape_cast %broadcast_in_dim3A_1 : vector<16xf32> to vector<1x16xf32>
      tpu.vector_store %arg8[%swap3A_76, %swap3A_77], %swap3A_80 {strides = array<i32>} : memref<128x128xf32, #tpu.memory_space<vmem>>, vector<1x16xf32>,
      %swap3A_81 = arith.index_cast %scan3A_71 : i32 to index
      %swap3A_82 = arith.constant 32 : index
      %swap3A_83 = tpu.vector_load %arg8[%swap3A_81, %swap3A_82] {strides = array<i32>} : memref<128x128xf32, #tpu.memory_space<vmem>>, vector<1x16xf32>,
      %swap3A_84 = vector.shape_cast %swap3A_83 : vector<1x16xf32> to vector<16xf32>
      %swap3A_85 = vector.shape_cast %broadcast_in_dim3A_1 : vector<16xf32> to vector<1x16xf32>
      tpu.vector_store %arg8[%swap3A_81, %swap3A_82], %swap3A_85 {strides = array<i32>} : memref<128x128xf32, #tpu.memory_space<vmem>>, vector<1x16xf32>,
      %swap3A_86 = arith.index_cast %scan3A_71 : i32 to index
      %swap3A_87 = arith.constant 48 : index
      %swap3A_88 = tpu.vector_load %arg8[%swap3A_86, %swap3A_87] {strides = array<i32>} : memref<128x128xf32, #tpu.memory_space<vmem>>, vector<1x16xf32>,
      %swap3A_89 = vector.shape_cast %swap3A_88 : vector<1x16xf32> to vector<16xf32>
      %swap3A_90 = vector.shape_cast %broadcast_in_dim3A_1 : vector<16xf32> to vector<1x16xf32>
      tpu.vector_store %arg8[%swap3A_86, %swap3A_87], %swap3A_90 {strides = array<i32>} : memref<128x128xf32, #tpu.memory_space<vmem>>, vector<1x16xf32>,
      %swap3A_91 = arith.index_cast %scan3A_71 : i32 to index
      %swap3A_92 = arith.constant 64 : index
      %swap3A_93 = tpu.vector_load %arg8[%swap3A_91, %swap3A_92] {strides = array<i32>} : memref<128x128xf32, #tpu.memory_space<vmem>>, vector<1x16xf32>,
      %swap3A_94 = vector.shape_cast %swap3A_93 : vector<1x16xf32> to vector<16xf32>
      %swap3A_95 = vector.shape_cast %broadcast_in_dim3A_1 : vector<16xf32> to vector<1x16xf32>
      tpu.vector_store %arg8[%swap3A_91, %swap3A_92], %swap3A_95 {strides = array<i32>} : memref<128x128xf32, #tpu.memory_space<vmem>>, vector<1x16xf32>,
      %swap3A_96 = arith.index_cast %scan3A_71 : i32 to index
      %swap3A_97 = arith.constant 80 : index
      %swap3A_98 = tpu.vector_load %arg8[%swap3A_96, %swap3A_97] {strides = array<i32>} : memref<128x128xf32, #tpu.memory_space<vmem>>, vector<1x16xf32>,
      %swap3A_99 = vector.shape_cast %swap3A_98 : vector<1x16xf32> to vector<16xf32>
      %swap3A_100 = vector.shape_cast %broadcast_in_dim3A_1 : vector<16xf32> to vector<1x16xf32>
      tpu.vector_store %arg8[%swap3A_96, %swap3A_97], %swap3A_100 {strides = array<i32>} : memref<128x128xf32, #tpu.memory_space<vmem>>, vector<1x16xf32>,
      %swap3A_101 = arith.index_cast %scan3A_71 : i32 to index
      %swap3A_102 = arith.constant 96 : index
      %swap3A_103 = tpu.vector_load %arg8[%swap3A_101, %swap3A_102] {strides = array<i32>} : memref<128x128xf32, #tpu.memory_space<vmem>>, vector<1x16xf32>,
      %swap3A_104 = vector.shape_cast %swap3A_103 : vector<1x16xf32> to vector<16xf32>
      %swap3A_105 = vector.shape_cast %broadcast_in_dim3A_1 : vector<16xf32> to vector<1x16xf32>
      tpu.vector_store %arg8[%swap3A_101, %swap3A_102], %swap3A_105 {strides = array<i32>} : memref<128x128xf32, #tpu.memory_space<vmem>>, vector<1x16xf32>,
      %swap3A_106 = arith.index_cast %scan3A_71 : i32 to index
      %swap3A_107 = arith.constant 112 : index
      %swap3A_108 = tpu.vector_load %arg8[%swap3A_106, %swap3A_107] {strides = array<i32>} : memref<128x128xf32, #tpu.memory_space<vmem>>, vector<1x16xf32>,
      %swap3A_109 = vector.shape_cast %swap3A_108 : vector<1x16xf32> to vector<16xf32>
      %swap3A_110 = vector.shape_cast %broadcast_in_dim3A_1 : vector<16xf32> to vector<1x16xf32>
      tpu.vector_store %arg8[%swap3A_106, %swap3A_107], %swap3A_110 {strides = array<i32>} : memref<128x128xf32, #tpu.memory_space<vmem>>, vector<1x16xf32>,
    }
    %scan3A_6 = arith.constant 128 : i32
    %add3A = arith.constant 0 : i32
    %add3A_7 = arith.addi %mul3A_0, %add3A : i32
    "tpu.region"() ({
      %run_scoped3A_71 = tpu.sem_alloc : memref<!tpu.dma_semaphore, #tpu.memory_space<semaphore_mem>>
      %dma_start3A_72 = arith.constant 0 : i32
      %dma_start3A_73 = arith.constant 0 : i32
      %dma_start3A_74 = tpu.memref_slice %arg8[%dma_start3A_72, %dma_start3A_73] : memref<128x128xf32, #tpu.memory_space<vmem>> -> memref<128x128xf32, #tpu.memory_space<vmem>>
      %dma_start3A_75 = arith.constant 0 : i32
      %dma_start3A_76 = tpu.memref_slice %arg10[%add3A_7, %dma_start3A_75] : memref<10112x128xf32, #tpu.memory_space<vmem_shared>> -> memref<128x128xf32, #tpu.memory_space<vmem_shared>>
      %dma_start3A_77 = arith.constant 0 : i32
      %dma_start3A_78 = tpu.memref_slice %arg10[%add3A_7, %dma_start3A_77] : memref<10112x128xf32, #tpu.memory_space<vmem_shared>> -> memref<128x128xf32, #tpu.memory_space<vmem_shared>>
      %dma_start3A_79 = arith.constant 0 : i32
      %dma_start3A_80 = arith.constant 0 : i32
      %dma_start3A_81 = tpu.memref_slice %arg8[%dma_start3A_79, %dma_start3A_80] : memref<128x128xf32, #tpu.memory_space<vmem>> -> memref<128x128xf32, #tpu.memory_space<vmem>>
      tpu.enqueue_dma source(%dma_start3A_81 : memref<128x128xf32, #tpu.memory_space<vmem>>) target(%dma_start3A_78 : memref<128x128xf32, #tpu.memory_space<vmem_shared>>) target_semaphore(%run_scoped3A_71 : memref<!tpu.dma_semaphore, #tpu.memory_space<semaphore_mem>>)
      %dma_wait3A_82 = arith.constant 0 : i32
      %dma_wait3A_83 = arith.constant 0 : i32
      %dma_wait3A_84 = tpu.memref_slice %arg8[%dma_wait3A_82, %dma_wait3A_83] : memref<128x128xf32, #tpu.memory_space<vmem>> -> memref<128x128xf32, #tpu.memory_space<vmem>>
      %dma_wait3A_85 = arith.constant 0 : i32
      %dma_wait3A_86 = tpu.memref_slice %arg10[%add3A_7, %dma_wait3A_85] : memref<10112x128xf32, #tpu.memory_space<vmem_shared>> -> memref<128x128xf32, #tpu.memory_space<vmem_shared>>
      %dma_wait3A_87 = arith.constant 0 : i32
      %dma_wait3A_88 = tpu.memref_slice %arg10[%add3A_7, %dma_wait3A_87] : memref<10112x128xf32, #tpu.memory_space<vmem_shared>> -> memref<128x128xf32, #tpu.memory_space<vmem_shared>>
      %dma_wait3A_89 = arith.constant 0 : i32
      %dma_wait3A_90 = arith.constant 0 : i32
      %dma_wait3A_91 = tpu.memref_slice %arg8[%dma_wait3A_89, %dma_wait3A_90] : memref<128x128xf32, #tpu.memory_space<vmem>> -> memref<128x128xf32, #tpu.memory_space<vmem>>
      tpu.wait_dma2 semaphore(%run_scoped3A_71 : memref<!tpu.dma_semaphore, #tpu.memory_space<semaphore_mem>>) src(%dma_wait3A_91 : memref<128x128xf32, #tpu.memory_space<vmem>>) dst(%dma_wait3A_88 : memref<128x128xf32, #tpu.memory_space<vmem_shared>>)
      tpu.yield
    }) : () -> ()
    %add3A_8 = arith.constant 128 : i32
    %add3A_9 = arith.addi %mul3A_0, %add3A_8 : i32
    "tpu.region"() ({
      %run_scoped3A_71 = tpu.sem_alloc : memref<!tpu.dma_semaphore, #tpu.memory_space<semaphore_mem>>
      %dma_start3A_72 = arith.constant 0 : i32
      %dma_start3A_73 = arith.constant 0 : i32
      %dma_start3A_74 = tpu.memref_slice %arg8[%dma_start3A_72, %dma_start3A_73] : memref<128x128xf32, #tpu.memory_space<vmem>> -> memref<128x128xf32, #tpu.memory_space<vmem>>
      %dma_start3A_75 = arith.constant 0 : i32
      %dma_start3A_76 = tpu.memref_slice %arg10[%add3A_9, %dma_start3A_75] : memref<10112x128xf32, #tpu.memory_space<vmem_shared>> -> memref<128x128xf32, #tpu.memory_space<vmem_shared>>
      %dma_start3A_77 = arith.constant 0 : i32
      %dma_start3A_78 = tpu.memref_slice %arg10[%add3A_9, %dma_start3A_77] : memref<10112x128xf32, #tpu.memory_space<vmem_shared>> -> memref<128x128xf32, #tpu.memory_space<vmem_shared>>
      %dma_start3A_79 = arith.constant 0 : i32
      %dma_start3A_80 = arith.constant 0 : i32
      %dma_start3A_81 = tpu.memref_slice %arg8[%dma_start3A_79, %dma_start3A_80] : memref<128x128xf32, #tpu.memory_space<vmem>> -> memref<128x128xf32, #tpu.memory_space<vmem>>
      tpu.enqueue_dma source(%dma_start3A_81 : memref<128x128xf32, #tpu.memory_space<vmem>>) target(%dma_start3A_78 : memref<128x128xf32, #tpu.memory_space<vmem_shared>>) target_semaphore(%run_scoped3A_71 : memref<!tpu.dma_semaphore, #tpu.memory_space<semaphore_mem>>)
      %dma_wait3A_82 = arith.constant 0 : i32
      %dma_wait3A_83 = arith.constant 0 : i32
      %dma_wait3A_84 = tpu.memref_slice %arg8[%dma_wait3A_82, %dma_wait3A_83] : memref<128x128xf32, #tpu.memory_space<vmem>> -> memref<128x128xf32, #tpu.memory_space<vmem>>
      %dma_wait3A_85 = arith.constant 0 : i32
      %dma_wait3A_86 = tpu.memref_slice %arg10[%add3A_9, %dma_wait3A_85] : memref<10112x128xf32, #tpu.memory_space<vmem_shared>> -> memref<128x128xf32, #tpu.memory_space<vmem_shared>>
      %dma_wait3A_87 = arith.constant 0 : i32
      %dma_wait3A_88 = tpu.memref_slice %arg10[%add3A_9, %dma_wait3A_87] : memref<10112x128xf32, #tpu.memory_space<vmem_shared>> -> memref<128x128xf32, #tpu.memory_space<vmem_shared>>
      %dma_wait3A_89 = arith.constant 0 : i32
      %dma_wait3A_90 = arith.constant 0 : i32
      %dma_wait3A_91 = tpu.memref_slice %arg8[%dma_wait3A_89, %dma_wait3A_90] : memref<128x128xf32, #tpu.memory_space<vmem>> -> memref<128x128xf32, #tpu.memory_space<vmem>>
      tpu.wait_dma2 semaphore(%run_scoped3A_71 : memref<!tpu.dma_semaphore, #tpu.memory_space<semaphore_mem>>) src(%dma_wait3A_91 : memref<128x128xf32, #tpu.memory_space<vmem>>) dst(%dma_wait3A_88 : memref<128x128xf32, #tpu.memory_space<vmem_shared>>)
      tpu.yield
    }) : () -> ()
    %add3A_10 = arith.constant 256 : i32
    %add3A_11 = arith.addi %mul3A_0, %add3A_10 : i32
    "tpu.region"() ({
      %run_scoped3A_71 = tpu.sem_alloc : memref<!tpu.dma_semaphore, #tpu.memory_space<semaphore_mem>>
      %dma_start3A_72 = arith.constant 0 : i32
      %dma_start3A_73 = arith.constant 0 : i32
      %dma_start3A_74 = tpu.memref_slice %arg8[%dma_start3A_72, %dma_start3A_73] : memref<128x128xf32, #tpu.memory_space<vmem>> -> memref<128x128xf32, #tpu.memory_space<vmem>>
      %dma_start3A_75 = arith.constant 0 : i32
      %dma_start3A_76 = tpu.memref_slice %arg10[%add3A_11, %dma_start3A_75] : memref<10112x128xf32, #tpu.memory_space<vmem_shared>> -> memref<128x128xf32, #tpu.memory_space<vmem_shared>>
      %dma_start3A_77 = arith.constant 0 : i32
      %dma_start3A_78 = tpu.memref_slice %arg10[%add3A_11, %dma_start3A_77] : memref<10112x128xf32, #tpu.memory_space<vmem_shared>> -> memref<128x128xf32, #tpu.memory_space<vmem_shared>>
      %dma_start3A_79 = arith.constant 0 : i32
      %dma_start3A_80 = arith.constant 0 : i32
      %dma_start3A_81 = tpu.memref_slice %arg8[%dma_start3A_79, %dma_start3A_80] : memref<128x128xf32, #tpu.memory_space<vmem>> -> memref<128x128xf32, #tpu.memory_space<vmem>>
      tpu.enqueue_dma source(%dma_start3A_81 : memref<128x128xf32, #tpu.memory_space<vmem>>) target(%dma_start3A_78 : memref<128x128xf32, #tpu.memory_space<vmem_shared>>) target_semaphore(%run_scoped3A_71 : memref<!tpu.dma_semaphore, #tpu.memory_space<semaphore_mem>>)
      %dma_wait3A_82 = arith.constant 0 : i32
      %dma_wait3A_83 = arith.constant 0 : i32
      %dma_wait3A_84 = tpu.memref_slice %arg8[%dma_wait3A_82, %dma_wait3A_83] : memref<128x128xf32, #tpu.memory_space<vmem>> -> memref<128x128xf32, #tpu.memory_space<vmem>>
      %dma_wait3A_85 = arith.constant 0 : i32
      %dma_wait3A_86 = tpu.memref_slice %arg10[%add3A_11, %dma_wait3A_85] : memref<10112x128xf32, #tpu.memory_space<vmem_shared>> -> memref<128x128xf32, #tpu.memory_space<vmem_shared>>
      %dma_wait3A_87 = arith.constant 0 : i32
      %dma_wait3A_88 = tpu.memref_slice %arg10[%add3A_11, %dma_wait3A_87] : memref<10112x128xf32, #tpu.memory_space<vmem_shared>> -> memref<128x128xf32, #tpu.memory_space<vmem_shared>>
      %dma_wait3A_89 = arith.constant 0 : i32
      %dma_wait3A_90 = arith.constant 0 : i32
      %dma_wait3A_91 = tpu.memref_slice %arg8[%dma_wait3A_89, %dma_wait3A_90] : memref<128x128xf32, #tpu.memory_space<vmem>> -> memref<128x128xf32, #tpu.memory_space<vmem>>
      tpu.wait_dma2 semaphore(%run_scoped3A_71 : memref<!tpu.dma_semaphore, #tpu.memory_space<semaphore_mem>>) src(%dma_wait3A_91 : memref<128x128xf32, #tpu.memory_space<vmem>>) dst(%dma_wait3A_88 : memref<128x128xf32, #tpu.memory_space<vmem_shared>>)
      tpu.yield
    }) : () -> ()
    %add3A_12 = arith.constant 384 : i32
    %add3A_13 = arith.addi %mul3A_0, %add3A_12 : i32
    "tpu.region"() ({
      %run_scoped3A_71 = tpu.sem_alloc : memref<!tpu.dma_semaphore, #tpu.memory_space<semaphore_mem>>
      %dma_start3A_72 = arith.constant 0 : i32
      %dma_start3A_73 = arith.constant 0 : i32
      %dma_start3A_74 = tpu.memref_slice %arg8[%dma_start3A_72, %dma_start3A_73] : memref<128x128xf32, #tpu.memory_space<vmem>> -> memref<128x128xf32, #tpu.memory_space<vmem>>
      %dma_start3A_75 = arith.constant 0 : i32
      %dma_start3A_76 = tpu.memref_slice %arg10[%add3A_13, %dma_start3A_75] : memref<10112x128xf32, #tpu.memory_space<vmem_shared>> -> memref<128x128xf32, #tpu.memory_space<vmem_shared>>
      %dma_start3A_77 = arith.constant 0 : i32
      %dma_start3A_78 = tpu.memref_slice %arg10[%add3A_13, %dma_start3A_77] : memref<10112x128xf32, #tpu.memory_space<vmem_shared>> -> memref<128x128xf32, #tpu.memory_space<vmem_shared>>
      %dma_start3A_79 = arith.constant 0 : i32
      %dma_start3A_80 = arith.constant 0 : i32
      %dma_start3A_81 = tpu.memref_slice %arg8[%dma_start3A_79, %dma_start3A_80] : memref<128x128xf32, #tpu.memory_space<vmem>> -> memref<128x128xf32, #tpu.memory_space<vmem>>
      tpu.enqueue_dma source(%dma_start3A_81 : memref<128x128xf32, #tpu.memory_space<vmem>>) target(%dma_start3A_78 : memref<128x128xf32, #tpu.memory_space<vmem_shared>>) target_semaphore(%run_scoped3A_71 : memref<!tpu.dma_semaphore, #tpu.memory_space<semaphore_mem>>)
      %dma_wait3A_82 = arith.constant 0 : i32
      %dma_wait3A_83 = arith.constant 0 : i32
      %dma_wait3A_84 = tpu.memref_slice %arg8[%dma_wait3A_82, %dma_wait3A_83] : memref<128x128xf32, #tpu.memory_space<vmem>> -> memref<128x128xf32, #tpu.memory_space<vmem>>
      %dma_wait3A_85 = arith.constant 0 : i32
      %dma_wait3A_86 = tpu.memref_slice %arg10[%add3A_13, %dma_wait3A_85] : memref<10112x128xf32, #tpu.memory_space<vmem_shared>> -> memref<128x128xf32, #tpu.memory_space<vmem_shared>>
      %dma_wait3A_87 = arith.constant 0 : i32
      %dma_wait3A_88 = tpu.memref_slice %arg10[%add3A_13, %dma_wait3A_87] : memref<10112x128xf32, #tpu.memory_space<vmem_shared>> -> memref<128x128xf32, #tpu.memory_space<vmem_shared>>
      %dma_wait3A_89 = arith.constant 0 : i32
      %dma_wait3A_90 = arith.constant 0 : i32
      %dma_wait3A_91 = tpu.memref_slice %arg8[%dma_wait3A_89, %dma_wait3A_90] : memref<128x128xf32, #tpu.memory_space<vmem>> -> memref<128x128xf32, #tpu.memory_space<vmem>>
      tpu.wait_dma2 semaphore(%run_scoped3A_71 : memref<!tpu.dma_semaphore, #tpu.memory_space<semaphore_mem>>) src(%dma_wait3A_91 : memref<128x128xf32, #tpu.memory_space<vmem>>) dst(%dma_wait3A_88 : memref<128x128xf32, #tpu.memory_space<vmem_shared>>)
      tpu.yield
    }) : () -> ()
    %add3A_14 = arith.constant 512 : i32
    %add3A_15 = arith.addi %mul3A_0, %add3A_14 : i32
    "tpu.region"() ({
      %run_scoped3A_71 = tpu.sem_alloc : memref<!tpu.dma_semaphore, #tpu.memory_space<semaphore_mem>>
      %dma_start3A_72 = arith.constant 0 : i32
      %dma_start3A_73 = arith.constant 0 : i32
      %dma_start3A_74 = tpu.memref_slice %arg8[%dma_start3A_72, %dma_start3A_73] : memref<128x128xf32, #tpu.memory_space<vmem>> -> memref<120x128xf32, #tpu.memory_space<vmem>>
      %dma_start3A_75 = arith.constant 0 : i32
      %dma_start3A_76 = tpu.memref_slice %arg10[%add3A_15, %dma_start3A_75] : memref<10112x128xf32, #tpu.memory_space<vmem_shared>> -> memref<120x128xf32, #tpu.memory_space<vmem_shared>>
      %dma_start3A_77 = arith.constant 0 : i32
      %dma_start3A_78 = tpu.memref_slice %arg10[%add3A_15, %dma_start3A_77] : memref<10112x128xf32, #tpu.memory_space<vmem_shared>> -> memref<120x128xf32, #tpu.memory_space<vmem_shared>>
      %dma_start3A_79 = arith.constant 0 : i32
      %dma_start3A_80 = arith.constant 0 : i32
      %dma_start3A_81 = tpu.memref_slice %arg8[%dma_start3A_79, %dma_start3A_80] : memref<128x128xf32, #tpu.memory_space<vmem>> -> memref<120x128xf32, #tpu.memory_space<vmem>>
      tpu.enqueue_dma source(%dma_start3A_81 : memref<120x128xf32, #tpu.memory_space<vmem>>) target(%dma_start3A_78 : memref<120x128xf32, #tpu.memory_space<vmem_shared>>) target_semaphore(%run_scoped3A_71 : memref<!tpu.dma_semaphore, #tpu.memory_space<semaphore_mem>>)
      %dma_wait3A_82 = arith.constant 0 : i32
      %dma_wait3A_83 = arith.constant 0 : i32
      %dma_wait3A_84 = tpu.memref_slice %arg8[%dma_wait3A_82, %dma_wait3A_83] : memref<128x128xf32, #tpu.memory_space<vmem>> -> memref<120x128xf32, #tpu.memory_space<vmem>>
      %dma_wait3A_85 = arith.constant 0 : i32
      %dma_wait3A_86 = tpu.memref_slice %arg10[%add3A_15, %dma_wait3A_85] : memref<10112x128xf32, #tpu.memory_space<vmem_shared>> -> memref<120x128xf32, #tpu.memory_space<vmem_shared>>
      %dma_wait3A_87 = arith.constant 0 : i32
      %dma_wait3A_88 = tpu.memref_slice %arg10[%add3A_15, %dma_wait3A_87] : memref<10112x128xf32, #tpu.memory_space<vmem_shared>> -> memref<120x128xf32, #tpu.memory_space<vmem_shared>>
      %dma_wait3A_89 = arith.constant 0 : i32
      %dma_wait3A_90 = arith.constant 0 : i32
      %dma_wait3A_91 = tpu.memref_slice %arg8[%dma_wait3A_89, %dma_wait3A_90] : memref<128x128xf32, #tpu.memory_space<vmem>> -> memref<120x128xf32, #tpu.memory_space<vmem>>
      tpu.wait_dma2 semaphore(%run_scoped3A_71 : memref<!tpu.dma_semaphore, #tpu.memory_space<semaphore_mem>>) src(%dma_wait3A_91 : memref<120x128xf32, #tpu.memory_space<vmem>>) dst(%dma_wait3A_88 : memref<120x128xf32, #tpu.memory_space<vmem_shared>>)
      tpu.yield
    }) : () -> ()
    "tpu.region"() ({
      %run_scoped3A_71 = tpu.sem_alloc : memref<!tpu.dma_semaphore, #tpu.memory_space<semaphore_mem>>
      %dma_start3A_72 = arith.constant 0 : i32
      %dma_start3A_73 = arith.constant 0 : i32
      %dma_start3A_74 = tpu.memref_slice %arg3[%arg1, %dma_start3A_72, %dma_start3A_73] : memref<16x59x128xi32, #tpu.memory_space<hbm>> -> memref<1x59x128xi32, #tpu.memory_space<hbm>>
      %dma_start3A_75 = tpu.memref_squeeze %dma_start3A_74 : memref<1x59x128xi32, #tpu.memory_space<hbm>> -> memref<59x128xi32, #tpu.memory_space<hbm>>
      %dma_start3A_76 = arith.constant 0 : i32
      %dma_start3A_77 = arith.constant 0 : i32
      %dma_start3A_78 = tpu.memref_slice %arg3[%arg1, %dma_start3A_76, %dma_start3A_77] : memref<16x59x128xi32, #tpu.memory_space<hbm>> -> memref<1x59x128xi32, #tpu.memory_space<hbm>>
      %dma_start3A_79 = tpu.memref_squeeze %dma_start3A_78 : memref<1x59x128xi32, #tpu.memory_space<hbm>> -> memref<59x128xi32, #tpu.memory_space<hbm>>
      tpu.enqueue_dma source(%dma_start3A_79 : memref<59x128xi32, #tpu.memory_space<hbm>>) target(%arg6 : memref<59x128xi32, #tpu.memory_space<vmem>>) target_semaphore(%run_scoped3A_71 : memref<!tpu.dma_semaphore, #tpu.memory_space<semaphore_mem>>)
      %dma_wait3A_80 = arith.constant 0 : i32
      %dma_wait3A_81 = arith.constant 0 : i32
      %dma_wait3A_82 = tpu.memref_slice %arg3[%arg1, %dma_wait3A_80, %dma_wait3A_81] : memref<16x59x128xi32, #tpu.memory_space<hbm>> -> memref<1x59x128xi32, #tpu.memory_space<hbm>>
      %dma_wait3A_83 = tpu.memref_squeeze %dma_wait3A_82 : memref<1x59x128xi32, #tpu.memory_space<hbm>> -> memref<59x128xi32, #tpu.memory_space<hbm>>
      %dma_wait3A_84 = arith.constant 0 : i32
      %dma_wait3A_85 = arith.constant 0 : i32
      %dma_wait3A_86 = tpu.memref_slice %arg3[%arg1, %dma_wait3A_84, %dma_wait3A_85] : memref<16x59x128xi32, #tpu.memory_space<hbm>> -> memref<1x59x128xi32, #tpu.memory_space<hbm>>
      %dma_wait3A_87 = tpu.memref_squeeze %dma_wait3A_86 : memref<1x59x128xi32, #tpu.memory_space<hbm>> -> memref<59x128xi32, #tpu.memory_space<hbm>>
      tpu.wait_dma2 semaphore(%run_scoped3A_71 : memref<!tpu.dma_semaphore, #tpu.memory_space<semaphore_mem>>) src(%dma_wait3A_87 : memref<59x128xi32, #tpu.memory_space<hbm>>) dst(%arg6 : memref<59x128xi32, #tpu.memory_space<vmem>>)
      tpu.yield
    }) : () -> ()
    "tpu.region"() ({
      %run_scoped3A_71 = tpu.sem_alloc : memref<!tpu.dma_semaphore, #tpu.memory_space<semaphore_mem>>
      %dma_start3A_72 = arith.constant 0 : i32
      %dma_start3A_73 = arith.constant 0 : i32
      %dma_start3A_74 = tpu.memref_slice %arg4[%arg1, %dma_start3A_72, %dma_start3A_73] : memref<16x59x128xi32, #tpu.memory_space<hbm>> -> memref<1x59x128xi32, #tpu.memory_space<hbm>>
      %dma_start3A_75 = tpu.memref_squeeze %dma_start3A_74 : memref<1x59x128xi32, #tpu.memory_space<hbm>> -> memref<59x128xi32, #tpu.memory_space<hbm>>
      %dma_start3A_76 = arith.constant 0 : i32
      %dma_start3A_77 = arith.constant 0 : i32
      %dma_start3A_78 = tpu.memref_slice %arg4[%arg1, %dma_start3A_76, %dma_start3A_77] : memref<16x59x128xi32, #tpu.memory_space<hbm>> -> memref<1x59x128xi32, #tpu.memory_space<hbm>>
      %dma_start3A_79 = tpu.memref_squeeze %dma_start3A_78 : memref<1x59x128xi32, #tpu.memory_space<hbm>> -> memref<59x128xi32, #tpu.memory_space<hbm>>
      tpu.enqueue_dma source(%dma_start3A_79 : memref<59x128xi32, #tpu.memory_space<hbm>>) target(%arg7 : memref<59x128xi32, #tpu.memory_space<vmem>>) target_semaphore(%run_scoped3A_71 : memref<!tpu.dma_semaphore, #tpu.memory_space<semaphore_mem>>)
      %dma_wait3A_80 = arith.constant 0 : i32
      %dma_wait3A_81 = arith.constant 0 : i32
      %dma_wait3A_82 = tpu.memref_slice %arg4[%arg1, %dma_wait3A_80, %dma_wait3A_81] : memref<16x59x128xi32, #tpu.memory_space<hbm>> -> memref<1x59x128xi32, #tpu.memory_space<hbm>>
      %dma_wait3A_83 = tpu.memref_squeeze %dma_wait3A_82 : memref<1x59x128xi32, #tpu.memory_space<hbm>> -> memref<59x128xi32, #tpu.memory_space<hbm>>
      %dma_wait3A_84 = arith.constant 0 : i32
      %dma_wait3A_85 = arith.constant 0 : i32
      %dma_wait3A_86 = tpu.memref_slice %arg4[%arg1, %dma_wait3A_84, %dma_wait3A_85] : memref<16x59x128xi32, #tpu.memory_space<hbm>> -> memref<1x59x128xi32, #tpu.memory_space<hbm>>
      %dma_wait3A_87 = tpu.memref_squeeze %dma_wait3A_86 : memref<1x59x128xi32, #tpu.memory_space<hbm>> -> memref<59x128xi32, #tpu.memory_space<hbm>>
      tpu.wait_dma2 semaphore(%run_scoped3A_71 : memref<!tpu.dma_semaphore, #tpu.memory_space<semaphore_mem>>) src(%dma_wait3A_87 : memref<59x128xi32, #tpu.memory_space<hbm>>) dst(%arg7 : memref<59x128xi32, #tpu.memory_space<vmem>>)
      tpu.yield
    }) : () -> ()
    %mul3A_16 = arith.constant 10000 : i32
    %mul3A_17 = arith.muli %arg0, %mul3A_16 : i32
    %broadcast_in_dim3A_18 = vector.broadcast %mul3A_17 : i32 to vector<16xi32>
    %scan3A_19 = arith.constant 0 : i32
    %scan3A_20 = arith.constant 0 : i32
    %scan3A_21 = arith.constant 59 : i32
    %scan3A_22 = arith.addi %scan3A_20, %scan3A_21 : i32
    %scan3A_23 = arith.constant 1 : i32
    scf.for %scan3A_71 = %scan3A_20 to %scan3A_22 step %scan3A_23  : i32 {
      %get3A = arith.index_cast %scan3A_71 : i32 to index
      %get3A_72 = arith.constant 0 : index
      %get3A_73 = tpu.vector_load %arg6[%get3A, %get3A_72] {strides = array<i32>} : memref<59x128xi32, #tpu.memory_space<vmem>>, vector<1x16xi32>,
      %get3A_74 = vector.shape_cast %get3A_73 : vector<1x16xi32> to vector<16xi32>
      %add3A_75 = arith.addi %get3A_74, %broadcast_in_dim3A_18 : vector<16xi32>
      %swap3A = arith.index_cast %scan3A_71 : i32 to index
      %swap3A_76 = arith.constant 0 : index
      %swap3A_77 = tpu.vector_load %arg6[%swap3A, %swap3A_76] {strides = array<i32>} : memref<59x128xi32, #tpu.memory_space<vmem>>, vector<1x16xi32>,
      %swap3A_78 = vector.shape_cast %swap3A_77 : vector<1x16xi32> to vector<16xi32>
      %swap3A_79 = vector.shape_cast %add3A_75 : vector<16xi32> to vector<1x16xi32>
      tpu.vector_store %arg6[%swap3A, %swap3A_76], %swap3A_79 {strides = array<i32>} : memref<59x128xi32, #tpu.memory_space<vmem>>, vector<1x16xi32>,
      %get3A_80 = arith.index_cast %scan3A_71 : i32 to index
      %get3A_81 = arith.constant 16 : index
      %get3A_82 = tpu.vector_load %arg6[%get3A_80, %get3A_81] {strides = array<i32>} : memref<59x128xi32, #tpu.memory_space<vmem>>, vector<1x16xi32>,
      %get3A_83 = vector.shape_cast %get3A_82 : vector<1x16xi32> to vector<16xi32>
      %add3A_84 = arith.addi %get3A_83, %broadcast_in_dim3A_18 : vector<16xi32>
      %swap3A_85 = arith.index_cast %scan3A_71 : i32 to index
      %swap3A_86 = arith.constant 16 : index
      %swap3A_87 = tpu.vector_load %arg6[%swap3A_85, %swap3A_86] {strides = array<i32>} : memref<59x128xi32, #tpu.memory_space<vmem>>, vector<1x16xi32>,
      %swap3A_88 = vector.shape_cast %swap3A_87 : vector<1x16xi32> to vector<16xi32>
      %swap3A_89 = vector.shape_cast %add3A_84 : vector<16xi32> to vector<1x16xi32>
      tpu.vector_store %arg6[%swap3A_85, %swap3A_86], %swap3A_89 {strides = array<i32>} : memref<59x128xi32, #tpu.memory_space<vmem>>, vector<1x16xi32>,
      %get3A_90 = arith.index_cast %scan3A_71 : i32 to index
      %get3A_91 = arith.constant 32 : index
      %get3A_92 = tpu.vector_load %arg6[%get3A_90, %get3A_91] {strides = array<i32>} : memref<59x128xi32, #tpu.memory_space<vmem>>, vector<1x16xi32>,
      %get3A_93 = vector.shape_cast %get3A_92 : vector<1x16xi32> to vector<16xi32>
      %add3A_94 = arith.addi %get3A_93, %broadcast_in_dim3A_18 : vector<16xi32>
      %swap3A_95 = arith.index_cast %scan3A_71 : i32 to index
      %swap3A_96 = arith.constant 32 : index
      %swap3A_97 = tpu.vector_load %arg6[%swap3A_95, %swap3A_96] {strides = array<i32>} : memref<59x128xi32, #tpu.memory_space<vmem>>, vector<1x16xi32>,
      %swap3A_98 = vector.shape_cast %swap3A_97 : vector<1x16xi32> to vector<16xi32>
      %swap3A_99 = vector.shape_cast %add3A_94 : vector<16xi32> to vector<1x16xi32>
      tpu.vector_store %arg6[%swap3A_95, %swap3A_96], %swap3A_99 {strides = array<i32>} : memref<59x128xi32, #tpu.memory_space<vmem>>, vector<1x16xi32>,
      %get3A_100 = arith.index_cast %scan3A_71 : i32 to index
      %get3A_101 = arith.constant 48 : index
      %get3A_102 = tpu.vector_load %arg6[%get3A_100, %get3A_101] {strides = array<i32>} : memref<59x128xi32, #tpu.memory_space<vmem>>, vector<1x16xi32>,
      %get3A_103 = vector.shape_cast %get3A_102 : vector<1x16xi32> to vector<16xi32>
      %add3A_104 = arith.addi %get3A_103, %broadcast_in_dim3A_18 : vector<16xi32>
      %swap3A_105 = arith.index_cast %scan3A_71 : i32 to index
      %swap3A_106 = arith.constant 48 : index
      %swap3A_107 = tpu.vector_load %arg6[%swap3A_105, %swap3A_106] {strides = array<i32>} : memref<59x128xi32, #tpu.memory_space<vmem>>, vector<1x16xi32>,
      %swap3A_108 = vector.shape_cast %swap3A_107 : vector<1x16xi32> to vector<16xi32>
      %swap3A_109 = vector.shape_cast %add3A_104 : vector<16xi32> to vector<1x16xi32>
      tpu.vector_store %arg6[%swap3A_105, %swap3A_106], %swap3A_109 {strides = array<i32>} : memref<59x128xi32, #tpu.memory_space<vmem>>, vector<1x16xi32>,
      %get3A_110 = arith.index_cast %scan3A_71 : i32 to index
      %get3A_111 = arith.constant 64 : index
      %get3A_112 = tpu.vector_load %arg6[%get3A_110, %get3A_111] {strides = array<i32>} : memref<59x128xi32, #tpu.memory_space<vmem>>, vector<1x16xi32>,
      %get3A_113 = vector.shape_cast %get3A_112 : vector<1x16xi32> to vector<16xi32>
      %add3A_114 = arith.addi %get3A_113, %broadcast_in_dim3A_18 : vector<16xi32>
      %swap3A_115 = arith.index_cast %scan3A_71 : i32 to index
      %swap3A_116 = arith.constant 64 : index
      %swap3A_117 = tpu.vector_load %arg6[%swap3A_115, %swap3A_116] {strides = array<i32>} : memref<59x128xi32, #tpu.memory_space<vmem>>, vector<1x16xi32>,
      %swap3A_118 = vector.shape_cast %swap3A_117 : vector<1x16xi32> to vector<16xi32>
      %swap3A_119 = vector.shape_cast %add3A_114 : vector<16xi32> to vector<1x16xi32>
      tpu.vector_store %arg6[%swap3A_115, %swap3A_116], %swap3A_119 {strides = array<i32>} : memref<59x128xi32, #tpu.memory_space<vmem>>, vector<1x16xi32>,
      %get3A_120 = arith.index_cast %scan3A_71 : i32 to index
      %get3A_121 = arith.constant 80 : index
      %get3A_122 = tpu.vector_load %arg6[%get3A_120, %get3A_121] {strides = array<i32>} : memref<59x128xi32, #tpu.memory_space<vmem>>, vector<1x16xi32>,
      %get3A_123 = vector.shape_cast %get3A_122 : vector<1x16xi32> to vector<16xi32>
      %add3A_124 = arith.addi %get3A_123, %broadcast_in_dim3A_18 : vector<16xi32>
      %swap3A_125 = arith.index_cast %scan3A_71 : i32 to index
      %swap3A_126 = arith.constant 80 : index
      %swap3A_127 = tpu.vector_load %arg6[%swap3A_125, %swap3A_126] {strides = array<i32>} : memref<59x128xi32, #tpu.memory_space<vmem>>, vector<1x16xi32>,
      %swap3A_128 = vector.shape_cast %swap3A_127 : vector<1x16xi32> to vector<16xi32>
      %swap3A_129 = vector.shape_cast %add3A_124 : vector<16xi32> to vector<1x16xi32>
      tpu.vector_store %arg6[%swap3A_125, %swap3A_126], %swap3A_129 {strides = array<i32>} : memref<59x128xi32, #tpu.memory_space<vmem>>, vector<1x16xi32>,
      %get3A_130 = arith.index_cast %scan3A_71 : i32 to index
      %get3A_131 = arith.constant 96 : index
      %get3A_132 = tpu.vector_load %arg6[%get3A_130, %get3A_131] {strides = array<i32>} : memref<59x128xi32, #tpu.memory_space<vmem>>, vector<1x16xi32>,
      %get3A_133 = vector.shape_cast %get3A_132 : vector<1x16xi32> to vector<16xi32>
      %add3A_134 = arith.addi %get3A_133, %broadcast_in_dim3A_18 : vector<16xi32>
      %swap3A_135 = arith.index_cast %scan3A_71 : i32 to index
      %swap3A_136 = arith.constant 96 : index
      %swap3A_137 = tpu.vector_load %arg6[%swap3A_135, %swap3A_136] {strides = array<i32>} : memref<59x128xi32, #tpu.memory_space<vmem>>, vector<1x16xi32>,
      %swap3A_138 = vector.shape_cast %swap3A_137 : vector<1x16xi32> to vector<16xi32>
      %swap3A_139 = vector.shape_cast %add3A_134 : vector<16xi32> to vector<1x16xi32>
      tpu.vector_store %arg6[%swap3A_135, %swap3A_136], %swap3A_139 {strides = array<i32>} : memref<59x128xi32, #tpu.memory_space<vmem>>, vector<1x16xi32>,
      %get3A_140 = arith.index_cast %scan3A_71 : i32 to index
      %get3A_141 = arith.constant 112 : index
      %get3A_142 = tpu.vector_load %arg6[%get3A_140, %get3A_141] {strides = array<i32>} : memref<59x128xi32, #tpu.memory_space<vmem>>, vector<1x16xi32>,
      %get3A_143 = vector.shape_cast %get3A_142 : vector<1x16xi32> to vector<16xi32>
      %add3A_144 = arith.addi %get3A_143, %broadcast_in_dim3A_18 : vector<16xi32>
      %swap3A_145 = arith.index_cast %scan3A_71 : i32 to index
      %swap3A_146 = arith.constant 112 : index
      %swap3A_147 = tpu.vector_load %arg6[%swap3A_145, %swap3A_146] {strides = array<i32>} : memref<59x128xi32, #tpu.memory_space<vmem>>, vector<1x16xi32>,
      %swap3A_148 = vector.shape_cast %swap3A_147 : vector<1x16xi32> to vector<16xi32>
      %swap3A_149 = vector.shape_cast %add3A_144 : vector<16xi32> to vector<1x16xi32>
      tpu.vector_store %arg6[%swap3A_145, %swap3A_146], %swap3A_149 {strides = array<i32>} : memref<59x128xi32, #tpu.memory_space<vmem>>, vector<1x16xi32>,
    }
    %scan3A_24 = arith.constant 59 : i32
    %barrier3A = arith.constant 0 : index
    tpu.barrier barrier_id(%barrier3A)
    %dma_start3A = arith.constant 0 : i32
    %dma_start3A_25 = arith.constant 0 : i32
    %dma_start3A_26 = tpu.memref_slice %arg6[%dma_start3A, %dma_start3A_25] : memref<59x128xi32, #tpu.memory_space<vmem>> -> memref<1x128xi32, #tpu.memory_space<vmem>>
    %dma_start3A_27 = tpu.memref_squeeze %dma_start3A_26 : memref<1x128xi32, #tpu.memory_space<vmem>> -> memref<128xi32, #tpu.memory_space<vmem>>
    %dma_start3A_28 = arith.constant 0 : i32
    %dma_start3A_29 = arith.constant 0 : i32
    %dma_start3A_30 = tpu.memref_slice %arg2[%dma_start3A_28, %dma_start3A_29] : memref<20000x128xf32, #tpu.memory_space<hbm>> -> memref<20000x128xf32, #tpu.memory_space<hbm>>
    tpu.enqueue_indirect_dma source(%dma_start3A_30 : memref<20000x128xf32, #tpu.memory_space<hbm>>) target(%arg8 : memref<128x128xf32, #tpu.memory_space<vmem>>) offsets(%dma_start3A_27 : memref<128xi32, #tpu.memory_space<vmem>>) semaphore(%arg11 : memref<!tpu.dma_semaphore, #tpu.memory_space<semaphore_mem>>)
    %scan3A_31 = arith.constant 0 : i32
    %scan3A_32 = arith.constant 0 : i32
    %scan3A_33 = arith.constant 29 : i32
    %scan3A_34 = arith.addi %scan3A_32, %scan3A_33 : i32
    %scan3A_35 = arith.constant 1 : i32
    scf.for %scan3A_71 = %scan3A_32 to %scan3A_34 step %scan3A_35  : i32 {
      %mul3A_72 = arith.constant 2 : i32
      %mul3A_73 = arith.muli %mul3A_72, %scan3A_71 : i32
      %add3A_74 = arith.constant 1 : i32
      %add3A_75 = arith.addi %mul3A_73, %add3A_74 : i32
      %dma_start3A_76 = arith.constant 0 : i32
      %dma_start3A_77 = tpu.memref_slice %arg6[%add3A_75, %dma_start3A_76] : memref<59x128xi32, #tpu.memory_space<vmem>> -> memref<1x128xi32, #tpu.memory_space<vmem>>
      %dma_start3A_78 = tpu.memref_squeeze %dma_start3A_77 : memref<1x128xi32, #tpu.memory_space<vmem>> -> memref<128xi32, #tpu.memory_space<vmem>>
      %dma_start3A_79 = arith.constant 0 : i32
      %dma_start3A_80 = arith.constant 0 : i32
      %dma_start3A_81 = tpu.memref_slice %arg2[%dma_start3A_79, %dma_start3A_80] : memref<20000x128xf32, #tpu.memory_space<hbm>> -> memref<20000x128xf32, #tpu.memory_space<hbm>>
      tpu.enqueue_indirect_dma source(%dma_start3A_81 : memref<20000x128xf32, #tpu.memory_space<hbm>>) target(%arg9 : memref<128x128xf32, #tpu.memory_space<vmem>>) offsets(%dma_start3A_78 : memref<128xi32, #tpu.memory_space<vmem>>) semaphore(%arg12 : memref<!tpu.dma_semaphore, #tpu.memory_space<semaphore_mem>>)
      %dma_wait3A_82 = arith.constant 0 : i32
      %dma_wait3A_83 = tpu.memref_slice %arg6[%mul3A_73, %dma_wait3A_82] : memref<59x128xi32, #tpu.memory_space<vmem>> -> memref<1x128xi32, #tpu.memory_space<vmem>>
      %dma_wait3A_84 = tpu.memref_squeeze %dma_wait3A_83 : memref<1x128xi32, #tpu.memory_space<vmem>> -> memref<128xi32, #tpu.memory_space<vmem>>
      %dma_wait3A_85 = arith.constant 0 : i32
      %dma_wait3A_86 = arith.constant 0 : i32
      %dma_wait3A_87 = tpu.memref_slice %arg2[%dma_wait3A_85, %dma_wait3A_86] : memref<20000x128xf32, #tpu.memory_space<hbm>> -> memref<20000x128xf32, #tpu.memory_space<hbm>>
      tpu.wait_indirect_dma semaphore(%arg11 : memref<!tpu.dma_semaphore, #tpu.memory_space<semaphore_mem>>) src(%dma_wait3A_87 : memref<20000x128xf32, #tpu.memory_space<hbm>>) dst(%arg8 : memref<128x128xf32, #tpu.memory_space<vmem>>)
      "tpu.region"() ({
        %run_scoped3A_106 = tpu.sem_alloc : memref<!tpu.dma_semaphore, #tpu.memory_space<semaphore_mem>>
        %dma_start3A_107 = arith.constant 0 : i32
        %dma_start3A_108 = tpu.memref_slice %arg7[%mul3A_73, %dma_start3A_107] : memref<59x128xi32, #tpu.memory_space<vmem>> -> memref<1x128xi32, #tpu.memory_space<vmem>>
        %dma_start3A_109 = tpu.memref_squeeze %dma_start3A_108 : memref<1x128xi32, #tpu.memory_space<vmem>> -> memref<128xi32, #tpu.memory_space<vmem>>
        %dma_start3A_110 = arith.constant 0 : i32
        %dma_start3A_111 = arith.constant 0 : i32
        %dma_start3A_112 = tpu.memref_slice %arg10[%dma_start3A_110, %dma_start3A_111] : memref<10112x128xf32, #tpu.memory_space<vmem_shared>> -> memref<10112x128xf32, #tpu.memory_space<vmem_shared>>
        tpu.enqueue_indirect_dma source(%arg8 : memref<128x128xf32, #tpu.memory_space<vmem>>) target(%dma_start3A_112 : memref<10112x128xf32, #tpu.memory_space<vmem_shared>>) offsets(%dma_start3A_109 : memref<128xi32, #tpu.memory_space<vmem>>) semaphore(%run_scoped3A_106 : memref<!tpu.dma_semaphore, #tpu.memory_space<semaphore_mem>>) {add = true}
        %dma_wait3A_113 = arith.constant 0 : i32
        %dma_wait3A_114 = tpu.memref_slice %arg7[%mul3A_73, %dma_wait3A_113] : memref<59x128xi32, #tpu.memory_space<vmem>> -> memref<1x128xi32, #tpu.memory_space<vmem>>
        %dma_wait3A_115 = tpu.memref_squeeze %dma_wait3A_114 : memref<1x128xi32, #tpu.memory_space<vmem>> -> memref<128xi32, #tpu.memory_space<vmem>>
        %dma_wait3A_116 = arith.constant 0 : i32
        %dma_wait3A_117 = arith.constant 0 : i32
        %dma_wait3A_118 = tpu.memref_slice %arg10[%dma_wait3A_116, %dma_wait3A_117] : memref<10112x128xf32, #tpu.memory_space<vmem_shared>> -> memref<10112x128xf32, #tpu.memory_space<vmem_shared>>
        tpu.wait_indirect_dma semaphore(%run_scoped3A_106 : memref<!tpu.dma_semaphore, #tpu.memory_space<semaphore_mem>>) src(%arg8 : memref<128x128xf32, #tpu.memory_space<vmem>>) dst(%dma_wait3A_118 : memref<10112x128xf32, #tpu.memory_space<vmem_shared>>)
        tpu.yield
      }) : () -> ()
      %add3A_88 = arith.constant 2 : i32
      %add3A_89 = arith.addi %mul3A_73, %add3A_88 : i32
      %dma_start3A_90 = arith.constant 0 : i32
      %dma_start3A_91 = tpu.memref_slice %arg6[%add3A_89, %dma_start3A_90] : memref<59x128xi32, #tpu.memory_space<vmem>> -> memref<1x128xi32, #tpu.memory_space<vmem>>
      %dma_start3A_92 = tpu.memref_squeeze %dma_start3A_91 : memref<1x128xi32, #tpu.memory_space<vmem>> -> memref<128xi32, #tpu.memory_space<vmem>>
      %dma_start3A_93 = arith.constant 0 : i32
      %dma_start3A_94 = arith.constant 0 : i32
      %dma_start3A_95 = tpu.memref_slice %arg2[%dma_start3A_93, %dma_start3A_94] : memref<20000x128xf32, #tpu.memory_space<hbm>> -> memref<20000x128xf32, #tpu.memory_space<hbm>>
      tpu.enqueue_indirect_dma source(%dma_start3A_95 : memref<20000x128xf32, #tpu.memory_space<hbm>>) target(%arg8 : memref<128x128xf32, #tpu.memory_space<vmem>>) offsets(%dma_start3A_92 : memref<128xi32, #tpu.memory_space<vmem>>) semaphore(%arg11 : memref<!tpu.dma_semaphore, #tpu.memory_space<semaphore_mem>>)
      %add3A_96 = arith.constant 1 : i32
      %add3A_97 = arith.addi %mul3A_73, %add3A_96 : i32
      %dma_wait3A_98 = arith.constant 0 : i32
      %dma_wait3A_99 = tpu.memref_slice %arg6[%add3A_97, %dma_wait3A_98] : memref<59x128xi32, #tpu.memory_space<vmem>> -> memref<1x128xi32, #tpu.memory_space<vmem>>
      %dma_wait3A_100 = tpu.memref_squeeze %dma_wait3A_99 : memref<1x128xi32, #tpu.memory_space<vmem>> -> memref<128xi32, #tpu.memory_space<vmem>>
      %dma_wait3A_101 = arith.constant 0 : i32
      %dma_wait3A_102 = arith.constant 0 : i32
      %dma_wait3A_103 = tpu.memref_slice %arg2[%dma_wait3A_101, %dma_wait3A_102] : memref<20000x128xf32, #tpu.memory_space<hbm>> -> memref<20000x128xf32, #tpu.memory_space<hbm>>
      tpu.wait_indirect_dma semaphore(%arg12 : memref<!tpu.dma_semaphore, #tpu.memory_space<semaphore_mem>>) src(%dma_wait3A_103 : memref<20000x128xf32, #tpu.memory_space<hbm>>) dst(%arg9 : memref<128x128xf32, #tpu.memory_space<vmem>>)
      %add3A_104 = arith.constant 1 : i32
      %add3A_105 = arith.addi %mul3A_73, %add3A_104 : i32
      "tpu.region"() ({
        %run_scoped3A_106 = tpu.sem_alloc : memref<!tpu.dma_semaphore, #tpu.memory_space<semaphore_mem>>
        %dma_start3A_107 = arith.constant 0 : i32
        %dma_start3A_108 = tpu.memref_slice %arg7[%add3A_105, %dma_start3A_107] : memref<59x128xi32, #tpu.memory_space<vmem>> -> memref<1x128xi32, #tpu.memory_space<vmem>>
        %dma_start3A_109 = tpu.memref_squeeze %dma_start3A_108 : memref<1x128xi32, #tpu.memory_space<vmem>> -> memref<128xi32, #tpu.memory_space<vmem>>
        %dma_start3A_110 = arith.constant 0 : i32
        %dma_start3A_111 = arith.constant 0 : i32
        %dma_start3A_112 = tpu.memref_slice %arg10[%dma_start3A_110, %dma_start3A_111] : memref<10112x128xf32, #tpu.memory_space<vmem_shared>> -> memref<10112x128xf32, #tpu.memory_space<vmem_shared>>
        tpu.enqueue_indirect_dma source(%arg9 : memref<128x128xf32, #tpu.memory_space<vmem>>) target(%dma_start3A_112 : memref<10112x128xf32, #tpu.memory_space<vmem_shared>>) offsets(%dma_start3A_109 : memref<128xi32, #tpu.memory_space<vmem>>) semaphore(%run_scoped3A_106 : memref<!tpu.dma_semaphore, #tpu.memory_space<semaphore_mem>>) {add = true}
        %dma_wait3A_113 = arith.constant 0 : i32
        %dma_wait3A_114 = tpu.memref_slice %arg7[%add3A_105, %dma_wait3A_113] : memref<59x128xi32, #tpu.memory_space<vmem>> -> memref<1x128xi32, #tpu.memory_space<vmem>>
        %dma_wait3A_115 = tpu.memref_squeeze %dma_wait3A_114 : memref<1x128xi32, #tpu.memory_space<vmem>> -> memref<128xi32, #tpu.memory_space<vmem>>
        %dma_wait3A_116 = arith.constant 0 : i32
        %dma_wait3A_117 = arith.constant 0 : i32
        %dma_wait3A_118 = tpu.memref_slice %arg10[%dma_wait3A_116, %dma_wait3A_117] : memref<10112x128xf32, #tpu.memory_space<vmem_shared>> -> memref<10112x128xf32, #tpu.memory_space<vmem_shared>>
        tpu.wait_indirect_dma semaphore(%run_scoped3A_106 : memref<!tpu.dma_semaphore, #tpu.memory_space<semaphore_mem>>) src(%arg9 : memref<128x128xf32, #tpu.memory_space<vmem>>) dst(%dma_wait3A_118 : memref<10112x128xf32, #tpu.memory_space<vmem_shared>>)
        tpu.yield
      }) : () -> ()
    }
    %scan3A_36 = arith.constant 29 : i32
    %dma_wait3A = arith.constant 58 : i32
    %dma_wait3A_37 = arith.constant 0 : i32
    %dma_wait3A_38 = tpu.memref_slice %arg6[%dma_wait3A, %dma_wait3A_37] : memref<59x128xi32, #tpu.memory_space<vmem>> -> memref<1x128xi32, #tpu.memory_space<vmem>>
    %dma_wait3A_39 = tpu.memref_squeeze %dma_wait3A_38 : memref<1x128xi32, #tpu.memory_space<vmem>> -> memref<128xi32, #tpu.memory_space<vmem>>
    %dma_wait3A_40 = arith.constant 0 : i32
    %dma_wait3A_41 = arith.constant 0 : i32
    %dma_wait3A_42 = tpu.memref_slice %arg2[%dma_wait3A_40, %dma_wait3A_41] : memref<20000x128xf32, #tpu.memory_space<hbm>> -> memref<20000x128xf32, #tpu.memory_space<hbm>>
    tpu.wait_indirect_dma semaphore(%arg11 : memref<!tpu.dma_semaphore, #tpu.memory_space<semaphore_mem>>) src(%dma_wait3A_42 : memref<20000x128xf32, #tpu.memory_space<hbm>>) dst(%arg8 : memref<128x128xf32, #tpu.memory_space<vmem>>)
    %run_scoped3A = arith.constant 58 : i32
    "tpu.region"() ({
      %run_scoped3A_71 = tpu.sem_alloc : memref<!tpu.dma_semaphore, #tpu.memory_space<semaphore_mem>>
      %dma_start3A_72 = arith.constant 0 : i32
      %dma_start3A_73 = tpu.memref_slice %arg7[%run_scoped3A, %dma_start3A_72] : memref<59x128xi32, #tpu.memory_space<vmem>> -> memref<1x128xi32, #tpu.memory_space<vmem>>
      %dma_start3A_74 = tpu.memref_squeeze %dma_start3A_73 : memref<1x128xi32, #tpu.memory_space<vmem>> -> memref<128xi32, #tpu.memory_space<vmem>>
      %dma_start3A_75 = arith.constant 0 : i32
      %dma_start3A_76 = arith.constant 0 : i32
      %dma_start3A_77 = tpu.memref_slice %arg10[%dma_start3A_75, %dma_start3A_76] : memref<10112x128xf32, #tpu.memory_space<vmem_shared>> -> memref<10112x128xf32, #tpu.memory_space<vmem_shared>>
      tpu.enqueue_indirect_dma source(%arg8 : memref<128x128xf32, #tpu.memory_space<vmem>>) target(%dma_start3A_77 : memref<10112x128xf32, #tpu.memory_space<vmem_shared>>) offsets(%dma_start3A_74 : memref<128xi32, #tpu.memory_space<vmem>>) semaphore(%run_scoped3A_71 : memref<!tpu.dma_semaphore, #tpu.memory_space<semaphore_mem>>) {add = true}
      %dma_wait3A_78 = arith.constant 0 : i32
      %dma_wait3A_79 = tpu.memref_slice %arg7[%run_scoped3A, %dma_wait3A_78] : memref<59x128xi32, #tpu.memory_space<vmem>> -> memref<1x128xi32, #tpu.memory_space<vmem>>
      %dma_wait3A_80 = tpu.memref_squeeze %dma_wait3A_79 : memref<1x128xi32, #tpu.memory_space<vmem>> -> memref<128xi32, #tpu.memory_space<vmem>>
      %dma_wait3A_81 = arith.constant 0 : i32
      %dma_wait3A_82 = arith.constant 0 : i32
      %dma_wait3A_83 = tpu.memref_slice %arg10[%dma_wait3A_81, %dma_wait3A_82] : memref<10112x128xf32, #tpu.memory_space<vmem_shared>> -> memref<10112x128xf32, #tpu.memory_space<vmem_shared>>
      tpu.wait_indirect_dma semaphore(%run_scoped3A_71 : memref<!tpu.dma_semaphore, #tpu.memory_space<semaphore_mem>>) src(%arg8 : memref<128x128xf32, #tpu.memory_space<vmem>>) dst(%dma_wait3A_83 : memref<10112x128xf32, #tpu.memory_space<vmem_shared>>)
      tpu.yield
    }) : () -> ()
    %barrier3A_43 = arith.constant 0 : index
    tpu.barrier barrier_id(%barrier3A_43)
    %mul3A_44 = arith.constant 10112 : i32
    %mul3A_45 = arith.muli %arg0, %mul3A_44 : i32
    %add3A_46 = arith.constant 0 : i32
    %add3A_47 = arith.addi %mul3A_0, %add3A_46 : i32
    "tpu.region"() ({
      %run_scoped3A_71 = tpu.sem_alloc : memref<!tpu.dma_semaphore, #tpu.memory_space<semaphore_mem>>
      %dma_start3A_72 = arith.constant 0 : i32
      %dma_start3A_73 = arith.constant 0 : i32
      %dma_start3A_74 = tpu.memref_slice %arg8[%dma_start3A_72, %dma_start3A_73] : memref<128x128xf32, #tpu.memory_space<vmem>> -> memref<128x128xf32, #tpu.memory_space<vmem>>
      %dma_start3A_75 = arith.constant 0 : i32
      %dma_start3A_76 = tpu.memref_slice %arg10[%add3A_47, %dma_start3A_75] : memref<10112x128xf32, #tpu.memory_space<vmem_shared>> -> memref<128x128xf32, #tpu.memory_space<vmem_shared>>
      %dma_start3A_77 = arith.constant 0 : i32
      %dma_start3A_78 = arith.constant 0 : i32
      %dma_start3A_79 = tpu.memref_slice %arg8[%dma_start3A_77, %dma_start3A_78] : memref<128x128xf32, #tpu.memory_space<vmem>> -> memref<128x128xf32, #tpu.memory_space<vmem>>
      %dma_start3A_80 = arith.constant 0 : i32
      %dma_start3A_81 = tpu.memref_slice %arg10[%add3A_47, %dma_start3A_80] : memref<10112x128xf32, #tpu.memory_space<vmem_shared>> -> memref<128x128xf32, #tpu.memory_space<vmem_shared>>
      tpu.enqueue_dma source(%dma_start3A_81 : memref<128x128xf32, #tpu.memory_space<vmem_shared>>) target(%dma_start3A_79 : memref<128x128xf32, #tpu.memory_space<vmem>>) target_semaphore(%run_scoped3A_71 : memref<!tpu.dma_semaphore, #tpu.memory_space<semaphore_mem>>)
      %dma_wait3A_82 = arith.constant 0 : i32
      %dma_wait3A_83 = arith.constant 0 : i32
      %dma_wait3A_84 = tpu.memref_slice %arg8[%dma_wait3A_82, %dma_wait3A_83] : memref<128x128xf32, #tpu.memory_space<vmem>> -> memref<128x128xf32, #tpu.memory_space<vmem>>
      %dma_wait3A_85 = arith.constant 0 : i32
      %dma_wait3A_86 = tpu.memref_slice %arg10[%add3A_47, %dma_wait3A_85] : memref<10112x128xf32, #tpu.memory_space<vmem_shared>> -> memref<128x128xf32, #tpu.memory_space<vmem_shared>>
      %dma_wait3A_87 = arith.constant 0 : i32
      %dma_wait3A_88 = arith.constant 0 : i32
      %dma_wait3A_89 = tpu.memref_slice %arg8[%dma_wait3A_87, %dma_wait3A_88] : memref<128x128xf32, #tpu.memory_space<vmem>> -> memref<128x128xf32, #tpu.memory_space<vmem>>
      %dma_wait3A_90 = arith.constant 0 : i32
      %dma_wait3A_91 = tpu.memref_slice %arg10[%add3A_47, %dma_wait3A_90] : memref<10112x128xf32, #tpu.memory_space<vmem_shared>> -> memref<128x128xf32, #tpu.memory_space<vmem_shared>>
      tpu.wait_dma2 semaphore(%run_scoped3A_71 : memref<!tpu.dma_semaphore, #tpu.memory_space<semaphore_mem>>) src(%dma_wait3A_91 : memref<128x128xf32, #tpu.memory_space<vmem_shared>>) dst(%dma_wait3A_89 : memref<128x128xf32, #tpu.memory_space<vmem>>)
      tpu.yield
    }) : () -> ()
    %add3A_48 = arith.addi %mul3A_45, %mul3A_0 : i32
    %add3A_49 = arith.constant 0 : i32
    %add3A_50 = arith.addi %add3A_48, %add3A_49 : i32
    "tpu.region"() ({
      %run_scoped3A_71 = tpu.sem_alloc : memref<!tpu.dma_semaphore, #tpu.memory_space<semaphore_mem>>
      %dma_start3A_72 = arith.constant 0 : i32
      %dma_start3A_73 = arith.constant 0 : i32
      %dma_start3A_74 = tpu.memref_slice %arg8[%dma_start3A_72, %dma_start3A_73] : memref<128x128xf32, #tpu.memory_space<vmem>> -> memref<128x128xf32, #tpu.memory_space<vmem>>
      %dma_start3A_75 = arith.constant 0 : i32
      %dma_start3A_76 = tpu.memref_slice %arg5[%add3A_50, %dma_start3A_75] : memref<20224x128xf32, #tpu.memory_space<hbm>> -> memref<128x128xf32, #tpu.memory_space<hbm>>
      %dma_start3A_77 = arith.constant 0 : i32
      %dma_start3A_78 = tpu.memref_slice %arg5[%add3A_50, %dma_start3A_77] : memref<20224x128xf32, #tpu.memory_space<hbm>> -> memref<128x128xf32, #tpu.memory_space<hbm>>
      %dma_start3A_79 = arith.constant 0 : i32
      %dma_start3A_80 = arith.constant 0 : i32
      %dma_start3A_81 = tpu.memref_slice %arg8[%dma_start3A_79, %dma_start3A_80] : memref<128x128xf32, #tpu.memory_space<vmem>> -> memref<128x128xf32, #tpu.memory_space<vmem>>
      tpu.enqueue_dma source(%dma_start3A_81 : memref<128x128xf32, #tpu.memory_space<vmem>>) target(%dma_start3A_78 : memref<128x128xf32, #tpu.memory_space<hbm>>) target_semaphore(%run_scoped3A_71 : memref<!tpu.dma_semaphore, #tpu.memory_space<semaphore_mem>>)
      %dma_wait3A_82 = arith.constant 0 : i32
      %dma_wait3A_83 = arith.constant 0 : i32
      %dma_wait3A_84 = tpu.memref_slice %arg8[%dma_wait3A_82, %dma_wait3A_83] : memref<128x128xf32, #tpu.memory_space<vmem>> -> memref<128x128xf32, #tpu.memory_space<vmem>>
      %dma_wait3A_85 = arith.constant 0 : i32
      %dma_wait3A_86 = tpu.memref_slice %arg5[%add3A_50, %dma_wait3A_85] : memref<20224x128xf32, #tpu.memory_space<hbm>> -> memref<128x128xf32, #tpu.memory_space<hbm>>
      %dma_wait3A_87 = arith.constant 0 : i32
      %dma_wait3A_88 = tpu.memref_slice %arg5[%add3A_50, %dma_wait3A_87] : memref<20224x128xf32, #tpu.memory_space<hbm>> -> memref<128x128xf32, #tpu.memory_space<hbm>>
      %dma_wait3A_89 = arith.constant 0 : i32
      %dma_wait3A_90 = arith.constant 0 : i32
      %dma_wait3A_91 = tpu.memref_slice %arg8[%dma_wait3A_89, %dma_wait3A_90] : memref<128x128xf32, #tpu.memory_space<vmem>> -> memref<128x128xf32, #tpu.memory_space<vmem>>
      tpu.wait_dma2 semaphore(%run_scoped3A_71 : memref<!tpu.dma_semaphore, #tpu.memory_space<semaphore_mem>>) src(%dma_wait3A_91 : memref<128x128xf32, #tpu.memory_space<vmem>>) dst(%dma_wait3A_88 : memref<128x128xf32, #tpu.memory_space<hbm>>)
      tpu.yield
    }) : () -> ()
    %add3A_51 = arith.constant 128 : i32
    %add3A_52 = arith.addi %mul3A_0, %add3A_51 : i32
    "tpu.region"() ({
      %run_scoped3A_71 = tpu.sem_alloc : memref<!tpu.dma_semaphore, #tpu.memory_space<semaphore_mem>>
      %dma_start3A_72 = arith.constant 0 : i32
      %dma_start3A_73 = arith.constant 0 : i32
      %dma_start3A_74 = tpu.memref_slice %arg8[%dma_start3A_72, %dma_start3A_73] : memref<128x128xf32, #tpu.memory_space<vmem>> -> memref<128x128xf32, #tpu.memory_space<vmem>>
      %dma_start3A_75 = arith.constant 0 : i32
      %dma_start3A_76 = tpu.memref_slice %arg10[%add3A_52, %dma_start3A_75] : memref<10112x128xf32, #tpu.memory_space<vmem_shared>> -> memref<128x128xf32, #tpu.memory_space<vmem_shared>>
      %dma_start3A_77 = arith.constant 0 : i32
      %dma_start3A_78 = arith.constant 0 : i32
      %dma_start3A_79 = tpu.memref_slice %arg8[%dma_start3A_77, %dma_start3A_78] : memref<128x128xf32, #tpu.memory_space<vmem>> -> memref<128x128xf32, #tpu.memory_space<vmem>>
      %dma_start3A_80 = arith.constant 0 : i32
      %dma_start3A_81 = tpu.memref_slice %arg10[%add3A_52, %dma_start3A_80] : memref<10112x128xf32, #tpu.memory_space<vmem_shared>> -> memref<128x128xf32, #tpu.memory_space<vmem_shared>>
      tpu.enqueue_dma source(%dma_start3A_81 : memref<128x128xf32, #tpu.memory_space<vmem_shared>>) target(%dma_start3A_79 : memref<128x128xf32, #tpu.memory_space<vmem>>) target_semaphore(%run_scoped3A_71 : memref<!tpu.dma_semaphore, #tpu.memory_space<semaphore_mem>>)
      %dma_wait3A_82 = arith.constant 0 : i32
      %dma_wait3A_83 = arith.constant 0 : i32
      %dma_wait3A_84 = tpu.memref_slice %arg8[%dma_wait3A_82, %dma_wait3A_83] : memref<128x128xf32, #tpu.memory_space<vmem>> -> memref<128x128xf32, #tpu.memory_space<vmem>>
      %dma_wait3A_85 = arith.constant 0 : i32
      %dma_wait3A_86 = tpu.memref_slice %arg10[%add3A_52, %dma_wait3A_85] : memref<10112x128xf32, #tpu.memory_space<vmem_shared>> -> memref<128x128xf32, #tpu.memory_space<vmem_shared>>
      %dma_wait3A_87 = arith.constant 0 : i32
      %dma_wait3A_88 = arith.constant 0 : i32
      %dma_wait3A_89 = tpu.memref_slice %arg8[%dma_wait3A_87, %dma_wait3A_88] : memref<128x128xf32, #tpu.memory_space<vmem>> -> memref<128x128xf32, #tpu.memory_space<vmem>>
      %dma_wait3A_90 = arith.constant 0 : i32
      %dma_wait3A_91 = tpu.memref_slice %arg10[%add3A_52, %dma_wait3A_90] : memref<10112x128xf32, #tpu.memory_space<vmem_shared>> -> memref<128x128xf32, #tpu.memory_space<vmem_shared>>
      tpu.wait_dma2 semaphore(%run_scoped3A_71 : memref<!tpu.dma_semaphore, #tpu.memory_space<semaphore_mem>>) src(%dma_wait3A_91 : memref<128x128xf32, #tpu.memory_space<vmem_shared>>) dst(%dma_wait3A_89 : memref<128x128xf32, #tpu.memory_space<vmem>>)
      tpu.yield
    }) : () -> ()
    %add3A_53 = arith.addi %mul3A_45, %mul3A_0 : i32
    %add3A_54 = arith.constant 128 : i32
    %add3A_55 = arith.addi %add3A_53, %add3A_54 : i32
    "tpu.region"() ({
      %run_scoped3A_71 = tpu.sem_alloc : memref<!tpu.dma_semaphore, #tpu.memory_space<semaphore_mem>>
      %dma_start3A_72 = arith.constant 0 : i32
      %dma_start3A_73 = arith.constant 0 : i32
      %dma_start3A_74 = tpu.memref_slice %arg8[%dma_start3A_72, %dma_start3A_73] : memref<128x128xf32, #tpu.memory_space<vmem>> -> memref<128x128xf32, #tpu.memory_space<vmem>>
      %dma_start3A_75 = arith.constant 0 : i32
      %dma_start3A_76 = tpu.memref_slice %arg5[%add3A_55, %dma_start3A_75] : memref<20224x128xf32, #tpu.memory_space<hbm>> -> memref<128x128xf32, #tpu.memory_space<hbm>>
      %dma_start3A_77 = arith.constant 0 : i32
      %dma_start3A_78 = tpu.memref_slice %arg5[%add3A_55, %dma_start3A_77] : memref<20224x128xf32, #tpu.memory_space<hbm>> -> memref<128x128xf32, #tpu.memory_space<hbm>>
      %dma_start3A_79 = arith.constant 0 : i32
      %dma_start3A_80 = arith.constant 0 : i32
      %dma_start3A_81 = tpu.memref_slice %arg8[%dma_start3A_79, %dma_start3A_80] : memref<128x128xf32, #tpu.memory_space<vmem>> -> memref<128x128xf32, #tpu.memory_space<vmem>>
      tpu.enqueue_dma source(%dma_start3A_81 : memref<128x128xf32, #tpu.memory_space<vmem>>) target(%dma_start3A_78 : memref<128x128xf32, #tpu.memory_space<hbm>>) target_semaphore(%run_scoped3A_71 : memref<!tpu.dma_semaphore, #tpu.memory_space<semaphore_mem>>)
      %dma_wait3A_82 = arith.constant 0 : i32
      %dma_wait3A_83 = arith.constant 0 : i32
      %dma_wait3A_84 = tpu.memref_slice %arg8[%dma_wait3A_82, %dma_wait3A_83] : memref<128x128xf32, #tpu.memory_space<vmem>> -> memref<128x128xf32, #tpu.memory_space<vmem>>
      %dma_wait3A_85 = arith.constant 0 : i32
      %dma_wait3A_86 = tpu.memref_slice %arg5[%add3A_55, %dma_wait3A_85] : memref<20224x128xf32, #tpu.memory_space<hbm>> -> memref<128x128xf32, #tpu.memory_space<hbm>>
      %dma_wait3A_87 = arith.constant 0 : i32
      %dma_wait3A_88 = tpu.memref_slice %arg5[%add3A_55, %dma_wait3A_87] : memref<20224x128xf32, #tpu.memory_space<hbm>> -> memref<128x128xf32, #tpu.memory_space<hbm>>
      %dma_wait3A_89 = arith.constant 0 : i32
      %dma_wait3A_90 = arith.constant 0 : i32
      %dma_wait3A_91 = tpu.memref_slice %arg8[%dma_wait3A_89, %dma_wait3A_90] : memref<128x128xf32, #tpu.memory_space<vmem>> -> memref<128x128xf32, #tpu.memory_space<vmem>>
      tpu.wait_dma2 semaphore(%run_scoped3A_71 : memref<!tpu.dma_semaphore, #tpu.memory_space<semaphore_mem>>) src(%dma_wait3A_91 : memref<128x128xf32, #tpu.memory_space<vmem>>) dst(%dma_wait3A_88 : memref<128x128xf32, #tpu.memory_space<hbm>>)
      tpu.yield
    }) : () -> ()
    %add3A_56 = arith.constant 256 : i32
    %add3A_57 = arith.addi %mul3A_0, %add3A_56 : i32
    "tpu.region"() ({
      %run_scoped3A_71 = tpu.sem_alloc : memref<!tpu.dma_semaphore, #tpu.memory_space<semaphore_mem>>
      %dma_start3A_72 = arith.constant 0 : i32
      %dma_start3A_73 = arith.constant 0 : i32
      %dma_start3A_74 = tpu.memref_slice %arg8[%dma_start3A_72, %dma_start3A_73] : memref<128x128xf32, #tpu.memory_space<vmem>> -> memref<128x128xf32, #tpu.memory_space<vmem>>
      %dma_start3A_75 = arith.constant 0 : i32
      %dma_start3A_76 = tpu.memref_slice %arg10[%add3A_57, %dma_start3A_75] : memref<10112x128xf32, #tpu.memory_space<vmem_shared>> -> memref<128x128xf32, #tpu.memory_space<vmem_shared>>
      %dma_start3A_77 = arith.constant 0 : i32
      %dma_start3A_78 = arith.constant 0 : i32
      %dma_start3A_79 = tpu.memref_slice %arg8[%dma_start3A_77, %dma_start3A_78] : memref<128x128xf32, #tpu.memory_space<vmem>> -> memref<128x128xf32, #tpu.memory_space<vmem>>
      %dma_start3A_80 = arith.constant 0 : i32
      %dma_start3A_81 = tpu.memref_slice %arg10[%add3A_57, %dma_start3A_80] : memref<10112x128xf32, #tpu.memory_space<vmem_shared>> -> memref<128x128xf32, #tpu.memory_space<vmem_shared>>
      tpu.enqueue_dma source(%dma_start3A_81 : memref<128x128xf32, #tpu.memory_space<vmem_shared>>) target(%dma_start3A_79 : memref<128x128xf32, #tpu.memory_space<vmem>>) target_semaphore(%run_scoped3A_71 : memref<!tpu.dma_semaphore, #tpu.memory_space<semaphore_mem>>)
      %dma_wait3A_82 = arith.constant 0 : i32
      %dma_wait3A_83 = arith.constant 0 : i32
      %dma_wait3A_84 = tpu.memref_slice %arg8[%dma_wait3A_82, %dma_wait3A_83] : memref<128x128xf32, #tpu.memory_space<vmem>> -> memref<128x128xf32, #tpu.memory_space<vmem>>
      %dma_wait3A_85 = arith.constant 0 : i32
      %dma_wait3A_86 = tpu.memref_slice %arg10[%add3A_57, %dma_wait3A_85] : memref<10112x128xf32, #tpu.memory_space<vmem_shared>> -> memref<128x128xf32, #tpu.memory_space<vmem_shared>>
      %dma_wait3A_87 = arith.constant 0 : i32
      %dma_wait3A_88 = arith.constant 0 : i32
      %dma_wait3A_89 = tpu.memref_slice %arg8[%dma_wait3A_87, %dma_wait3A_88] : memref<128x128xf32, #tpu.memory_space<vmem>> -> memref<128x128xf32, #tpu.memory_space<vmem>>
      %dma_wait3A_90 = arith.constant 0 : i32
      %dma_wait3A_91 = tpu.memref_slice %arg10[%add3A_57, %dma_wait3A_90] : memref<10112x128xf32, #tpu.memory_space<vmem_shared>> -> memref<128x128xf32, #tpu.memory_space<vmem_shared>>
      tpu.wait_dma2 semaphore(%run_scoped3A_71 : memref<!tpu.dma_semaphore, #tpu.memory_space<semaphore_mem>>) src(%dma_wait3A_91 : memref<128x128xf32, #tpu.memory_space<vmem_shared>>) dst(%dma_wait3A_89 : memref<128x128xf32, #tpu.memory_space<vmem>>)
      tpu.yield
    }) : () -> ()
    %add3A_58 = arith.addi %mul3A_45, %mul3A_0 : i32
    %add3A_59 = arith.constant 256 : i32
    %add3A_60 = arith.addi %add3A_58, %add3A_59 : i32
    "tpu.region"() ({
      %run_scoped3A_71 = tpu.sem_alloc : memref<!tpu.dma_semaphore, #tpu.memory_space<semaphore_mem>>
      %dma_start3A_72 = arith.constant 0 : i32
      %dma_start3A_73 = arith.constant 0 : i32
      %dma_start3A_74 = tpu.memref_slice %arg8[%dma_start3A_72, %dma_start3A_73] : memref<128x128xf32, #tpu.memory_space<vmem>> -> memref<128x128xf32, #tpu.memory_space<vmem>>
      %dma_start3A_75 = arith.constant 0 : i32
      %dma_start3A_76 = tpu.memref_slice %arg5[%add3A_60, %dma_start3A_75] : memref<20224x128xf32, #tpu.memory_space<hbm>> -> memref<128x128xf32, #tpu.memory_space<hbm>>
      %dma_start3A_77 = arith.constant 0 : i32
      %dma_start3A_78 = tpu.memref_slice %arg5[%add3A_60, %dma_start3A_77] : memref<20224x128xf32, #tpu.memory_space<hbm>> -> memref<128x128xf32, #tpu.memory_space<hbm>>
      %dma_start3A_79 = arith.constant 0 : i32
      %dma_start3A_80 = arith.constant 0 : i32
      %dma_start3A_81 = tpu.memref_slice %arg8[%dma_start3A_79, %dma_start3A_80] : memref<128x128xf32, #tpu.memory_space<vmem>> -> memref<128x128xf32, #tpu.memory_space<vmem>>
      tpu.enqueue_dma source(%dma_start3A_81 : memref<128x128xf32, #tpu.memory_space<vmem>>) target(%dma_start3A_78 : memref<128x128xf32, #tpu.memory_space<hbm>>) target_semaphore(%run_scoped3A_71 : memref<!tpu.dma_semaphore, #tpu.memory_space<semaphore_mem>>)
      %dma_wait3A_82 = arith.constant 0 : i32
      %dma_wait3A_83 = arith.constant 0 : i32
      %dma_wait3A_84 = tpu.memref_slice %arg8[%dma_wait3A_82, %dma_wait3A_83] : memref<128x128xf32, #tpu.memory_space<vmem>> -> memref<128x128xf32, #tpu.memory_space<vmem>>
      %dma_wait3A_85 = arith.constant 0 : i32
      %dma_wait3A_86 = tpu.memref_slice %arg5[%add3A_60, %dma_wait3A_85] : memref<20224x128xf32, #tpu.memory_space<hbm>> -> memref<128x128xf32, #tpu.memory_space<hbm>>
      %dma_wait3A_87 = arith.constant 0 : i32
      %dma_wait3A_88 = tpu.memref_slice %arg5[%add3A_60, %dma_wait3A_87] : memref<20224x128xf32, #tpu.memory_space<hbm>> -> memref<128x128xf32, #tpu.memory_space<hbm>>
      %dma_wait3A_89 = arith.constant 0 : i32
      %dma_wait3A_90 = arith.constant 0 : i32
      %dma_wait3A_91 = tpu.memref_slice %arg8[%dma_wait3A_89, %dma_wait3A_90] : memref<128x128xf32, #tpu.memory_space<vmem>> -> memref<128x128xf32, #tpu.memory_space<vmem>>
      tpu.wait_dma2 semaphore(%run_scoped3A_71 : memref<!tpu.dma_semaphore, #tpu.memory_space<semaphore_mem>>) src(%dma_wait3A_91 : memref<128x128xf32, #tpu.memory_space<vmem>>) dst(%dma_wait3A_88 : memref<128x128xf32, #tpu.memory_space<hbm>>)
      tpu.yield
    }) : () -> ()
    %add3A_61 = arith.constant 384 : i32
    %add3A_62 = arith.addi %mul3A_0, %add3A_61 : i32
    "tpu.region"() ({
      %run_scoped3A_71 = tpu.sem_alloc : memref<!tpu.dma_semaphore, #tpu.memory_space<semaphore_mem>>
      %dma_start3A_72 = arith.constant 0 : i32
      %dma_start3A_73 = arith.constant 0 : i32
      %dma_start3A_74 = tpu.memref_slice %arg8[%dma_start3A_72, %dma_start3A_73] : memref<128x128xf32, #tpu.memory_space<vmem>> -> memref<128x128xf32, #tpu.memory_space<vmem>>
      %dma_start3A_75 = arith.constant 0 : i32
      %dma_start3A_76 = tpu.memref_slice %arg10[%add3A_62, %dma_start3A_75] : memref<10112x128xf32, #tpu.memory_space<vmem_shared>> -> memref<128x128xf32, #tpu.memory_space<vmem_shared>>
      %dma_start3A_77 = arith.constant 0 : i32
      %dma_start3A_78 = arith.constant 0 : i32
      %dma_start3A_79 = tpu.memref_slice %arg8[%dma_start3A_77, %dma_start3A_78] : memref<128x128xf32, #tpu.memory_space<vmem>> -> memref<128x128xf32, #tpu.memory_space<vmem>>
      %dma_start3A_80 = arith.constant 0 : i32
      %dma_start3A_81 = tpu.memref_slice %arg10[%add3A_62, %dma_start3A_80] : memref<10112x128xf32, #tpu.memory_space<vmem_shared>> -> memref<128x128xf32, #tpu.memory_space<vmem_shared>>
      tpu.enqueue_dma source(%dma_start3A_81 : memref<128x128xf32, #tpu.memory_space<vmem_shared>>) target(%dma_start3A_79 : memref<128x128xf32, #tpu.memory_space<vmem>>) target_semaphore(%run_scoped3A_71 : memref<!tpu.dma_semaphore, #tpu.memory_space<semaphore_mem>>)
      %dma_wait3A_82 = arith.constant 0 : i32
      %dma_wait3A_83 = arith.constant 0 : i32
      %dma_wait3A_84 = tpu.memref_slice %arg8[%dma_wait3A_82, %dma_wait3A_83] : memref<128x128xf32, #tpu.memory_space<vmem>> -> memref<128x128xf32, #tpu.memory_space<vmem>>
      %dma_wait3A_85 = arith.constant 0 : i32
      %dma_wait3A_86 = tpu.memref_slice %arg10[%add3A_62, %dma_wait3A_85] : memref<10112x128xf32, #tpu.memory_space<vmem_shared>> -> memref<128x128xf32, #tpu.memory_space<vmem_shared>>
      %dma_wait3A_87 = arith.constant 0 : i32
      %dma_wait3A_88 = arith.constant 0 : i32
      %dma_wait3A_89 = tpu.memref_slice %arg8[%dma_wait3A_87, %dma_wait3A_88] : memref<128x128xf32, #tpu.memory_space<vmem>> -> memref<128x128xf32, #tpu.memory_space<vmem>>
      %dma_wait3A_90 = arith.constant 0 : i32
      %dma_wait3A_91 = tpu.memref_slice %arg10[%add3A_62, %dma_wait3A_90] : memref<10112x128xf32, #tpu.memory_space<vmem_shared>> -> memref<128x128xf32, #tpu.memory_space<vmem_shared>>
      tpu.wait_dma2 semaphore(%run_scoped3A_71 : memref<!tpu.dma_semaphore, #tpu.memory_space<semaphore_mem>>) src(%dma_wait3A_91 : memref<128x128xf32, #tpu.memory_space<vmem_shared>>) dst(%dma_wait3A_89 : memref<128x128xf32, #tpu.memory_space<vmem>>)
      tpu.yield
    }) : () -> ()
    %add3A_63 = arith.addi %mul3A_45, %mul3A_0 : i32
    %add3A_64 = arith.constant 384 : i32
    %add3A_65 = arith.addi %add3A_63, %add3A_64 : i32
    "tpu.region"() ({
      %run_scoped3A_71 = tpu.sem_alloc : memref<!tpu.dma_semaphore, #tpu.memory_space<semaphore_mem>>
      %dma_start3A_72 = arith.constant 0 : i32
      %dma_start3A_73 = arith.constant 0 : i32
      %dma_start3A_74 = tpu.memref_slice %arg8[%dma_start3A_72, %dma_start3A_73] : memref<128x128xf32, #tpu.memory_space<vmem>> -> memref<128x128xf32, #tpu.memory_space<vmem>>
      %dma_start3A_75 = arith.constant 0 : i32
      %dma_start3A_76 = tpu.memref_slice %arg5[%add3A_65, %dma_start3A_75] : memref<20224x128xf32, #tpu.memory_space<hbm>> -> memref<128x128xf32, #tpu.memory_space<hbm>>
      %dma_start3A_77 = arith.constant 0 : i32
      %dma_start3A_78 = tpu.memref_slice %arg5[%add3A_65, %dma_start3A_77] : memref<20224x128xf32, #tpu.memory_space<hbm>> -> memref<128x128xf32, #tpu.memory_space<hbm>>
      %dma_start3A_79 = arith.constant 0 : i32
      %dma_start3A_80 = arith.constant 0 : i32
      %dma_start3A_81 = tpu.memref_slice %arg8[%dma_start3A_79, %dma_start3A_80] : memref<128x128xf32, #tpu.memory_space<vmem>> -> memref<128x128xf32, #tpu.memory_space<vmem>>
      tpu.enqueue_dma source(%dma_start3A_81 : memref<128x128xf32, #tpu.memory_space<vmem>>) target(%dma_start3A_78 : memref<128x128xf32, #tpu.memory_space<hbm>>) target_semaphore(%run_scoped3A_71 : memref<!tpu.dma_semaphore, #tpu.memory_space<semaphore_mem>>)
      %dma_wait3A_82 = arith.constant 0 : i32
      %dma_wait3A_83 = arith.constant 0 : i32
      %dma_wait3A_84 = tpu.memref_slice %arg8[%dma_wait3A_82, %dma_wait3A_83] : memref<128x128xf32, #tpu.memory_space<vmem>> -> memref<128x128xf32, #tpu.memory_space<vmem>>
      %dma_wait3A_85 = arith.constant 0 : i32
      %dma_wait3A_86 = tpu.memref_slice %arg5[%add3A_65, %dma_wait3A_85] : memref<20224x128xf32, #tpu.memory_space<hbm>> -> memref<128x128xf32, #tpu.memory_space<hbm>>
      %dma_wait3A_87 = arith.constant 0 : i32
      %dma_wait3A_88 = tpu.memref_slice %arg5[%add3A_65, %dma_wait3A_87] : memref<20224x128xf32, #tpu.memory_space<hbm>> -> memref<128x128xf32, #tpu.memory_space<hbm>>
      %dma_wait3A_89 = arith.constant 0 : i32
      %dma_wait3A_90 = arith.constant 0 : i32
      %dma_wait3A_91 = tpu.memref_slice %arg8[%dma_wait3A_89, %dma_wait3A_90] : memref<128x128xf32, #tpu.memory_space<vmem>> -> memref<128x128xf32, #tpu.memory_space<vmem>>
      tpu.wait_dma2 semaphore(%run_scoped3A_71 : memref<!tpu.dma_semaphore, #tpu.memory_space<semaphore_mem>>) src(%dma_wait3A_91 : memref<128x128xf32, #tpu.memory_space<vmem>>) dst(%dma_wait3A_88 : memref<128x128xf32, #tpu.memory_space<hbm>>)
      tpu.yield
    }) : () -> ()
    %add3A_66 = arith.constant 512 : i32
    %add3A_67 = arith.addi %mul3A_0, %add3A_66 : i32
    "tpu.region"() ({
      %run_scoped3A_71 = tpu.sem_alloc : memref<!tpu.dma_semaphore, #tpu.memory_space<semaphore_mem>>
      %dma_start3A_72 = arith.constant 0 : i32
      %dma_start3A_73 = arith.constant 0 : i32
      %dma_start3A_74 = tpu.memref_slice %arg8[%dma_start3A_72, %dma_start3A_73] : memref<128x128xf32, #tpu.memory_space<vmem>> -> memref<120x128xf32, #tpu.memory_space<vmem>>
      %dma_start3A_75 = arith.constant 0 : i32
      %dma_start3A_76 = tpu.memref_slice %arg10[%add3A_67, %dma_start3A_75] : memref<10112x128xf32, #tpu.memory_space<vmem_shared>> -> memref<120x128xf32, #tpu.memory_space<vmem_shared>>
      %dma_start3A_77 = arith.constant 0 : i32
      %dma_start3A_78 = arith.constant 0 : i32
      %dma_start3A_79 = tpu.memref_slice %arg8[%dma_start3A_77, %dma_start3A_78] : memref<128x128xf32, #tpu.memory_space<vmem>> -> memref<120x128xf32, #tpu.memory_space<vmem>>
      %dma_start3A_80 = arith.constant 0 : i32
      %dma_start3A_81 = tpu.memref_slice %arg10[%add3A_67, %dma_start3A_80] : memref<10112x128xf32, #tpu.memory_space<vmem_shared>> -> memref<120x128xf32, #tpu.memory_space<vmem_shared>>
      tpu.enqueue_dma source(%dma_start3A_81 : memref<120x128xf32, #tpu.memory_space<vmem_shared>>) target(%dma_start3A_79 : memref<120x128xf32, #tpu.memory_space<vmem>>) target_semaphore(%run_scoped3A_71 : memref<!tpu.dma_semaphore, #tpu.memory_space<semaphore_mem>>)
      %dma_wait3A_82 = arith.constant 0 : i32
      %dma_wait3A_83 = arith.constant 0 : i32
      %dma_wait3A_84 = tpu.memref_slice %arg8[%dma_wait3A_82, %dma_wait3A_83] : memref<128x128xf32, #tpu.memory_space<vmem>> -> memref<120x128xf32, #tpu.memory_space<vmem>>
      %dma_wait3A_85 = arith.constant 0 : i32
      %dma_wait3A_86 = tpu.memref_slice %arg10[%add3A_67, %dma_wait3A_85] : memref<10112x128xf32, #tpu.memory_space<vmem_shared>> -> memref<120x128xf32, #tpu.memory_space<vmem_shared>>
      %dma_wait3A_87 = arith.constant 0 : i32
      %dma_wait3A_88 = arith.constant 0 : i32
      %dma_wait3A_89 = tpu.memref_slice %arg8[%dma_wait3A_87, %dma_wait3A_88] : memref<128x128xf32, #tpu.memory_space<vmem>> -> memref<120x128xf32, #tpu.memory_space<vmem>>
      %dma_wait3A_90 = arith.constant 0 : i32
      %dma_wait3A_91 = tpu.memref_slice %arg10[%add3A_67, %dma_wait3A_90] : memref<10112x128xf32, #tpu.memory_space<vmem_shared>> -> memref<120x128xf32, #tpu.memory_space<vmem_shared>>
      tpu.wait_dma2 semaphore(%run_scoped3A_71 : memref<!tpu.dma_semaphore, #tpu.memory_space<semaphore_mem>>) src(%dma_wait3A_91 : memref<120x128xf32, #tpu.memory_space<vmem_shared>>) dst(%dma_wait3A_89 : memref<120x128xf32, #tpu.memory_space<vmem>>)
      tpu.yield
    }) : () -> ()
    %add3A_68 = arith.addi %mul3A_45, %mul3A_0 : i32
    %add3A_69 = arith.constant 512 : i32
    %add3A_70 = arith.addi %add3A_68, %add3A_69 : i32
    "tpu.region"() ({
      %run_scoped3A_71 = tpu.sem_alloc : memref<!tpu.dma_semaphore, #tpu.memory_space<semaphore_mem>>
      %dma_start3A_72 = arith.constant 0 : i32
      %dma_start3A_73 = arith.constant 0 : i32
      %dma_start3A_74 = tpu.memref_slice %arg8[%dma_start3A_72, %dma_start3A_73] : memref<128x128xf32, #tpu.memory_space<vmem>> -> memref<120x128xf32, #tpu.memory_space<vmem>>
      %dma_start3A_75 = arith.constant 0 : i32
      %dma_start3A_76 = tpu.memref_slice %arg5[%add3A_70, %dma_start3A_75] : memref<20224x128xf32, #tpu.memory_space<hbm>> -> memref<120x128xf32, #tpu.memory_space<hbm>>
      %dma_start3A_77 = arith.constant 0 : i32
      %dma_start3A_78 = tpu.memref_slice %arg5[%add3A_70, %dma_start3A_77] : memref<20224x128xf32, #tpu.memory_space<hbm>> -> memref<120x128xf32, #tpu.memory_space<hbm>>
      %dma_start3A_79 = arith.constant 0 : i32
      %dma_start3A_80 = arith.constant 0 : i32
      %dma_start3A_81 = tpu.memref_slice %arg8[%dma_start3A_79, %dma_start3A_80] : memref<128x128xf32, #tpu.memory_space<vmem>> -> memref<120x128xf32, #tpu.memory_space<vmem>>
      tpu.enqueue_dma source(%dma_start3A_81 : memref<120x128xf32, #tpu.memory_space<vmem>>) target(%dma_start3A_78 : memref<120x128xf32, #tpu.memory_space<hbm>>) target_semaphore(%run_scoped3A_71 : memref<!tpu.dma_semaphore, #tpu.memory_space<semaphore_mem>>)
      %dma_wait3A_82 = arith.constant 0 : i32
      %dma_wait3A_83 = arith.constant 0 : i32
      %dma_wait3A_84 = tpu.memref_slice %arg8[%dma_wait3A_82, %dma_wait3A_83] : memref<128x128xf32, #tpu.memory_space<vmem>> -> memref<120x128xf32, #tpu.memory_space<vmem>>
      %dma_wait3A_85 = arith.constant 0 : i32
      %dma_wait3A_86 = tpu.memref_slice %arg5[%add3A_70, %dma_wait3A_85] : memref<20224x128xf32, #tpu.memory_space<hbm>> -> memref<120x128xf32, #tpu.memory_space<hbm>>
      %dma_wait3A_87 = arith.constant 0 : i32
      %dma_wait3A_88 = tpu.memref_slice %arg5[%add3A_70, %dma_wait3A_87] : memref<20224x128xf32, #tpu.memory_space<hbm>> -> memref<120x128xf32, #tpu.memory_space<hbm>>
      %dma_wait3A_89 = arith.constant 0 : i32
      %dma_wait3A_90 = arith.constant 0 : i32
      %dma_wait3A_91 = tpu.memref_slice %arg8[%dma_wait3A_89, %dma_wait3A_90] : memref<128x128xf32, #tpu.memory_space<vmem>> -> memref<120x128xf32, #tpu.memory_space<vmem>>
      tpu.wait_dma2 semaphore(%run_scoped3A_71 : memref<!tpu.dma_semaphore, #tpu.memory_space<semaphore_mem>>) src(%dma_wait3A_91 : memref<120x128xf32, #tpu.memory_space<vmem>>) dst(%dma_wait3A_88 : memref<120x128xf32, #tpu.memory_space<hbm>>)
      tpu.yield
    }) : () -> ()
    return
  }
}

#map = affine_map<(d0, d1) -> (0, 0)>
#map1 = affine_map<(d0, d1) -> (0, 0, 0)>
module attributes {stable_mosaic.version = 14 : i64} {
  func.func @_pred_sc(%arg0: i32, %arg1: i32, %arg2: memref<10000x256xf32, #tpu.memory_space<hbm>>, %arg3: memref<10000x256xf32, #tpu.memory_space<hbm>>, %arg4: memref<32x10x128xi32, #tpu.memory_space<hbm>>, %arg5: memref<32x10x128xi32, #tpu.memory_space<hbm>>, %arg6: memref<40960x16xf32, #tpu.memory_space<hbm>>, %arg7: memref<10x128xi32, #tpu.memory_space<vmem>>, %arg8: memref<10x128xi32, #tpu.memory_space<vmem>>, %arg9: memref<128x256xf32, #tpu.memory_space<vmem>>, %arg10: memref<128x256xf32, #tpu.memory_space<vmem>>, %arg11: memref<128x16xf32, #tpu.memory_space<vmem>>, %arg12: memref<!tpu.dma_semaphore, #tpu.memory_space<semaphore_mem>>) attributes {dimension_semantics = [#tpu.dimension_semantics<core_parallel>, #tpu.dimension_semantics<subcore_parallel>], iteration_bounds = array<i64: 2, 16>, scalar_prefetch = 0 : i64, scratch_operands = 6 : i64, tpu.core_type = #tpu.core_type<sc_vector_subcore>, window_params = [{transform_indices = #map}, {transform_indices = #map}, {transform_indices = #map1}, {transform_indices = #map1}, {transform_indices = #map}]} {
    %mul3A = arith.constant 16 : i32
    %mul3A_0 = arith.muli %arg0, %mul3A : i32
    %add3A = arith.addi %mul3A_0, %arg1 : i32
    "tpu.region"() ({
      %run_scoped3A = tpu.sem_alloc : memref<!tpu.dma_semaphore, #tpu.memory_space<semaphore_mem>>
      %dma_start3A = arith.constant 0 : i32
      %dma_start3A_6 = arith.constant 0 : i32
      %dma_start3A_7 = tpu.memref_slice %arg4[%add3A, %dma_start3A, %dma_start3A_6] : memref<32x10x128xi32, #tpu.memory_space<hbm>> -> memref<1x10x128xi32, #tpu.memory_space<hbm>>
      %dma_start3A_8 = tpu.memref_squeeze %dma_start3A_7 : memref<1x10x128xi32, #tpu.memory_space<hbm>> -> memref<10x128xi32, #tpu.memory_space<hbm>>
      %dma_start3A_9 = arith.constant 0 : i32
      %dma_start3A_10 = arith.constant 0 : i32
      %dma_start3A_11 = tpu.memref_slice %arg4[%add3A, %dma_start3A_9, %dma_start3A_10] : memref<32x10x128xi32, #tpu.memory_space<hbm>> -> memref<1x10x128xi32, #tpu.memory_space<hbm>>
      %dma_start3A_12 = tpu.memref_squeeze %dma_start3A_11 : memref<1x10x128xi32, #tpu.memory_space<hbm>> -> memref<10x128xi32, #tpu.memory_space<hbm>>
      tpu.enqueue_dma source(%dma_start3A_12 : memref<10x128xi32, #tpu.memory_space<hbm>>) target(%arg7 : memref<10x128xi32, #tpu.memory_space<vmem>>) target_semaphore(%run_scoped3A : memref<!tpu.dma_semaphore, #tpu.memory_space<semaphore_mem>>)
      %dma_wait3A = arith.constant 0 : i32
      %dma_wait3A_13 = arith.constant 0 : i32
      %dma_wait3A_14 = tpu.memref_slice %arg4[%add3A, %dma_wait3A, %dma_wait3A_13] : memref<32x10x128xi32, #tpu.memory_space<hbm>> -> memref<1x10x128xi32, #tpu.memory_space<hbm>>
      %dma_wait3A_15 = tpu.memref_squeeze %dma_wait3A_14 : memref<1x10x128xi32, #tpu.memory_space<hbm>> -> memref<10x128xi32, #tpu.memory_space<hbm>>
      %dma_wait3A_16 = arith.constant 0 : i32
      %dma_wait3A_17 = arith.constant 0 : i32
      %dma_wait3A_18 = tpu.memref_slice %arg4[%add3A, %dma_wait3A_16, %dma_wait3A_17] : memref<32x10x128xi32, #tpu.memory_space<hbm>> -> memref<1x10x128xi32, #tpu.memory_space<hbm>>
      %dma_wait3A_19 = tpu.memref_squeeze %dma_wait3A_18 : memref<1x10x128xi32, #tpu.memory_space<hbm>> -> memref<10x128xi32, #tpu.memory_space<hbm>>
      tpu.wait_dma2 semaphore(%run_scoped3A : memref<!tpu.dma_semaphore, #tpu.memory_space<semaphore_mem>>) src(%dma_wait3A_19 : memref<10x128xi32, #tpu.memory_space<hbm>>) dst(%arg7 : memref<10x128xi32, #tpu.memory_space<vmem>>)
      tpu.yield
    }) : () -> ()
    "tpu.region"() ({
      %run_scoped3A = tpu.sem_alloc : memref<!tpu.dma_semaphore, #tpu.memory_space<semaphore_mem>>
      %dma_start3A = arith.constant 0 : i32
      %dma_start3A_6 = arith.constant 0 : i32
      %dma_start3A_7 = tpu.memref_slice %arg5[%add3A, %dma_start3A, %dma_start3A_6] : memref<32x10x128xi32, #tpu.memory_space<hbm>> -> memref<1x10x128xi32, #tpu.memory_space<hbm>>
      %dma_start3A_8 = tpu.memref_squeeze %dma_start3A_7 : memref<1x10x128xi32, #tpu.memory_space<hbm>> -> memref<10x128xi32, #tpu.memory_space<hbm>>
      %dma_start3A_9 = arith.constant 0 : i32
      %dma_start3A_10 = arith.constant 0 : i32
      %dma_start3A_11 = tpu.memref_slice %arg5[%add3A, %dma_start3A_9, %dma_start3A_10] : memref<32x10x128xi32, #tpu.memory_space<hbm>> -> memref<1x10x128xi32, #tpu.memory_space<hbm>>
      %dma_start3A_12 = tpu.memref_squeeze %dma_start3A_11 : memref<1x10x128xi32, #tpu.memory_space<hbm>> -> memref<10x128xi32, #tpu.memory_space<hbm>>
      tpu.enqueue_dma source(%dma_start3A_12 : memref<10x128xi32, #tpu.memory_space<hbm>>) target(%arg8 : memref<10x128xi32, #tpu.memory_space<vmem>>) target_semaphore(%run_scoped3A : memref<!tpu.dma_semaphore, #tpu.memory_space<semaphore_mem>>)
      %dma_wait3A = arith.constant 0 : i32
      %dma_wait3A_13 = arith.constant 0 : i32
      %dma_wait3A_14 = tpu.memref_slice %arg5[%add3A, %dma_wait3A, %dma_wait3A_13] : memref<32x10x128xi32, #tpu.memory_space<hbm>> -> memref<1x10x128xi32, #tpu.memory_space<hbm>>
      %dma_wait3A_15 = tpu.memref_squeeze %dma_wait3A_14 : memref<1x10x128xi32, #tpu.memory_space<hbm>> -> memref<10x128xi32, #tpu.memory_space<hbm>>
      %dma_wait3A_16 = arith.constant 0 : i32
      %dma_wait3A_17 = arith.constant 0 : i32
      %dma_wait3A_18 = tpu.memref_slice %arg5[%add3A, %dma_wait3A_16, %dma_wait3A_17] : memref<32x10x128xi32, #tpu.memory_space<hbm>> -> memref<1x10x128xi32, #tpu.memory_space<hbm>>
      %dma_wait3A_19 = tpu.memref_squeeze %dma_wait3A_18 : memref<1x10x128xi32, #tpu.memory_space<hbm>> -> memref<10x128xi32, #tpu.memory_space<hbm>>
      tpu.wait_dma2 semaphore(%run_scoped3A : memref<!tpu.dma_semaphore, #tpu.memory_space<semaphore_mem>>) src(%dma_wait3A_19 : memref<10x128xi32, #tpu.memory_space<hbm>>) dst(%arg8 : memref<10x128xi32, #tpu.memory_space<vmem>>)
      tpu.yield
    }) : () -> ()
    %scan3A = arith.constant 0 : i32
    %scan3A_1 = arith.constant 0 : i32
    %scan3A_2 = arith.constant 10 : i32
    %scan3A_3 = arith.addi %scan3A_1, %scan3A_2 : i32
    %scan3A_4 = arith.constant 1 : i32
    scf.for %scan3A_6 = %scan3A_1 to %scan3A_3 step %scan3A_4  : i32 {
      %dma_start3A = arith.constant 0 : i32
      %dma_start3A_7 = tpu.memref_slice %arg7[%scan3A_6, %dma_start3A] : memref<10x128xi32, #tpu.memory_space<vmem>> -> memref<1x128xi32, #tpu.memory_space<vmem>>
      %dma_start3A_8 = tpu.memref_squeeze %dma_start3A_7 : memref<1x128xi32, #tpu.memory_space<vmem>> -> memref<128xi32, #tpu.memory_space<vmem>>
      %dma_start3A_9 = arith.constant 0 : i32
      %dma_start3A_10 = arith.constant 0 : i32
      %dma_start3A_11 = tpu.memref_slice %arg2[%dma_start3A_9, %dma_start3A_10] : memref<10000x256xf32, #tpu.memory_space<hbm>> -> memref<10000x256xf32, #tpu.memory_space<hbm>>
      tpu.enqueue_indirect_dma source(%dma_start3A_11 : memref<10000x256xf32, #tpu.memory_space<hbm>>) target(%arg9 : memref<128x256xf32, #tpu.memory_space<vmem>>) offsets(%dma_start3A_8 : memref<128xi32, #tpu.memory_space<vmem>>) semaphore(%arg12 : memref<!tpu.dma_semaphore, #tpu.memory_space<semaphore_mem>>)
      %dma_start3A_12 = arith.constant 0 : i32
      %dma_start3A_13 = tpu.memref_slice %arg8[%scan3A_6, %dma_start3A_12] : memref<10x128xi32, #tpu.memory_space<vmem>> -> memref<1x128xi32, #tpu.memory_space<vmem>>
      %dma_start3A_14 = tpu.memref_squeeze %dma_start3A_13 : memref<1x128xi32, #tpu.memory_space<vmem>> -> memref<128xi32, #tpu.memory_space<vmem>>
      %dma_start3A_15 = arith.constant 0 : i32
      %dma_start3A_16 = arith.constant 0 : i32
      %dma_start3A_17 = tpu.memref_slice %arg3[%dma_start3A_15, %dma_start3A_16] : memref<10000x256xf32, #tpu.memory_space<hbm>> -> memref<10000x256xf32, #tpu.memory_space<hbm>>
      tpu.enqueue_indirect_dma source(%dma_start3A_17 : memref<10000x256xf32, #tpu.memory_space<hbm>>) target(%arg10 : memref<128x256xf32, #tpu.memory_space<vmem>>) offsets(%dma_start3A_14 : memref<128xi32, #tpu.memory_space<vmem>>) semaphore(%arg12 : memref<!tpu.dma_semaphore, #tpu.memory_space<semaphore_mem>>)
      %dma_wait3A = arith.constant 0 : i32
      %dma_wait3A_18 = tpu.memref_slice %arg7[%scan3A_6, %dma_wait3A] : memref<10x128xi32, #tpu.memory_space<vmem>> -> memref<1x128xi32, #tpu.memory_space<vmem>>
      %dma_wait3A_19 = tpu.memref_squeeze %dma_wait3A_18 : memref<1x128xi32, #tpu.memory_space<vmem>> -> memref<128xi32, #tpu.memory_space<vmem>>
      %dma_wait3A_20 = arith.constant 0 : i32
      %dma_wait3A_21 = arith.constant 0 : i32
      %dma_wait3A_22 = tpu.memref_slice %arg2[%dma_wait3A_20, %dma_wait3A_21] : memref<10000x256xf32, #tpu.memory_space<hbm>> -> memref<10000x256xf32, #tpu.memory_space<hbm>>
      tpu.wait_indirect_dma semaphore(%arg12 : memref<!tpu.dma_semaphore, #tpu.memory_space<semaphore_mem>>) src(%dma_wait3A_22 : memref<10000x256xf32, #tpu.memory_space<hbm>>) dst(%arg9 : memref<128x256xf32, #tpu.memory_space<vmem>>)
      %dma_wait3A_23 = arith.constant 0 : i32
      %dma_wait3A_24 = tpu.memref_slice %arg8[%scan3A_6, %dma_wait3A_23] : memref<10x128xi32, #tpu.memory_space<vmem>> -> memref<1x128xi32, #tpu.memory_space<vmem>>
      %dma_wait3A_25 = tpu.memref_squeeze %dma_wait3A_24 : memref<1x128xi32, #tpu.memory_space<vmem>> -> memref<128xi32, #tpu.memory_space<vmem>>
      %dma_wait3A_26 = arith.constant 0 : i32
      %dma_wait3A_27 = arith.constant 0 : i32
      %dma_wait3A_28 = tpu.memref_slice %arg3[%dma_wait3A_26, %dma_wait3A_27] : memref<10000x256xf32, #tpu.memory_space<hbm>> -> memref<10000x256xf32, #tpu.memory_space<hbm>>
      tpu.wait_indirect_dma semaphore(%arg12 : memref<!tpu.dma_semaphore, #tpu.memory_space<semaphore_mem>>) src(%dma_wait3A_28 : memref<10000x256xf32, #tpu.memory_space<hbm>>) dst(%arg10 : memref<128x256xf32, #tpu.memory_space<vmem>>)
      %scan3A_29 = arith.constant 0 : i32
      %scan3A_30 = arith.constant 0 : i32
      %scan3A_31 = arith.constant 128 : i32
      %scan3A_32 = arith.addi %scan3A_30, %scan3A_31 : i32
      %scan3A_33 = arith.constant 1 : i32
      scf.for %scan3A_40 = %scan3A_30 to %scan3A_32 step %scan3A_33  : i32 {
        %get3A = arith.index_cast %scan3A_40 : i32 to index
        %get3A_41 = arith.constant 0 : index
        %get3A_42 = tpu.vector_load %arg9[%get3A, %get3A_41] {strides = array<i32>} : memref<128x256xf32, #tpu.memory_space<vmem>>, vector<1x16xf32>,
        %get3A_43 = vector.shape_cast %get3A_42 : vector<1x16xf32> to vector<16xf32>
        %get3A_44 = arith.index_cast %scan3A_40 : i32 to index
        %get3A_45 = arith.constant 0 : index
        %get3A_46 = tpu.vector_load %arg10[%get3A_44, %get3A_45] {strides = array<i32>} : memref<128x256xf32, #tpu.memory_space<vmem>>, vector<1x16xf32>,
        %get3A_47 = vector.shape_cast %get3A_46 : vector<1x16xf32> to vector<16xf32>
        %mul3A_48 = arith.mulf %get3A_43, %get3A_47 : vector<16xf32>
        %get3A_49 = arith.index_cast %scan3A_40 : i32 to index
        %get3A_50 = arith.constant 16 : index
        %get3A_51 = tpu.vector_load %arg9[%get3A_49, %get3A_50] {strides = array<i32>} : memref<128x256xf32, #tpu.memory_space<vmem>>, vector<1x16xf32>,
        %get3A_52 = vector.shape_cast %get3A_51 : vector<1x16xf32> to vector<16xf32>
        %get3A_53 = arith.index_cast %scan3A_40 : i32 to index
        %get3A_54 = arith.constant 16 : index
        %get3A_55 = tpu.vector_load %arg10[%get3A_53, %get3A_54] {strides = array<i32>} : memref<128x256xf32, #tpu.memory_space<vmem>>, vector<1x16xf32>,
        %get3A_56 = vector.shape_cast %get3A_55 : vector<1x16xf32> to vector<16xf32>
        %mul3A_57 = arith.mulf %get3A_52, %get3A_56 : vector<16xf32>
        %add3A_58 = arith.addf %mul3A_48, %mul3A_57 : vector<16xf32>
        %get3A_59 = arith.index_cast %scan3A_40 : i32 to index
        %get3A_60 = arith.constant 32 : index
        %get3A_61 = tpu.vector_load %arg9[%get3A_59, %get3A_60] {strides = array<i32>} : memref<128x256xf32, #tpu.memory_space<vmem>>, vector<1x16xf32>,
        %get3A_62 = vector.shape_cast %get3A_61 : vector<1x16xf32> to vector<16xf32>
        %get3A_63 = arith.index_cast %scan3A_40 : i32 to index
        %get3A_64 = arith.constant 32 : index
        %get3A_65 = tpu.vector_load %arg10[%get3A_63, %get3A_64] {strides = array<i32>} : memref<128x256xf32, #tpu.memory_space<vmem>>, vector<1x16xf32>,
        %get3A_66 = vector.shape_cast %get3A_65 : vector<1x16xf32> to vector<16xf32>
        %mul3A_67 = arith.mulf %get3A_62, %get3A_66 : vector<16xf32>
        %add3A_68 = arith.addf %add3A_58, %mul3A_67 : vector<16xf32>
        %get3A_69 = arith.index_cast %scan3A_40 : i32 to index
        %get3A_70 = arith.constant 48 : index
        %get3A_71 = tpu.vector_load %arg9[%get3A_69, %get3A_70] {strides = array<i32>} : memref<128x256xf32, #tpu.memory_space<vmem>>, vector<1x16xf32>,
        %get3A_72 = vector.shape_cast %get3A_71 : vector<1x16xf32> to vector<16xf32>
        %get3A_73 = arith.index_cast %scan3A_40 : i32 to index
        %get3A_74 = arith.constant 48 : index
        %get3A_75 = tpu.vector_load %arg10[%get3A_73, %get3A_74] {strides = array<i32>} : memref<128x256xf32, #tpu.memory_space<vmem>>, vector<1x16xf32>,
        %get3A_76 = vector.shape_cast %get3A_75 : vector<1x16xf32> to vector<16xf32>
        %mul3A_77 = arith.mulf %get3A_72, %get3A_76 : vector<16xf32>
        %add3A_78 = arith.addf %add3A_68, %mul3A_77 : vector<16xf32>
        %get3A_79 = arith.index_cast %scan3A_40 : i32 to index
        %get3A_80 = arith.constant 64 : index
        %get3A_81 = tpu.vector_load %arg9[%get3A_79, %get3A_80] {strides = array<i32>} : memref<128x256xf32, #tpu.memory_space<vmem>>, vector<1x16xf32>,
        %get3A_82 = vector.shape_cast %get3A_81 : vector<1x16xf32> to vector<16xf32>
        %get3A_83 = arith.index_cast %scan3A_40 : i32 to index
        %get3A_84 = arith.constant 64 : index
        %get3A_85 = tpu.vector_load %arg10[%get3A_83, %get3A_84] {strides = array<i32>} : memref<128x256xf32, #tpu.memory_space<vmem>>, vector<1x16xf32>,
        %get3A_86 = vector.shape_cast %get3A_85 : vector<1x16xf32> to vector<16xf32>
        %mul3A_87 = arith.mulf %get3A_82, %get3A_86 : vector<16xf32>
        %add3A_88 = arith.addf %add3A_78, %mul3A_87 : vector<16xf32>
        %get3A_89 = arith.index_cast %scan3A_40 : i32 to index
        %get3A_90 = arith.constant 80 : index
        %get3A_91 = tpu.vector_load %arg9[%get3A_89, %get3A_90] {strides = array<i32>} : memref<128x256xf32, #tpu.memory_space<vmem>>, vector<1x16xf32>,
        %get3A_92 = vector.shape_cast %get3A_91 : vector<1x16xf32> to vector<16xf32>
        %get3A_93 = arith.index_cast %scan3A_40 : i32 to index
        %get3A_94 = arith.constant 80 : index
        %get3A_95 = tpu.vector_load %arg10[%get3A_93, %get3A_94] {strides = array<i32>} : memref<128x256xf32, #tpu.memory_space<vmem>>, vector<1x16xf32>,
        %get3A_96 = vector.shape_cast %get3A_95 : vector<1x16xf32> to vector<16xf32>
        %mul3A_97 = arith.mulf %get3A_92, %get3A_96 : vector<16xf32>
        %add3A_98 = arith.addf %add3A_88, %mul3A_97 : vector<16xf32>
        %get3A_99 = arith.index_cast %scan3A_40 : i32 to index
        %get3A_100 = arith.constant 96 : index
        %get3A_101 = tpu.vector_load %arg9[%get3A_99, %get3A_100] {strides = array<i32>} : memref<128x256xf32, #tpu.memory_space<vmem>>, vector<1x16xf32>,
        %get3A_102 = vector.shape_cast %get3A_101 : vector<1x16xf32> to vector<16xf32>
        %get3A_103 = arith.index_cast %scan3A_40 : i32 to index
        %get3A_104 = arith.constant 96 : index
        %get3A_105 = tpu.vector_load %arg10[%get3A_103, %get3A_104] {strides = array<i32>} : memref<128x256xf32, #tpu.memory_space<vmem>>, vector<1x16xf32>,
        %get3A_106 = vector.shape_cast %get3A_105 : vector<1x16xf32> to vector<16xf32>
        %mul3A_107 = arith.mulf %get3A_102, %get3A_106 : vector<16xf32>
        %add3A_108 = arith.addf %add3A_98, %mul3A_107 : vector<16xf32>
        %get3A_109 = arith.index_cast %scan3A_40 : i32 to index
        %get3A_110 = arith.constant 112 : index
        %get3A_111 = tpu.vector_load %arg9[%get3A_109, %get3A_110] {strides = array<i32>} : memref<128x256xf32, #tpu.memory_space<vmem>>, vector<1x16xf32>,
        %get3A_112 = vector.shape_cast %get3A_111 : vector<1x16xf32> to vector<16xf32>
        %get3A_113 = arith.index_cast %scan3A_40 : i32 to index
        %get3A_114 = arith.constant 112 : index
        %get3A_115 = tpu.vector_load %arg10[%get3A_113, %get3A_114] {strides = array<i32>} : memref<128x256xf32, #tpu.memory_space<vmem>>, vector<1x16xf32>,
        %get3A_116 = vector.shape_cast %get3A_115 : vector<1x16xf32> to vector<16xf32>
        %mul3A_117 = arith.mulf %get3A_112, %get3A_116 : vector<16xf32>
        %add3A_118 = arith.addf %add3A_108, %mul3A_117 : vector<16xf32>
        %get3A_119 = arith.index_cast %scan3A_40 : i32 to index
        %get3A_120 = arith.constant 128 : index
        %get3A_121 = tpu.vector_load %arg9[%get3A_119, %get3A_120] {strides = array<i32>} : memref<128x256xf32, #tpu.memory_space<vmem>>, vector<1x16xf32>,
        %get3A_122 = vector.shape_cast %get3A_121 : vector<1x16xf32> to vector<16xf32>
        %get3A_123 = arith.index_cast %scan3A_40 : i32 to index
        %get3A_124 = arith.constant 128 : index
        %get3A_125 = tpu.vector_load %arg10[%get3A_123, %get3A_124] {strides = array<i32>} : memref<128x256xf32, #tpu.memory_space<vmem>>, vector<1x16xf32>,
        %get3A_126 = vector.shape_cast %get3A_125 : vector<1x16xf32> to vector<16xf32>
        %mul3A_127 = arith.mulf %get3A_122, %get3A_126 : vector<16xf32>
        %add3A_128 = arith.addf %add3A_118, %mul3A_127 : vector<16xf32>
        %get3A_129 = arith.index_cast %scan3A_40 : i32 to index
        %get3A_130 = arith.constant 144 : index
        %get3A_131 = tpu.vector_load %arg9[%get3A_129, %get3A_130] {strides = array<i32>} : memref<128x256xf32, #tpu.memory_space<vmem>>, vector<1x16xf32>,
        %get3A_132 = vector.shape_cast %get3A_131 : vector<1x16xf32> to vector<16xf32>
        %get3A_133 = arith.index_cast %scan3A_40 : i32 to index
        %get3A_134 = arith.constant 144 : index
        %get3A_135 = tpu.vector_load %arg10[%get3A_133, %get3A_134] {strides = array<i32>} : memref<128x256xf32, #tpu.memory_space<vmem>>, vector<1x16xf32>,
        %get3A_136 = vector.shape_cast %get3A_135 : vector<1x16xf32> to vector<16xf32>
        %mul3A_137 = arith.mulf %get3A_132, %get3A_136 : vector<16xf32>
        %add3A_138 = arith.addf %add3A_128, %mul3A_137 : vector<16xf32>
        %get3A_139 = arith.index_cast %scan3A_40 : i32 to index
        %get3A_140 = arith.constant 160 : index
        %get3A_141 = tpu.vector_load %arg9[%get3A_139, %get3A_140] {strides = array<i32>} : memref<128x256xf32, #tpu.memory_space<vmem>>, vector<1x16xf32>,
        %get3A_142 = vector.shape_cast %get3A_141 : vector<1x16xf32> to vector<16xf32>
        %get3A_143 = arith.index_cast %scan3A_40 : i32 to index
        %get3A_144 = arith.constant 160 : index
        %get3A_145 = tpu.vector_load %arg10[%get3A_143, %get3A_144] {strides = array<i32>} : memref<128x256xf32, #tpu.memory_space<vmem>>, vector<1x16xf32>,
        %get3A_146 = vector.shape_cast %get3A_145 : vector<1x16xf32> to vector<16xf32>
        %mul3A_147 = arith.mulf %get3A_142, %get3A_146 : vector<16xf32>
        %add3A_148 = arith.addf %add3A_138, %mul3A_147 : vector<16xf32>
        %get3A_149 = arith.index_cast %scan3A_40 : i32 to index
        %get3A_150 = arith.constant 176 : index
        %get3A_151 = tpu.vector_load %arg9[%get3A_149, %get3A_150] {strides = array<i32>} : memref<128x256xf32, #tpu.memory_space<vmem>>, vector<1x16xf32>,
        %get3A_152 = vector.shape_cast %get3A_151 : vector<1x16xf32> to vector<16xf32>
        %get3A_153 = arith.index_cast %scan3A_40 : i32 to index
        %get3A_154 = arith.constant 176 : index
        %get3A_155 = tpu.vector_load %arg10[%get3A_153, %get3A_154] {strides = array<i32>} : memref<128x256xf32, #tpu.memory_space<vmem>>, vector<1x16xf32>,
        %get3A_156 = vector.shape_cast %get3A_155 : vector<1x16xf32> to vector<16xf32>
        %mul3A_157 = arith.mulf %get3A_152, %get3A_156 : vector<16xf32>
        %add3A_158 = arith.addf %add3A_148, %mul3A_157 : vector<16xf32>
        %get3A_159 = arith.index_cast %scan3A_40 : i32 to index
        %get3A_160 = arith.constant 192 : index
        %get3A_161 = tpu.vector_load %arg9[%get3A_159, %get3A_160] {strides = array<i32>} : memref<128x256xf32, #tpu.memory_space<vmem>>, vector<1x16xf32>,
        %get3A_162 = vector.shape_cast %get3A_161 : vector<1x16xf32> to vector<16xf32>
        %get3A_163 = arith.index_cast %scan3A_40 : i32 to index
        %get3A_164 = arith.constant 192 : index
        %get3A_165 = tpu.vector_load %arg10[%get3A_163, %get3A_164] {strides = array<i32>} : memref<128x256xf32, #tpu.memory_space<vmem>>, vector<1x16xf32>,
        %get3A_166 = vector.shape_cast %get3A_165 : vector<1x16xf32> to vector<16xf32>
        %mul3A_167 = arith.mulf %get3A_162, %get3A_166 : vector<16xf32>
        %add3A_168 = arith.addf %add3A_158, %mul3A_167 : vector<16xf32>
        %get3A_169 = arith.index_cast %scan3A_40 : i32 to index
        %get3A_170 = arith.constant 208 : index
        %get3A_171 = tpu.vector_load %arg9[%get3A_169, %get3A_170] {strides = array<i32>} : memref<128x256xf32, #tpu.memory_space<vmem>>, vector<1x16xf32>,
        %get3A_172 = vector.shape_cast %get3A_171 : vector<1x16xf32> to vector<16xf32>
        %get3A_173 = arith.index_cast %scan3A_40 : i32 to index
        %get3A_174 = arith.constant 208 : index
        %get3A_175 = tpu.vector_load %arg10[%get3A_173, %get3A_174] {strides = array<i32>} : memref<128x256xf32, #tpu.memory_space<vmem>>, vector<1x16xf32>,
        %get3A_176 = vector.shape_cast %get3A_175 : vector<1x16xf32> to vector<16xf32>
        %mul3A_177 = arith.mulf %get3A_172, %get3A_176 : vector<16xf32>
        %add3A_178 = arith.addf %add3A_168, %mul3A_177 : vector<16xf32>
        %get3A_179 = arith.index_cast %scan3A_40 : i32 to index
        %get3A_180 = arith.constant 224 : index
        %get3A_181 = tpu.vector_load %arg9[%get3A_179, %get3A_180] {strides = array<i32>} : memref<128x256xf32, #tpu.memory_space<vmem>>, vector<1x16xf32>,
        %get3A_182 = vector.shape_cast %get3A_181 : vector<1x16xf32> to vector<16xf32>
        %get3A_183 = arith.index_cast %scan3A_40 : i32 to index
        %get3A_184 = arith.constant 224 : index
        %get3A_185 = tpu.vector_load %arg10[%get3A_183, %get3A_184] {strides = array<i32>} : memref<128x256xf32, #tpu.memory_space<vmem>>, vector<1x16xf32>,
        %get3A_186 = vector.shape_cast %get3A_185 : vector<1x16xf32> to vector<16xf32>
        %mul3A_187 = arith.mulf %get3A_182, %get3A_186 : vector<16xf32>
        %add3A_188 = arith.addf %add3A_178, %mul3A_187 : vector<16xf32>
        %get3A_189 = arith.index_cast %scan3A_40 : i32 to index
        %get3A_190 = arith.constant 240 : index
        %get3A_191 = tpu.vector_load %arg9[%get3A_189, %get3A_190] {strides = array<i32>} : memref<128x256xf32, #tpu.memory_space<vmem>>, vector<1x16xf32>,
        %get3A_192 = vector.shape_cast %get3A_191 : vector<1x16xf32> to vector<16xf32>
        %get3A_193 = arith.index_cast %scan3A_40 : i32 to index
        %get3A_194 = arith.constant 240 : index
        %get3A_195 = tpu.vector_load %arg10[%get3A_193, %get3A_194] {strides = array<i32>} : memref<128x256xf32, #tpu.memory_space<vmem>>, vector<1x16xf32>,
        %get3A_196 = vector.shape_cast %get3A_195 : vector<1x16xf32> to vector<16xf32>
        %mul3A_197 = arith.mulf %get3A_192, %get3A_196 : vector<16xf32>
        %add3A_198 = arith.addf %add3A_188, %mul3A_197 : vector<16xf32>
        %swap3A = arith.index_cast %scan3A_40 : i32 to index
        %swap3A_199 = arith.constant 0 : index
        %swap3A_200 = tpu.vector_load %arg11[%swap3A, %swap3A_199] {strides = array<i32>} : memref<128x16xf32, #tpu.memory_space<vmem>>, vector<1x16xf32>,
        %swap3A_201 = vector.shape_cast %swap3A_200 : vector<1x16xf32> to vector<16xf32>
        %swap3A_202 = vector.shape_cast %add3A_198 : vector<16xf32> to vector<1x16xf32>
        tpu.vector_store %arg11[%swap3A, %swap3A_199], %swap3A_202 {strides = array<i32>} : memref<128x16xf32, #tpu.memory_space<vmem>>, vector<1x16xf32>,
      }
      %scan3A_34 = arith.constant 128 : i32
      %mul3A_35 = arith.constant 1280 : i32
      %mul3A_36 = arith.muli %add3A, %mul3A_35 : i32
      %mul3A_37 = arith.constant 128 : i32
      %mul3A_38 = arith.muli %scan3A_6, %mul3A_37 : i32
      %add3A_39 = arith.addi %mul3A_36, %mul3A_38 : i32
      "tpu.region"() ({
        %run_scoped3A = tpu.sem_alloc : memref<!tpu.dma_semaphore, #tpu.memory_space<semaphore_mem>>
        %dma_start3A_40 = arith.constant 0 : i32
        %dma_start3A_41 = tpu.memref_slice %arg6[%add3A_39, %dma_start3A_40] : memref<40960x16xf32, #tpu.memory_space<hbm>> -> memref<128x16xf32, #tpu.memory_space<hbm>>
        %dma_start3A_42 = arith.constant 0 : i32
        %dma_start3A_43 = tpu.memref_slice %arg6[%add3A_39, %dma_start3A_42] : memref<40960x16xf32, #tpu.memory_space<hbm>> -> memref<128x16xf32, #tpu.memory_space<hbm>>
        tpu.enqueue_dma source(%arg11 : memref<128x16xf32, #tpu.memory_space<vmem>>) target(%dma_start3A_43 : memref<128x16xf32, #tpu.memory_space<hbm>>) target_semaphore(%run_scoped3A : memref<!tpu.dma_semaphore, #tpu.memory_space<semaphore_mem>>)
        %dma_wait3A_44 = arith.constant 0 : i32
        %dma_wait3A_45 = tpu.memref_slice %arg6[%add3A_39, %dma_wait3A_44] : memref<40960x16xf32, #tpu.memory_space<hbm>> -> memref<128x16xf32, #tpu.memory_space<hbm>>
        %dma_wait3A_46 = arith.constant 0 : i32
        %dma_wait3A_47 = tpu.memref_slice %arg6[%add3A_39, %dma_wait3A_46] : memref<40960x16xf32, #tpu.memory_space<hbm>> -> memref<128x16xf32, #tpu.memory_space<hbm>>
        tpu.wait_dma2 semaphore(%run_scoped3A : memref<!tpu.dma_semaphore, #tpu.memory_space<semaphore_mem>>) src(%arg11 : memref<128x16xf32, #tpu.memory_space<vmem>>) dst(%dma_wait3A_47 : memref<128x16xf32, #tpu.memory_space<hbm>>)
        tpu.yield
      }) : () -> ()
    }
    %scan3A_5 = arith.constant 10 : i32
    return
  }
}

module attributes {stable_mosaic.version = 14 : i64} {
  func.func @_mm_body(%arg0: i32, %arg1: memref<1000x1024xf32, #tpu.memory_space<vmem>>, %arg2: memref<1024x128xf32, #tpu.memory_space<vmem>>, %arg3: memref<1x128xf32, #tpu.memory_space<vmem>>, %arg4: memref<1000x128xf32, #tpu.memory_space<vmem>>) attributes {dimension_semantics = [#tpu.dimension_semantics<arbitrary>], iteration_bounds = array<i64: 5>, scalar_prefetch = 0 : i64, scratch_operands = 0 : i64, tpu.core_type = #tpu.core_type<tc>, window_params = [{transform_indices = @transform_0, window_bounds = array<i64: 1000, 1024>}, {pipeline_mode = #tpu.pipeline_mode<synchronous>, transform_indices = @transform_1, window_bounds = array<i64: 1024, 128>}, {pipeline_mode = #tpu.pipeline_mode<synchronous>, transform_indices = @transform_2, window_bounds = array<i64: 1, 128>}, {transform_indices = @transform_3, window_bounds = array<i64: 1000, 128>}]} {
    %get3A = arith.constant 0 : index
    %get3A_0 = arith.constant 0 : index
    %get3A_1 = vector.load %arg1[%get3A, %get3A_0] : memref<1000x1024xf32, #tpu.memory_space<vmem>>, vector<1000x1024xf32>
    %get3A_2 = arith.constant 0 : index
    %get3A_3 = arith.constant 0 : index
    %get3A_4 = vector.load %arg2[%get3A_2, %get3A_3] : memref<1024x128xf32, #tpu.memory_space<vmem>>, vector<1024x128xf32>
    %dot_general3A = arith.constant dense<0.000000e+00> : vector<1000x128xf32>
    %dot_general3A_5 = tpu.matmul %get3A_1, %get3A_4, %dot_general3A {dimension_numbers = #tpu.dot_dimension_numbers<[1], [0], [0], [1], [0, 0, 1, 1], [], []>, transpose_lhs_hint = false} : vector<1000x1024xf32>, vector<1024x128xf32>, vector<1000x128xf32> -> vector<1000x128xf32>
    %get3A_6 = arith.constant 0 : index
    %get3A_7 = arith.constant 0 : index
    %get3A_8 = vector.load %arg3[%get3A_6, %get3A_7] : memref<1x128xf32, #tpu.memory_space<vmem>>, vector<1x128xf32>
    %add3A = vector.broadcast %get3A_8 : vector<1x128xf32> to vector<1000x128xf32>
    %add3A_9 = arith.addf %dot_general3A_5, %add3A : vector<1000x128xf32>
    %swap3A = arith.constant 0 : index
    %swap3A_10 = arith.constant 0 : index
    %swap3A_11 = vector.load %arg4[%swap3A, %swap3A_10] : memref<1000x128xf32, #tpu.memory_space<vmem>>, vector<1000x128xf32>
    tpu.vector_store %arg4[%swap3A, %swap3A_10], %add3A_9 {strides = array<i32>} : memref<1000x128xf32, #tpu.memory_space<vmem>>, vector<1000x128xf32>,
    return
  }
  func.func @transform_0(%arg0: i32) -> (i32, i32) {
    %c0_i32 = arith.constant 0 : i32
    %c0_i32_0 = arith.constant 0 : i32
    return %arg0, %c0_i32 : i32, i32
  }
  func.func @transform_1(%arg0: i32) -> (i32, i32) {
    %c0_i32 = arith.constant 0 : i32
    %c0_i32_0 = arith.constant 0 : i32
    %c0_i32_1 = arith.constant 0 : i32
    return %c0_i32, %c0_i32_0 : i32, i32
  }
  func.func @transform_2(%arg0: i32) -> (i32, i32) {
    %c0_i32 = arith.constant 0 : i32
    %c0_i32_0 = arith.constant 0 : i32
    %c0_i32_1 = arith.constant 0 : i32
    return %c0_i32, %c0_i32_0 : i32, i32
  }
  func.func @transform_3(%arg0: i32) -> (i32, i32) {
    %c0_i32 = arith.constant 0 : i32
    %c0_i32_0 = arith.constant 0 : i32
    return %arg0, %c0_i32 : i32, i32
  }
}

module attributes {stable_mosaic.version = 14 : i64} {
  func.func @_mm_body(%arg0: i32, %arg1: memref<1000x512xf32, #tpu.memory_space<vmem>>, %arg2: memref<512x128xf32, #tpu.memory_space<vmem>>, %arg3: memref<1x128xf32, #tpu.memory_space<vmem>>, %arg4: memref<1000x128xf32, #tpu.memory_space<vmem>>) attributes {dimension_semantics = [#tpu.dimension_semantics<arbitrary>], iteration_bounds = array<i64: 5>, scalar_prefetch = 0 : i64, scratch_operands = 0 : i64, tpu.core_type = #tpu.core_type<tc>, window_params = [{transform_indices = @transform_0, window_bounds = array<i64: 1000, 512>}, {pipeline_mode = #tpu.pipeline_mode<synchronous>, transform_indices = @transform_1, window_bounds = array<i64: 512, 128>}, {pipeline_mode = #tpu.pipeline_mode<synchronous>, transform_indices = @transform_2, window_bounds = array<i64: 1, 128>}, {transform_indices = @transform_3, window_bounds = array<i64: 1000, 128>}]} {
    %get3A = arith.constant 0 : index
    %get3A_0 = arith.constant 0 : index
    %get3A_1 = vector.load %arg1[%get3A, %get3A_0] : memref<1000x512xf32, #tpu.memory_space<vmem>>, vector<1000x512xf32>
    %get3A_2 = arith.constant 0 : index
    %get3A_3 = arith.constant 0 : index
    %get3A_4 = vector.load %arg2[%get3A_2, %get3A_3] : memref<512x128xf32, #tpu.memory_space<vmem>>, vector<512x128xf32>
    %dot_general3A = arith.constant dense<0.000000e+00> : vector<1000x128xf32>
    %dot_general3A_5 = tpu.matmul %get3A_1, %get3A_4, %dot_general3A {dimension_numbers = #tpu.dot_dimension_numbers<[1], [0], [0], [1], [0, 0, 1, 1], [], []>, transpose_lhs_hint = false} : vector<1000x512xf32>, vector<512x128xf32>, vector<1000x128xf32> -> vector<1000x128xf32>
    %get3A_6 = arith.constant 0 : index
    %get3A_7 = arith.constant 0 : index
    %get3A_8 = vector.load %arg3[%get3A_6, %get3A_7] : memref<1x128xf32, #tpu.memory_space<vmem>>, vector<1x128xf32>
    %add3A = vector.broadcast %get3A_8 : vector<1x128xf32> to vector<1000x128xf32>
    %add3A_9 = arith.addf %dot_general3A_5, %add3A : vector<1000x128xf32>
    %swap3A = arith.constant 0 : index
    %swap3A_10 = arith.constant 0 : index
    %swap3A_11 = vector.load %arg4[%swap3A, %swap3A_10] : memref<1000x128xf32, #tpu.memory_space<vmem>>, vector<1000x128xf32>
    tpu.vector_store %arg4[%swap3A, %swap3A_10], %add3A_9 {strides = array<i32>} : memref<1000x128xf32, #tpu.memory_space<vmem>>, vector<1000x128xf32>,
    return
  }
  func.func @transform_0(%arg0: i32) -> (i32, i32) {
    %c0_i32 = arith.constant 0 : i32
    %c0_i32_0 = arith.constant 0 : i32
    return %arg0, %c0_i32 : i32, i32
  }
  func.func @transform_1(%arg0: i32) -> (i32, i32) {
    %c0_i32 = arith.constant 0 : i32
    %c0_i32_0 = arith.constant 0 : i32
    %c0_i32_1 = arith.constant 0 : i32
    return %c0_i32, %c0_i32_0 : i32, i32
  }
  func.func @transform_2(%arg0: i32) -> (i32, i32) {
    %c0_i32 = arith.constant 0 : i32
    %c0_i32_0 = arith.constant 0 : i32
    %c0_i32_1 = arith.constant 0 : i32
    return %c0_i32, %c0_i32_0 : i32, i32
  }
  func.func @transform_3(%arg0: i32) -> (i32, i32) {
    %c0_i32 = arith.constant 0 : i32
    %c0_i32_0 = arith.constant 0 : i32
    return %arg0, %c0_i32 : i32, i32
  }
}

module attributes {stable_mosaic.version = 14 : i64} {
  func.func @_mm_body(%arg0: i32, %arg1: memref<1000x1024xf32, #tpu.memory_space<vmem>>, %arg2: memref<1024x256xf32, #tpu.memory_space<vmem>>, %arg3: memref<1x256xf32, #tpu.memory_space<vmem>>, %arg4: memref<1000x256xf32, #tpu.memory_space<vmem>>) attributes {dimension_semantics = [#tpu.dimension_semantics<arbitrary>], iteration_bounds = array<i64: 5>, scalar_prefetch = 0 : i64, scratch_operands = 0 : i64, tpu.core_type = #tpu.core_type<tc>, window_params = [{transform_indices = @transform_0, window_bounds = array<i64: 1000, 1024>}, {pipeline_mode = #tpu.pipeline_mode<synchronous>, transform_indices = @transform_1, window_bounds = array<i64: 1024, 256>}, {pipeline_mode = #tpu.pipeline_mode<synchronous>, transform_indices = @transform_2, window_bounds = array<i64: 1, 256>}, {transform_indices = @transform_3, window_bounds = array<i64: 1000, 256>}]} {
    %get3A = arith.constant 0 : index
    %get3A_0 = arith.constant 0 : index
    %get3A_1 = vector.load %arg1[%get3A, %get3A_0] : memref<1000x1024xf32, #tpu.memory_space<vmem>>, vector<1000x1024xf32>
    %get3A_2 = arith.constant 0 : index
    %get3A_3 = arith.constant 0 : index
    %get3A_4 = vector.load %arg2[%get3A_2, %get3A_3] : memref<1024x256xf32, #tpu.memory_space<vmem>>, vector<1024x256xf32>
    %dot_general3A = arith.constant dense<0.000000e+00> : vector<1000x256xf32>
    %dot_general3A_5 = tpu.matmul %get3A_1, %get3A_4, %dot_general3A {dimension_numbers = #tpu.dot_dimension_numbers<[1], [0], [0], [1], [0, 0, 1, 1], [], []>, transpose_lhs_hint = false} : vector<1000x1024xf32>, vector<1024x256xf32>, vector<1000x256xf32> -> vector<1000x256xf32>
    %get3A_6 = arith.constant 0 : index
    %get3A_7 = arith.constant 0 : index
    %get3A_8 = vector.load %arg3[%get3A_6, %get3A_7] : memref<1x256xf32, #tpu.memory_space<vmem>>, vector<1x256xf32>
    %add3A = vector.broadcast %get3A_8 : vector<1x256xf32> to vector<1000x256xf32>
    %add3A_9 = arith.addf %dot_general3A_5, %add3A : vector<1000x256xf32>
    %swap3A = arith.constant 0 : index
    %swap3A_10 = arith.constant 0 : index
    %swap3A_11 = vector.load %arg4[%swap3A, %swap3A_10] : memref<1000x256xf32, #tpu.memory_space<vmem>>, vector<1000x256xf32>
    tpu.vector_store %arg4[%swap3A, %swap3A_10], %add3A_9 {strides = array<i32>} : memref<1000x256xf32, #tpu.memory_space<vmem>>, vector<1000x256xf32>,
    return
  }
  func.func @transform_0(%arg0: i32) -> (i32, i32) {
    %c0_i32 = arith.constant 0 : i32
    %c0_i32_0 = arith.constant 0 : i32
    return %arg0, %c0_i32 : i32, i32
  }
  func.func @transform_1(%arg0: i32) -> (i32, i32) {
    %c0_i32 = arith.constant 0 : i32
    %c0_i32_0 = arith.constant 0 : i32
    %c0_i32_1 = arith.constant 0 : i32
    return %c0_i32, %c0_i32_0 : i32, i32
  }
  func.func @transform_2(%arg0: i32) -> (i32, i32) {
    %c0_i32 = arith.constant 0 : i32
    %c0_i32_0 = arith.constant 0 : i32
    %c0_i32_1 = arith.constant 0 : i32
    return %c0_i32, %c0_i32_0 : i32, i32
  }
  func.func @transform_3(%arg0: i32) -> (i32, i32) {
    %c0_i32 = arith.constant 0 : i32
    %c0_i32_0 = arith.constant 0 : i32
    return %arg0, %c0_i32 : i32, i32
  }
}

module attributes {stable_mosaic.version = 14 : i64} {
  func.func @_z_body(%arg0: i32, %arg1: memref<1000x16xf32, #tpu.memory_space<vmem>>, %arg2: memref<16x16xf32, #tpu.memory_space<vmem>>, %arg3: memref<1x16xf32, #tpu.memory_space<vmem>>, %arg4: memref<1000x128xf32, #tpu.memory_space<vmem>>) attributes {dimension_semantics = [#tpu.dimension_semantics<arbitrary>], iteration_bounds = array<i64: 160>, scalar_prefetch = 0 : i64, scratch_operands = 0 : i64, tpu.core_type = #tpu.core_type<tc>, window_params = [{transform_indices = @transform_0, window_bounds = array<i64: 1000, 16>}, {pipeline_mode = #tpu.pipeline_mode<synchronous>, transform_indices = @transform_1, window_bounds = array<i64: 16, 16>}, {pipeline_mode = #tpu.pipeline_mode<synchronous>, transform_indices = @transform_2, window_bounds = array<i64: 1, 16>}, {transform_indices = @transform_3, window_bounds = array<i64: 1000, 128>}]} {
    %get3A = arith.constant 0 : index
    %get3A_0 = arith.constant 0 : index
    %get3A_1 = vector.load %arg1[%get3A, %get3A_0] : memref<1000x16xf32, #tpu.memory_space<vmem>>, vector<1000x16xf32>
    %get3A_2 = arith.constant 0 : index
    %get3A_3 = arith.constant 0 : index
    %get3A_4 = vector.load %arg2[%get3A_2, %get3A_3] : memref<16x16xf32, #tpu.memory_space<vmem>>, vector<16x16xf32>
    %dot_general3A = arith.constant dense<0.000000e+00> : vector<1000x16xf32>
    %dot_general3A_5 = tpu.matmul %get3A_1, %get3A_4, %dot_general3A {dimension_numbers = #tpu.dot_dimension_numbers<[1], [0], [0], [1], [0, 0, 1, 1], [], []>, transpose_lhs_hint = false} : vector<1000x16xf32>, vector<16x16xf32>, vector<1000x16xf32> -> vector<1000x16xf32>
    %get3A_6 = arith.constant 0 : index
    %get3A_7 = arith.constant 0 : index
    %get3A_8 = vector.load %arg3[%get3A_6, %get3A_7] : memref<1x16xf32, #tpu.memory_space<vmem>>, vector<1x16xf32>
    %add3A = vector.broadcast %get3A_8 : vector<1x16xf32> to vector<1000x16xf32>
    %add3A_9 = arith.addf %dot_general3A_5, %add3A : vector<1000x16xf32>
    %ge3A = arith.constant 0.000000e+00 : f32
    %ge3A_10 = vector.broadcast %ge3A : f32 to vector<1000x16xf32>
    %ge3A_11 = arith.cmpf oge, %add3A_9, %ge3A_10 : vector<1000x16xf32>
    %mul3A = arith.constant 0.00999999977 : f32
    %mul3A_12 = vector.broadcast %mul3A : f32 to vector<1000x16xf32>
    %mul3A_13 = arith.mulf %mul3A_12, %add3A_9 : vector<1000x16xf32>
    %select_n3A = arith.select %ge3A_11, %add3A_9, %mul3A_13 : vector<1000x16xi1>, vector<1000x16xf32>
    %broadcast_in_dim3A = arith.constant 1.000000e+00 : f32
    %broadcast_in_dim3A_14 = vector.broadcast %broadcast_in_dim3A : f32 to vector<1000x1xf32>
    %broadcast_in_dim3A_15 = arith.constant 0.000000e+00 : f32
    %broadcast_in_dim3A_16 = vector.broadcast %broadcast_in_dim3A_15 : f32 to vector<1000x111xf32>
    %concatenate3A = tpu.concatenate %select_n3A, %broadcast_in_dim3A_14, %broadcast_in_dim3A_16 in 1 : vector<1000x16xf32>, vector<1000x1xf32>, vector<1000x111xf32> -> vector<1000x128xf32>
    %swap3A = arith.constant 0 : index
    %swap3A_17 = arith.constant 0 : index
    %swap3A_18 = vector.load %arg4[%swap3A, %swap3A_17] : memref<1000x128xf32, #tpu.memory_space<vmem>>, vector<1000x128xf32>
    tpu.vector_store %arg4[%swap3A, %swap3A_17], %concatenate3A {strides = array<i32>} : memref<1000x128xf32, #tpu.memory_space<vmem>>, vector<1000x128xf32>,
    return
  }
  func.func @transform_0(%arg0: i32) -> (i32, i32) {
    %c0_i32 = arith.constant 0 : i32
    %c0_i32_0 = arith.constant 0 : i32
    return %arg0, %c0_i32 : i32, i32
  }
  func.func @transform_1(%arg0: i32) -> (i32, i32) {
    %c0_i32 = arith.constant 0 : i32
    %c0_i32_0 = arith.constant 0 : i32
    %c0_i32_1 = arith.constant 0 : i32
    return %c0_i32, %c0_i32_0 : i32, i32
  }
  func.func @transform_2(%arg0: i32) -> (i32, i32) {
    %c0_i32 = arith.constant 0 : i32
    %c0_i32_0 = arith.constant 0 : i32
    %c0_i32_1 = arith.constant 0 : i32
    return %c0_i32, %c0_i32_0 : i32, i32
  }
  func.func @transform_3(%arg0: i32) -> (i32, i32) {
    %c0_i32 = arith.constant 0 : i32
    %c0_i32_0 = arith.constant 0 : i32
    return %arg0, %c0_i32 : i32, i32
  }
}

module attributes {stable_mosaic.version = 14 : i64} {
  func.func @_conv_body(%arg0: i32, %arg1: memref<1000x256xf32, #tpu.memory_space<vmem>>, %arg2: memref<1000x128xf32, #tpu.memory_space<vmem>>, %arg3: memref<1000x128xf32, #tpu.memory_space<vmem>>, %arg4: memref<1000x256xf32, #tpu.memory_space<vmem>>, %arg5: memref<256x256xf32, #tpu.memory_space<vmem>>, %arg6: memref<128x256xf32, #tpu.memory_space<vmem>>, %arg7: memref<1000x256xf32, #tpu.memory_space<vmem>>, %arg8: memref<8x256xf32, #tpu.memory_space<vmem>>) attributes {dimension_semantics = [#tpu.dimension_semantics<arbitrary>], iteration_bounds = array<i64: 10>, scalar_prefetch = 0 : i64, scratch_operands = 0 : i64, tpu.core_type = #tpu.core_type<tc>, window_params = [{transform_indices = @transform_0, window_bounds = array<i64: 1000, 256>}, {transform_indices = @transform_1, window_bounds = array<i64: 1000, 128>}, {transform_indices = @transform_2, window_bounds = array<i64: 1000, 128>}, {transform_indices = @transform_3, window_bounds = array<i64: 1000, 256>}, {pipeline_mode = #tpu.pipeline_mode<synchronous>, transform_indices = @transform_4, window_bounds = array<i64: 256, 256>}, {pipeline_mode = #tpu.pipeline_mode<synchronous>, transform_indices = @transform_5, window_bounds = array<i64: 128, 256>}, {transform_indices = @transform_6, window_bounds = array<i64: 1000, 256>}, {pipeline_mode = #tpu.pipeline_mode<synchronous>, transform_indices = @transform_7, window_bounds = array<i64: 8, 256>}]} {
    %get3A = arith.constant 0 : index
    %get3A_0 = arith.constant 0 : index
    %get3A_1 = vector.load %arg1[%get3A, %get3A_0] : memref<1000x256xf32, #tpu.memory_space<vmem>>, vector<1000x256xf32>
    %get3A_2 = arith.constant 0 : index
    %get3A_3 = arith.constant 0 : index
    %get3A_4 = vector.load %arg5[%get3A_2, %get3A_3] : memref<256x256xf32, #tpu.memory_space<vmem>>, vector<256x256xf32>
    %dot_general3A = arith.constant dense<0.000000e+00> : vector<1000x256xf32>
    %dot_general3A_5 = tpu.matmul %get3A_1, %get3A_4, %dot_general3A {dimension_numbers = #tpu.dot_dimension_numbers<[1], [0], [0], [1], [0, 0, 1, 1], [], []>, transpose_lhs_hint = false} : vector<1000x256xf32>, vector<256x256xf32>, vector<1000x256xf32> -> vector<1000x256xf32>
    %get3A_6 = arith.constant 0 : index
    %get3A_7 = arith.constant 0 : index
    %get3A_8 = vector.load %arg2[%get3A_6, %get3A_7] : memref<1000x128xf32, #tpu.memory_space<vmem>>, vector<1000x128xf32>
    %get3A_9 = arith.constant 0 : index
    %get3A_10 = arith.constant 0 : index
    %get3A_11 = vector.load %arg3[%get3A_9, %get3A_10] : memref<1000x128xf32, #tpu.memory_space<vmem>>, vector<1000x128xf32>
    %add3A = arith.addf %get3A_8, %get3A_11 : vector<1000x128xf32>
    %get3A_12 = arith.constant 0 : index
    %get3A_13 = arith.constant 0 : index
    %get3A_14 = vector.load %arg6[%get3A_12, %get3A_13] : memref<128x256xf32, #tpu.memory_space<vmem>>, vector<128x256xf32>
    %dot_general3A_15 = arith.constant dense<0.000000e+00> : vector<1000x256xf32>
    %dot_general3A_16 = tpu.matmul %add3A, %get3A_14, %dot_general3A_15 {dimension_numbers = #tpu.dot_dimension_numbers<[1], [0], [0], [1], [0, 0, 1, 1], [], []>, transpose_lhs_hint = false} : vector<1000x128xf32>, vector<128x256xf32>, vector<1000x256xf32> -> vector<1000x256xf32>
    %add3A_17 = arith.addf %dot_general3A_5, %dot_general3A_16 : vector<1000x256xf32>
    %get3A_18 = arith.constant 0 : index
    %get3A_19 = arith.constant 0 : index
    %get3A_20 = vector.load %arg4[%get3A_18, %get3A_19] : memref<1000x256xf32, #tpu.memory_space<vmem>>, vector<1000x256xf32>
    %add3A_21 = arith.addf %add3A_17, %get3A_20 : vector<1000x256xf32>
    %swap3A = arith.constant 0 : index
    %swap3A_22 = arith.constant 0 : index
    %swap3A_23 = vector.load %arg7[%swap3A, %swap3A_22] : memref<1000x256xf32, #tpu.memory_space<vmem>>, vector<1000x256xf32>
    tpu.vector_store %arg7[%swap3A, %swap3A_22], %add3A_21 {strides = array<i32>} : memref<1000x256xf32, #tpu.memory_space<vmem>>, vector<1000x256xf32>,
    %reduce_sum3A = arith.constant dense<0.000000e+00> : vector<256xf32>
    %reduce_sum3A_24 = vector.multi_reduction <add>, %add3A_21, %reduce_sum3A [0] : vector<1000x256xf32> to vector<256xf32>
    %broadcast_in_dim3A = vector.shape_cast %reduce_sum3A_24 : vector<256xf32> to vector<1x256xf32>
    %mul3A = arith.mulf %add3A_21, %add3A_21 : vector<1000x256xf32>
    %reduce_sum3A_25 = arith.constant dense<0.000000e+00> : vector<256xf32>
    %reduce_sum3A_26 = vector.multi_reduction <add>, %mul3A, %reduce_sum3A_25 [0] : vector<1000x256xf32> to vector<256xf32>
    %broadcast_in_dim3A_27 = vector.shape_cast %reduce_sum3A_26 : vector<256xf32> to vector<1x256xf32>
    %broadcast_in_dim3A_28 = arith.constant 0.000000e+00 : f32
    %broadcast_in_dim3A_29 = vector.broadcast %broadcast_in_dim3A_28 : f32 to vector<6x256xf32>
    %concatenate3A = tpu.concatenate %broadcast_in_dim3A, %broadcast_in_dim3A_27, %broadcast_in_dim3A_29 in 0 : vector<1x256xf32>, vector<1x256xf32>, vector<6x256xf32> -> vector<8x256xf32>
    %eq3A = arith.constant 0 : i32
    %eq3A_30 = arith.cmpi eq, %arg0, %eq3A : i32
    %convert_element_type3A = arith.extui %eq3A_30 : i1 to i32
    %cond3A = arith.constant 0 : i32
    %cond3A_31 = arith.cmpi ne, %convert_element_type3A, %cond3A : i32
    scf.if %cond3A_31 {
      %swap3A_36 = arith.constant 0 : index
      %swap3A_37 = arith.constant 0 : index
      %swap3A_38 = vector.load %arg8[%swap3A_36, %swap3A_37] : memref<8x256xf32, #tpu.memory_space<vmem>>, vector<8x256xf32>
      tpu.vector_store %arg8[%swap3A_36, %swap3A_37], %concatenate3A {strides = array<i32>} : memref<8x256xf32, #tpu.memory_space<vmem>>, vector<8x256xf32>,
    } else {
    }
    %gt3A = arith.constant 0 : i32
    %gt3A_32 = arith.cmpi sgt, %arg0, %gt3A : i32
    %convert_element_type3A_33 = arith.extui %gt3A_32 : i1 to i32
    %cond3A_34 = arith.constant 0 : i32
    %cond3A_35 = arith.cmpi ne, %convert_element_type3A_33, %cond3A_34 : i32
    scf.if %cond3A_35 {
      %get3A_36 = arith.constant 0 : index
      %get3A_37 = arith.constant 0 : index
      %get3A_38 = vector.load %arg8[%get3A_36, %get3A_37] : memref<8x256xf32, #tpu.memory_space<vmem>>, vector<8x256xf32>
      %add3A_39 = arith.addf %get3A_38, %concatenate3A : vector<8x256xf32>
      %swap3A_40 = arith.constant 0 : index
      %swap3A_41 = arith.constant 0 : index
      %swap3A_42 = vector.load %arg8[%swap3A_40, %swap3A_41] : memref<8x256xf32, #tpu.memory_space<vmem>>, vector<8x256xf32>
      tpu.vector_store %arg8[%swap3A_40, %swap3A_41], %add3A_39 {strides = array<i32>} : memref<8x256xf32, #tpu.memory_space<vmem>>, vector<8x256xf32>,
    } else {
    }
    return
  }
  func.func @transform_0(%arg0: i32) -> (i32, i32) {
    %c0_i32 = arith.constant 0 : i32
    %c0_i32_0 = arith.constant 0 : i32
    return %arg0, %c0_i32 : i32, i32
  }
  func.func @transform_1(%arg0: i32) -> (i32, i32) {
    %c0_i32 = arith.constant 0 : i32
    %c0_i32_0 = arith.constant 0 : i32
    return %arg0, %c0_i32 : i32, i32
  }
  func.func @transform_2(%arg0: i32) -> (i32, i32) {
    %c0_i32 = arith.constant 0 : i32
    %c0_i32_0 = arith.constant 0 : i32
    return %arg0, %c0_i32 : i32, i32
  }
  func.func @transform_3(%arg0: i32) -> (i32, i32) {
    %c0_i32 = arith.constant 0 : i32
    %c0_i32_0 = arith.constant 0 : i32
    return %arg0, %c0_i32 : i32, i32
  }
  func.func @transform_4(%arg0: i32) -> (i32, i32) {
    %c0_i32 = arith.constant 0 : i32
    %c0_i32_0 = arith.constant 0 : i32
    %c0_i32_1 = arith.constant 0 : i32
    return %c0_i32, %c0_i32_0 : i32, i32
  }
  func.func @transform_5(%arg0: i32) -> (i32, i32) {
    %c0_i32 = arith.constant 0 : i32
    %c0_i32_0 = arith.constant 0 : i32
    %c0_i32_1 = arith.constant 0 : i32
    return %c0_i32, %c0_i32_0 : i32, i32
  }
  func.func @transform_6(%arg0: i32) -> (i32, i32) {
    %c0_i32 = arith.constant 0 : i32
    %c0_i32_0 = arith.constant 0 : i32
    return %arg0, %c0_i32 : i32, i32
  }
  func.func @transform_7(%arg0: i32) -> (i32, i32) {
    %c0_i32 = arith.constant 0 : i32
    %c0_i32_0 = arith.constant 0 : i32
    %c0_i32_1 = arith.constant 0 : i32
    return %c0_i32, %c0_i32_0 : i32, i32
  }
}

module attributes {stable_mosaic.version = 14 : i64} {
  func.func @_bn_body(%arg0: i32, %arg1: memref<1000x256xf32, #tpu.memory_space<vmem>>, %arg2: memref<8x256xf32, #tpu.memory_space<vmem>>, %arg3: memref<1x256xf32, #tpu.memory_space<vmem>>, %arg4: memref<1x256xf32, #tpu.memory_space<vmem>>, %arg5: memref<1000x256xf32, #tpu.memory_space<vmem>>) attributes {dimension_semantics = [#tpu.dimension_semantics<arbitrary>], iteration_bounds = array<i64: 10>, scalar_prefetch = 0 : i64, scratch_operands = 0 : i64, tpu.core_type = #tpu.core_type<tc>, window_params = [{transform_indices = @transform_0, window_bounds = array<i64: 1000, 256>}, {pipeline_mode = #tpu.pipeline_mode<synchronous>, transform_indices = @transform_1, window_bounds = array<i64: 8, 256>}, {pipeline_mode = #tpu.pipeline_mode<synchronous>, transform_indices = @transform_2, window_bounds = array<i64: 1, 256>}, {pipeline_mode = #tpu.pipeline_mode<synchronous>, transform_indices = @transform_3, window_bounds = array<i64: 1, 256>}, {transform_indices = @transform_4, window_bounds = array<i64: 1000, 256>}]} {
    %get3A = arith.constant 0 : index
    %get3A_0 = arith.constant 0 : index
    %get3A_1 = vector.load %arg2[%get3A, %get3A_0] : memref<8x256xf32, #tpu.memory_space<vmem>>, vector<1x256xf32>
    %mul3A = arith.constant 9.99999974E-5 : f32
    %mul3A_2 = vector.broadcast %mul3A : f32 to vector<1x256xf32>
    %mul3A_3 = arith.mulf %get3A_1, %mul3A_2 : vector<1x256xf32>
    %get3A_4 = arith.constant 1 : index
    %get3A_5 = arith.constant 0 : index
    %get3A_6 = vector.load %arg2[%get3A_4, %get3A_5] : memref<8x256xf32, #tpu.memory_space<vmem>>, vector<1x256xf32>
    %mul3A_7 = arith.constant 9.99999974E-5 : f32
    %mul3A_8 = vector.broadcast %mul3A_7 : f32 to vector<1x256xf32>
    %mul3A_9 = arith.mulf %get3A_6, %mul3A_8 : vector<1x256xf32>
    %mul3A_10 = arith.mulf %mul3A_3, %mul3A_3 : vector<1x256xf32>
    %sub3A = arith.subf %mul3A_9, %mul3A_10 : vector<1x256xf32>
    %add3A = arith.constant 9.99999974E-6 : f32
    %add3A_11 = vector.broadcast %add3A : f32 to vector<1x256xf32>
    %add3A_12 = arith.addf %sub3A, %add3A_11 : vector<1x256xf32>
    %rsqrt3A = math.rsqrt %add3A_12 : vector<1x256xf32>
    %get3A_13 = arith.constant 0 : index
    %get3A_14 = arith.constant 0 : index
    %get3A_15 = vector.load %arg1[%get3A_13, %get3A_14] : memref<1000x256xf32, #tpu.memory_space<vmem>>, vector<1000x256xf32>
    %sub3A_16 = vector.broadcast %mul3A_3 : vector<1x256xf32> to vector<1000x256xf32>
    %sub3A_17 = arith.subf %get3A_15, %sub3A_16 : vector<1000x256xf32>
    %get3A_18 = arith.constant 0 : index
    %get3A_19 = arith.constant 0 : index
    %get3A_20 = vector.load %arg3[%get3A_18, %get3A_19] : memref<1x256xf32, #tpu.memory_space<vmem>>, vector<1x256xf32>
    %mul3A_21 = arith.mulf %rsqrt3A, %get3A_20 : vector<1x256xf32>
    %mul3A_22 = vector.broadcast %mul3A_21 : vector<1x256xf32> to vector<1000x256xf32>
    %mul3A_23 = arith.mulf %sub3A_17, %mul3A_22 : vector<1000x256xf32>
    %get3A_24 = arith.constant 0 : index
    %get3A_25 = arith.constant 0 : index
    %get3A_26 = vector.load %arg4[%get3A_24, %get3A_25] : memref<1x256xf32, #tpu.memory_space<vmem>>, vector<1x256xf32>
    %add3A_27 = vector.broadcast %get3A_26 : vector<1x256xf32> to vector<1000x256xf32>
    %add3A_28 = arith.addf %mul3A_23, %add3A_27 : vector<1000x256xf32>
    %gt3A = arith.constant 0.000000e+00 : f32
    %gt3A_29 = vector.broadcast %gt3A : f32 to vector<1000x256xf32>
    %gt3A_30 = arith.cmpf ogt, %add3A_28, %gt3A_29 : vector<1000x256xf32>
    %mul3A_31 = arith.constant 0.00999999977 : f32
    %mul3A_32 = vector.broadcast %mul3A_31 : f32 to vector<1000x256xf32>
    %mul3A_33 = arith.mulf %mul3A_32, %add3A_28 : vector<1000x256xf32>
    %select_n3A = arith.select %gt3A_30, %add3A_28, %mul3A_33 : vector<1000x256xi1>, vector<1000x256xf32>
    %swap3A = arith.constant 0 : index
    %swap3A_34 = arith.constant 0 : index
    %swap3A_35 = vector.load %arg5[%swap3A, %swap3A_34] : memref<1000x256xf32, #tpu.memory_space<vmem>>, vector<1000x256xf32>
    tpu.vector_store %arg5[%swap3A, %swap3A_34], %select_n3A {strides = array<i32>} : memref<1000x256xf32, #tpu.memory_space<vmem>>, vector<1000x256xf32>,
    return
  }
  func.func @transform_0(%arg0: i32) -> (i32, i32) {
    %c0_i32 = arith.constant 0 : i32
    %c0_i32_0 = arith.constant 0 : i32
    return %arg0, %c0_i32 : i32, i32
  }
  func.func @transform_1(%arg0: i32) -> (i32, i32) {
    %c0_i32 = arith.constant 0 : i32
    %c0_i32_0 = arith.constant 0 : i32
    %c0_i32_1 = arith.constant 0 : i32
    return %c0_i32, %c0_i32_0 : i32, i32
  }
  func.func @transform_2(%arg0: i32) -> (i32, i32) {
    %c0_i32 = arith.constant 0 : i32
    %c0_i32_0 = arith.constant 0 : i32
    %c0_i32_1 = arith.constant 0 : i32
    return %c0_i32, %c0_i32_0 : i32, i32
  }
  func.func @transform_3(%arg0: i32) -> (i32, i32) {
    %c0_i32 = arith.constant 0 : i32
    %c0_i32_0 = arith.constant 0 : i32
    %c0_i32_1 = arith.constant 0 : i32
    return %c0_i32, %c0_i32_0 : i32, i32
  }
  func.func @transform_4(%arg0: i32) -> (i32, i32) {
    %c0_i32 = arith.constant 0 : i32
    %c0_i32_0 = arith.constant 0 : i32
    return %arg0, %c0_i32 : i32, i32
  }
}

module attributes {stable_mosaic.version = 14 : i64} {
  func.func @_bn_body(%arg0: i32, %arg1: memref<1000x256xf32, #tpu.memory_space<vmem>>, %arg2: memref<8x256xf32, #tpu.memory_space<vmem>>, %arg3: memref<1x256xf32, #tpu.memory_space<vmem>>, %arg4: memref<1x256xf32, #tpu.memory_space<vmem>>, %arg5: memref<1000x256xf32, #tpu.memory_space<vmem>>) attributes {dimension_semantics = [#tpu.dimension_semantics<arbitrary>], iteration_bounds = array<i64: 10>, scalar_prefetch = 0 : i64, scratch_operands = 0 : i64, tpu.core_type = #tpu.core_type<tc>, window_params = [{transform_indices = @transform_0, window_bounds = array<i64: 1000, 256>}, {pipeline_mode = #tpu.pipeline_mode<synchronous>, transform_indices = @transform_1, window_bounds = array<i64: 8, 256>}, {pipeline_mode = #tpu.pipeline_mode<synchronous>, transform_indices = @transform_2, window_bounds = array<i64: 1, 256>}, {pipeline_mode = #tpu.pipeline_mode<synchronous>, transform_indices = @transform_3, window_bounds = array<i64: 1, 256>}, {transform_indices = @transform_4, window_bounds = array<i64: 1000, 256>}]} {
    %get3A = arith.constant 0 : index
    %get3A_0 = arith.constant 0 : index
    %get3A_1 = vector.load %arg2[%get3A, %get3A_0] : memref<8x256xf32, #tpu.memory_space<vmem>>, vector<1x256xf32>
    %mul3A = arith.constant 9.99999974E-5 : f32
    %mul3A_2 = vector.broadcast %mul3A : f32 to vector<1x256xf32>
    %mul3A_3 = arith.mulf %get3A_1, %mul3A_2 : vector<1x256xf32>
    %get3A_4 = arith.constant 1 : index
    %get3A_5 = arith.constant 0 : index
    %get3A_6 = vector.load %arg2[%get3A_4, %get3A_5] : memref<8x256xf32, #tpu.memory_space<vmem>>, vector<1x256xf32>
    %mul3A_7 = arith.constant 9.99999974E-5 : f32
    %mul3A_8 = vector.broadcast %mul3A_7 : f32 to vector<1x256xf32>
    %mul3A_9 = arith.mulf %get3A_6, %mul3A_8 : vector<1x256xf32>
    %mul3A_10 = arith.mulf %mul3A_3, %mul3A_3 : vector<1x256xf32>
    %sub3A = arith.subf %mul3A_9, %mul3A_10 : vector<1x256xf32>
    %add3A = arith.constant 9.99999974E-6 : f32
    %add3A_11 = vector.broadcast %add3A : f32 to vector<1x256xf32>
    %add3A_12 = arith.addf %sub3A, %add3A_11 : vector<1x256xf32>
    %rsqrt3A = math.rsqrt %add3A_12 : vector<1x256xf32>
    %get3A_13 = arith.constant 0 : index
    %get3A_14 = arith.constant 0 : index
    %get3A_15 = vector.load %arg1[%get3A_13, %get3A_14] : memref<1000x256xf32, #tpu.memory_space<vmem>>, vector<1000x256xf32>
    %sub3A_16 = vector.broadcast %mul3A_3 : vector<1x256xf32> to vector<1000x256xf32>
    %sub3A_17 = arith.subf %get3A_15, %sub3A_16 : vector<1000x256xf32>
    %get3A_18 = arith.constant 0 : index
    %get3A_19 = arith.constant 0 : index
    %get3A_20 = vector.load %arg3[%get3A_18, %get3A_19] : memref<1x256xf32, #tpu.memory_space<vmem>>, vector<1x256xf32>
    %mul3A_21 = arith.mulf %rsqrt3A, %get3A_20 : vector<1x256xf32>
    %mul3A_22 = vector.broadcast %mul3A_21 : vector<1x256xf32> to vector<1000x256xf32>
    %mul3A_23 = arith.mulf %sub3A_17, %mul3A_22 : vector<1000x256xf32>
    %get3A_24 = arith.constant 0 : index
    %get3A_25 = arith.constant 0 : index
    %get3A_26 = vector.load %arg4[%get3A_24, %get3A_25] : memref<1x256xf32, #tpu.memory_space<vmem>>, vector<1x256xf32>
    %add3A_27 = vector.broadcast %get3A_26 : vector<1x256xf32> to vector<1000x256xf32>
    %add3A_28 = arith.addf %mul3A_23, %add3A_27 : vector<1000x256xf32>
    %swap3A = arith.constant 0 : index
    %swap3A_29 = arith.constant 0 : index
    %swap3A_30 = vector.load %arg5[%swap3A, %swap3A_29] : memref<1000x256xf32, #tpu.memory_space<vmem>>, vector<1000x256xf32>
    tpu.vector_store %arg5[%swap3A, %swap3A_29], %add3A_28 {strides = array<i32>} : memref<1000x256xf32, #tpu.memory_space<vmem>>, vector<1000x256xf32>,
    return
  }
  func.func @transform_0(%arg0: i32) -> (i32, i32) {
    %c0_i32 = arith.constant 0 : i32
    %c0_i32_0 = arith.constant 0 : i32
    return %arg0, %c0_i32 : i32, i32
  }
  func.func @transform_1(%arg0: i32) -> (i32, i32) {
    %c0_i32 = arith.constant 0 : i32
    %c0_i32_0 = arith.constant 0 : i32
    %c0_i32_1 = arith.constant 0 : i32
    return %c0_i32, %c0_i32_0 : i32, i32
  }
  func.func @transform_2(%arg0: i32) -> (i32, i32) {
    %c0_i32 = arith.constant 0 : i32
    %c0_i32_0 = arith.constant 0 : i32
    %c0_i32_1 = arith.constant 0 : i32
    return %c0_i32, %c0_i32_0 : i32, i32
  }
  func.func @transform_3(%arg0: i32) -> (i32, i32) {
    %c0_i32 = arith.constant 0 : i32
    %c0_i32_0 = arith.constant 0 : i32
    %c0_i32_1 = arith.constant 0 : i32
    return %c0_i32, %c0_i32_0 : i32, i32
  }
  func.func @transform_4(%arg0: i32) -> (i32, i32) {
    %c0_i32 = arith.constant 0 : i32
    %c0_i32_0 = arith.constant 0 : i32
    return %arg0, %c0_i32 : i32, i32
  }
}

module attributes {stable_mosaic.version = 14 : i64} {
  func.func @_predfin_body(%arg0: i32, %arg1: memref<4096x16xf32, #tpu.memory_space<vmem>>, %arg2: memref<4096xf32, #tpu.memory_space<vmem>>) attributes {dimension_semantics = [#tpu.dimension_semantics<arbitrary>], iteration_bounds = array<i64: 10>, scalar_prefetch = 0 : i64, scratch_operands = 0 : i64, tpu.core_type = #tpu.core_type<tc>, window_params = [{transform_indices = @transform_0, window_bounds = array<i64: 4096, 16>}, {transform_indices = @transform_1, window_bounds = array<i64: 4096>}]} {
    %get3A = arith.constant 0 : index
    %get3A_0 = arith.constant 0 : index
    %get3A_1 = vector.load %arg1[%get3A, %get3A_0] : memref<4096x16xf32, #tpu.memory_space<vmem>>, vector<4096x16xf32>
    %reduce_sum3A = arith.constant dense<0.000000e+00> : vector<4096xf32>
    %reduce_sum3A_2 = vector.multi_reduction <add>, %get3A_1, %reduce_sum3A [1] : vector<4096x16xf32> to vector<4096xf32>
    %mul3A = arith.constant 3.906250e-03 : f32
    %mul3A_3 = vector.broadcast %mul3A : f32 to vector<4096xf32>
    %mul3A_4 = arith.mulf %reduce_sum3A_2, %mul3A_3 : vector<4096xf32>
    %neg3A = arith.constant 0.000000e+00 : f32
    %neg3A_5 = vector.broadcast %neg3A : f32 to vector<4096xf32>
    %neg3A_6 = arith.subf %neg3A_5, %mul3A_4 : vector<4096xf32>
    %exp3A = math.exp %neg3A_6 : vector<4096xf32>
    %add3A = arith.constant 1.000000e+00 : f32
    %add3A_7 = vector.broadcast %add3A : f32 to vector<4096xf32>
    %add3A_8 = arith.addf %add3A_7, %exp3A : vector<4096xf32>
    %div3A = arith.constant 1.000000e+00 : f32
    %div3A_9 = vector.broadcast %div3A : f32 to vector<4096xf32>
    %div3A_10 = arith.divf %div3A_9, %add3A_8 : vector<4096xf32>
    %swap3A = arith.constant 0 : index
    %swap3A_11 = vector.load %arg2[%swap3A] : memref<4096xf32, #tpu.memory_space<vmem>>, vector<4096xf32>
    tpu.vector_store %arg2[%swap3A], %div3A_10 {strides = array<i32>} : memref<4096xf32, #tpu.memory_space<vmem>>, vector<4096xf32>,
    return
  }
  func.func @transform_0(%arg0: i32) -> (i32, i32) {
    %c0_i32 = arith.constant 0 : i32
    %c0_i32_0 = arith.constant 0 : i32
    return %arg0, %c0_i32 : i32, i32
  }
  func.func @transform_1(%arg0: i32) -> i32 {
    %c0_i32 = arith.constant 0 : i32
    return %arg0 : i32
  }
}

</mosaic_0001>

<sc_bundles>
// kernel: gather_offload_async_start.1
scs
__scs_entry_jumppad:
0x0: {  	(pc) =	sbr.rel $0x88, $3  }
0x1: {  	(tag) =	ssettag $0x0;
	lr =	simm.s32 $0x1  }
0x2: {  	[smem:$0x3F86] =	sst lr;
	_ =	strace $0xD0000000  }
0x3: {  	_ = 	snop  }
0x4: {  	_ = 	snop  }
0x5: {  	_ = 	snop  }
0x6: {  	_ = 	snop  }
0x7: {  	_ = 	snop  }
__scs_overlays_trampoline_lowered:
0x8: {  	[smem:$0x3F95] =	sst s0  }
0x9: {  	[smem:$0x3F96] =	sst s1  }
0xa: {  	[smem:$0x3F97] =	sst s2  }
0xb: {  	[smem:$0x3F98] =	sst s3  }
0xc: {  	[smem:$0x3F99] =	sst s4  }
0xd: {  	[smem:$0x3F9A] =	sst s5  }
0xe: {  	[smem:$0x3F9B] =	sst s6  }
0xf: {  	[smem:$0x3F9C] =	sst s7  }
0x10: {  	[smem:$0x3F9D] =	sst s8  }
0x11: {  	[smem:$0x3F9E] =	sst s9;
	s0 =	simm.s32 @!p0 $0x0  }
0x12: {  	s1 =	sld [smem:$0x3F84];
	s0 =	simm.s32 @p0 $0x1  }
0x13: {  	[smem:$0x3F9F] =	sst s0;
	s0 =	simm.s32 @!p1 $0x0  }
0x14: {  	s2 =	sld [smem:$0x3F83];
	s0 =	simm.s32 @p1 $0x1  }
0x15: {  	[smem:$0x3FA0] =	sst s0;
	s0 =	simm.s32 @!p2 $0x0  }
0x16: {  	s3 =	sld [smem:$0x3FDB];
	s0 =	simm.s32 @p2 $0x1  }
0x17: {  	s4 =	simm.s32 $0x1BF5;
	[smem:$0x3FA2] =	sst s0  }
0x18: {  	s0 =	sld [smem:$0x3F85];
	_ =	swait.ge [sflag:s4], $0x0  }
0x19: {  	s7 =	sld [smem:$0x3F86]  }
0x1a: {  	s8 =	sadd.s32 $0xFFFFE003, lr  }
0x1b: {  	s9 =	sadd.s32 $0xFFFFFEF7, lr;
	s5 =	simm.s32 $0xFFFFFFFF;
	p2 =	slt.u32 s8, $0xFFFFF086  }
0x1c: {  	p1 =	slt.u32 s9, $0xF7A;
	s5 =	simm.s32 @!p2 $0x0  }
0x1d: {  	s5 =	simm.s32 @p1 $0x1;
	p0 =	seq.s32 s7, s2  }
0x1e: {  	s7 =	smul.u32 @!p0 $0xF7A, s2;
	p2 =	seq.s32 @!p0 s5, $0x0  }
0x1f: {  	s9 =	smul.u32 $0xF7A, s1;
	s8 =	simm.s32 @!p0 $0x1BF5;
	p2 =	por !p2, p0  }
0x20: {  	[sflag:s8] =	ssyncset.s32 @!p0 $0xFFFFF086;
	s6 =	sadd.s32 @!p0 s3, s7;
	s7 =	simm.s32 @!p0 $0x108  }
0x21: {  	s3 =	sadd.s32 s3, s9;
	s6 =	sadd.s32 @!p0 $0x88, s6;
	s7 =	simm.s32 @p2 $0x1082  }
0x22: {  	[simem:s7], [sflag:s8] =	dma.local @!p0 [hbm:s6], $0xF7A  }
0x23: {  	s9 =	sor.u32 $0xD0000000, s2;
	s6 =	simm.s32 $0x108;
	_ =	swait.ge @!p0 [sflag:s8], $0x0  }
0x24: {  	s3 =	sadd.s32 $0x88, s3;
	s6 =	simm.s32 @!p1 $0x1082;
	[sflag:s4] =	ssyncset.s32 $0xFFFFF086  }
0x25: {  	[simem:s6], [sflag:s4] =	dma.local [hbm:s3], $0xF7A  }
0x26: {  	[smem:$0x3F86] =	sst s1;
	(tag) =	ssettag s2;
	_ =	strace s9  }
0x27: {  	s1 =	sld [smem:$0x3F96]  }
0x28: {  	s2 =	sld [smem:$0x3F97]  }
0x29: {  	s4 =	sld [smem:$0x3F99]  }
0x2a: {  	p0 =	seq.s32 s5, $0x0;
	s5 =	sld [smem:$0x3F9A]  }
0x2b: {  	s6 =	sld [smem:$0x3F9B]  }
0x2c: {  	s7 =	sld [smem:$0x3F9C]  }
0x2d: {  	s3 =	simm.s32 $0x108;
	s8 =	sld [smem:$0x3F9D]  }
0x2e: {  	s3 =	simm.s32 @!p0 $0x1082;
	s9 =	sld [smem:$0x3F9E]  }
0x2f: {  	lr =	sadd.s32 s0, s3;
	s0 =	sld [smem:$0x3F95]  }
0x30: {  	s3 =	sld [smem:$0x3F98]  }
0x31: {  	[smem:$0x3FA1] =	sst s10  }
0x32: {  	s10 =	sld [smem:$0x3F9F];
	_ =	sdelay $0x3  }
0x33: {  	p0 =	seq.s32 s10, $0x1;
	s10 =	sld [smem:$0x3FA1];
	_ =	sdelay $0x3  }
0x34: {  	[smem:$0x3FA1] =	sst s10  }
0x35: {  	s10 =	sld [smem:$0x3FA0];
	_ =	sdelay $0x3  }
0x36: {  	p1 =	seq.s32 s10, $0x1;
	s10 =	sld [smem:$0x3FA1];
	_ =	sdelay $0x3  }
0x37: {  	[smem:$0x3FA1] =	sst s10  }
0x38: {  	s10 =	sld [smem:$0x3FA2]  }
0x39: {  	_ = 	snop;
	(pc) =	sbr.ind lr, $3  }
0x3a: {  	_ = 	snop  }
0x3b: {  	_ = 	snop  }
0x3c: {  	p2 =	seq.s32 s10, $0x1;
	s10 =	sld [smem:$0x3FA1]  }
0x3d: {  	_ =	shalt  }
0x3e: {  	_ =	shalt  }
0x3f: {  	_ =	shalt  }
0x40: {  	_ =	shalt  }
0x41: {  	_ =	shalt  }
0x42: {  	_ =	shalt  }
0x43: {  	_ =	shalt  }
0x44: {  	_ =	shalt  }
0x45: {  	_ =	shalt  }
0x46: {  	_ =	shalt  }
0x47: {  	_ =	shalt  }
0x48: {  	_ =	shalt  }
0x49: {  	_ =	shalt  }
0x4a: {  	_ =	shalt  }
0x4b: {  	_ =	shalt  }
0x4c: {  	_ =	shalt  }
0x4d: {  	_ =	shalt  }
0x4e: {  	_ =	shalt  }
0x4f: {  	_ =	shalt  }
0x50: {  	_ =	shalt  }
0x51: {  	_ =	shalt  }
0x52: {  	_ =	shalt  }
0x53: {  	_ =	shalt  }
0x54: {  	_ =	shalt  }
0x55: {  	_ =	shalt  }
0x56: {  	_ =	shalt  }
0x57: {  	_ =	shalt  }
0x58: {  	_ =	shalt  }
0x59: {  	_ =	shalt  }
0x5a: {  	_ =	shalt  }
0x5b: {  	_ =	shalt  }
0x5c: {  	_ =	shalt  }
0x5d: {  	_ =	shalt  }
0x5e: {  	_ =	shalt  }
0x5f: {  	_ =	shalt  }
0x60: {  	_ =	shalt  }
0x61: {  	_ =	shalt  }
0x62: {  	_ =	shalt  }
0x63: {  	_ =	shalt  }
0x64: {  	_ =	shalt  }
0x65: {  	_ =	shalt  }
0x66: {  	_ =	shalt  }
0x67: {  	_ =	shalt  }
0x68: {  	_ =	shalt  }
0x69: {  	_ =	shalt  }
0x6a: {  	_ =	shalt  }
0x6b: {  	_ =	shalt  }
0x6c: {  	_ =	shalt  }
0x6d: {  	_ =	shalt  }
0x6e: {  	_ =	shalt  }
0x6f: {  	_ =	shalt  }
0x70: {  	_ =	shalt  }
0x71: {  	_ =	shalt  }
0x72: {  	_ =	shalt  }
0x73: {  	_ =	shalt  }
0x74: {  	_ =	shalt  }
0x75: {  	_ =	shalt  }
0x76: {  	_ =	shalt  }
0x77: {  	_ =	shalt  }
0x78: {  	_ =	shalt  }
0x79: {  	_ =	shalt  }
0x7a: {  	_ =	shalt  }
0x7b: {  	_ =	shalt  }
0x7c: {  	_ =	shalt  }
0x7d: {  	_ =	shalt  }
0x7e: {  	_ =	shalt  }
0x7f: {  	_ =	shalt  }
0x80: {  	_ =	shalt  }
0x81: {  	_ =	shalt  }
0x82: {  	_ =	shalt  }
0x83: {  	_ =	shalt  }
0x84: {  	_ =	shalt  }
0x85: {  	_ =	shalt  }
0x86: {  	_ =	shalt  }
0x87: {  	_ =	shalt  }
.Lfunc_end0:
.L_simem_size_0:
called_computation.1_lowered:
.L_overlay_start_0:
0x88: {  	s2 =	sld [smem:$0x3FD9]  }
0x89: {  	s3 =	sld [smem:$0x3FFE];
	_ =	sdelay $0x1  }
0x8a: {  	s1 =	srdreg.scid  }
0x8b: {  	s0 =	sand.u32 $0x1, s1  }
0x8c: {  	s16 =	sshll.u32 s0, $0xA;
	s2 =	sadd.s32 s3, s2  }
0x8d: {  	s2 =	sadd.s32 s2, s16  }
0x8e: {  	[smem:$0x3FAD] =	sst s2  }
0x8f: {  	_ = 	snop  }
0x90: {  	(tm) =	ssettm $0x1  }
0x91: {  	s17 =	sld [smem:$0x3FFB];
	_ =	sdelay $0x3  }
0x92: {  	_ =	strace s17  }
0x93: {  	s2 =	sld [smem:$0x3FFC];
	_ =	sdelay $0x3  }
0x94: {  	_ =	strace s2  }
0x95: {  	s2 =	sld [smem:$0x3FFD];
	_ =	sdelay $0x3  }
0x96: {  	_ =	strace s2  }
0x97: {  	_ =	strace $0x8FFFFFFF  }
0x98: {  	s18 =	sld [smem:$0x3FDB];
	_ =	sdelay $0x1  }
0x99: {  	s19 =	simm.s32 $_scs_section_size  }
0x9a: {  	s4 =	simm.s32 $_size__tile_overlayer_lowered;
	s5 =	simm.s32 $_tile_overlayer_lowered  }
0x9b: {  	s22 =	simm.s32 $0x1BFF;
	s21 =	sshll.u32 s5, $0x1;
	s2 =	sadd.s32 s19, s18  }
0x9c: {  	s6 =	simm.s32 $0x0;
	s20 =	sshll.u32 s4, $0x1;
	s4 =	sadd.s32 s21, s2  }
0x9d: {  	[timem:s6], [sflag:s22] =	dma.local [hbm:s4], s20  }
0x9e: {  	_ =	swait.ge [sflag:s22], s20  }
0x9f: {  	s3 =	ssub.s32 $0x0, s20;
	[sflag:s22] =	ssyncset.done $0x0  }
0xa0: {  	[sflag:s22] =	ssyncadd.s32 s3;
	_ =	sdelay $0x1  }
0xa1: {  	s23 =	simm.s32 $0x1B8B  }
0xa2: {  	_ =	swait.ge [sflag:s23], $0x1  }
0xa3: {  	[sflag:s23] =	ssyncset.done $0x0  }
0xa4: {  	s25 =	simm.s32 $0x1B8E;
	s24 =	sld [smem:$0x3FFE];
	[sflag:s23] =	ssyncadd.s32 $0xFFFFFFFF  }
0xa5: {  	s26 =	simm.s32 $execute0_lowered;
	[smem:$0x3FD2] =	sst s25  }
0xa6: {  	s4 =	sshll.u32 s26, $0x1;
	_ =	strace $0x80000046;
	[dreg:$0x1] =	wrdreg $0xFFFFFFFF  }
0xa7: {  	s28 =	simm.s32 $_size_execute0_lowered;
	s2 =	sadd.s32 s2, s4;
	[dreg:$0x0] =	wrdreg $0x0  }
0xa8: {  	s4 =	sshll.u32 s28, $0x1;
	[dreg:$0x2] =	wrdreg s2  }
0xa9: {  	[dreg:$0x3] =	wrdreg s4  }
0xaa: {  	[dreg:$0x4] =	wrdreg $0xC0  }
0xab: {  	_ =	task [dreg:s6], $0x5FFFF  }
0xac: {  	[dreg:$0x1] =	wrdreg $0xFFFFFFFF  }
0xad: {  	[dreg:$0x0] =	wrdreg $0x60  }
0xae: {  	[dreg:$0x2] =	wrdreg s24  }
0xaf: {  	[dreg:$0x3] =	wrdreg $0xA  }
0xb0: {  	_ =	task.clear_ibuf [dreg:s6], $0x4FFFF;
	_ =	strace $0x90000046  }
0xb1: {  	s29 =	simm.s32 $0xA;
	_ =	strace $0x80000048  }
0xb2: {  	_ =	swait.ge [sflag:s29], $0x1  }
0xb3: {  	[sflag:s29] =	ssyncadd.s32 $0xFFFFFFFF  }
0xb4: {  	_ =	strace $0x90000048  }
0xb5: {  	_ =	sfence  }
0xb6: {  	s30 =	sld [smem:$0x0];
	_ =	sdelay $0x2  }
0xb7: {  	s31 =	sshll.u32 s1, $0xD;
	s1 =	sshrl.u32 s1, $0x2  }
0xb8: {  	s3 =	sand.u32 $0x4000, s31;
	s1 =	sadd.s32 s1, s30  }
0xb9: {  	s0 =	sor.u32 s3, s0;
	s1 =	sshll.u32 s1, $0x11  }
0xba: {  	s0 =	sor.u32 s1, s0  }
0xbb: {  	s0 =	sadd.s32 $0x8F2B, s0  }
0xbc: {  	[sflag:s0] =	ssyncadd.remote.s32 $0x1  }
0xbd: {  	_ =	sfence.sel $0xFFFF  }
0xbe: {  	[dreg:$0x0] =	wrdreg $0xFFFFFFFF;
	(pc) =	sbr.abs _section_cstart, $3  }
0xbf: {  	[dreg:$0x1] =	wrdreg $0xFFFFFFFF  }
0xc0: {  	_ =	task.clear_ibuf [dreg:s6], $0x2FFFF;
	_ =	strace $0x9FFFFFFF  }
0xc1: {  	(tm) =	ssettm $0x7FFFFFFF  }
tec
execute0_lowered:
.L_overlay_start_1:
0x0: {  	(tag) =	ssettag $0x1  }
0x1: {  	s8 =	rddreg [dreg:$0x0];
	s1 =	stileid.u32  }
0x2: {  	s2 =	srdreg.scid;
	s0 =	rddreg [dreg:$0x1]  }
0x3: {  	_ =	strace $0x80000047;
	s5 =	simm.s32 $0x1;
	s9 =	simm.s32 $0x1  }
0x4: {  	s10 =	simm.s32 $0x3;
	s2 =	sand.u32 $0x1, s2;
	s3 =	sshll.u32 s1, $0x1  }
0x5: {  	s13 =	simm.s32 $0x0;
	s12 =	simm.s32 $0x0;
	s6 =	sor.u32 s3, s2  }
0x6: {  	[sflag:s5] =	ssyncpa.u1 $0x0;
	s2 =	sadd.s32 $0x56E00, s8;
	s4 =	smul.u32 $0x960, s6  }
0x7: {  	s3 =	sadd.s32 $0x60E00, s8;
	p0 =	slt.u32 s6, $0x13;
	s6 =	simm.s32 $0x12C00  }
.Ltmp0:
0x8: {  	s6 =	simm.s32 @!p0 $0x0;
	s7 =	ssub.s32 $0x1D4C0, s4;
	(pc) =	sbr.rel .LBB2_1-.Ltmp0, $4  }
0x9: {  	s9 =	simm.s32 @!p0 $0x0;
	p0 =	sne.s32 s7, s6;
	s7 =	simm.s32 $0x1  }
0xa: {  	s8 =	sadd.s32 $0xB2C00, s8;
	s6 =	simm.s32 $0x2;
	s7 =	simm.s32 @!p0 $0x0  }
0xb: {  	s11 =	smov.u32 s4;
	[sflag:s6] =	ssyncpa.u1 $0x0;
	s7 =	sadd.s32 s9, s7  }
0xc: {  	vm0 =	vmmov $0xffff;
	[sflag:s10] =	ssyncpa.u1 $0x0;
	s10 =	simm.s32 $0x0;
	s9 =	sadd.s32 $0x1, s7  }
.LBB2_4:
0xd: {  	v2 =	vnsel vm1, $0x0, v2  }
0xe: {  	vm1 =	vgt.s32 v0, $0x0;
	v2 =	vmin.u32 v2, $0x270FF  }
0xf: {  	v0 =	vnsel vm1, $0x0, v0  }
0x10: {  	v0 =	vmin.u32 v0, $0x270FF  }
0x11: {  	[tilespmem:s18], [sflag:$0x1] =	stream.indirect_vreg.gather [hbm4b:s2+s10], $0x1, v1, vm0, $0x4038;
	[tilespmem:$0x2580] =	vst v63  }
0x12: {  	(ifvalue) =	ssetifvalue $0x7FFFFFFF  }
0x13: {  	[tilespmem:s15], [sflag:$0x1] =	stream.indirect_vreg.gather [hbm4b:s2+s10], $0x1, v2, vm0, $0x4038;
	[tilespmem:$0x2580] =	vst v63  }
0x14: {  	s29 =	sadd.s32 $0x10, s15;
	(ifvalue) =	ssetifvalue $0x7FFFFFFF  }
0x15: {  	[tilespmem:s29], [sflag:$0x1] =	stream.indirect_vreg.gather [hbm4b:s2+s10], $0x1, v0, vm0, $0x4038;
	[tilespmem:$0x2580] =	vst v63  }
0x16: {  	_ =	swait.ge [sflag:s5], $0x960  }
0x17: {  	s30 =	sshrl.u32 s13, $0x3;
	[sflag:s5] =	ssyncset.done $0x0  }
0x18: {  	s31 =	sand.u32 $0x7, s13;
	s15 =	sadd.s32 s8, s30;
	[sflag:s5] =	ssyncadd.s32 $0xFFFFF6A0  }
0x19: {  	[hbm4b:s15+s31] =	stream.linear.scatter [tilespmem:s14], [sflag:$0x3], $0x960, $0x38;
	[tilespmem:$0x2580] =	vst v63  }
.LBB2_5:
0x1a: {  	s15 =	sadd.s32 $0x12C00, s11  }
0x1b: {  	p1 =	sgt.s32 s15, $0x1D4BF  }
0x1c: {  	s15 =	smov.u32 @p1 s4;
	p1 =	sne.s32 s12, s9  }
.Ltmp1:
0x1d: {  	p0 =	slt.u32 s12, $0x2;
	(pc) =	sbr.rel @!p1 .LBB2_6-.Ltmp1, $4  }
0x1e: {  	s14 =	simm.s32 @!p0 $0x3  }
0x1f: {  	_ =	swait.ge @!p0 [sflag:s14], $0x960  }
0x20: {  	s16 =	sadd.s32 $0x1, s12;
	s13 =	smov.u32 s11;
	[sflag:s14] =	ssyncset.done @!p0 $0x0  }
0x21: {  	s12 =	smov.u32 s16;
	s11 =	smov.u32 s15;
	[sflag:s14] =	ssyncadd.s32 @!p0 $0xFFFFF6A0  }
.LBB2_1:
0x22: {  	p0 =	sge.u32 s12, s7  }
0x23: {  	s14 =	sxor.u32 @!p0 $0x1, s12  }
0x24: {  	s14 =	smul.u32 @!p0 $0x2580, s14  }
0x25: {  	s31 =	sadd.s32 $0xFFFFFFFF, s12;
	s15 =	sshrl.u32 @!p0 s11, $0x3  }
0x26: {  	s16 =	sand.u32 @!p0 $0x7, s11;
	s15 =	sadd.s32 @!p0 s3, s15;
	s14 =	sshra.s32 @!p0 s14, $0x2  }
0x27: {  	[tilespmem:s14], [sflag:$0x2] =	stream.linear.gather @!p0 [hbm4b:s15+s16], $0x960, $0x38;
	[tilespmem:$0x2580] =	vst v63  }
0x28: {  	p0 =	sge.u32 s31, s7  }
.Ltmp2:
0x29: {  	_ = 	snop;
	(pc) =	sbr.rel @p0 .LBB2_5-.Ltmp2, $1  }
0x2a: {  	_ =	sdelay $0x3  }
0x2b: {  	s14 =	sand.u32 $0x1, s12  }
0x2c: {  	_ =	swait.ge [sflag:s6], $0x960;
	p0 =	seq.s32 s14, $0x1;
	s14 =	simm.s32 $0x960  }
0x2d: {  	[sflag:s6] =	ssyncset.done $0x0;
	s14 =	simm.s32 @!p0 $0x0  }
0x2e: {  	[sflag:s6] =	ssyncadd.s32 $0xFFFFF6A0;
	(ifvalue) =	ssetifvalue $0x7FFFFFFF;
	v0 =	vld.msk [tilespmem:s14+$0x0 ss:$0x1], $0xffff;
	_ =	sdelay $0x4  }
0x2f: {  	s15 =	sadd.s32 $0x10, s14;
	vm1 =	vgt.s32 v0, $0x0  }
0x30: {  	v2 =	vld.msk [tilespmem:s15+$0x0 ss:$0x1], $0xffff;
	v1 =	vnsel vm1, $0x0, v0  }
0x31: {  	v1 =	vmin.u32 v1, $0x270FF;
	_ =	sdelay $0x2  }
0x32: {  	s17 =	simm.s32 $0x20;
	s14 =	sadd.s32 $0x12C0, s14;
	s16 =	sadd.s32 $0x10, s15  }
0x33: {  	s15 =	sadd.s32 $0x10, s14;
	s18 =	smov.u32 s14;
	v0 =	vld.msk [tilespmem:s16+$0x0 ss:$0x1], $0xffff;
	vm1 =	vgt.s32 v2, $0x0;
	(ifvalue) =	ssetifvalue $0x7FFFFFFF  }
.LBB2_3:
0x34: {  	[tilespmem:s18], [sflag:$0x1] =	stream.indirect_vreg.gather [hbm4b:s2+s10], $0x1, v1, vm0, $0x4038;
	[tilespmem:$0x2580] =	vst v63  }
0x35: {  	s17 =	sadd.s32 $0x10, s17  }
0x36: {  	v2 =	vnsel vm1, $0x0, v2;
	p0 =	slt.u32 s17, $0x950  }
.Ltmp3:
0x37: {  	s18 =	smov.u32 s15;
	v1 =	vmin.u32 v2, $0x270FF;
	(pc) =	sbr.rel @p0 .LBB2_3-.Ltmp3, $3  }
0x38: {  	_ =	sdelay $0x1  }
0x39: {  	s16 =	sadd.s32 $0x10, s16  }
0x3a: {  	vm1 =	vgt.s32 v0, $0x0;
	s15 =	sadd.s32 $0x10, s15;
	v2 =	vmov v0;
	(ifvalue) =	ssetifvalue $0x7FFFFFFF;
	v0 =	vld.msk [tilespmem:s16+$0x0 ss:$0x1], $0xffff  }
.Ltmp4:
0x3b: {  	_ = 	snop;
	(pc) =	sbr.rel .LBB2_4-.Ltmp4, $1  }
0x3c: {  	_ =	sdelay $0x3  }
.LBB2_6:
0x3d: {  	_ =	sfence.sel $0x180000  }
0x3e: {  	s2 =	simm.s32 $0x2;
	[bflag:$0x0] =	sbarrier.arrive $0xFFFF  }
0x3f: {  	s30 =	simm.s32 $0x3;
	[sflag:s2] =	ssyncpa.u1 $0x1  }
0x40: {  	s31 =	simm.s32 $0x1;
	[sflag:s30] =	ssyncpa.u1 $0x1  }
0x41: {  	[sflag:s31] =	ssyncpa.u1 $0x1  }
0x42: {  	p0 =	sne.s32 s1, $0x0;
	_ =	strace $0x90000047  }
0x43: {  	s0 =	sadd.s32 @!p0 $0x100000, s0;
	[bflag:$0x2] =	sbarrier.arrive $0xFFFF  }
0x44: {  	[sflag:s0] =	ssyncadd.tile.s32 @!p0 $0x1;
	_ =	shalt  }
.Lfunc_end2:
_tile_overlayer_lowered:
.L_overlay_start_2:
0x45: {  	(tag) =	ssettag $0x2  }
0x46: {  	s0 =	rddreg [dreg:$0x0];
	s2 =	stileid.u32  }
0x47: {  	s1 =	rddreg [dreg:$0x1];
	p0 =	sne.s32 s2, $0x0  }
0x48: {  	s3 =	rddreg [dreg:$0x2];
	[bflag:$0x3] =	sbarrier.arrive $0xFFFF;
	s2 =	simm.s32 @!p0 $0x1C01  }
0x49: {  	[timem:s3], [sflag:s2] =	dma.local @!p0 [hbm:s0], s1  }
0x4a: {  	s0 =	simm.s32 @!p0 $0x1  }
0x4b: {  	_ =	swait.ge @!p0 [sflag:s0], s1  }
0x4c: {  	s1 =	ssub.s32 @!p0 $0x0, s1;
	[sflag:s0] =	ssyncset.done @!p0 $0x0  }
0x4d: {  	[sflag:s0] =	ssyncadd.s32 @!p0 s1  }
0x4e: {  	[bflag:$0x3] =	sbarrier.arrive $0xFFFF  }
0x4f: {  	_ =	shalt  }

// kernel: gather_offload_async_start.2
scs
__scs_entry_jumppad:
0x0: {  	(pc) =	sbr.rel $0x88, $3  }
0x1: {  	(tag) =	ssettag $0x0;
	lr =	simm.s32 $0x1  }
0x2: {  	[smem:$0x3F86] =	sst lr;
	_ =	strace $0xD0000000  }
0x3: {  	_ = 	snop  }
0x4: {  	_ = 	snop  }
0x5: {  	_ = 	snop  }
0x6: {  	_ = 	snop  }
0x7: {  	_ = 	snop  }
__scs_overlays_trampoline_lowered:
0x8: {  	[smem:$0x3F95] =	sst s0  }
0x9: {  	[smem:$0x3F96] =	sst s1  }
0xa: {  	[smem:$0x3F97] =	sst s2  }
0xb: {  	[smem:$0x3F98] =	sst s3  }
0xc: {  	[smem:$0x3F99] =	sst s4  }
0xd: {  	[smem:$0x3F9A] =	sst s5  }
0xe: {  	[smem:$0x3F9B] =	sst s6  }
0xf: {  	[smem:$0x3F9C] =	sst s7  }
0x10: {  	[smem:$0x3F9D] =	sst s8  }
0x11: {  	[smem:$0x3F9E] =	sst s9;
	s0 =	simm.s32 @!p0 $0x0  }
0x12: {  	s1 =	sld [smem:$0x3F84];
	s0 =	simm.s32 @p0 $0x1  }
0x13: {  	[smem:$0x3F9F] =	sst s0;
	s0 =	simm.s32 @!p1 $0x0  }
0x14: {  	s2 =	sld [smem:$0x3F83];
	s0 =	simm.s32 @p1 $0x1  }
0x15: {  	[smem:$0x3FA0] =	sst s0;
	s0 =	simm.s32 @!p2 $0x0  }
0x16: {  	s3 =	sld [smem:$0x3FDB];
	s0 =	simm.s32 @p2 $0x1  }
0x17: {  	s4 =	simm.s32 $0x1BF5;
	[smem:$0x3FA2] =	sst s0  }
0x18: {  	s0 =	sld [smem:$0x3F85];
	_ =	swait.ge [sflag:s4], $0x0  }
0x19: {  	s7 =	sld [smem:$0x3F86]  }
0x1a: {  	s8 =	sadd.s32 $0xFFFFE003, lr  }
0x1b: {  	s9 =	sadd.s32 $0xFFFFFEF7, lr;
	s5 =	simm.s32 $0xFFFFFFFF;
	p2 =	slt.u32 s8, $0xFFFFF086  }
0x1c: {  	p1 =	slt.u32 s9, $0xF7A;
	s5 =	simm.s32 @!p2 $0x0  }
0x1d: {  	s5 =	simm.s32 @p1 $0x1;
	p0 =	seq.s32 s7, s2  }
0x1e: {  	s7 =	smul.u32 @!p0 $0xF7A, s2;
	p2 =	seq.s32 @!p0 s5, $0x0  }
0x1f: {  	s9 =	smul.u32 $0xF7A, s1;
	s8 =	simm.s32 @!p0 $0x1BF5;
	p2 =	por !p2, p0  }
0x20: {  	[sflag:s8] =	ssyncset.s32 @!p0 $0xFFFFF086;
	s6 =	sadd.s32 @!p0 s3, s7;
	s7 =	simm.s32 @!p0 $0x108  }
0x21: {  	s3 =	sadd.s32 s3, s9;
	s6 =	sadd.s32 @!p0 $0x88, s6;
	s7 =	simm.s32 @p2 $0x1082  }
0x22: {  	[simem:s7], [sflag:s8] =	dma.local @!p0 [hbm:s6], $0xF7A  }
0x23: {  	s9 =	sor.u32 $0xD0000000, s2;
	s6 =	simm.s32 $0x108;
	_ =	swait.ge @!p0 [sflag:s8], $0x0  }
0x24: {  	s3 =	sadd.s32 $0x88, s3;
	s6 =	simm.s32 @!p1 $0x1082;
	[sflag:s4] =	ssyncset.s32 $0xFFFFF086  }
0x25: {  	[simem:s6], [sflag:s4] =	dma.local [hbm:s3], $0xF7A  }
0x26: {  	[smem:$0x3F86] =	sst s1;
	(tag) =	ssettag s2;
	_ =	strace s9  }
0x27: {  	s1 =	sld [smem:$0x3F96]  }
0x28: {  	s2 =	sld [smem:$0x3F97]  }
0x29: {  	s4 =	sld [smem:$0x3F99]  }
0x2a: {  	p0 =	seq.s32 s5, $0x0;
	s5 =	sld [smem:$0x3F9A]  }
0x2b: {  	s6 =	sld [smem:$0x3F9B]  }
0x2c: {  	s7 =	sld [smem:$0x3F9C]  }
0x2d: {  	s3 =	simm.s32 $0x108;
	s8 =	sld [smem:$0x3F9D]  }
0x2e: {  	s3 =	simm.s32 @!p0 $0x1082;
	s9 =	sld [smem:$0x3F9E]  }
0x2f: {  	lr =	sadd.s32 s0, s3;
	s0 =	sld [smem:$0x3F95]  }
0x30: {  	s3 =	sld [smem:$0x3F98]  }
0x31: {  	[smem:$0x3FA1] =	sst s10  }
0x32: {  	s10 =	sld [smem:$0x3F9F];
	_ =	sdelay $0x3  }
0x33: {  	p0 =	seq.s32 s10, $0x1;
	s10 =	sld [smem:$0x3FA1];
	_ =	sdelay $0x3  }
0x34: {  	[smem:$0x3FA1] =	sst s10  }
0x35: {  	s10 =	sld [smem:$0x3FA0];
	_ =	sdelay $0x3  }
0x36: {  	p1 =	seq.s32 s10, $0x1;
	s10 =	sld [smem:$0x3FA1];
	_ =	sdelay $0x3  }
0x37: {  	[smem:$0x3FA1] =	sst s10  }
0x38: {  	s10 =	sld [smem:$0x3FA2]  }
0x39: {  	_ = 	snop;
	(pc) =	sbr.ind lr, $3  }
0x3a: {  	_ = 	snop  }
0x3b: {  	_ = 	snop  }
0x3c: {  	p2 =	seq.s32 s10, $0x1;
	s10 =	sld [smem:$0x3FA1]  }
0x3d: {  	_ =	shalt  }
0x3e: {  	_ =	shalt  }
0x3f: {  	_ =	shalt  }
0x40: {  	_ =	shalt  }
0x41: {  	_ =	shalt  }
0x42: {  	_ =	shalt  }
0x43: {  	_ =	shalt  }
0x44: {  	_ =	shalt  }
0x45: {  	_ =	shalt  }
0x46: {  	_ =	shalt  }
0x47: {  	_ =	shalt  }
0x48: {  	_ =	shalt  }
0x49: {  	_ =	shalt  }
0x4a: {  	_ =	shalt  }
0x4b: {  	_ =	shalt  }
0x4c: {  	_ =	shalt  }
0x4d: {  	_ =	shalt  }
0x4e: {  	_ =	shalt  }
0x4f: {  	_ =	shalt  }
0x50: {  	_ =	shalt  }
0x51: {  	_ =	shalt  }
0x52: {  	_ =	shalt  }
0x53: {  	_ =	shalt  }
0x54: {  	_ =	shalt  }
0x55: {  	_ =	shalt  }
0x56: {  	_ =	shalt  }
0x57: {  	_ =	shalt  }
0x58: {  	_ =	shalt  }
0x59: {  	_ =	shalt  }
0x5a: {  	_ =	shalt  }
0x5b: {  	_ =	shalt  }
0x5c: {  	_ =	shalt  }
0x5d: {  	_ =	shalt  }
0x5e: {  	_ =	shalt  }
0x5f: {  	_ =	shalt  }
0x60: {  	_ =	shalt  }
0x61: {  	_ =	shalt  }
0x62: {  	_ =	shalt  }
0x63: {  	_ =	shalt  }
0x64: {  	_ =	shalt  }
0x65: {  	_ =	shalt  }
0x66: {  	_ =	shalt  }
0x67: {  	_ =	shalt  }
0x68: {  	_ =	shalt  }
0x69: {  	_ =	shalt  }
0x6a: {  	_ =	shalt  }
0x6b: {  	_ =	shalt  }
0x6c: {  	_ =	shalt  }
0x6d: {  	_ =	shalt  }
0x6e: {  	_ =	shalt  }
0x6f: {  	_ =	shalt  }
0x70: {  	_ =	shalt  }
0x71: {  	_ =	shalt  }
0x72: {  	_ =	shalt  }
0x73: {  	_ =	shalt  }
0x74: {  	_ =	shalt  }
0x75: {  	_ =	shalt  }
0x76: {  	_ =	shalt  }
0x77: {  	_ =	shalt  }
0x78: {  	_ =	shalt  }
0x79: {  	_ =	shalt  }
0x7a: {  	_ =	shalt  }
0x7b: {  	_ =	shalt  }
0x7c: {  	_ =	shalt  }
0x7d: {  	_ =	shalt  }
0x7e: {  	_ =	shalt  }
0x7f: {  	_ =	shalt  }
0x80: {  	_ =	shalt  }
0x81: {  	_ =	shalt  }
0x82: {  	_ =	shalt  }
0x83: {  	_ =	shalt  }
0x84: {  	_ =	shalt  }
0x85: {  	_ =	shalt  }
0x86: {  	_ =	shalt  }
0x87: {  	_ =	shalt  }
.Lfunc_end0:
.L_simem_size_0:
called_computation.2_lowered:
.L_overlay_start_0:
0x88: {  	s2 =	sld [smem:$0x3FD9]  }
0x89: {  	s3 =	sld [smem:$0x3FFE];
	_ =	sdelay $0x1  }
0x8a: {  	s1 =	srdreg.scid  }
0x8b: {  	s0 =	sand.u32 $0x1, s1  }
0x8c: {  	s17 =	sshll.u32 s0, $0xA;
	s2 =	sadd.s32 s3, s2  }
0x8d: {  	s2 =	sadd.s32 s2, s17  }
0x8e: {  	[smem:$0x3FAD] =	sst s2  }
0x8f: {  	_ = 	snop  }
0x90: {  	s18 =	sld [smem:$0x3FD0];
	(tm) =	ssettm $0x1  }
0x91: {  	s19 =	sld [smem:$0x3FFB];
	_ =	sdelay $0x3  }
0x92: {  	_ =	strace s19  }
0x93: {  	s2 =	sld [smem:$0x3FFC];
	_ =	sdelay $0x3  }
0x94: {  	_ =	strace s2  }
0x95: {  	s2 =	sld [smem:$0x3FFD];
	_ =	sdelay $0x3  }
0x96: {  	_ =	strace s2  }
0x97: {  	_ =	strace $0x8FFFFFFF  }
0x98: {  	s20 =	sld [smem:$0x3FDB];
	_ =	sdelay $0x1  }
0x99: {  	s4 =	simm.s32 $_scs_section_size  }
0x9a: {  	s5 =	simm.s32 $_size__tile_overlayer_lowered;
	s6 =	simm.s32 $_tile_overlayer_lowered  }
0x9b: {  	s7 =	simm.s32 $0x1BFF;
	s21 =	sshll.u32 s6, $0x1;
	s4 =	sadd.s32 s4, s20  }
0x9c: {  	s22 =	simm.s32 $0x0;
	s5 =	sshll.u32 s5, $0x1;
	s6 =	sadd.s32 s21, s4  }
0x9d: {  	[timem:s22], [sflag:s7] =	dma.local [hbm:s6], s5  }
0x9e: {  	_ =	swait.ge [sflag:s7], s5  }
0x9f: {  	s5 =	ssub.s32 $0x0, s5;
	[sflag:s7] =	ssyncset.done $0x0  }
0xa0: {  	[sflag:s7] =	ssyncadd.s32 s5;
	_ =	sdelay $0x1  }
0xa1: {  	s23 =	simm.s32 $0x1B8B  }
0xa2: {  	_ =	swait.ge [sflag:s23], $0x1  }
0xa3: {  	[sflag:s23] =	ssyncset.done $0x0  }
0xa4: {  	[sflag:s23] =	ssyncadd.s32 $0xFFFFFFFF  }
0xa5: {  	s5 =	sld [smem:$0x0]  }
0xa6: {  	s6 =	sand.u32 $0xFFFFFFFE, s1  }
0xa7: {  	p0 =	sne.s32 s1, s6  }
0xa8: {  	s6 =	sshll.u32 @p0 s6, $0xE  }
0xa9: {  	s6 =	sadd.s32 @p0 $0x11B8D, s6;
	s7 =	sshll.u32 @p0 s5, $0x11  }
0xaa: {  	s6 =	sor.u32 @p0 s7, s6  }
0xab: {  	[sflag:s6] =	ssyncadd.remote.s32 @p0 $0x1;
	_ =	sdelay $0x1  }
0xac: {  	s6 =	simm.s32 @p0 $0x1B8D  }
0xad: {  	_ =	swait.eq @p0 [sflag:s6], $0x1  }
0xae: {  	[sflag:s6] =	ssyncadd.s32 @p0 $0xFFFFFFFF  }
0xaf: {  	s7 =	sshll.u32 @!p0 s1, $0xE  }
0xb0: {  	s7 =	sor.u32 @!p0 $0x4000, s7;
	s6 =	simm.s32 @!p0 $0x1B8D  }
0xb1: {  	s5 =	sshll.u32 @!p0 s5, $0x11;
	s7 =	sadd.s32 @!p0 $0x11B8D, s7;
	_ =	swait.eq @!p0 [sflag:s6], $0x1  }
0xb2: {  	s5 =	sor.u32 @!p0 s5, s7;
	[sflag:s6] =	ssyncadd.s32 @!p0 $0xFFFFFFFF  }
0xb3: {  	s25 =	simm.s32 $0x1B8E;
	s24 =	sld [smem:$0x3FFE];
	[sflag:s5] =	ssyncadd.remote.s32 @!p0 $0x1  }
0xb4: {  	s26 =	simm.s32 $execute0_lowered;
	[smem:$0x3FD2] =	sst s25  }
0xb5: {  	s6 =	sshll.u32 s26, $0x1;
	_ =	strace $0x80000055;
	[dreg:$0x1] =	wrdreg $0xFFFFFFFF  }
0xb6: {  	s28 =	simm.s32 $_size_execute0_lowered;
	s4 =	sadd.s32 s4, s6;
	[dreg:$0x0] =	wrdreg $0x0  }
0xb7: {  	s6 =	sshll.u32 s28, $0x1;
	[dreg:$0x2] =	wrdreg s4  }
0xb8: {  	[dreg:$0x3] =	wrdreg s6  }
0xb9: {  	[dreg:$0x4] =	wrdreg $0xC0  }
0xba: {  	_ =	task [dreg:s22], $0x5FFFF  }
0xbb: {  	[dreg:$0x1] =	wrdreg $0xFFFFFFFF  }
0xbc: {  	[dreg:$0x0] =	wrdreg $0x60  }
0xbd: {  	[dreg:$0x2] =	wrdreg s24  }
0xbe: {  	[dreg:$0x3] =	wrdreg s18  }
0xbf: {  	[dreg:$0x4] =	wrdreg $0x9  }
0xc0: {  	_ =	task.clear_ibuf [dreg:s22], $0x5FFFF;
	_ =	strace $0x90000055  }
0xc1: {  	s29 =	simm.s32 $0x9;
	_ =	strace $0x80000057  }
0xc2: {  	_ =	swait.ge [sflag:s29], $0x1  }
0xc3: {  	[sflag:s29] =	ssyncadd.s32 $0xFFFFFFFF  }
0xc4: {  	_ =	strace $0x90000057  }
0xc5: {  	_ =	sfence  }
0xc6: {  	s30 =	sld [smem:$0x0];
	_ =	sdelay $0x2  }
0xc7: {  	s31 =	sshll.u32 s1, $0xD;
	s1 =	sshrl.u32 s1, $0x2  }
0xc8: {  	s4 =	sand.u32 $0x4000, s31;
	s1 =	sadd.s32 s1, s30  }
0xc9: {  	s0 =	sor.u32 s4, s0;
	s1 =	sshll.u32 s1, $0x11  }
0xca: {  	s0 =	sor.u32 s1, s0  }
0xcb: {  	s0 =	sadd.s32 $0x8F2B, s0  }
0xcc: {  	[sflag:s0] =	ssyncadd.remote.s32 $0x1  }
0xcd: {  	_ =	sfence.sel $0xFFFF  }
0xce: {  	[dreg:$0x0] =	wrdreg $0xFFFFFFFF;
	(pc) =	sbr.abs _section_cstart, $3  }
0xcf: {  	[dreg:$0x1] =	wrdreg $0xFFFFFFFF  }
0xd0: {  	_ =	task.clear_ibuf [dreg:s22], $0x2FFFF;
	_ =	strace $0x9FFFFFFF  }
0xd1: {  	(tm) =	ssettm $0x7FFFFFFF  }
tec
execute0_lowered:
.L_overlay_start_1:
0x0: {  	(tag) =	ssettag $0x1  }
0x1: {  	s8 =	rddreg [dreg:$0x0]  }
0x2: {  	s2 =	rddreg [dreg:$0x1]  }
0x3: {  	s0 =	rddreg [dreg:$0x2];
	s1 =	stileid.u32  }
0x4: {  	s3 =	srdreg.scid;
	_ =	strace $0x80000056;
	s4 =	simm.s32 $0x1  }
0x5: {  	s7 =	simm.s32 $0x1;
	s9 =	simm.s32 $0x1;
	s10 =	simm.s32 $0x3  }
0x6: {  	s13 =	simm.s32 $0x0;
	s5 =	sand.u32 $0x1, s3;
	s6 =	sshll.u32 s1, $0x1  }
0x7: {  	s12 =	simm.s32 $0x0;
	s3 =	sadd.s32 $0x5BE00, s8;
	s5 =	sor.u32 s6, s5  }
.Ltmp0:
0x8: {  	[sflag:s4] =	ssyncpa.u1 $0x0;
	p0 =	slt.u32 s5, $0x13;
	(pc) =	sbr.rel .LBB2_1-.Ltmp0, $4  }
0x9: {  	s6 =	simm.s32 $0x2;
	s7 =	simm.s32 @!p0 $0x0;
	p0 =	sne.s32 s5, $0x12  }
0xa: {  	[sflag:s6] =	ssyncpa.u1 $0x0;
	s5 =	smul.u32 $0x320, s5;
	s9 =	simm.s32 @!p0 $0x0  }
0xb: {  	s8 =	sadd.s32 $0xB0600, s8;
	[sflag:s10] =	ssyncpa.u1 $0x0;
	s7 =	sadd.s32 s9, s7  }
0xc: {  	vm0 =	vmmov $0xffff;
	s10 =	simm.s32 $0x0;
	s11 =	smov.u32 s5;
	s9 =	sadd.s32 $0x1, s7  }
.LBB2_4:
0xd: {  	v2 =	vnsel vm1, $0x0, v2  }
0xe: {  	vm1 =	vgt.s32 v0, $0x0;
	v2 =	vmin.u32 v2, $0x270FF  }
0xf: {  	v0 =	vnsel vm1, $0x0, v0  }
0x10: {  	v0 =	vmin.u32 v0, $0x270FF  }
0x11: {  	[tilespmem:s18], [sflag:$0x1] =	stream.indirect_vreg.gather [hbm4b:s3+s10], $0x1, v1, vm0, $0x4038;
	[tilespmem:$0xC80] =	vst v63  }
0x12: {  	(ifvalue) =	ssetifvalue $0x7FFFFFFF  }
0x13: {  	[tilespmem:s15], [sflag:$0x1] =	stream.indirect_vreg.gather [hbm4b:s3+s10], $0x1, v2, vm0, $0x4038;
	[tilespmem:$0xC80] =	vst v63  }
0x14: {  	s29 =	sadd.s32 $0x10, s15;
	(ifvalue) =	ssetifvalue $0x7FFFFFFF  }
0x15: {  	[tilespmem:s29], [sflag:$0x1] =	stream.indirect_vreg.gather [hbm4b:s3+s10], $0x1, v0, vm0, $0x4038;
	[tilespmem:$0xC80] =	vst v63  }
0x16: {  	_ =	swait.ge [sflag:s4], $0x320  }
0x17: {  	s30 =	sshrl.u32 s13, $0x3;
	[sflag:s4] =	ssyncset.done $0x0  }
0x18: {  	s31 =	sand.u32 $0x7, s13;
	s15 =	sadd.s32 s8, s30;
	[sflag:s4] =	ssyncadd.s32 $0xFFFFFCE0  }
0x19: {  	[hbm4b:s15+s31] =	stream.linear.scatter [tilespmem:s14], [sflag:$0x3], $0x320, $0x38;
	[tilespmem:$0xC80] =	vst v63  }
.LBB2_5:
0x1a: {  	s15 =	sadd.s32 $0x6400, s11  }
0x1b: {  	p1 =	sgt.s32 s15, $0x9C3F  }
0x1c: {  	s15 =	smov.u32 @p1 s5;
	p1 =	sne.s32 s12, s9  }
.Ltmp1:
0x1d: {  	p0 =	slt.u32 s12, $0x2;
	(pc) =	sbr.rel @!p1 .LBB2_6-.Ltmp1, $4  }
0x1e: {  	s14 =	simm.s32 @!p0 $0x3  }
0x1f: {  	_ =	swait.ge @!p0 [sflag:s14], $0x320  }
0x20: {  	s16 =	sadd.s32 $0x1, s12;
	s13 =	smov.u32 s11;
	[sflag:s14] =	ssyncset.done @!p0 $0x0  }
0x21: {  	s12 =	smov.u32 s16;
	s11 =	smov.u32 s15;
	[sflag:s14] =	ssyncadd.s32 @!p0 $0xFFFFFCE0  }
.LBB2_1:
0x22: {  	p0 =	sge.u32 s12, s7  }
0x23: {  	s14 =	sxor.u32 @!p0 $0x1, s12  }
0x24: {  	s14 =	smul.u32 @!p0 $0xC80, s14  }
0x25: {  	s31 =	sadd.s32 $0xFFFFFFFF, s12;
	s15 =	sshrl.u32 @!p0 s11, $0x3  }
0x26: {  	s16 =	sand.u32 @!p0 $0x7, s11;
	s15 =	sadd.s32 @!p0 s2, s15;
	s14 =	sshra.s32 @!p0 s14, $0x2  }
0x27: {  	[tilespmem:s14], [sflag:$0x2] =	stream.linear.gather @!p0 [hbm4b:s15+s16], $0x320, $0x38;
	[tilespmem:$0xC80] =	vst v63  }
0x28: {  	p0 =	sge.u32 s31, s7  }
.Ltmp2:
0x29: {  	_ = 	snop;
	(pc) =	sbr.rel @p0 .LBB2_5-.Ltmp2, $1  }
0x2a: {  	_ =	sdelay $0x3  }
0x2b: {  	s14 =	sand.u32 $0x1, s12  }
0x2c: {  	_ =	swait.ge [sflag:s6], $0x320;
	p0 =	seq.s32 s14, $0x1;
	s14 =	simm.s32 $0x320  }
0x2d: {  	[sflag:s6] =	ssyncset.done $0x0;
	s14 =	simm.s32 @!p0 $0x0  }
0x2e: {  	[sflag:s6] =	ssyncadd.s32 $0xFFFFFCE0;
	(ifvalue) =	ssetifvalue $0x7FFFFFFF;
	v0 =	vld.msk [tilespmem:s14+$0x0 ss:$0x1], $0xffff;
	_ =	sdelay $0x4  }
0x2f: {  	s15 =	sadd.s32 $0x10, s14;
	vm1 =	vgt.s32 v0, $0x0  }
0x30: {  	v2 =	vld.msk [tilespmem:s15+$0x0 ss:$0x1], $0xffff;
	v1 =	vnsel vm1, $0x0, v0  }
0x31: {  	v1 =	vmin.u32 v1, $0x270FF;
	_ =	sdelay $0x2  }
0x32: {  	s17 =	simm.s32 $0x20;
	s14 =	sadd.s32 $0x640, s14;
	s16 =	sadd.s32 $0x10, s15  }
0x33: {  	s15 =	sadd.s32 $0x10, s14;
	s18 =	smov.u32 s14;
	v0 =	vld.msk [tilespmem:s16+$0x0 ss:$0x1], $0xffff;
	vm1 =	vgt.s32 v2, $0x0;
	(ifvalue) =	ssetifvalue $0x7FFFFFFF  }
.LBB2_3:
0x34: {  	[tilespmem:s18], [sflag:$0x1] =	stream.indirect_vreg.gather [hbm4b:s3+s10], $0x1, v1, vm0, $0x4038;
	[tilespmem:$0xC80] =	vst v63  }
0x35: {  	s17 =	sadd.s32 $0x10, s17  }
0x36: {  	v2 =	vnsel vm1, $0x0, v2;
	p0 =	slt.u32 s17, $0x310  }
.Ltmp3:
0x37: {  	s18 =	smov.u32 s15;
	v1 =	vmin.u32 v2, $0x270FF;
	(pc) =	sbr.rel @p0 .LBB2_3-.Ltmp3, $3  }
0x38: {  	_ =	sdelay $0x1  }
0x39: {  	s16 =	sadd.s32 $0x10, s16  }
0x3a: {  	vm1 =	vgt.s32 v0, $0x0;
	s15 =	sadd.s32 $0x10, s15;
	v2 =	vmov v0;
	(ifvalue) =	ssetifvalue $0x7FFFFFFF;
	v0 =	vld.msk [tilespmem:s16+$0x0 ss:$0x1], $0xffff  }
.Ltmp4:
0x3b: {  	_ = 	snop;
	(pc) =	sbr.rel .LBB2_4-.Ltmp4, $1  }
0x3c: {  	_ =	sdelay $0x3  }
.LBB2_6:
0x3d: {  	_ =	sfence.sel $0x180000  }
0x3e: {  	s2 =	simm.s32 $0x2;
	[bflag:$0x0] =	sbarrier.arrive $0xFFFF  }
0x3f: {  	s30 =	simm.s32 $0x3;
	[sflag:s2] =	ssyncpa.u1 $0x1  }
0x40: {  	s31 =	simm.s32 $0x1;
	[sflag:s30] =	ssyncpa.u1 $0x1  }
0x41: {  	[sflag:s31] =	ssyncpa.u1 $0x1  }
0x42: {  	p0 =	sne.s32 s1, $0x0;
	_ =	strace $0x90000056  }
0x43: {  	s0 =	sadd.s32 @!p0 $0x100000, s0;
	[bflag:$0x2] =	sbarrier.arrive $0xFFFF  }
0x44: {  	[sflag:s0] =	ssyncadd.tile.s32 @!p0 $0x1;
	_ =	shalt  }
.Lfunc_end2:
_tile_overlayer_lowered:
.L_overlay_start_2:
0x45: {  	(tag) =	ssettag $0x2  }
0x46: {  	s0 =	rddreg [dreg:$0x0];
	s2 =	stileid.u32  }
0x47: {  	s1 =	rddreg [dreg:$0x1];
	p0 =	sne.s32 s2, $0x0  }
0x48: {  	s3 =	rddreg [dreg:$0x2];
	[bflag:$0x3] =	sbarrier.arrive $0xFFFF;
	s2 =	simm.s32 @!p0 $0x1C01  }
0x49: {  	[timem:s3], [sflag:s2] =	dma.local @!p0 [hbm:s0], s1  }
0x4a: {  	s0 =	simm.s32 @!p0 $0x1  }
0x4b: {  	_ =	swait.ge @!p0 [sflag:s0], s1  }
0x4c: {  	s1 =	ssub.s32 @!p0 $0x0, s1;
	[sflag:s0] =	ssyncset.done @!p0 $0x0  }
0x4d: {  	[sflag:s0] =	ssyncadd.s32 @!p0 s1  }
0x4e: {  	[bflag:$0x3] =	sbarrier.arrive $0xFFFF  }
0x4f: {  	_ =	shalt  }

// kernel: gather_offload_async_start.3
scs
__scs_entry_jumppad:
0x0: {  	(pc) =	sbr.rel $0x88, $3  }
0x1: {  	(tag) =	ssettag $0x0;
	lr =	simm.s32 $0x1  }
0x2: {  	[smem:$0x3F86] =	sst lr;
	_ =	strace $0xD0000000  }
0x3: {  	_ = 	snop  }
0x4: {  	_ = 	snop  }
0x5: {  	_ = 	snop  }
0x6: {  	_ = 	snop  }
0x7: {  	_ = 	snop  }
__scs_overlays_trampoline_lowered:
0x8: {  	[smem:$0x3F95] =	sst s0  }
0x9: {  	[smem:$0x3F96] =	sst s1  }
0xa: {  	[smem:$0x3F97] =	sst s2  }
0xb: {  	[smem:$0x3F98] =	sst s3  }
0xc: {  	[smem:$0x3F99] =	sst s4  }
0xd: {  	[smem:$0x3F9A] =	sst s5  }
0xe: {  	[smem:$0x3F9B] =	sst s6  }
0xf: {  	[smem:$0x3F9C] =	sst s7  }
0x10: {  	[smem:$0x3F9D] =	sst s8  }
0x11: {  	[smem:$0x3F9E] =	sst s9;
	s0 =	simm.s32 @!p0 $0x0  }
0x12: {  	s1 =	sld [smem:$0x3F84];
	s0 =	simm.s32 @p0 $0x1  }
0x13: {  	[smem:$0x3F9F] =	sst s0;
	s0 =	simm.s32 @!p1 $0x0  }
0x14: {  	s2 =	sld [smem:$0x3F83];
	s0 =	simm.s32 @p1 $0x1  }
0x15: {  	[smem:$0x3FA0] =	sst s0;
	s0 =	simm.s32 @!p2 $0x0  }
0x16: {  	s3 =	sld [smem:$0x3FDB];
	s0 =	simm.s32 @p2 $0x1  }
0x17: {  	s4 =	simm.s32 $0x1BF5;
	[smem:$0x3FA2] =	sst s0  }
0x18: {  	s0 =	sld [smem:$0x3F85];
	_ =	swait.ge [sflag:s4], $0x0  }
0x19: {  	s7 =	sld [smem:$0x3F86]  }
0x1a: {  	s8 =	sadd.s32 $0xFFFFE003, lr  }
0x1b: {  	s9 =	sadd.s32 $0xFFFFFEF7, lr;
	s5 =	simm.s32 $0xFFFFFFFF;
	p2 =	slt.u32 s8, $0xFFFFF086  }
0x1c: {  	p1 =	slt.u32 s9, $0xF7A;
	s5 =	simm.s32 @!p2 $0x0  }
0x1d: {  	s5 =	simm.s32 @p1 $0x1;
	p0 =	seq.s32 s7, s2  }
0x1e: {  	s7 =	smul.u32 @!p0 $0xF7A, s2;
	p2 =	seq.s32 @!p0 s5, $0x0  }
0x1f: {  	s9 =	smul.u32 $0xF7A, s1;
	s8 =	simm.s32 @!p0 $0x1BF5;
	p2 =	por !p2, p0  }
0x20: {  	[sflag:s8] =	ssyncset.s32 @!p0 $0xFFFFF086;
	s6 =	sadd.s32 @!p0 s3, s7;
	s7 =	simm.s32 @!p0 $0x108  }
0x21: {  	s3 =	sadd.s32 s3, s9;
	s6 =	sadd.s32 @!p0 $0x88, s6;
	s7 =	simm.s32 @p2 $0x1082  }
0x22: {  	[simem:s7], [sflag:s8] =	dma.local @!p0 [hbm:s6], $0xF7A  }
0x23: {  	s9 =	sor.u32 $0xD0000000, s2;
	s6 =	simm.s32 $0x108;
	_ =	swait.ge @!p0 [sflag:s8], $0x0  }
0x24: {  	s3 =	sadd.s32 $0x88, s3;
	s6 =	simm.s32 @!p1 $0x1082;
	[sflag:s4] =	ssyncset.s32 $0xFFFFF086  }
0x25: {  	[simem:s6], [sflag:s4] =	dma.local [hbm:s3], $0xF7A  }
0x26: {  	[smem:$0x3F86] =	sst s1;
	(tag) =	ssettag s2;
	_ =	strace s9  }
0x27: {  	s1 =	sld [smem:$0x3F96]  }
0x28: {  	s2 =	sld [smem:$0x3F97]  }
0x29: {  	s4 =	sld [smem:$0x3F99]  }
0x2a: {  	p0 =	seq.s32 s5, $0x0;
	s5 =	sld [smem:$0x3F9A]  }
0x2b: {  	s6 =	sld [smem:$0x3F9B]  }
0x2c: {  	s7 =	sld [smem:$0x3F9C]  }
0x2d: {  	s3 =	simm.s32 $0x108;
	s8 =	sld [smem:$0x3F9D]  }
0x2e: {  	s3 =	simm.s32 @!p0 $0x1082;
	s9 =	sld [smem:$0x3F9E]  }
0x2f: {  	lr =	sadd.s32 s0, s3;
	s0 =	sld [smem:$0x3F95]  }
0x30: {  	s3 =	sld [smem:$0x3F98]  }
0x31: {  	[smem:$0x3FA1] =	sst s10  }
0x32: {  	s10 =	sld [smem:$0x3F9F];
	_ =	sdelay $0x3  }
0x33: {  	p0 =	seq.s32 s10, $0x1;
	s10 =	sld [smem:$0x3FA1];
	_ =	sdelay $0x3  }
0x34: {  	[smem:$0x3FA1] =	sst s10  }
0x35: {  	s10 =	sld [smem:$0x3FA0];
	_ =	sdelay $0x3  }
0x36: {  	p1 =	seq.s32 s10, $0x1;
	s10 =	sld [smem:$0x3FA1];
	_ =	sdelay $0x3  }
0x37: {  	[smem:$0x3FA1] =	sst s10  }
0x38: {  	s10 =	sld [smem:$0x3FA2]  }
0x39: {  	_ = 	snop;
	(pc) =	sbr.ind lr, $3  }
0x3a: {  	_ = 	snop  }
0x3b: {  	_ = 	snop  }
0x3c: {  	p2 =	seq.s32 s10, $0x1;
	s10 =	sld [smem:$0x3FA1]  }
0x3d: {  	_ =	shalt  }
0x3e: {  	_ =	shalt  }
0x3f: {  	_ =	shalt  }
0x40: {  	_ =	shalt  }
0x41: {  	_ =	shalt  }
0x42: {  	_ =	shalt  }
0x43: {  	_ =	shalt  }
0x44: {  	_ =	shalt  }
0x45: {  	_ =	shalt  }
0x46: {  	_ =	shalt  }
0x47: {  	_ =	shalt  }
0x48: {  	_ =	shalt  }
0x49: {  	_ =	shalt  }
0x4a: {  	_ =	shalt  }
0x4b: {  	_ =	shalt  }
0x4c: {  	_ =	shalt  }
0x4d: {  	_ =	shalt  }
0x4e: {  	_ =	shalt  }
0x4f: {  	_ =	shalt  }
0x50: {  	_ =	shalt  }
0x51: {  	_ =	shalt  }
0x52: {  	_ =	shalt  }
0x53: {  	_ =	shalt  }
0x54: {  	_ =	shalt  }
0x55: {  	_ =	shalt  }
0x56: {  	_ =	shalt  }
0x57: {  	_ =	shalt  }
0x58: {  	_ =	shalt  }
0x59: {  	_ =	shalt  }
0x5a: {  	_ =	shalt  }
0x5b: {  	_ =	shalt  }
0x5c: {  	_ =	shalt  }
0x5d: {  	_ =	shalt  }
0x5e: {  	_ =	shalt  }
0x5f: {  	_ =	shalt  }
0x60: {  	_ =	shalt  }
0x61: {  	_ =	shalt  }
0x62: {  	_ =	shalt  }
0x63: {  	_ =	shalt  }
0x64: {  	_ =	shalt  }
0x65: {  	_ =	shalt  }
0x66: {  	_ =	shalt  }
0x67: {  	_ =	shalt  }
0x68: {  	_ =	shalt  }
0x69: {  	_ =	shalt  }
0x6a: {  	_ =	shalt  }
0x6b: {  	_ =	shalt  }
0x6c: {  	_ =	shalt  }
0x6d: {  	_ =	shalt  }
0x6e: {  	_ =	shalt  }
0x6f: {  	_ =	shalt  }
0x70: {  	_ =	shalt  }
0x71: {  	_ =	shalt  }
0x72: {  	_ =	shalt  }
0x73: {  	_ =	shalt  }
0x74: {  	_ =	shalt  }
0x75: {  	_ =	shalt  }
0x76: {  	_ =	shalt  }
0x77: {  	_ =	shalt  }
0x78: {  	_ =	shalt  }
0x79: {  	_ =	shalt  }
0x7a: {  	_ =	shalt  }
0x7b: {  	_ =	shalt  }
0x7c: {  	_ =	shalt  }
0x7d: {  	_ =	shalt  }
0x7e: {  	_ =	shalt  }
0x7f: {  	_ =	shalt  }
0x80: {  	_ =	shalt  }
0x81: {  	_ =	shalt  }
0x82: {  	_ =	shalt  }
0x83: {  	_ =	shalt  }
0x84: {  	_ =	shalt  }
0x85: {  	_ =	shalt  }
0x86: {  	_ =	shalt  }
0x87: {  	_ =	shalt  }
.Lfunc_end0:
.L_simem_size_0:
called_computation.3_lowered:
.L_overlay_start_0:
0x88: {  	s2 =	sld [smem:$0x3FD9]  }
0x89: {  	s3 =	sld [smem:$0x3FFE];
	_ =	sdelay $0x1  }
0x8a: {  	s1 =	srdreg.scid  }
0x8b: {  	s0 =	sand.u32 $0x1, s1  }
0x8c: {  	s17 =	sshll.u32 s0, $0xA;
	s2 =	sadd.s32 s3, s2  }
0x8d: {  	s2 =	sadd.s32 s2, s17  }
0x8e: {  	[smem:$0x3FAD] =	sst s2  }
0x8f: {  	_ = 	snop  }
0x90: {  	s2 =	sld [smem:$0x3FD0];
	(tm) =	ssettm $0x1  }
0x91: {  	s18 =	sld [smem:$0x3FFB];
	_ =	sdelay $0x3  }
0x92: {  	_ =	strace s18  }
0x93: {  	s3 =	sld [smem:$0x3FFC];
	_ =	sdelay $0x3  }
0x94: {  	_ =	strace s3  }
0x95: {  	s3 =	sld [smem:$0x3FFD];
	_ =	sdelay $0x3  }
0x96: {  	_ =	strace s3  }
0x97: {  	_ =	strace $0x8FFFFFFF  }
0x98: {  	s19 =	sld [smem:$0x3FDB];
	_ =	sdelay $0x1  }
0x99: {  	s4 =	simm.s32 $_scs_section_size  }
0x9a: {  	s5 =	simm.s32 $_size__tile_overlayer_lowered;
	s6 =	simm.s32 $_tile_overlayer_lowered  }
0x9b: {  	s22 =	simm.s32 $0x1BFF;
	s21 =	sshll.u32 s6, $0x1;
	s3 =	sadd.s32 s4, s19  }
0x9c: {  	s7 =	simm.s32 $0x0;
	s20 =	sshll.u32 s5, $0x1;
	s5 =	sadd.s32 s21, s3  }
0x9d: {  	[timem:s7], [sflag:s22] =	dma.local [hbm:s5], s20  }
0x9e: {  	_ =	swait.ge [sflag:s22], s20  }
0x9f: {  	s4 =	ssub.s32 $0x0, s20;
	[sflag:s22] =	ssyncset.done $0x0  }
0xa0: {  	[sflag:s22] =	ssyncadd.s32 s4;
	_ =	sdelay $0x1  }
0xa1: {  	s23 =	simm.s32 $0x1B8B  }
0xa2: {  	_ =	swait.ge [sflag:s23], $0x1  }
0xa3: {  	[sflag:s23] =	ssyncset.done $0x0  }
0xa4: {  	s25 =	simm.s32 $0x1B8E;
	s24 =	sld [smem:$0x3FFE];
	[sflag:s23] =	ssyncadd.s32 $0xFFFFFFFF  }
0xa5: {  	s26 =	simm.s32 $execute0_lowered;
	[smem:$0x3FD2] =	sst s25  }
0xa6: {  	s5 =	sshll.u32 s26, $0x1;
	_ =	strace $0x80000052;
	[dreg:$0x1] =	wrdreg $0xFFFFFFFF  }
0xa7: {  	s28 =	simm.s32 $_size_execute0_lowered;
	s3 =	sadd.s32 s3, s5;
	[dreg:$0x0] =	wrdreg $0x0  }
0xa8: {  	s5 =	sshll.u32 s28, $0x1;
	[dreg:$0x2] =	wrdreg s3  }
0xa9: {  	[dreg:$0x3] =	wrdreg s5  }
0xaa: {  	[dreg:$0x4] =	wrdreg $0xC0  }
0xab: {  	_ =	task [dreg:s7], $0x5FFFF  }
0xac: {  	[dreg:$0x1] =	wrdreg $0xFFFFFFFF  }
0xad: {  	[dreg:$0x0] =	wrdreg $0x60  }
0xae: {  	[dreg:$0x2] =	wrdreg s24  }
0xaf: {  	[dreg:$0x3] =	wrdreg s2  }
0xb0: {  	[dreg:$0x4] =	wrdreg $0xA  }
0xb1: {  	_ =	task.clear_ibuf [dreg:s7], $0x5FFFF;
	_ =	strace $0x90000052  }
0xb2: {  	s29 =	simm.s32 $0xA;
	_ =	strace $0x80000054  }
0xb3: {  	_ =	swait.ge [sflag:s29], $0x1  }
0xb4: {  	[sflag:s29] =	ssyncadd.s32 $0xFFFFFFFF  }
0xb5: {  	_ =	strace $0x90000054  }
0xb6: {  	_ =	sfence  }
0xb7: {  	s30 =	sld [smem:$0x0];
	_ =	sdelay $0x2  }
0xb8: {  	s31 =	sshll.u32 s1, $0xD;
	s1 =	sshrl.u32 s1, $0x2  }
0xb9: {  	s3 =	sand.u32 $0x4000, s31;
	s1 =	sadd.s32 s1, s30  }
0xba: {  	s0 =	sor.u32 s3, s0;
	s1 =	sshll.u32 s1, $0x11  }
0xbb: {  	s0 =	sor.u32 s1, s0  }
0xbc: {  	s0 =	sadd.s32 $0x8F2B, s0  }
0xbd: {  	[sflag:s0] =	ssyncadd.remote.s32 $0x1  }
0xbe: {  	_ =	sfence.sel $0xFFFF  }
0xbf: {  	[dreg:$0x0] =	wrdreg $0xFFFFFFFF;
	(pc) =	sbr.abs _section_cstart, $3  }
0xc0: {  	[dreg:$0x1] =	wrdreg $0xFFFFFFFF  }
0xc1: {  	_ =	task.clear_ibuf [dreg:s7], $0x2FFFF;
	_ =	strace $0x9FFFFFFF  }
0xc2: {  	(tm) =	ssettm $0x7FFFFFFF  }
0xc3: {  	_ =	shalt  }
tec
execute0_lowered:
.L_overlay_start_1:
0x0: {  	(tag) =	ssettag $0x1  }
0x1: {  	s8 =	rddreg [dreg:$0x0]  }
0x2: {  	s2 =	rddreg [dreg:$0x1]  }
0x3: {  	s0 =	rddreg [dreg:$0x2];
	s1 =	stileid.u32  }
0x4: {  	s3 =	srdreg.scid;
	_ =	strace $0x80000053;
	s4 =	simm.s32 $0x1  }
0x5: {  	s7 =	simm.s32 $0x1;
	s9 =	simm.s32 $0x1;
	s10 =	simm.s32 $0x3  }
0x6: {  	s13 =	simm.s32 $0x0;
	s5 =	sand.u32 $0x1, s3;
	s6 =	sshll.u32 s1, $0x1  }
0x7: {  	s12 =	simm.s32 $0x0;
	s3 =	sadd.s32 $0x56E00, s8;
	s5 =	sor.u32 s6, s5  }
.Ltmp0:
0x8: {  	[sflag:s4] =	ssyncpa.u1 $0x0;
	p0 =	slt.u32 s5, $0x13;
	(pc) =	sbr.rel .LBB2_1-.Ltmp0, $4  }
0x9: {  	s6 =	simm.s32 $0x2;
	s7 =	simm.s32 @!p0 $0x0;
	p0 =	sne.s32 s5, $0x12  }
0xa: {  	[sflag:s6] =	ssyncpa.u1 $0x0;
	s5 =	smul.u32 $0x320, s5;
	s9 =	simm.s32 @!p0 $0x0  }
0xb: {  	s8 =	sadd.s32 $0xAF200, s8;
	[sflag:s10] =	ssyncpa.u1 $0x0;
	s7 =	sadd.s32 s9, s7  }
0xc: {  	vm0 =	vmmov $0xffff;
	s10 =	simm.s32 $0x0;
	s11 =	smov.u32 s5;
	s9 =	sadd.s32 $0x1, s7  }
.LBB2_4:
0xd: {  	v2 =	vnsel vm1, $0x0, v2  }
0xe: {  	vm1 =	vgt.s32 v0, $0x0;
	v2 =	vmin.u32 v2, $0x270FF  }
0xf: {  	v0 =	vnsel vm1, $0x0, v0  }
0x10: {  	v0 =	vmin.u32 v0, $0x270FF  }
0x11: {  	[tilespmem:s18], [sflag:$0x1] =	stream.indirect_vreg.gather [hbm4b:s3+s10], $0x1, v1, vm0, $0x4038;
	[tilespmem:$0xC80] =	vst v63  }
0x12: {  	(ifvalue) =	ssetifvalue $0x7FFFFFFF  }
0x13: {  	[tilespmem:s15], [sflag:$0x1] =	stream.indirect_vreg.gather [hbm4b:s3+s10], $0x1, v2, vm0, $0x4038;
	[tilespmem:$0xC80] =	vst v63  }
0x14: {  	s29 =	sadd.s32 $0x10, s15;
	(ifvalue) =	ssetifvalue $0x7FFFFFFF  }
0x15: {  	[tilespmem:s29], [sflag:$0x1] =	stream.indirect_vreg.gather [hbm4b:s3+s10], $0x1, v0, vm0, $0x4038;
	[tilespmem:$0xC80] =	vst v63  }
0x16: {  	_ =	swait.ge [sflag:s4], $0x320  }
0x17: {  	s30 =	sshrl.u32 s13, $0x3;
	[sflag:s4] =	ssyncset.done $0x0  }
0x18: {  	s31 =	sand.u32 $0x7, s13;
	s15 =	sadd.s32 s8, s30;
	[sflag:s4] =	ssyncadd.s32 $0xFFFFFCE0  }
0x19: {  	[hbm4b:s15+s31] =	stream.linear.scatter [tilespmem:s14], [sflag:$0x3], $0x320, $0x38;
	[tilespmem:$0xC80] =	vst v63  }
.LBB2_5:
0x1a: {  	s15 =	sadd.s32 $0x6400, s11  }
0x1b: {  	p1 =	sgt.s32 s15, $0x9C3F  }
0x1c: {  	s15 =	smov.u32 @p1 s5;
	p1 =	sne.s32 s12, s9  }
.Ltmp1:
0x1d: {  	p0 =	slt.u32 s12, $0x2;
	(pc) =	sbr.rel @!p1 .LBB2_6-.Ltmp1, $4  }
0x1e: {  	s14 =	simm.s32 @!p0 $0x3  }
0x1f: {  	_ =	swait.ge @!p0 [sflag:s14], $0x320  }
0x20: {  	s16 =	sadd.s32 $0x1, s12;
	s13 =	smov.u32 s11;
	[sflag:s14] =	ssyncset.done @!p0 $0x0  }
0x21: {  	s12 =	smov.u32 s16;
	s11 =	smov.u32 s15;
	[sflag:s14] =	ssyncadd.s32 @!p0 $0xFFFFFCE0  }
.LBB2_1:
0x22: {  	p0 =	sge.u32 s12, s7  }
0x23: {  	s14 =	sxor.u32 @!p0 $0x1, s12  }
0x24: {  	s14 =	smul.u32 @!p0 $0xC80, s14  }
0x25: {  	s31 =	sadd.s32 $0xFFFFFFFF, s12;
	s15 =	sshrl.u32 @!p0 s11, $0x3  }
0x26: {  	s16 =	sand.u32 @!p0 $0x7, s11;
	s15 =	sadd.s32 @!p0 s2, s15;
	s14 =	sshra.s32 @!p0 s14, $0x2  }
0x27: {  	[tilespmem:s14], [sflag:$0x2] =	stream.linear.gather @!p0 [hbm4b:s15+s16], $0x320, $0x38;
	[tilespmem:$0xC80] =	vst v63  }
0x28: {  	p0 =	sge.u32 s31, s7  }
.Ltmp2:
0x29: {  	_ = 	snop;
	(pc) =	sbr.rel @p0 .LBB2_5-.Ltmp2, $1  }
0x2a: {  	_ =	sdelay $0x3  }
0x2b: {  	s14 =	sand.u32 $0x1, s12  }
0x2c: {  	_ =	swait.ge [sflag:s6], $0x320;
	p0 =	seq.s32 s14, $0x1;
	s14 =	simm.s32 $0x320  }
0x2d: {  	[sflag:s6] =	ssyncset.done $0x0;
	s14 =	simm.s32 @!p0 $0x0  }
0x2e: {  	[sflag:s6] =	ssyncadd.s32 $0xFFFFFCE0;
	(ifvalue) =	ssetifvalue $0x7FFFFFFF;
	v0 =	vld.msk [tilespmem:s14+$0x0 ss:$0x1], $0xffff;
	_ =	sdelay $0x4  }
0x2f: {  	s15 =	sadd.s32 $0x10, s14;
	vm1 =	vgt.s32 v0, $0x0  }
0x30: {  	v2 =	vld.msk [tilespmem:s15+$0x0 ss:$0x1], $0xffff;
	v1 =	vnsel vm1, $0x0, v0  }
0x31: {  	v1 =	vmin.u32 v1, $0x270FF;
	_ =	sdelay $0x2  }
0x32: {  	s17 =	simm.s32 $0x20;
	s14 =	sadd.s32 $0x640, s14;
	s16 =	sadd.s32 $0x10, s15  }
0x33: {  	s15 =	sadd.s32 $0x10, s14;
	s18 =	smov.u32 s14;
	v0 =	vld.msk [tilespmem:s16+$0x0 ss:$0x1], $0xffff;
	vm1 =	vgt.s32 v2, $0x0;
	(ifvalue) =	ssetifvalue $0x7FFFFFFF  }
.LBB2_3:
0x34: {  	[tilespmem:s18], [sflag:$0x1] =	stream.indirect_vreg.gather [hbm4b:s3+s10], $0x1, v1, vm0, $0x4038;
	[tilespmem:$0xC80] =	vst v63  }
0x35: {  	s17 =	sadd.s32 $0x10, s17  }
0x36: {  	v2 =	vnsel vm1, $0x0, v2;
	p0 =	slt.u32 s17, $0x310  }
.Ltmp3:
0x37: {  	s18 =	smov.u32 s15;
	v1 =	vmin.u32 v2, $0x270FF;
	(pc) =	sbr.rel @p0 .LBB2_3-.Ltmp3, $3  }
0x38: {  	_ =	sdelay $0x1  }
0x39: {  	s16 =	sadd.s32 $0x10, s16  }
0x3a: {  	vm1 =	vgt.s32 v0, $0x0;
	s15 =	sadd.s32 $0x10, s15;
	v2 =	vmov v0;
	(ifvalue) =	ssetifvalue $0x7FFFFFFF;
	v0 =	vld.msk [tilespmem:s16+$0x0 ss:$0x1], $0xffff  }
.Ltmp4:
0x3b: {  	_ = 	snop;
	(pc) =	sbr.rel .LBB2_4-.Ltmp4, $1  }
0x3c: {  	_ =	sdelay $0x3  }
.LBB2_6:
0x3d: {  	_ =	sfence.sel $0x180000  }
0x3e: {  	s2 =	simm.s32 $0x2;
	[bflag:$0x0] =	sbarrier.arrive $0xFFFF  }
0x3f: {  	s30 =	simm.s32 $0x3;
	[sflag:s2] =	ssyncpa.u1 $0x1  }
0x40: {  	s31 =	simm.s32 $0x1;
	[sflag:s30] =	ssyncpa.u1 $0x1  }
0x41: {  	[sflag:s31] =	ssyncpa.u1 $0x1  }
0x42: {  	p0 =	sne.s32 s1, $0x0;
	_ =	strace $0x90000053  }
0x43: {  	s0 =	sadd.s32 @!p0 $0x100000, s0;
	[bflag:$0x2] =	sbarrier.arrive $0xFFFF  }
0x44: {  	[sflag:s0] =	ssyncadd.tile.s32 @!p0 $0x1;
	_ =	shalt  }
.Lfunc_end2:
_tile_overlayer_lowered:
.L_overlay_start_2:
0x45: {  	(tag) =	ssettag $0x2  }
0x46: {  	s0 =	rddreg [dreg:$0x0];
	s2 =	stileid.u32  }
0x47: {  	s1 =	rddreg [dreg:$0x1];
	p0 =	sne.s32 s2, $0x0  }
0x48: {  	s3 =	rddreg [dreg:$0x2];
	[bflag:$0x3] =	sbarrier.arrive $0xFFFF;
	s2 =	simm.s32 @!p0 $0x1C01  }
0x49: {  	[timem:s3], [sflag:s2] =	dma.local @!p0 [hbm:s0], s1  }
0x4a: {  	s0 =	simm.s32 @!p0 $0x1  }
0x4b: {  	_ =	swait.ge @!p0 [sflag:s0], s1  }
0x4c: {  	s1 =	ssub.s32 @!p0 $0x0, s1;
	[sflag:s0] =	ssyncset.done @!p0 $0x0  }
0x4d: {  	[sflag:s0] =	ssyncadd.s32 @!p0 s1  }
0x4e: {  	[bflag:$0x3] =	sbarrier.arrive $0xFFFF  }
0x4f: {  	_ =	shalt  }

// kernel: gather_offload_async_start
scs
__scs_entry_jumppad:
0x0: {  	(pc) =	sbr.rel $0x88, $3  }
0x1: {  	(tag) =	ssettag $0x0;
	lr =	simm.s32 $0x1  }
0x2: {  	[smem:$0x3F86] =	sst lr;
	_ =	strace $0xD0000000  }
0x3: {  	_ = 	snop  }
0x4: {  	_ = 	snop  }
0x5: {  	_ = 	snop  }
0x6: {  	_ = 	snop  }
0x7: {  	_ = 	snop  }
__scs_overlays_trampoline_lowered:
0x8: {  	[smem:$0x3F95] =	sst s0  }
0x9: {  	[smem:$0x3F96] =	sst s1  }
0xa: {  	[smem:$0x3F97] =	sst s2  }
0xb: {  	[smem:$0x3F98] =	sst s3  }
0xc: {  	[smem:$0x3F99] =	sst s4  }
0xd: {  	[smem:$0x3F9A] =	sst s5  }
0xe: {  	[smem:$0x3F9B] =	sst s6  }
0xf: {  	[smem:$0x3F9C] =	sst s7  }
0x10: {  	[smem:$0x3F9D] =	sst s8  }
0x11: {  	[smem:$0x3F9E] =	sst s9;
	s0 =	simm.s32 @!p0 $0x0  }
0x12: {  	s1 =	sld [smem:$0x3F84];
	s0 =	simm.s32 @p0 $0x1  }
0x13: {  	[smem:$0x3F9F] =	sst s0;
	s0 =	simm.s32 @!p1 $0x0  }
0x14: {  	s2 =	sld [smem:$0x3F83];
	s0 =	simm.s32 @p1 $0x1  }
0x15: {  	[smem:$0x3FA0] =	sst s0;
	s0 =	simm.s32 @!p2 $0x0  }
0x16: {  	s3 =	sld [smem:$0x3FDB];
	s0 =	simm.s32 @p2 $0x1  }
0x17: {  	s4 =	simm.s32 $0x1BF5;
	[smem:$0x3FA2] =	sst s0  }
0x18: {  	s0 =	sld [smem:$0x3F85];
	_ =	swait.ge [sflag:s4], $0x0  }
0x19: {  	s7 =	sld [smem:$0x3F86]  }
0x1a: {  	s8 =	sadd.s32 $0xFFFFE003, lr  }
0x1b: {  	s9 =	sadd.s32 $0xFFFFFEF7, lr;
	s5 =	simm.s32 $0xFFFFFFFF;
	p2 =	slt.u32 s8, $0xFFFFF086  }
0x1c: {  	p1 =	slt.u32 s9, $0xF7A;
	s5 =	simm.s32 @!p2 $0x0  }
0x1d: {  	s5 =	simm.s32 @p1 $0x1;
	p0 =	seq.s32 s7, s2  }
0x1e: {  	s7 =	smul.u32 @!p0 $0xF7A, s2;
	p2 =	seq.s32 @!p0 s5, $0x0  }
0x1f: {  	s9 =	smul.u32 $0xF7A, s1;
	s8 =	simm.s32 @!p0 $0x1BF5;
	p2 =	por !p2, p0  }
0x20: {  	[sflag:s8] =	ssyncset.s32 @!p0 $0xFFFFF086;
	s6 =	sadd.s32 @!p0 s3, s7;
	s7 =	simm.s32 @!p0 $0x108  }
0x21: {  	s3 =	sadd.s32 s3, s9;
	s6 =	sadd.s32 @!p0 $0x88, s6;
	s7 =	simm.s32 @p2 $0x1082  }
0x22: {  	[simem:s7], [sflag:s8] =	dma.local @!p0 [hbm:s6], $0xF7A  }
0x23: {  	s9 =	sor.u32 $0xD0000000, s2;
	s6 =	simm.s32 $0x108;
	_ =	swait.ge @!p0 [sflag:s8], $0x0  }
0x24: {  	s3 =	sadd.s32 $0x88, s3;
	s6 =	simm.s32 @!p1 $0x1082;
	[sflag:s4] =	ssyncset.s32 $0xFFFFF086  }
0x25: {  	[simem:s6], [sflag:s4] =	dma.local [hbm:s3], $0xF7A  }
0x26: {  	[smem:$0x3F86] =	sst s1;
	(tag) =	ssettag s2;
	_ =	strace s9  }
0x27: {  	s1 =	sld [smem:$0x3F96]  }
0x28: {  	s2 =	sld [smem:$0x3F97]  }
0x29: {  	s4 =	sld [smem:$0x3F99]  }
0x2a: {  	p0 =	seq.s32 s5, $0x0;
	s5 =	sld [smem:$0x3F9A]  }
0x2b: {  	s6 =	sld [smem:$0x3F9B]  }
0x2c: {  	s7 =	sld [smem:$0x3F9C]  }
0x2d: {  	s3 =	simm.s32 $0x108;
	s8 =	sld [smem:$0x3F9D]  }
0x2e: {  	s3 =	simm.s32 @!p0 $0x1082;
	s9 =	sld [smem:$0x3F9E]  }
0x2f: {  	lr =	sadd.s32 s0, s3;
	s0 =	sld [smem:$0x3F95]  }
0x30: {  	s3 =	sld [smem:$0x3F98]  }
0x31: {  	[smem:$0x3FA1] =	sst s10  }
0x32: {  	s10 =	sld [smem:$0x3F9F];
	_ =	sdelay $0x3  }
0x33: {  	p0 =	seq.s32 s10, $0x1;
	s10 =	sld [smem:$0x3FA1];
	_ =	sdelay $0x3  }
0x34: {  	[smem:$0x3FA1] =	sst s10  }
0x35: {  	s10 =	sld [smem:$0x3FA0];
	_ =	sdelay $0x3  }
0x36: {  	p1 =	seq.s32 s10, $0x1;
	s10 =	sld [smem:$0x3FA1];
	_ =	sdelay $0x3  }
0x37: {  	[smem:$0x3FA1] =	sst s10  }
0x38: {  	s10 =	sld [smem:$0x3FA2]  }
0x39: {  	_ = 	snop;
	(pc) =	sbr.ind lr, $3  }
0x3a: {  	_ = 	snop  }
0x3b: {  	_ = 	snop  }
0x3c: {  	p2 =	seq.s32 s10, $0x1;
	s10 =	sld [smem:$0x3FA1]  }
0x3d: {  	_ =	shalt  }
0x3e: {  	_ =	shalt  }
0x3f: {  	_ =	shalt  }
0x40: {  	_ =	shalt  }
0x41: {  	_ =	shalt  }
0x42: {  	_ =	shalt  }
0x43: {  	_ =	shalt  }
0x44: {  	_ =	shalt  }
0x45: {  	_ =	shalt  }
0x46: {  	_ =	shalt  }
0x47: {  	_ =	shalt  }
0x48: {  	_ =	shalt  }
0x49: {  	_ =	shalt  }
0x4a: {  	_ =	shalt  }
0x4b: {  	_ =	shalt  }
0x4c: {  	_ =	shalt  }
0x4d: {  	_ =	shalt  }
0x4e: {  	_ =	shalt  }
0x4f: {  	_ =	shalt  }
0x50: {  	_ =	shalt  }
0x51: {  	_ =	shalt  }
0x52: {  	_ =	shalt  }
0x53: {  	_ =	shalt  }
0x54: {  	_ =	shalt  }
0x55: {  	_ =	shalt  }
0x56: {  	_ =	shalt  }
0x57: {  	_ =	shalt  }
0x58: {  	_ =	shalt  }
0x59: {  	_ =	shalt  }
0x5a: {  	_ =	shalt  }
0x5b: {  	_ =	shalt  }
0x5c: {  	_ =	shalt  }
0x5d: {  	_ =	shalt  }
0x5e: {  	_ =	shalt  }
0x5f: {  	_ =	shalt  }
0x60: {  	_ =	shalt  }
0x61: {  	_ =	shalt  }
0x62: {  	_ =	shalt  }
0x63: {  	_ =	shalt  }
0x64: {  	_ =	shalt  }
0x65: {  	_ =	shalt  }
0x66: {  	_ =	shalt  }
0x67: {  	_ =	shalt  }
0x68: {  	_ =	shalt  }
0x69: {  	_ =	shalt  }
0x6a: {  	_ =	shalt  }
0x6b: {  	_ =	shalt  }
0x6c: {  	_ =	shalt  }
0x6d: {  	_ =	shalt  }
0x6e: {  	_ =	shalt  }
0x6f: {  	_ =	shalt  }
0x70: {  	_ =	shalt  }
0x71: {  	_ =	shalt  }
0x72: {  	_ =	shalt  }
0x73: {  	_ =	shalt  }
0x74: {  	_ =	shalt  }
0x75: {  	_ =	shalt  }
0x76: {  	_ =	shalt  }
0x77: {  	_ =	shalt  }
0x78: {  	_ =	shalt  }
0x79: {  	_ =	shalt  }
0x7a: {  	_ =	shalt  }
0x7b: {  	_ =	shalt  }
0x7c: {  	_ =	shalt  }
0x7d: {  	_ =	shalt  }
0x7e: {  	_ =	shalt  }
0x7f: {  	_ =	shalt  }
0x80: {  	_ =	shalt  }
0x81: {  	_ =	shalt  }
0x82: {  	_ =	shalt  }
0x83: {  	_ =	shalt  }
0x84: {  	_ =	shalt  }
0x85: {  	_ =	shalt  }
0x86: {  	_ =	shalt  }
0x87: {  	_ =	shalt  }
.Lfunc_end0:
.L_simem_size_0:
called_computation_lowered:
.L_overlay_start_0:
0x88: {  	s2 =	sld [smem:$0x3FD9]  }
0x89: {  	s3 =	sld [smem:$0x3FFE];
	_ =	sdelay $0x1  }
0x8a: {  	s1 =	srdreg.scid  }
0x8b: {  	s0 =	sand.u32 $0x1, s1  }
0x8c: {  	s17 =	sshll.u32 s0, $0xA;
	s2 =	sadd.s32 s3, s2  }
0x8d: {  	s2 =	sadd.s32 s2, s17  }
0x8e: {  	[smem:$0x3FAD] =	sst s2  }
0x8f: {  	_ = 	snop  }
0x90: {  	(tm) =	ssettm $0x1  }
0x91: {  	s18 =	sld [smem:$0x3FFB];
	_ =	sdelay $0x3  }
0x92: {  	_ =	strace s18  }
0x93: {  	s2 =	sld [smem:$0x3FFC];
	_ =	sdelay $0x3  }
0x94: {  	_ =	strace s2  }
0x95: {  	s2 =	sld [smem:$0x3FFD];
	_ =	sdelay $0x3  }
0x96: {  	_ =	strace s2  }
0x97: {  	_ =	strace $0x8FFFFFFF  }
0x98: {  	s19 =	sld [smem:$0x3FDB];
	_ =	sdelay $0x1  }
0x99: {  	s20 =	simm.s32 $_scs_section_size  }
0x9a: {  	s4 =	simm.s32 $_size__tile_overlayer_lowered;
	s5 =	simm.s32 $_tile_overlayer_lowered  }
0x9b: {  	s6 =	simm.s32 $0x1BFF;
	s21 =	sshll.u32 s5, $0x1;
	s3 =	sadd.s32 s20, s19  }
0x9c: {  	s22 =	simm.s32 $0x0;
	s4 =	sshll.u32 s4, $0x1;
	s5 =	sadd.s32 s21, s3  }
0x9d: {  	[timem:s22], [sflag:s6] =	dma.local [hbm:s5], s4  }
0x9e: {  	_ =	swait.ge [sflag:s6], s4  }
0x9f: {  	s4 =	ssub.s32 $0x0, s4;
	[sflag:s6] =	ssyncset.done $0x0  }
0xa0: {  	[sflag:s6] =	ssyncadd.s32 s4;
	_ =	sdelay $0x1  }
0xa1: {  	s23 =	simm.s32 $0x1B8B  }
0xa2: {  	_ =	swait.ge [sflag:s23], $0x1  }
0xa3: {  	[sflag:s23] =	ssyncset.done $0x0  }
0xa4: {  	[sflag:s23] =	ssyncadd.s32 $0xFFFFFFFF  }
0xa5: {  	s4 =	sld [smem:$0x0]  }
0xa6: {  	s5 =	sand.u32 $0xFFFFFFFE, s1  }
0xa7: {  	p0 =	sne.s32 s1, s5  }
0xa8: {  	s5 =	sshll.u32 @p0 s5, $0xE  }
0xa9: {  	s5 =	sadd.s32 @p0 $0x11B8D, s5;
	s6 =	sshll.u32 @p0 s4, $0x11  }
0xaa: {  	s5 =	sor.u32 @p0 s6, s5  }
0xab: {  	[sflag:s5] =	ssyncadd.remote.s32 @p0 $0x1;
	_ =	sdelay $0x1  }
0xac: {  	s5 =	simm.s32 @p0 $0x1B8D  }
0xad: {  	_ =	swait.eq @p0 [sflag:s5], $0x1  }
0xae: {  	[sflag:s5] =	ssyncadd.s32 @p0 $0xFFFFFFFF  }
0xaf: {  	s6 =	sshll.u32 @!p0 s1, $0xE  }
0xb0: {  	s6 =	sor.u32 @!p0 $0x4000, s6;
	s5 =	simm.s32 @!p0 $0x1B8D  }
0xb1: {  	s4 =	sshll.u32 @!p0 s4, $0x11;
	s6 =	sadd.s32 @!p0 $0x11B8D, s6;
	_ =	swait.eq @!p0 [sflag:s5], $0x1  }
0xb2: {  	s4 =	sor.u32 @!p0 s4, s6;
	[sflag:s5] =	ssyncadd.s32 @!p0 $0xFFFFFFFF  }
0xb3: {  	s25 =	simm.s32 $0x1B8E;
	s24 =	sld [smem:$0x3FFE];
	[sflag:s4] =	ssyncadd.remote.s32 @!p0 $0x1  }
0xb4: {  	s26 =	simm.s32 $execute0_lowered;
	[smem:$0x3FD2] =	sst s25  }
0xb5: {  	s5 =	sshll.u32 s26, $0x1;
	_ =	strace $0x80000049;
	[dreg:$0x1] =	wrdreg $0xFFFFFFFF  }
0xb6: {  	s28 =	simm.s32 $_size_execute0_lowered;
	s3 =	sadd.s32 s3, s5;
	[dreg:$0x0] =	wrdreg $0x0  }
0xb7: {  	s5 =	sshll.u32 s28, $0x1;
	[dreg:$0x2] =	wrdreg s3  }
0xb8: {  	[dreg:$0x3] =	wrdreg s5  }
0xb9: {  	[dreg:$0x4] =	wrdreg $0xC0  }
0xba: {  	_ =	task [dreg:s22], $0x5FFFF  }
0xbb: {  	[dreg:$0x1] =	wrdreg $0xFFFFFFFF  }
0xbc: {  	[dreg:$0x0] =	wrdreg $0x60  }
0xbd: {  	[dreg:$0x2] =	wrdreg s24  }
0xbe: {  	[dreg:$0x3] =	wrdreg $0x9  }
0xbf: {  	_ =	task.clear_ibuf [dreg:s22], $0x4FFFF;
	_ =	strace $0x90000049  }
0xc0: {  	s29 =	simm.s32 $0x9;
	_ =	strace $0x8000004B  }
0xc1: {  	_ =	swait.ge [sflag:s29], $0x1  }
0xc2: {  	[sflag:s29] =	ssyncadd.s32 $0xFFFFFFFF  }
0xc3: {  	_ =	strace $0x9000004B  }
0xc4: {  	_ =	sfence  }
0xc5: {  	s30 =	sld [smem:$0x0];
	_ =	sdelay $0x2  }
0xc6: {  	s31 =	sshll.u32 s1, $0xD;
	s1 =	sshrl.u32 s1, $0x2  }
0xc7: {  	s4 =	sand.u32 $0x4000, s31;
	s1 =	sadd.s32 s1, s30  }
0xc8: {  	s0 =	sor.u32 s4, s0;
	s1 =	sshll.u32 s1, $0x11  }
0xc9: {  	s0 =	sor.u32 s1, s0  }
0xca: {  	s0 =	sadd.s32 $0x8F2B, s0  }
0xcb: {  	[sflag:s0] =	ssyncadd.remote.s32 $0x1  }
0xcc: {  	_ =	sfence.sel $0xFFFF  }
0xcd: {  	[dreg:$0x0] =	wrdreg $0xFFFFFFFF;
	(pc) =	sbr.abs _section_cstart, $3  }
0xce: {  	[dreg:$0x1] =	wrdreg $0xFFFFFFFF  }
0xcf: {  	_ =	task.clear_ibuf [dreg:s22], $0x2FFFF;
	_ =	strace $0x9FFFFFFF  }
0xd0: {  	(tm) =	ssettm $0x7FFFFFFF  }
0xd1: {  	_ =	shalt  }
tec
execute0_lowered:
.L_overlay_start_1:
0x0: {  	(tag) =	ssettag $0x1  }
0x1: {  	s8 =	rddreg [dreg:$0x0];
	s1 =	stileid.u32  }
0x2: {  	s2 =	srdreg.scid;
	s0 =	rddreg [dreg:$0x1]  }
0x3: {  	_ =	strace $0x8000004A;
	s5 =	simm.s32 $0x1;
	s9 =	simm.s32 $0x1  }
0x4: {  	s10 =	simm.s32 $0x3;
	s2 =	sand.u32 $0x1, s2;
	s3 =	sshll.u32 s1, $0x1  }
0x5: {  	s13 =	simm.s32 $0x0;
	s12 =	simm.s32 $0x0;
	s6 =	sor.u32 s3, s2  }
0x6: {  	[sflag:s5] =	ssyncpa.u1 $0x0;
	s2 =	sadd.s32 $0x5BE00, s8;
	s4 =	smul.u32 $0x960, s6  }
0x7: {  	s3 =	sadd.s32 $0x60E00, s8;
	p0 =	slt.u32 s6, $0x13;
	s6 =	simm.s32 $0x12C00  }
.Ltmp0:
0x8: {  	s6 =	simm.s32 @!p0 $0x0;
	s7 =	ssub.s32 $0x1D4C0, s4;
	(pc) =	sbr.rel .LBB2_1-.Ltmp0, $4  }
0x9: {  	s9 =	simm.s32 @!p0 $0x0;
	p0 =	sne.s32 s7, s6;
	s7 =	simm.s32 $0x1  }
0xa: {  	s8 =	sadd.s32 $0xB6800, s8;
	s6 =	simm.s32 $0x2;
	s7 =	simm.s32 @!p0 $0x0  }
0xb: {  	s11 =	smov.u32 s4;
	[sflag:s6] =	ssyncpa.u1 $0x0;
	s7 =	sadd.s32 s9, s7  }
0xc: {  	vm0 =	vmmov $0xffff;
	[sflag:s10] =	ssyncpa.u1 $0x0;
	s10 =	simm.s32 $0x0;
	s9 =	sadd.s32 $0x1, s7  }
.LBB2_4:
0xd: {  	v2 =	vnsel vm1, $0x0, v2  }
0xe: {  	vm1 =	vgt.s32 v0, $0x0;
	v2 =	vmin.u32 v2, $0x270FF  }
0xf: {  	v0 =	vnsel vm1, $0x0, v0  }
0x10: {  	v0 =	vmin.u32 v0, $0x270FF  }
0x11: {  	[tilespmem:s18], [sflag:$0x1] =	stream.indirect_vreg.gather [hbm4b:s2+s10], $0x1, v1, vm0, $0x4038;
	[tilespmem:$0x2580] =	vst v63  }
0x12: {  	(ifvalue) =	ssetifvalue $0x7FFFFFFF  }
0x13: {  	[tilespmem:s15], [sflag:$0x1] =	stream.indirect_vreg.gather [hbm4b:s2+s10], $0x1, v2, vm0, $0x4038;
	[tilespmem:$0x2580] =	vst v63  }
0x14: {  	s29 =	sadd.s32 $0x10, s15;
	(ifvalue) =	ssetifvalue $0x7FFFFFFF  }
0x15: {  	[tilespmem:s29], [sflag:$0x1] =	stream.indirect_vreg.gather [hbm4b:s2+s10], $0x1, v0, vm0, $0x4038;
	[tilespmem:$0x2580] =	vst v63  }
0x16: {  	_ =	swait.ge [sflag:s5], $0x960  }
0x17: {  	s30 =	sshrl.u32 s13, $0x3;
	[sflag:s5] =	ssyncset.done $0x0  }
0x18: {  	s31 =	sand.u32 $0x7, s13;
	s15 =	sadd.s32 s8, s30;
	[sflag:s5] =	ssyncadd.s32 $0xFFFFF6A0  }
0x19: {  	[hbm4b:s15+s31] =	stream.linear.scatter [tilespmem:s14], [sflag:$0x3], $0x960, $0x38;
	[tilespmem:$0x2580] =	vst v63  }
.LBB2_5:
0x1a: {  	s15 =	sadd.s32 $0x12C00, s11  }
0x1b: {  	p1 =	sgt.s32 s15, $0x1D4BF  }
0x1c: {  	s15 =	smov.u32 @p1 s4;
	p1 =	sne.s32 s12, s9  }
.Ltmp1:
0x1d: {  	p0 =	slt.u32 s12, $0x2;
	(pc) =	sbr.rel @!p1 .LBB2_6-.Ltmp1, $4  }
0x1e: {  	s14 =	simm.s32 @!p0 $0x3  }
0x1f: {  	_ =	swait.ge @!p0 [sflag:s14], $0x960  }
0x20: {  	s16 =	sadd.s32 $0x1, s12;
	s13 =	smov.u32 s11;
	[sflag:s14] =	ssyncset.done @!p0 $0x0  }
0x21: {  	s12 =	smov.u32 s16;
	s11 =	smov.u32 s15;
	[sflag:s14] =	ssyncadd.s32 @!p0 $0xFFFFF6A0  }
.LBB2_1:
0x22: {  	p0 =	sge.u32 s12, s7  }
0x23: {  	s14 =	sxor.u32 @!p0 $0x1, s12  }
0x24: {  	s14 =	smul.u32 @!p0 $0x2580, s14  }
0x25: {  	s31 =	sadd.s32 $0xFFFFFFFF, s12;
	s15 =	sshrl.u32 @!p0 s11, $0x3  }
0x26: {  	s16 =	sand.u32 @!p0 $0x7, s11;
	s15 =	sadd.s32 @!p0 s3, s15;
	s14 =	sshra.s32 @!p0 s14, $0x2  }
0x27: {  	[tilespmem:s14], [sflag:$0x2] =	stream.linear.gather @!p0 [hbm4b:s15+s16], $0x960, $0x38;
	[tilespmem:$0x2580] =	vst v63  }
0x28: {  	p0 =	sge.u32 s31, s7  }
.Ltmp2:
0x29: {  	_ = 	snop;
	(pc) =	sbr.rel @p0 .LBB2_5-.Ltmp2, $1  }
0x2a: {  	_ =	sdelay $0x3  }
0x2b: {  	s14 =	sand.u32 $0x1, s12  }
0x2c: {  	_ =	swait.ge [sflag:s6], $0x960;
	p0 =	seq.s32 s14, $0x1;
	s14 =	simm.s32 $0x960  }
0x2d: {  	[sflag:s6] =	ssyncset.done $0x0;
	s14 =	simm.s32 @!p0 $0x0  }
0x2e: {  	[sflag:s6] =	ssyncadd.s32 $0xFFFFF6A0;
	(ifvalue) =	ssetifvalue $0x7FFFFFFF;
	v0 =	vld.msk [tilespmem:s14+$0x0 ss:$0x1], $0xffff;
	_ =	sdelay $0x4  }
0x2f: {  	s15 =	sadd.s32 $0x10, s14;
	vm1 =	vgt.s32 v0, $0x0  }
0x30: {  	v2 =	vld.msk [tilespmem:s15+$0x0 ss:$0x1], $0xffff;
	v1 =	vnsel vm1, $0x0, v0  }
0x31: {  	v1 =	vmin.u32 v1, $0x270FF;
	_ =	sdelay $0x2  }
0x32: {  	s17 =	simm.s32 $0x20;
	s14 =	sadd.s32 $0x12C0, s14;
	s16 =	sadd.s32 $0x10, s15  }
0x33: {  	s15 =	sadd.s32 $0x10, s14;
	s18 =	smov.u32 s14;
	v0 =	vld.msk [tilespmem:s16+$0x0 ss:$0x1], $0xffff;
	vm1 =	vgt.s32 v2, $0x0;
	(ifvalue) =	ssetifvalue $0x7FFFFFFF  }
.LBB2_3:
0x34: {  	[tilespmem:s18], [sflag:$0x1] =	stream.indirect_vreg.gather [hbm4b:s2+s10], $0x1, v1, vm0, $0x4038;
	[tilespmem:$0x2580] =	vst v63  }
0x35: {  	s17 =	sadd.s32 $0x10, s17  }
0x36: {  	v2 =	vnsel vm1, $0x0, v2;
	p0 =	slt.u32 s17, $0x950  }
.Ltmp3:
0x37: {  	s18 =	smov.u32 s15;
	v1 =	vmin.u32 v2, $0x270FF;
	(pc) =	sbr.rel @p0 .LBB2_3-.Ltmp3, $3  }
0x38: {  	_ =	sdelay $0x1  }
0x39: {  	s16 =	sadd.s32 $0x10, s16  }
0x3a: {  	vm1 =	vgt.s32 v0, $0x0;
	s15 =	sadd.s32 $0x10, s15;
	v2 =	vmov v0;
	(ifvalue) =	ssetifvalue $0x7FFFFFFF;
	v0 =	vld.msk [tilespmem:s16+$0x0 ss:$0x1], $0xffff  }
.Ltmp4:
0x3b: {  	_ = 	snop;
	(pc) =	sbr.rel .LBB2_4-.Ltmp4, $1  }
0x3c: {  	_ =	sdelay $0x3  }
.LBB2_6:
0x3d: {  	_ =	sfence.sel $0x180000  }
0x3e: {  	s2 =	simm.s32 $0x2;
	[bflag:$0x0] =	sbarrier.arrive $0xFFFF  }
0x3f: {  	s30 =	simm.s32 $0x3;
	[sflag:s2] =	ssyncpa.u1 $0x1  }
0x40: {  	s31 =	simm.s32 $0x1;
	[sflag:s30] =	ssyncpa.u1 $0x1  }
0x41: {  	[sflag:s31] =	ssyncpa.u1 $0x1  }
0x42: {  	p0 =	sne.s32 s1, $0x0;
	_ =	strace $0x9000004A  }
0x43: {  	s0 =	sadd.s32 @!p0 $0x100000, s0;
	[bflag:$0x2] =	sbarrier.arrive $0xFFFF  }
0x44: {  	[sflag:s0] =	ssyncadd.tile.s32 @!p0 $0x1;
	_ =	shalt  }
.Lfunc_end2:
_tile_overlayer_lowered:
.L_overlay_start_2:
0x45: {  	(tag) =	ssettag $0x2  }
0x46: {  	s0 =	rddreg [dreg:$0x0];
	s2 =	stileid.u32  }
0x47: {  	s1 =	rddreg [dreg:$0x1];
	p0 =	sne.s32 s2, $0x0  }
0x48: {  	s3 =	rddreg [dreg:$0x2];
	[bflag:$0x3] =	sbarrier.arrive $0xFFFF;
	s2 =	simm.s32 @!p0 $0x1C01  }
0x49: {  	[timem:s3], [sflag:s2] =	dma.local @!p0 [hbm:s0], s1  }
0x4a: {  	s0 =	simm.s32 @!p0 $0x1  }
0x4b: {  	_ =	swait.ge @!p0 [sflag:s0], s1  }
0x4c: {  	s1 =	ssub.s32 @!p0 $0x0, s1;
	[sflag:s0] =	ssyncset.done @!p0 $0x0  }
0x4d: {  	[sflag:s0] =	ssyncadd.s32 @!p0 s1  }
0x4e: {  	[bflag:$0x3] =	sbarrier.arrive $0xFFFF  }
0x4f: {  	_ =	shalt  }

// kernel: kernel.15.cloned.1.call-start
scs
__scs_entry_jumppad:
0x0: {  	(pc) =	sbr.rel $0x88, $3  }
0x1: {  	(tag) =	ssettag $0x0;
	lr =	simm.s32 $0x1  }
0x2: {  	[smem:$0x3F86] =	sst lr;
	_ =	strace $0xD0000000  }
0x3: {  	_ = 	snop  }
0x4: {  	_ = 	snop  }
0x5: {  	_ = 	snop  }
0x6: {  	_ = 	snop  }
0x7: {  	_ = 	snop  }
__scs_overlays_trampoline_lowered:
0x8: {  	[smem:$0x3F95] =	sst s0  }
0x9: {  	[smem:$0x3F96] =	sst s1  }
0xa: {  	[smem:$0x3F97] =	sst s2  }
0xb: {  	[smem:$0x3F98] =	sst s3  }
0xc: {  	[smem:$0x3F99] =	sst s4  }
0xd: {  	[smem:$0x3F9A] =	sst s5  }
0xe: {  	[smem:$0x3F9B] =	sst s6  }
0xf: {  	[smem:$0x3F9C] =	sst s7  }
0x10: {  	[smem:$0x3F9D] =	sst s8  }
0x11: {  	[smem:$0x3F9E] =	sst s9;
	s0 =	simm.s32 @!p0 $0x0  }
0x12: {  	s1 =	sld [smem:$0x3F84];
	s0 =	simm.s32 @p0 $0x1  }
0x13: {  	[smem:$0x3F9F] =	sst s0;
	s0 =	simm.s32 @!p1 $0x0  }
0x14: {  	s2 =	sld [smem:$0x3F83];
	s0 =	simm.s32 @p1 $0x1  }
0x15: {  	[smem:$0x3FA0] =	sst s0;
	s0 =	simm.s32 @!p2 $0x0  }
0x16: {  	s3 =	sld [smem:$0x3FDB];
	s0 =	simm.s32 @p2 $0x1  }
0x17: {  	s4 =	simm.s32 $0x1BF5;
	[smem:$0x3FA2] =	sst s0  }
0x18: {  	s0 =	sld [smem:$0x3F85];
	_ =	swait.ge [sflag:s4], $0x0  }
0x19: {  	s7 =	sld [smem:$0x3F86]  }
0x1a: {  	s8 =	sadd.s32 $0xFFFFE003, lr  }
0x1b: {  	s9 =	sadd.s32 $0xFFFFFEF7, lr;
	s5 =	simm.s32 $0xFFFFFFFF;
	p2 =	slt.u32 s8, $0xFFFFF086  }
0x1c: {  	p1 =	slt.u32 s9, $0xF7A;
	s5 =	simm.s32 @!p2 $0x0  }
0x1d: {  	s5 =	simm.s32 @p1 $0x1;
	p0 =	seq.s32 s7, s2  }
0x1e: {  	s7 =	smul.u32 @!p0 $0xF7A, s2;
	p2 =	seq.s32 @!p0 s5, $0x0  }
0x1f: {  	s9 =	smul.u32 $0xF7A, s1;
	s8 =	simm.s32 @!p0 $0x1BF5;
	p2 =	por !p2, p0  }
0x20: {  	[sflag:s8] =	ssyncset.s32 @!p0 $0xFFFFF086;
	s6 =	sadd.s32 @!p0 s3, s7;
	s7 =	simm.s32 @!p0 $0x108  }
0x21: {  	s3 =	sadd.s32 s3, s9;
	s6 =	sadd.s32 @!p0 $0x88, s6;
	s7 =	simm.s32 @p2 $0x1082  }
0x22: {  	[simem:s7], [sflag:s8] =	dma.local @!p0 [hbm:s6], $0xF7A  }
0x23: {  	s9 =	sor.u32 $0xD0000000, s2;
	s6 =	simm.s32 $0x108;
	_ =	swait.ge @!p0 [sflag:s8], $0x0  }
0x24: {  	s3 =	sadd.s32 $0x88, s3;
	s6 =	simm.s32 @!p1 $0x1082;
	[sflag:s4] =	ssyncset.s32 $0xFFFFF086  }
0x25: {  	[simem:s6], [sflag:s4] =	dma.local [hbm:s3], $0xF7A  }
0x26: {  	[smem:$0x3F86] =	sst s1;
	(tag) =	ssettag s2;
	_ =	strace s9  }
0x27: {  	s1 =	sld [smem:$0x3F96]  }
0x28: {  	s2 =	sld [smem:$0x3F97]  }
0x29: {  	s4 =	sld [smem:$0x3F99]  }
0x2a: {  	p0 =	seq.s32 s5, $0x0;
	s5 =	sld [smem:$0x3F9A]  }
0x2b: {  	s6 =	sld [smem:$0x3F9B]  }
0x2c: {  	s7 =	sld [smem:$0x3F9C]  }
0x2d: {  	s3 =	simm.s32 $0x108;
	s8 =	sld [smem:$0x3F9D]  }
0x2e: {  	s3 =	simm.s32 @!p0 $0x1082;
	s9 =	sld [smem:$0x3F9E]  }
0x2f: {  	lr =	sadd.s32 s0, s3;
	s0 =	sld [smem:$0x3F95]  }
0x30: {  	s3 =	sld [smem:$0x3F98]  }
0x31: {  	[smem:$0x3FA1] =	sst s10  }
0x32: {  	s10 =	sld [smem:$0x3F9F];
	_ =	sdelay $0x3  }
0x33: {  	p0 =	seq.s32 s10, $0x1;
	s10 =	sld [smem:$0x3FA1];
	_ =	sdelay $0x3  }
0x34: {  	[smem:$0x3FA1] =	sst s10  }
0x35: {  	s10 =	sld [smem:$0x3FA0];
	_ =	sdelay $0x3  }
0x36: {  	p1 =	seq.s32 s10, $0x1;
	s10 =	sld [smem:$0x3FA1];
	_ =	sdelay $0x3  }
0x37: {  	[smem:$0x3FA1] =	sst s10  }
0x38: {  	s10 =	sld [smem:$0x3FA2]  }
0x39: {  	_ = 	snop;
	(pc) =	sbr.ind lr, $3  }
0x3a: {  	_ = 	snop  }
0x3b: {  	_ = 	snop  }
0x3c: {  	p2 =	seq.s32 s10, $0x1;
	s10 =	sld [smem:$0x3FA1]  }
0x3d: {  	_ =	shalt  }
0x3e: {  	_ =	shalt  }
0x3f: {  	_ =	shalt  }
0x40: {  	_ =	shalt  }
0x41: {  	_ =	shalt  }
0x42: {  	_ =	shalt  }
0x43: {  	_ =	shalt  }
0x44: {  	_ =	shalt  }
0x45: {  	_ =	shalt  }
0x46: {  	_ =	shalt  }
0x47: {  	_ =	shalt  }
0x48: {  	_ =	shalt  }
0x49: {  	_ =	shalt  }
0x4a: {  	_ =	shalt  }
0x4b: {  	_ =	shalt  }
0x4c: {  	_ =	shalt  }
0x4d: {  	_ =	shalt  }
0x4e: {  	_ =	shalt  }
0x4f: {  	_ =	shalt  }
0x50: {  	_ =	shalt  }
0x51: {  	_ =	shalt  }
0x52: {  	_ =	shalt  }
0x53: {  	_ =	shalt  }
0x54: {  	_ =	shalt  }
0x55: {  	_ =	shalt  }
0x56: {  	_ =	shalt  }
0x57: {  	_ =	shalt  }
0x58: {  	_ =	shalt  }
0x59: {  	_ =	shalt  }
0x5a: {  	_ =	shalt  }
0x5b: {  	_ =	shalt  }
0x5c: {  	_ =	shalt  }
0x5d: {  	_ =	shalt  }
0x5e: {  	_ =	shalt  }
0x5f: {  	_ =	shalt  }
0x60: {  	_ =	shalt  }
0x61: {  	_ =	shalt  }
0x62: {  	_ =	shalt  }
0x63: {  	_ =	shalt  }
0x64: {  	_ =	shalt  }
0x65: {  	_ =	shalt  }
0x66: {  	_ =	shalt  }
0x67: {  	_ =	shalt  }
0x68: {  	_ =	shalt  }
0x69: {  	_ =	shalt  }
0x6a: {  	_ =	shalt  }
0x6b: {  	_ =	shalt  }
0x6c: {  	_ =	shalt  }
0x6d: {  	_ =	shalt  }
0x6e: {  	_ =	shalt  }
0x6f: {  	_ =	shalt  }
0x70: {  	_ =	shalt  }
0x71: {  	_ =	shalt  }
0x72: {  	_ =	shalt  }
0x73: {  	_ =	shalt  }
0x74: {  	_ =	shalt  }
0x75: {  	_ =	shalt  }
0x76: {  	_ =	shalt  }
0x77: {  	_ =	shalt  }
0x78: {  	_ =	shalt  }
0x79: {  	_ =	shalt  }
0x7a: {  	_ =	shalt  }
0x7b: {  	_ =	shalt  }
0x7c: {  	_ =	shalt  }
0x7d: {  	_ =	shalt  }
0x7e: {  	_ =	shalt  }
0x7f: {  	_ =	shalt  }
0x80: {  	_ =	shalt  }
0x81: {  	_ =	shalt  }
0x82: {  	_ =	shalt  }
0x83: {  	_ =	shalt  }
0x84: {  	_ =	shalt  }
0x85: {  	_ =	shalt  }
0x86: {  	_ =	shalt  }
0x87: {  	_ =	shalt  }
.Lfunc_end0:
.L_simem_size_0:
called_computation.4_lowered:
.L_overlay_start_0:
0x88: {  	s2 =	sld [smem:$0x3FD9]  }
0x89: {  	s3 =	sld [smem:$0x3FFE];
	_ =	sdelay $0x1  }
0x8a: {  	s1 =	srdreg.scid  }
0x8b: {  	s0 =	sand.u32 $0x1, s1  }
0x8c: {  	s17 =	sshll.u32 s0, $0xA;
	s2 =	sadd.s32 s3, s2  }
0x8d: {  	s2 =	sadd.s32 s2, s17  }
0x8e: {  	[smem:$0x3FAD] =	sst s2  }
0x8f: {  	_ = 	snop  }
0x90: {  	(tm) =	ssettm $0x1  }
0x91: {  	s18 =	sld [smem:$0x3FFB];
	_ =	sdelay $0x3  }
0x92: {  	_ =	strace s18  }
0x93: {  	s2 =	sld [smem:$0x3FFC];
	_ =	sdelay $0x3  }
0x94: {  	_ =	strace s2  }
0x95: {  	s2 =	sld [smem:$0x3FFD];
	_ =	sdelay $0x3  }
0x96: {  	_ =	strace s2  }
0x97: {  	_ =	strace $0x8FFFFFFF  }
0x98: {  	s19 =	sld [smem:$0x3FDB];
	_ =	sdelay $0x1  }
0x99: {  	s20 =	simm.s32 $_scs_section_size  }
0x9a: {  	s4 =	simm.s32 $_size__tile_overlayer_lowered;
	s5 =	simm.s32 $_tile_overlayer_lowered  }
0x9b: {  	s6 =	simm.s32 $0x1BFF;
	s21 =	sshll.u32 s5, $0x1;
	s3 =	sadd.s32 s20, s19  }
0x9c: {  	s22 =	simm.s32 $0x0;
	s4 =	sshll.u32 s4, $0x1;
	s5 =	sadd.s32 s21, s3  }
0x9d: {  	[timem:s22], [sflag:s6] =	dma.local [hbm:s5], s4  }
0x9e: {  	_ =	swait.ge [sflag:s6], s4  }
0x9f: {  	s4 =	ssub.s32 $0x0, s4;
	[sflag:s6] =	ssyncset.done $0x0  }
0xa0: {  	[sflag:s6] =	ssyncadd.s32 s4;
	_ =	sdelay $0x1  }
0xa1: {  	s23 =	simm.s32 $0x1B8B  }
0xa2: {  	_ =	swait.ge [sflag:s23], $0x1  }
0xa3: {  	[sflag:s23] =	ssyncset.done $0x0  }
0xa4: {  	[sflag:s23] =	ssyncadd.s32 $0xFFFFFFFF  }
0xa5: {  	s4 =	sld [smem:$0x0]  }
0xa6: {  	s5 =	sand.u32 $0xFFFFFFFE, s1  }
0xa7: {  	p0 =	sne.s32 s1, s5  }
0xa8: {  	s5 =	sshll.u32 @p0 s5, $0xE  }
0xa9: {  	s5 =	sadd.s32 @p0 $0x11B8D, s5;
	s6 =	sshll.u32 @p0 s4, $0x11  }
0xaa: {  	s5 =	sor.u32 @p0 s6, s5  }
0xab: {  	[sflag:s5] =	ssyncadd.remote.s32 @p0 $0x1;
	_ =	sdelay $0x1  }
0xac: {  	s5 =	simm.s32 @p0 $0x1B8D  }
0xad: {  	_ =	swait.eq @p0 [sflag:s5], $0x1  }
0xae: {  	[sflag:s5] =	ssyncadd.s32 @p0 $0xFFFFFFFF  }
0xaf: {  	s6 =	sshll.u32 @!p0 s1, $0xE  }
0xb0: {  	s6 =	sor.u32 @!p0 $0x4000, s6;
	s5 =	simm.s32 @!p0 $0x1B8D  }
0xb1: {  	s4 =	sshll.u32 @!p0 s4, $0x11;
	s6 =	sadd.s32 @!p0 $0x11B8D, s6;
	_ =	swait.eq @!p0 [sflag:s5], $0x1  }
0xb2: {  	s4 =	sor.u32 @!p0 s4, s6;
	[sflag:s5] =	ssyncadd.s32 @!p0 $0xFFFFFFFF  }
0xb3: {  	s25 =	simm.s32 $0x1B8E;
	s24 =	sld [smem:$0x3FFE];
	[sflag:s4] =	ssyncadd.remote.s32 @!p0 $0x1  }
0xb4: {  	s26 =	simm.s32 $execute0_lowered;
	[smem:$0x3FD2] =	sst s25  }
0xb5: {  	s5 =	sshll.u32 s26, $0x1;
	_ =	strace $0x8000004F;
	[dreg:$0x1] =	wrdreg $0xFFFFFFFF  }
0xb6: {  	s28 =	simm.s32 $_size_execute0_lowered;
	s3 =	sadd.s32 s3, s5;
	[dreg:$0x0] =	wrdreg $0x0  }
0xb7: {  	s5 =	sshll.u32 s28, $0x1;
	[dreg:$0x2] =	wrdreg s3  }
0xb8: {  	[dreg:$0x3] =	wrdreg s5  }
0xb9: {  	[dreg:$0x4] =	wrdreg $0xC0  }
0xba: {  	_ =	task [dreg:s22], $0x5FFFF  }
0xbb: {  	[dreg:$0x1] =	wrdreg $0xFFFFFFFF  }
0xbc: {  	[dreg:$0x0] =	wrdreg $0x60  }
0xbd: {  	[dreg:$0x2] =	wrdreg s24  }
0xbe: {  	[dreg:$0x3] =	wrdreg $0x60000  }
0xbf: {  	[dreg:$0x4] =	wrdreg $0x9  }
0xc0: {  	_ =	task.clear_ibuf [dreg:s22], $0x5FFFF;
	_ =	strace $0x9000004F  }
0xc1: {  	s29 =	simm.s32 $0x9;
	_ =	strace $0x80000051  }
0xc2: {  	_ =	swait.ge [sflag:s29], $0x1  }
0xc3: {  	[sflag:s29] =	ssyncadd.s32 $0xFFFFFFFF  }
0xc4: {  	_ =	strace $0x90000051  }
0xc5: {  	_ =	sfence  }
0xc6: {  	s30 =	sld [smem:$0x0];
	_ =	sdelay $0x2  }
0xc7: {  	s31 =	sshll.u32 s1, $0xD;
	s1 =	sshrl.u32 s1, $0x2  }
0xc8: {  	s4 =	sand.u32 $0x4000, s31;
	s1 =	sadd.s32 s1, s30  }
0xc9: {  	s0 =	sor.u32 s4, s0;
	s1 =	sshll.u32 s1, $0x11  }
0xca: {  	s0 =	sor.u32 s1, s0  }
0xcb: {  	s0 =	sadd.s32 $0x8F2B, s0  }
0xcc: {  	[sflag:s0] =	ssyncadd.remote.s32 $0x1  }
0xcd: {  	_ =	sfence.sel $0xFFFF  }
0xce: {  	[dreg:$0x0] =	wrdreg $0xFFFFFFFF;
	(pc) =	sbr.abs _section_cstart, $3  }
0xcf: {  	[dreg:$0x1] =	wrdreg $0xFFFFFFFF  }
0xd0: {  	_ =	task.clear_ibuf [dreg:s22], $0x2FFFF;
	_ =	strace $0x9FFFFFFF  }
0xd1: {  	(tm) =	ssettm $0x7FFFFFFF  }
tec
execute0_lowered:
.L_overlay_start_1:
0x0: {  	(tag) =	ssettag $0x1  }
0x1: {  	s5 =	rddreg [dreg:$0x0]  }
0x2: {  	s2 =	rddreg [dreg:$0x1]  }
0x3: {  	s0 =	rddreg [dreg:$0x2];
	s3 =	simm.s32 $0x0  }
0x4: {  	s4 =	srdreg.scid;
	s1 =	stileid.u32;
	s18 =	simm.s32 $0x2000  }
0x5: {  	s19 =	simm.s32 $0x2;
	s20 =	simm.s32 $0x1000;
	s21 =	simm.s32 $0x80  }
0x6: {  	s22 =	simm.s32 $0x1;
	s23 =	simm.s32 $0x0;
	s7 =	smul.u32 $0x278, s1  }
0x7: {  	[smem:$0x7FF] =	sst s3;
	s6 =	sand.u32 $0x1, s4;
	s9 =	smul.u32 $0x4F000, s1  }
0x8: {  	s4 =	sadd.s32 $0x37EC00, s5;
	s11 =	sshll.u32 s1, $0x9;
	s8 =	smul.u32 $0x2780, s6  }
0x9: {  	_ =	strace $0x80000050;
	s10 =	sshll.u32 s6, $0xD;
	s13 =	ssub.s32 $0x2, s6  }
0xa: {  	s31 =	sor.u32 s11, s10;
	s9 =	sshrl.u32 s9, $0x2;
	s7 =	sadd.s32 s7, s8  }
0xb: {  	s14 =	sshrl.u32 s13, $0x1;
	s11 =	sadd.s32 s31, s5;
	s7 =	sshll.u32 s7, $0x4  }
0xc: {  	s10 =	sadd.s32 $0x37AC00, s11;
	s16 =	sadd.s32 s7, s5;
	s5 =	sadd.s32 s9, s2  }
0xd: {  	s11 =	sadd.s32 $0x109C00, s11;
	s6 =	sadd.s32 $0x4000, s5;
	s7 =	sadd.s32 $0x8000, s5  }
0xe: {  	s8 =	sadd.s32 $0xC000, s5;
	s9 =	sadd.s32 $0x10000, s5;
	s12 =	sadd.s32 $0x10DC00, s16  }
0xf: {  	s17 =	ssub.s32 s13, s14;
	s13 =	sadd.s32 $0x10E400, s16;
	s14 =	sadd.s32 $0x10EC00, s16  }
0x10: {  	v0 =	vimm.f32 $0.0e+00;
	s17 =	smax.u32 s17, $0x1;
	s15 =	sadd.s32 $0x10F400, s16;
	s16 =	sadd.s32 $0x10FC00, s16  }
.LBB2_1:
0x11: {  	s24 =	simm.s32 $0x0;
	s25 =	simm.s32 $0x200  }
.LBB2_2:
0x12: {  	p0 =	sne.s32 s25, $0xFE00;
	[tilespmem:s24+$0x2070] =	vst v0  }
0x13: {  	[tilespmem:s24+$0x2000] =	vst v0  }
0x14: {  	[tilespmem:s24+$0x2010] =	vst v0  }
.Ltmp0:
0x15: {  	[tilespmem:s24+$0x2020] =	vst v0;
	(pc) =	sbr.rel @p0 .LBB2_2-.Ltmp0, $4  }
0x16: {  	[tilespmem:s24+$0x2030] =	vst v0  }
0x17: {  	[tilespmem:s24+$0x2040] =	vst v0  }
0x18: {  	[tilespmem:s24+$0x2050] =	vst v0  }
0x19: {  	[tilespmem:s24+$0x2060] =	vst v0;
	s24 =	sshra.s32 s25, $0x2;
	s25 =	sadd.s32 $0x200, s25  }
0x1a: {  	[tilespmem:s24+$0x2070] =	vst v0  }
0x1b: {  	[tilespmem:s24+$0x2000] =	vst v0  }
0x1c: {  	[tilespmem:s24+$0x2010] =	vst v0  }
0x1d: {  	[tilespmem:s24+$0x2020] =	vst v0  }
0x1e: {  	[tilespmem:s24+$0x2030] =	vst v0  }
0x1f: {  	[tilespmem:s24+$0x2040] =	vst v0  }
0x20: {  	[tilespmem:s24+$0x2050] =	vst v0  }
0x21: {  	[tilespmem:s24+$0x2060] =	vst v0  }
0x22: {  	[spmem:s5] =	stream.linear.scatter [tilespmem:s18], [sflag:$0x2], $0x4000, $0x38;
	[tilespmem:$0x19C00] =	vst v63  }
0x23: {  	_ =	swait.ge [sflag:s19], $0x4000  }
0x24: {  	[sflag:s19] =	ssyncset.done $0x0  }
0x25: {  	[sflag:s19] =	ssyncadd.s32 $0xFFFFC000  }
0x26: {  	[spmem:s6] =	stream.linear.scatter [tilespmem:s18], [sflag:$0x2], $0x4000, $0x38;
	[tilespmem:$0x19C00] =	vst v63  }
0x27: {  	_ =	swait.ge [sflag:s19], $0x4000  }
0x28: {  	[sflag:s19] =	ssyncset.done $0x0  }
0x29: {  	[sflag:s19] =	ssyncadd.s32 $0xFFFFC000  }
0x2a: {  	[spmem:s7] =	stream.linear.scatter [tilespmem:s18], [sflag:$0x2], $0x4000, $0x38;
	[tilespmem:$0x19C00] =	vst v63  }
0x2b: {  	_ =	swait.ge [sflag:s19], $0x4000  }
0x2c: {  	[sflag:s19] =	ssyncset.done $0x0  }
0x2d: {  	[sflag:s19] =	ssyncadd.s32 $0xFFFFC000  }
0x2e: {  	[spmem:s8] =	stream.linear.scatter [tilespmem:s18], [sflag:$0x2], $0x4000, $0x38;
	[tilespmem:$0x19C00] =	vst v63  }
0x2f: {  	_ =	swait.ge [sflag:s19], $0x4000  }
0x30: {  	[sflag:s19] =	ssyncset.done $0x0  }
0x31: {  	[sflag:s19] =	ssyncadd.s32 $0xFFFFC000  }
0x32: {  	[spmem:s9] =	stream.linear.scatter [tilespmem:s18], [sflag:$0x2], $0x3C00, $0x38;
	[tilespmem:$0x19C00] =	vst v63  }
0x33: {  	_ =	swait.ge [sflag:s19], $0x3C00  }
0x34: {  	[sflag:s19] =	ssyncset.done $0x0  }
0x35: {  	s29 =	simm.s32 $0x0;
	[sflag:s19] =	ssyncadd.s32 $0xFFFFC400  }
0x36: {  	[tilespmem:s29], [sflag:$0x2] =	stream.linear.gather [hbm4b:s10+s29], $0xF00, $0x38;
	[tilespmem:$0x19C00] =	vst v63  }
0x37: {  	_ =	swait.ge [sflag:s19], $0xF00  }
0x38: {  	[sflag:s19] =	ssyncset.done $0x0  }
0x39: {  	[sflag:s19] =	ssyncadd.s32 $0xFFFFF100  }
0x3a: {  	[tilespmem:s20], [sflag:$0x2] =	stream.linear.gather [hbm4b:s11+s29], $0xF00, $0x38;
	[tilespmem:$0x19C00] =	vst v63  }
0x3b: {  	_ =	swait.ge [sflag:s19], $0xF00  }
0x3c: {  	[sflag:s19] =	ssyncset.done $0x0  }
0x3d: {  	[sflag:s19] =	ssyncadd.s32 $0xFFFFF100  }
0x3e: {  	s30 =	simm.s32 $0x0;
	[bflag:$0x0] =	sbarrier.arrive $0xFFFF  }
0x3f: {  	[tilespmem:s18], [sflag:$0x1] =	stream.indirect.gather [hbm4b:s4+s21], $0x80, s30, s21, $0xb8;
	[tilespmem:$0x19C00] =	vst v63  }
0x40: {  	_ =	swait.ge [sflag:s22], $0x4000  }
0x41: {  	[sflag:s22] =	ssyncset.done $0x0  }
0x42: {  	s31 =	simm.s32 $0x1000;
	[sflag:s22] =	ssyncadd.s32 $0xFFFFC000  }
0x43: {  	[spmem:s2] =	stream.indirect.scatter.add.f32 [tilespmem:s18], [sflag:$0x2], $0x80, s31, s21, $0xb8;
	[tilespmem:$0x19C00] =	vst v63  }
0x44: {  	_ =	swait.ge [sflag:s19], $0x4000  }
0x45: {  	s24 =	simm.s32 $0x200;
	s25 =	simm.s32 $0x400;
	[sflag:s19] =	ssyncset.done $0x0  }
.LBB2_4:
0x46: {  	s26 =	sshra.s32 s24, $0x2  }
0x47: {  	[sflag:s19] =	ssyncadd.s32 $0xFFFFC000;
	s24 =	smov.u32 s25;
	s28 =	sadd.s32 $0x200, s25  }
0x48: {  	[tilespmem:s18], [sflag:$0x1] =	stream.indirect.gather [hbm4b:s4+s21], $0x80, s26, s21, $0xb8;
	[tilespmem:$0x19C00] =	vst v63  }
0x49: {  	p0 =	sne.s32 s25, $0x3A00;
	_ =	swait.ge [sflag:s22], $0x4000  }
.Ltmp1:
0x4a: {  	[sflag:s22] =	ssyncset.done $0x0;
	(pc) =	sbr.rel @p0 .LBB2_4-.Ltmp1, $4  }
0x4b: {  	s25 =	sadd.s32 $0x1000, s26;
	[sflag:s22] =	ssyncadd.s32 $0xFFFFC000  }
0x4c: {  	[spmem:s2] =	stream.indirect.scatter.add.f32 [tilespmem:s18], [sflag:$0x2], $0x80, s25, s21, $0xb8;
	[tilespmem:$0x19C00] =	vst v63  }
0x4d: {  	_ =	swait.ge [sflag:s19], $0x4000  }
0x4e: {  	s25 =	smov.u32 s28;
	[sflag:s19] =	ssyncset.done $0x0  }
0x4f: {  	s24 =	sshra.s32 s24, $0x2;
	[sflag:s19] =	ssyncadd.s32 $0xFFFFC000  }
0x50: {  	[tilespmem:s18], [sflag:$0x1] =	stream.indirect.gather [hbm4b:s4+s21], $0x80, s24, s21, $0xb8;
	[tilespmem:$0x19C00] =	vst v63  }
0x51: {  	_ =	swait.ge [sflag:s22], $0x4000  }
0x52: {  	[sflag:s22] =	ssyncset.done $0x0  }
0x53: {  	s24 =	sadd.s32 $0x1000, s24;
	[sflag:s22] =	ssyncadd.s32 $0xFFFFC000  }
0x54: {  	[spmem:s2] =	stream.indirect.scatter.add.f32 [tilespmem:s18], [sflag:$0x2], $0x80, s24, s21, $0xb8;
	[tilespmem:$0x19C00] =	vst v63  }
0x55: {  	_ =	swait.ge [sflag:s19], $0x4000  }
0x56: {  	[sflag:s19] =	ssyncset.done $0x0  }
0x57: {  	[sflag:s19] =	ssyncadd.s32 $0xFFFFC000  }
0x58: {  	[bflag:$0x0] =	sbarrier.arrive $0xFFFF  }
0x59: {  	[tilespmem:s18], [sflag:$0x2] =	stream.linear.gather [spmem:s5], $0x4000, $0x38;
	[tilespmem:$0x19C00] =	vst v63  }
0x5a: {  	_ =	swait.ge [sflag:s19], $0x4000  }
0x5b: {  	[sflag:s19] =	ssyncset.done $0x0  }
0x5c: {  	[sflag:s19] =	ssyncadd.s32 $0xFFFFC000  }
0x5d: {  	[hbm4b:s12+s3] =	stream.linear.scatter [tilespmem:s18], [sflag:$0x2], $0x4000, $0x38;
	[tilespmem:$0x19C00] =	vst v63  }
0x5e: {  	_ =	swait.ge [sflag:s19], $0x4000  }
0x5f: {  	[sflag:s19] =	ssyncset.done $0x0  }
0x60: {  	[sflag:s19] =	ssyncadd.s32 $0xFFFFC000  }
0x61: {  	[tilespmem:s18], [sflag:$0x2] =	stream.linear.gather [spmem:s6], $0x4000, $0x38;
	[tilespmem:$0x19C00] =	vst v63  }
0x62: {  	_ =	swait.ge [sflag:s19], $0x4000  }
0x63: {  	[sflag:s19] =	ssyncset.done $0x0  }
0x64: {  	[sflag:s19] =	ssyncadd.s32 $0xFFFFC000  }
0x65: {  	[hbm4b:s13+s3] =	stream.linear.scatter [tilespmem:s18], [sflag:$0x2], $0x4000, $0x38;
	[tilespmem:$0x19C00] =	vst v63  }
0x66: {  	_ =	swait.ge [sflag:s19], $0x4000  }
0x67: {  	[sflag:s19] =	ssyncset.done $0x0  }
0x68: {  	[sflag:s19] =	ssyncadd.s32 $0xFFFFC000  }
0x69: {  	[tilespmem:s18], [sflag:$0x2] =	stream.linear.gather [spmem:s7], $0x4000, $0x38;
	[tilespmem:$0x19C00] =	vst v63  }
0x6a: {  	_ =	swait.ge [sflag:s19], $0x4000  }
0x6b: {  	[sflag:s19] =	ssyncset.done $0x0  }
0x6c: {  	[sflag:s19] =	ssyncadd.s32 $0xFFFFC000  }
0x6d: {  	[hbm4b:s14+s3] =	stream.linear.scatter [tilespmem:s18], [sflag:$0x2], $0x4000, $0x38;
	[tilespmem:$0x19C00] =	vst v63  }
0x6e: {  	_ =	swait.ge [sflag:s19], $0x4000  }
0x6f: {  	[sflag:s19] =	ssyncset.done $0x0  }
0x70: {  	[sflag:s19] =	ssyncadd.s32 $0xFFFFC000  }
0x71: {  	[tilespmem:s18], [sflag:$0x2] =	stream.linear.gather [spmem:s8], $0x4000, $0x38;
	[tilespmem:$0x19C00] =	vst v63  }
0x72: {  	_ =	swait.ge [sflag:s19], $0x4000  }
0x73: {  	[sflag:s19] =	ssyncset.done $0x0  }
0x74: {  	[sflag:s19] =	ssyncadd.s32 $0xFFFFC000  }
0x75: {  	[hbm4b:s15+s3] =	stream.linear.scatter [tilespmem:s18], [sflag:$0x2], $0x4000, $0x38;
	[tilespmem:$0x19C00] =	vst v63  }
0x76: {  	_ =	swait.ge [sflag:s19], $0x4000  }
0x77: {  	[sflag:s19] =	ssyncset.done $0x0  }
0x78: {  	[sflag:s19] =	ssyncadd.s32 $0xFFFFC000  }
0x79: {  	[tilespmem:s18], [sflag:$0x2] =	stream.linear.gather [spmem:s9], $0x3C00, $0x38;
	[tilespmem:$0x19C00] =	vst v63  }
0x7a: {  	s23 =	sadd.s32 $0x1, s23;
	_ =	swait.ge [sflag:s19], $0x3C00  }
0x7b: {  	p0 =	sne.s32 s23, s17;
	[sflag:s19] =	ssyncset.done $0x0  }
.Ltmp2:
0x7c: {  	[sflag:s19] =	ssyncadd.s32 $0xFFFFC400;
	(pc) =	sbr.rel @p0 .LBB2_1-.Ltmp2, $4  }
0x7d: {  	[hbm4b:s16+s3] =	stream.linear.scatter [tilespmem:s18], [sflag:$0x2], $0x3C00, $0x38;
	[tilespmem:$0x19C00] =	vst v63  }
0x7e: {  	_ =	swait.ge [sflag:s19], $0x3C00  }
0x7f: {  	[sflag:s19] =	ssyncset.done $0x0  }
0x80: {  	[sflag:s19] =	ssyncadd.s32 $0xFFFFC400  }
0x81: {  	_ =	sfence.sel $0x180000  }
0x82: {  	[bflag:$0x0] =	sbarrier.arrive $0xFFFF  }
0x83: {  	p0 =	sne.s32 s1, $0x0;
	_ =	strace $0x90000050  }
0x84: {  	s0 =	sadd.s32 @!p0 $0x100000, s0;
	[bflag:$0x2] =	sbarrier.arrive $0xFFFF  }
0x85: {  	[sflag:s0] =	ssyncadd.tile.s32 @!p0 $0x1;
	_ =	shalt  }
.Lfunc_end2:
_tile_overlayer_lowered:
.L_overlay_start_2:
0x86: {  	(tag) =	ssettag $0x2  }
0x87: {  	s0 =	rddreg [dreg:$0x0];
	s2 =	stileid.u32  }
0x88: {  	s1 =	rddreg [dreg:$0x1];
	p0 =	sne.s32 s2, $0x0  }
0x89: {  	s3 =	rddreg [dreg:$0x2];
	[bflag:$0x3] =	sbarrier.arrive $0xFFFF;
	s2 =	simm.s32 @!p0 $0x1C02  }
0x8a: {  	[timem:s3], [sflag:s2] =	dma.local @!p0 [hbm:s0], s1  }
0x8b: {  	s0 =	simm.s32 @!p0 $0x2  }
0x8c: {  	_ =	swait.ge @!p0 [sflag:s0], s1  }
0x8d: {  	s1 =	ssub.s32 @!p0 $0x0, s1;
	[sflag:s0] =	ssyncset.done @!p0 $0x0  }
0x8e: {  	[sflag:s0] =	ssyncadd.s32 @!p0 s1  }
0x8f: {  	[bflag:$0x3] =	sbarrier.arrive $0xFFFF  }
0x90: {  	_ =	shalt  }

// kernel: kernel.18.cloned.1.call-start
scs
__scs_entry_jumppad:
0x0: {  	(pc) =	sbr.rel $0x88, $3  }
0x1: {  	(tag) =	ssettag $0x0;
	lr =	simm.s32 $0x1  }
0x2: {  	[smem:$0x3F86] =	sst lr;
	_ =	strace $0xD0000000  }
0x3: {  	_ = 	snop  }
0x4: {  	_ = 	snop  }
0x5: {  	_ = 	snop  }
0x6: {  	_ = 	snop  }
0x7: {  	_ = 	snop  }
__scs_overlays_trampoline_lowered:
0x8: {  	[smem:$0x3F95] =	sst s0  }
0x9: {  	[smem:$0x3F96] =	sst s1  }
0xa: {  	[smem:$0x3F97] =	sst s2  }
0xb: {  	[smem:$0x3F98] =	sst s3  }
0xc: {  	[smem:$0x3F99] =	sst s4  }
0xd: {  	[smem:$0x3F9A] =	sst s5  }
0xe: {  	[smem:$0x3F9B] =	sst s6  }
0xf: {  	[smem:$0x3F9C] =	sst s7  }
0x10: {  	[smem:$0x3F9D] =	sst s8  }
0x11: {  	[smem:$0x3F9E] =	sst s9;
	s0 =	simm.s32 @!p0 $0x0  }
0x12: {  	s1 =	sld [smem:$0x3F84];
	s0 =	simm.s32 @p0 $0x1  }
0x13: {  	[smem:$0x3F9F] =	sst s0;
	s0 =	simm.s32 @!p1 $0x0  }
0x14: {  	s2 =	sld [smem:$0x3F83];
	s0 =	simm.s32 @p1 $0x1  }
0x15: {  	[smem:$0x3FA0] =	sst s0;
	s0 =	simm.s32 @!p2 $0x0  }
0x16: {  	s3 =	sld [smem:$0x3FDB];
	s0 =	simm.s32 @p2 $0x1  }
0x17: {  	s4 =	simm.s32 $0x1BF5;
	[smem:$0x3FA2] =	sst s0  }
0x18: {  	s0 =	sld [smem:$0x3F85];
	_ =	swait.ge [sflag:s4], $0x0  }
0x19: {  	s7 =	sld [smem:$0x3F86]  }
0x1a: {  	s8 =	sadd.s32 $0xFFFFE003, lr  }
0x1b: {  	s9 =	sadd.s32 $0xFFFFFEF7, lr;
	s5 =	simm.s32 $0xFFFFFFFF;
	p2 =	slt.u32 s8, $0xFFFFF086  }
0x1c: {  	p1 =	slt.u32 s9, $0xF7A;
	s5 =	simm.s32 @!p2 $0x0  }
0x1d: {  	s5 =	simm.s32 @p1 $0x1;
	p0 =	seq.s32 s7, s2  }
0x1e: {  	s7 =	smul.u32 @!p0 $0xF7A, s2;
	p2 =	seq.s32 @!p0 s5, $0x0  }
0x1f: {  	s9 =	smul.u32 $0xF7A, s1;
	s8 =	simm.s32 @!p0 $0x1BF5;
	p2 =	por !p2, p0  }
0x20: {  	[sflag:s8] =	ssyncset.s32 @!p0 $0xFFFFF086;
	s6 =	sadd.s32 @!p0 s3, s7;
	s7 =	simm.s32 @!p0 $0x108  }
0x21: {  	s3 =	sadd.s32 s3, s9;
	s6 =	sadd.s32 @!p0 $0x88, s6;
	s7 =	simm.s32 @p2 $0x1082  }
0x22: {  	[simem:s7], [sflag:s8] =	dma.local @!p0 [hbm:s6], $0xF7A  }
0x23: {  	s9 =	sor.u32 $0xD0000000, s2;
	s6 =	simm.s32 $0x108;
	_ =	swait.ge @!p0 [sflag:s8], $0x0  }
0x24: {  	s3 =	sadd.s32 $0x88, s3;
	s6 =	simm.s32 @!p1 $0x1082;
	[sflag:s4] =	ssyncset.s32 $0xFFFFF086  }
0x25: {  	[simem:s6], [sflag:s4] =	dma.local [hbm:s3], $0xF7A  }
0x26: {  	[smem:$0x3F86] =	sst s1;
	(tag) =	ssettag s2;
	_ =	strace s9  }
0x27: {  	s1 =	sld [smem:$0x3F96]  }
0x28: {  	s2 =	sld [smem:$0x3F97]  }
0x29: {  	s4 =	sld [smem:$0x3F99]  }
0x2a: {  	p0 =	seq.s32 s5, $0x0;
	s5 =	sld [smem:$0x3F9A]  }
0x2b: {  	s6 =	sld [smem:$0x3F9B]  }
0x2c: {  	s7 =	sld [smem:$0x3F9C]  }
0x2d: {  	s3 =	simm.s32 $0x108;
	s8 =	sld [smem:$0x3F9D]  }
0x2e: {  	s3 =	simm.s32 @!p0 $0x1082;
	s9 =	sld [smem:$0x3F9E]  }
0x2f: {  	lr =	sadd.s32 s0, s3;
	s0 =	sld [smem:$0x3F95]  }
0x30: {  	s3 =	sld [smem:$0x3F98]  }
0x31: {  	[smem:$0x3FA1] =	sst s10  }
0x32: {  	s10 =	sld [smem:$0x3F9F];
	_ =	sdelay $0x3  }
0x33: {  	p0 =	seq.s32 s10, $0x1;
	s10 =	sld [smem:$0x3FA1];
	_ =	sdelay $0x3  }
0x34: {  	[smem:$0x3FA1] =	sst s10  }
0x35: {  	s10 =	sld [smem:$0x3FA0];
	_ =	sdelay $0x3  }
0x36: {  	p1 =	seq.s32 s10, $0x1;
	s10 =	sld [smem:$0x3FA1];
	_ =	sdelay $0x3  }
0x37: {  	[smem:$0x3FA1] =	sst s10  }
0x38: {  	s10 =	sld [smem:$0x3FA2]  }
0x39: {  	_ = 	snop;
	(pc) =	sbr.ind lr, $3  }
0x3a: {  	_ = 	snop  }
0x3b: {  	_ = 	snop  }
0x3c: {  	p2 =	seq.s32 s10, $0x1;
	s10 =	sld [smem:$0x3FA1]  }
0x3d: {  	_ =	shalt  }
0x3e: {  	_ =	shalt  }
0x3f: {  	_ =	shalt  }
0x40: {  	_ =	shalt  }
0x41: {  	_ =	shalt  }
0x42: {  	_ =	shalt  }
0x43: {  	_ =	shalt  }
0x44: {  	_ =	shalt  }
0x45: {  	_ =	shalt  }
0x46: {  	_ =	shalt  }
0x47: {  	_ =	shalt  }
0x48: {  	_ =	shalt  }
0x49: {  	_ =	shalt  }
0x4a: {  	_ =	shalt  }
0x4b: {  	_ =	shalt  }
0x4c: {  	_ =	shalt  }
0x4d: {  	_ =	shalt  }
0x4e: {  	_ =	shalt  }
0x4f: {  	_ =	shalt  }
0x50: {  	_ =	shalt  }
0x51: {  	_ =	shalt  }
0x52: {  	_ =	shalt  }
0x53: {  	_ =	shalt  }
0x54: {  	_ =	shalt  }
0x55: {  	_ =	shalt  }
0x56: {  	_ =	shalt  }
0x57: {  	_ =	shalt  }
0x58: {  	_ =	shalt  }
0x59: {  	_ =	shalt  }
0x5a: {  	_ =	shalt  }
0x5b: {  	_ =	shalt  }
0x5c: {  	_ =	shalt  }
0x5d: {  	_ =	shalt  }
0x5e: {  	_ =	shalt  }
0x5f: {  	_ =	shalt  }
0x60: {  	_ =	shalt  }
0x61: {  	_ =	shalt  }
0x62: {  	_ =	shalt  }
0x63: {  	_ =	shalt  }
0x64: {  	_ =	shalt  }
0x65: {  	_ =	shalt  }
0x66: {  	_ =	shalt  }
0x67: {  	_ =	shalt  }
0x68: {  	_ =	shalt  }
0x69: {  	_ =	shalt  }
0x6a: {  	_ =	shalt  }
0x6b: {  	_ =	shalt  }
0x6c: {  	_ =	shalt  }
0x6d: {  	_ =	shalt  }
0x6e: {  	_ =	shalt  }
0x6f: {  	_ =	shalt  }
0x70: {  	_ =	shalt  }
0x71: {  	_ =	shalt  }
0x72: {  	_ =	shalt  }
0x73: {  	_ =	shalt  }
0x74: {  	_ =	shalt  }
0x75: {  	_ =	shalt  }
0x76: {  	_ =	shalt  }
0x77: {  	_ =	shalt  }
0x78: {  	_ =	shalt  }
0x79: {  	_ =	shalt  }
0x7a: {  	_ =	shalt  }
0x7b: {  	_ =	shalt  }
0x7c: {  	_ =	shalt  }
0x7d: {  	_ =	shalt  }
0x7e: {  	_ =	shalt  }
0x7f: {  	_ =	shalt  }
0x80: {  	_ =	shalt  }
0x81: {  	_ =	shalt  }
0x82: {  	_ =	shalt  }
0x83: {  	_ =	shalt  }
0x84: {  	_ =	shalt  }
0x85: {  	_ =	shalt  }
0x86: {  	_ =	shalt  }
0x87: {  	_ =	shalt  }
.Lfunc_end0:
.L_simem_size_0:
called_computation.5_lowered:
.L_overlay_start_0:
0x88: {  	s2 =	sld [smem:$0x3FD9]  }
0x89: {  	s3 =	sld [smem:$0x3FFE];
	_ =	sdelay $0x1  }
0x8a: {  	s1 =	srdreg.scid  }
0x8b: {  	s0 =	sand.u32 $0x1, s1  }
0x8c: {  	s16 =	sshll.u32 s0, $0xA;
	s2 =	sadd.s32 s3, s2  }
0x8d: {  	s2 =	sadd.s32 s2, s16  }
0x8e: {  	[smem:$0x3FAD] =	sst s2  }
0x8f: {  	_ = 	snop  }
0x90: {  	(tm) =	ssettm $0x1  }
0x91: {  	s17 =	sld [smem:$0x3FFB];
	_ =	sdelay $0x3  }
0x92: {  	_ =	strace s17  }
0x93: {  	s2 =	sld [smem:$0x3FFC];
	_ =	sdelay $0x3  }
0x94: {  	_ =	strace s2  }
0x95: {  	s2 =	sld [smem:$0x3FFD];
	_ =	sdelay $0x3  }
0x96: {  	_ =	strace s2  }
0x97: {  	_ =	strace $0x8FFFFFFF  }
0x98: {  	s18 =	sld [smem:$0x3FDB];
	_ =	sdelay $0x1  }
0x99: {  	s19 =	simm.s32 $_scs_section_size  }
0x9a: {  	s4 =	simm.s32 $_size__tile_overlayer_lowered;
	s5 =	simm.s32 $_tile_overlayer_lowered  }
0x9b: {  	s22 =	simm.s32 $0x1BFF;
	s21 =	sshll.u32 s5, $0x1;
	s2 =	sadd.s32 s19, s18  }
0x9c: {  	s6 =	simm.s32 $0x0;
	s20 =	sshll.u32 s4, $0x1;
	s4 =	sadd.s32 s21, s2  }
0x9d: {  	[timem:s6], [sflag:s22] =	dma.local [hbm:s4], s20  }
0x9e: {  	_ =	swait.ge [sflag:s22], s20  }
0x9f: {  	s3 =	ssub.s32 $0x0, s20;
	[sflag:s22] =	ssyncset.done $0x0  }
0xa0: {  	[sflag:s22] =	ssyncadd.s32 s3;
	_ =	sdelay $0x1  }
0xa1: {  	s23 =	simm.s32 $0x1B8B  }
0xa2: {  	_ =	swait.ge [sflag:s23], $0x1  }
0xa3: {  	[sflag:s23] =	ssyncset.done $0x0  }
0xa4: {  	s25 =	simm.s32 $0x1B8E;
	s24 =	sld [smem:$0x3FFE];
	[sflag:s23] =	ssyncadd.s32 $0xFFFFFFFF  }
0xa5: {  	s26 =	simm.s32 $execute0_lowered;
	[smem:$0x3FD2] =	sst s25  }
0xa6: {  	s4 =	sshll.u32 s26, $0x1;
	_ =	strace $0x8000004C;
	[dreg:$0x1] =	wrdreg $0xFFFFFFFF  }
0xa7: {  	s28 =	simm.s32 $_size_execute0_lowered;
	s2 =	sadd.s32 s2, s4;
	[dreg:$0x0] =	wrdreg $0x0  }
0xa8: {  	s4 =	sshll.u32 s28, $0x1;
	[dreg:$0x2] =	wrdreg s2  }
0xa9: {  	[dreg:$0x3] =	wrdreg s4  }
0xaa: {  	[dreg:$0x4] =	wrdreg $0xC0  }
0xab: {  	_ =	task [dreg:s6], $0x5FFFF  }
0xac: {  	[dreg:$0x1] =	wrdreg $0xFFFFFFFF  }
0xad: {  	[dreg:$0x0] =	wrdreg $0x60  }
0xae: {  	[dreg:$0x2] =	wrdreg s24  }
0xaf: {  	[dreg:$0x3] =	wrdreg $0xC0000  }
0xb0: {  	[dreg:$0x4] =	wrdreg $0xA  }
0xb1: {  	_ =	task.clear_ibuf [dreg:s6], $0x5FFFF;
	_ =	strace $0x9000004C  }
0xb2: {  	s29 =	simm.s32 $0xA;
	_ =	strace $0x8000004E  }
0xb3: {  	_ =	swait.ge [sflag:s29], $0x1  }
0xb4: {  	[sflag:s29] =	ssyncadd.s32 $0xFFFFFFFF  }
0xb5: {  	_ =	strace $0x9000004E  }
0xb6: {  	_ =	sfence  }
0xb7: {  	s30 =	sld [smem:$0x0];
	_ =	sdelay $0x2  }
0xb8: {  	s31 =	sshll.u32 s1, $0xD;
	s1 =	sshrl.u32 s1, $0x2  }
0xb9: {  	s3 =	sand.u32 $0x4000, s31;
	s1 =	sadd.s32 s1, s30  }
0xba: {  	s0 =	sor.u32 s3, s0;
	s1 =	sshll.u32 s1, $0x11  }
0xbb: {  	s0 =	sor.u32 s1, s0  }
0xbc: {  	s0 =	sadd.s32 $0x8F2B, s0  }
0xbd: {  	[sflag:s0] =	ssyncadd.remote.s32 $0x1  }
0xbe: {  	_ =	sfence.sel $0xFFFF  }
0xbf: {  	[dreg:$0x0] =	wrdreg $0xFFFFFFFF;
	(pc) =	sbr.abs _section_cstart, $3  }
0xc0: {  	[dreg:$0x1] =	wrdreg $0xFFFFFFFF  }
0xc1: {  	_ =	task.clear_ibuf [dreg:s6], $0x2FFFF;
	_ =	strace $0x9FFFFFFF  }
0xc2: {  	(tm) =	ssettm $0x7FFFFFFF  }
0xc3: {  	_ =	shalt  }
tec
execute0_lowered:
.L_overlay_start_1:
0x0: {  	(tag) =	ssettag $0x1  }
0x1: {  	s6 =	rddreg [dreg:$0x0];
	s0 =	stileid.u32  }
0x2: {  	s1 =	srdreg.scid;
	s2 =	rddreg [dreg:$0x1];
	s3 =	simm.s32 $0x0  }
0x3: {  	s18 =	simm.s32 $0x4000;
	s19 =	simm.s32 $0x3;
	s20 =	simm.s32 $0x2000  }
0x4: {  	s21 =	simm.s32 $0x80;
	s22 =	simm.s32 $0x8000;
	s23 =	simm.s32 $0x1  }
0x5: {  	s25 =	simm.s32 $0x3D00;
	s26 =	simm.s32 $0x0;
	s5 =	smul.u32 $0x278, s0  }
0x6: {  	s12 =	sand.u32 $0x1, s1;
	[smem:$0x7FF] =	sst s3;
	s9 =	smul.u32 $0x4F000, s0  }
0x7: {  	s8 =	sshll.u32 s0, $0xA;
	s4 =	sadd.s32 $0x64A00, s6;
	s7 =	smul.u32 $0x2780, s12  }
0x8: {  	_ =	strace $0x8000004D;
	s11 =	sadd.s32 s8, s6;
	s29 =	ssub.s32 $0x2, s12  }
0x9: {  	s24 =	smul.u32 $0x2710, s12;
	s30 =	sshrl.u32 s9, $0x2;
	s10 =	sshrl.u32 s29, $0x1  }
0xa: {  	s5 =	sadd.s32 s5, s7;
	s17 =	ssub.s32 s29, s10;
	s10 =	sadd.s32 $0xB2C00, s11  }
0xb: {  	s11 =	sadd.s32 $0xB6C00, s11;
	v0 =	vmov s24;
	s24 =	simm.s32 $0x2;
	s31 =	sshll.u32 s5, $0x4  }
0xc: {  	s5 =	sadd.s32 s30, s2;
	s17 =	smax.u32 s17, $0x1;
	s16 =	sadd.s32 s31, s6  }
0xd: {  	s6 =	sadd.s32 $0x4000, s5;
	s7 =	sadd.s32 $0x8000, s5;
	s8 =	sadd.s32 $0xC000, s5  }
0xe: {  	s9 =	sadd.s32 $0x10000, s5;
	s12 =	sadd.s32 $0xBAC00, s16;
	s13 =	sadd.s32 $0xBB400, s16  }
0xf: {  	v1 =	vimm.f32 $0.0e+00;
	s14 =	sadd.s32 $0xBBC00, s16;
	s15 =	sadd.s32 $0xBC400, s16;
	s16 =	sadd.s32 $0xBCC00, s16  }
.LBB2_1:
0x10: {  	s28 =	simm.s32 $0x0;
	s29 =	simm.s32 $0x200  }
.LBB2_2:
0x11: {  	p0 =	sne.s32 s29, $0xFE00;
	[tilespmem:s28+$0x4070] =	vst v1  }
0x12: {  	[tilespmem:s28+$0x4000] =	vst v1  }
0x13: {  	[tilespmem:s28+$0x4010] =	vst v1  }
.Ltmp0:
0x14: {  	[tilespmem:s28+$0x4020] =	vst v1;
	(pc) =	sbr.rel @p0 .LBB2_2-.Ltmp0, $4  }
0x15: {  	[tilespmem:s28+$0x4030] =	vst v1  }
0x16: {  	[tilespmem:s28+$0x4040] =	vst v1  }
0x17: {  	[tilespmem:s28+$0x4050] =	vst v1  }
0x18: {  	[tilespmem:s28+$0x4060] =	vst v1;
	s28 =	sshra.s32 s29, $0x2;
	s29 =	sadd.s32 $0x200, s29  }
0x19: {  	[tilespmem:s28+$0x4070] =	vst v1  }
0x1a: {  	[tilespmem:s28+$0x4000] =	vst v1  }
0x1b: {  	[tilespmem:s28+$0x4010] =	vst v1  }
0x1c: {  	[tilespmem:s28+$0x4020] =	vst v1  }
0x1d: {  	[tilespmem:s28+$0x4030] =	vst v1  }
0x1e: {  	[tilespmem:s28+$0x4040] =	vst v1  }
0x1f: {  	[tilespmem:s28+$0x4050] =	vst v1  }
0x20: {  	[tilespmem:s28+$0x4060] =	vst v1  }
0x21: {  	[spmem:s5] =	stream.linear.scatter [tilespmem:s18], [sflag:$0x3], $0x4000, $0x38;
	[tilespmem:$0x1FC00] =	vst v63  }
0x22: {  	_ =	swait.ge [sflag:s19], $0x4000  }
0x23: {  	[sflag:s19] =	ssyncset.done $0x0  }
0x24: {  	[sflag:s19] =	ssyncadd.s32 $0xFFFFC000  }
0x25: {  	[spmem:s6] =	stream.linear.scatter [tilespmem:s18], [sflag:$0x3], $0x4000, $0x38;
	[tilespmem:$0x1FC00] =	vst v63  }
0x26: {  	_ =	swait.ge [sflag:s19], $0x4000  }
0x27: {  	[sflag:s19] =	ssyncset.done $0x0  }
0x28: {  	[sflag:s19] =	ssyncadd.s32 $0xFFFFC000  }
0x29: {  	[spmem:s7] =	stream.linear.scatter [tilespmem:s18], [sflag:$0x3], $0x4000, $0x38;
	[tilespmem:$0x1FC00] =	vst v63  }
0x2a: {  	_ =	swait.ge [sflag:s19], $0x4000  }
0x2b: {  	[sflag:s19] =	ssyncset.done $0x0  }
0x2c: {  	[sflag:s19] =	ssyncadd.s32 $0xFFFFC000  }
0x2d: {  	[spmem:s8] =	stream.linear.scatter [tilespmem:s18], [sflag:$0x3], $0x4000, $0x38;
	[tilespmem:$0x1FC00] =	vst v63  }
0x2e: {  	_ =	swait.ge [sflag:s19], $0x4000  }
0x2f: {  	[sflag:s19] =	ssyncset.done $0x0  }
0x30: {  	[sflag:s19] =	ssyncadd.s32 $0xFFFFC000  }
0x31: {  	[spmem:s9] =	stream.linear.scatter [tilespmem:s18], [sflag:$0x3], $0x3C00, $0x38;
	[tilespmem:$0x1FC00] =	vst v63  }
0x32: {  	_ =	swait.ge [sflag:s19], $0x3C00  }
0x33: {  	[sflag:s19] =	ssyncset.done $0x0  }
0x34: {  	s28 =	simm.s32 $0x0;
	[sflag:s19] =	ssyncadd.s32 $0xFFFFC400  }
0x35: {  	[tilespmem:s28], [sflag:$0x3] =	stream.linear.gather [hbm4b:s10+s28], $0x1D80, $0x38;
	[tilespmem:$0x1FC00] =	vst v63  }
0x36: {  	_ =	swait.ge [sflag:s19], $0x1D80  }
0x37: {  	[sflag:s19] =	ssyncset.done $0x0  }
0x38: {  	[sflag:s19] =	ssyncadd.s32 $0xFFFFE280  }
0x39: {  	[tilespmem:s20], [sflag:$0x3] =	stream.linear.gather [hbm4b:s11+s28], $0x1D80, $0x38;
	[tilespmem:$0x1FC00] =	vst v63  }
0x3a: {  	_ =	swait.ge [sflag:s19], $0x1D80  }
0x3b: {  	[sflag:s19] =	ssyncset.done $0x0  }
0x3c: {  	s28 =	simm.s32 $0x0;
	[sflag:s19] =	ssyncadd.s32 $0xFFFFE280  }
0x3d: {  	v4 =	vld [tilespmem:s28+$0x0]  }
0x3e: {  	v6 =	vld [tilespmem:s28+$0x10]  }
0x3f: {  	v5 =	vld [tilespmem:s28+$0x20]  }
0x40: {  	v3 =	vld [tilespmem:s28+$0x30]  }
0x41: {  	v2 =	vld [tilespmem:s28+$0x40]  }
0x42: {  	v7 =	vadd.s32 v0, v4;
	v4 =	vld [tilespmem:s28+$0x50]  }
0x43: {  	s29 =	simm.s32 $0x200;
	[tilespmem:s28+$0x0] =	vst v7;
	v7 =	vadd.s32 v0, v6;
	v6 =	vld [tilespmem:s28+$0x60]  }
.LBB2_4:
0x44: {  	s30 =	sshra.s32 s29, $0x2;
	p0 =	sne.s32 s29, $0x7400;
	[tilespmem:s28+$0x10] =	vst v7;
	v5 =	vadd.s32 v0, v5;
	v7 =	vld [tilespmem:s28+$0x70]  }
0x45: {  	v8 =	vld [tilespmem:s30+$0x0];
	[tilespmem:s28+$0x20] =	vst v5;
	v3 =	vadd.s32 v0, v3  }
0x46: {  	v9 =	vld [tilespmem:s30+$0x10];
	[tilespmem:s28+$0x30] =	vst v3;
	v2 =	vadd.s32 v0, v2  }
.Ltmp1:
0x47: {  	v5 =	vld [tilespmem:s30+$0x20];
	[tilespmem:s28+$0x40] =	vst v2;
	v2 =	vadd.s32 v0, v4;
	(pc) =	sbr.rel @p0 .LBB2_4-.Ltmp1, $4  }
0x48: {  	v3 =	vld [tilespmem:s30+$0x30];
	[tilespmem:s28+$0x50] =	vst v2;
	v4 =	vadd.s32 v0, v6  }
0x49: {  	v2 =	vld [tilespmem:s30+$0x40];
	[tilespmem:s28+$0x60] =	vst v4;
	v6 =	vadd.s32 v0, v7  }
0x4a: {  	v7 =	vadd.s32 v0, v8;
	v4 =	vld [tilespmem:s30+$0x50];
	[tilespmem:s28+$0x70] =	vst v6;
	s28 =	smov.u32 s30  }
0x4b: {  	s29 =	sadd.s32 $0x200, s29;
	[tilespmem:s28+$0x0] =	vst v7;
	v7 =	vadd.s32 v0, v9;
	v6 =	vld [tilespmem:s28+$0x60]  }
0x4c: {  	[tilespmem:s28+$0x10] =	vst v7;
	v5 =	vadd.s32 v0, v5;
	v63 =	vld [tilespmem:s28+$0x70]  }
0x4d: {  	[tilespmem:s28+$0x20] =	vst v5;
	v3 =	vadd.s32 v0, v3  }
0x4e: {  	[tilespmem:s28+$0x30] =	vst v3;
	v2 =	vadd.s32 v0, v2  }
0x4f: {  	[tilespmem:s28+$0x40] =	vst v2;
	v2 =	vadd.s32 v0, v4  }
0x50: {  	[tilespmem:s28+$0x50] =	vst v2;
	v2 =	vadd.s32 v0, v6  }
0x51: {  	[tilespmem:s28+$0x60] =	vst v2;
	v2 =	vadd.s32 v0, v63  }
0x52: {  	[tilespmem:s28+$0x70] =	vst v2  }
0x53: {  	s28 =	simm.s32 $0x0;
	[bflag:$0x0] =	sbarrier.arrive $0xFFFF  }
0x54: {  	[tilespmem:s18], [sflag:$0x1] =	stream.indirect.gather [hbm4b:s4+s21], $0x80, s28, s21, $0xb8;
	[tilespmem:$0x1FC00] =	vst v63  }
0x55: {  	s28 =	simm.s32 $0x80  }
0x56: {  	[tilespmem:s22], [sflag:$0x2] =	stream.indirect.gather [hbm4b:s4+s21], $0x80, s28, s21, $0xb8;
	[tilespmem:$0x1FC00] =	vst v63  }
0x57: {  	_ =	swait.ge [sflag:s23], $0x4000  }
0x58: {  	[sflag:s23] =	ssyncset.done $0x0  }
0x59: {  	s28 =	simm.s32 $0x2000;
	[sflag:s23] =	ssyncadd.s32 $0xFFFFC000  }
0x5a: {  	[spmem:s2] =	stream.indirect.scatter.add.f32 [tilespmem:s18], [sflag:$0x3], $0x80, s28, s21, $0xb8;
	[tilespmem:$0x1FC00] =	vst v63  }
0x5b: {  	_ =	swait.ge [sflag:s19], $0x4000  }
0x5c: {  	[sflag:s19] =	ssyncset.done $0x0  }
0x5d: {  	s28 =	simm.s32 $0x100;
	[sflag:s19] =	ssyncadd.s32 $0xFFFFC000  }
0x5e: {  	[tilespmem:s18], [sflag:$0x1] =	stream.indirect.gather [hbm4b:s4+s21], $0x80, s28, s21, $0xb8;
	[tilespmem:$0x1FC00] =	vst v63  }
0x5f: {  	_ =	swait.ge [sflag:s24], $0x4000  }
0x60: {  	[sflag:s24] =	ssyncset.done $0x0  }
0x61: {  	s28 =	simm.s32 $0x2080;
	[sflag:s24] =	ssyncadd.s32 $0xFFFFC000  }
0x62: {  	[spmem:s2] =	stream.indirect.scatter.add.f32 [tilespmem:s22], [sflag:$0x3], $0x80, s28, s21, $0xb8;
	[tilespmem:$0x1FC00] =	vst v63  }
0x63: {  	_ =	swait.ge [sflag:s19], $0x4000  }
0x64: {  	s29 =	simm.s32 $0x800;
	s28 =	simm.s32 $0x100;
	[sflag:s19] =	ssyncset.done $0x0  }
.LBB2_6:
0x65: {  	s30 =	sadd.s32 $0x80, s28  }
0x66: {  	[sflag:s19] =	ssyncadd.s32 $0xFFFFC000;
	s31 =	smov.u32 s29;
	s1 =	sadd.s32 $0x400, s29  }
0x67: {  	[tilespmem:s22], [sflag:$0x2] =	stream.indirect.gather [hbm4b:s4+s21], $0x80, s30, s21, $0xb8;
	[tilespmem:$0x1FC00] =	vst v63  }
0x68: {  	p0 =	sne.s32 s29, $0x7000;
	_ =	swait.ge [sflag:s23], $0x4000  }
0x69: {  	[sflag:s23] =	ssyncset.done $0x0  }
0x6a: {  	s29 =	sadd.s32 $0x2000, s28;
	[sflag:s23] =	ssyncadd.s32 $0xFFFFC000  }
0x6b: {  	[spmem:s2] =	stream.indirect.scatter.add.f32 [tilespmem:s18], [sflag:$0x3], $0x80, s29, s21, $0xb8;
	[tilespmem:$0x1FC00] =	vst v63  }
0x6c: {  	_ =	swait.ge [sflag:s19], $0x4000  }
0x6d: {  	[sflag:s19] =	ssyncset.done $0x0  }
0x6e: {  	s29 =	sadd.s32 $0x100, s28;
	[sflag:s19] =	ssyncadd.s32 $0xFFFFC000  }
0x6f: {  	[tilespmem:s18], [sflag:$0x1] =	stream.indirect.gather [hbm4b:s4+s21], $0x80, s29, s21, $0xb8;
	[tilespmem:$0x1FC00] =	vst v63  }
0x70: {  	_ =	swait.ge [sflag:s24], $0x4000  }
.Ltmp2:
0x71: {  	[sflag:s24] =	ssyncset.done $0x0;
	(pc) =	sbr.rel @p0 .LBB2_6-.Ltmp2, $4  }
0x72: {  	s28 =	sadd.s32 $0x2080, s28;
	[sflag:s24] =	ssyncadd.s32 $0xFFFFC000  }
0x73: {  	[spmem:s2] =	stream.indirect.scatter.add.f32 [tilespmem:s22], [sflag:$0x3], $0x80, s28, s21, $0xb8;
	[tilespmem:$0x1FC00] =	vst v63  }
0x74: {  	_ =	swait.ge [sflag:s19], $0x4000  }
0x75: {  	s29 =	smov.u32 s1;
	s28 =	sshra.s32 s31, $0x2;
	[sflag:s19] =	ssyncset.done $0x0  }
0x76: {  	s1 =	sadd.s32 $0x80, s28;
	[sflag:s19] =	ssyncadd.s32 $0xFFFFC000  }
0x77: {  	[tilespmem:s22], [sflag:$0x2] =	stream.indirect.gather [hbm4b:s4+s21], $0x80, s1, s21, $0xb8;
	[tilespmem:$0x1FC00] =	vst v63  }
0x78: {  	_ =	swait.ge [sflag:s23], $0x4000  }
0x79: {  	[sflag:s23] =	ssyncset.done $0x0  }
0x7a: {  	s29 =	sadd.s32 $0x2000, s28;
	[sflag:s23] =	ssyncadd.s32 $0xFFFFC000  }
0x7b: {  	[spmem:s2] =	stream.indirect.scatter.add.f32 [tilespmem:s18], [sflag:$0x3], $0x80, s29, s21, $0xb8;
	[tilespmem:$0x1FC00] =	vst v63  }
0x7c: {  	_ =	swait.ge [sflag:s19], $0x4000  }
0x7d: {  	[sflag:s19] =	ssyncset.done $0x0  }
0x7e: {  	s30 =	sadd.s32 $0x100, s28;
	[sflag:s19] =	ssyncadd.s32 $0xFFFFC000  }
0x7f: {  	[tilespmem:s18], [sflag:$0x1] =	stream.indirect.gather [hbm4b:s4+s21], $0x80, s30, s21, $0xb8;
	[tilespmem:$0x1FC00] =	vst v63  }
0x80: {  	_ =	swait.ge [sflag:s24], $0x4000  }
0x81: {  	[sflag:s24] =	ssyncset.done $0x0  }
0x82: {  	s31 =	sadd.s32 $0x2080, s28;
	[sflag:s24] =	ssyncadd.s32 $0xFFFFC000  }
0x83: {  	[spmem:s2] =	stream.indirect.scatter.add.f32 [tilespmem:s22], [sflag:$0x3], $0x80, s31, s21, $0xb8;
	[tilespmem:$0x1FC00] =	vst v63  }
0x84: {  	_ =	swait.ge [sflag:s19], $0x4000  }
0x85: {  	[sflag:s19] =	ssyncset.done $0x0  }
0x86: {  	[sflag:s19] =	ssyncadd.s32 $0xFFFFC000  }
0x87: {  	_ =	swait.ge [sflag:s23], $0x4000  }
0x88: {  	[sflag:s23] =	ssyncset.done $0x0  }
0x89: {  	[sflag:s23] =	ssyncadd.s32 $0xFFFFC000  }
0x8a: {  	[spmem:s2] =	stream.indirect.scatter.add.f32 [tilespmem:s18], [sflag:$0x3], $0x80, s25, s21, $0xb8;
	[tilespmem:$0x1FC00] =	vst v63  }
0x8b: {  	_ =	swait.ge [sflag:s19], $0x4000  }
0x8c: {  	[sflag:s19] =	ssyncset.done $0x0  }
0x8d: {  	[sflag:s19] =	ssyncadd.s32 $0xFFFFC000  }
0x8e: {  	[bflag:$0x0] =	sbarrier.arrive $0xFFFF  }
0x8f: {  	[tilespmem:s18], [sflag:$0x3] =	stream.linear.gather [spmem:s5], $0x4000, $0x38;
	[tilespmem:$0x1FC00] =	vst v63  }
0x90: {  	_ =	swait.ge [sflag:s19], $0x4000  }
0x91: {  	[sflag:s19] =	ssyncset.done $0x0  }
0x92: {  	[sflag:s19] =	ssyncadd.s32 $0xFFFFC000  }
0x93: {  	[hbm4b:s12+s3] =	stream.linear.scatter [tilespmem:s18], [sflag:$0x3], $0x4000, $0x38;
	[tilespmem:$0x1FC00] =	vst v63  }
0x94: {  	_ =	swait.ge [sflag:s19], $0x4000  }
0x95: {  	[sflag:s19] =	ssyncset.done $0x0  }
0x96: {  	[sflag:s19] =	ssyncadd.s32 $0xFFFFC000  }
0x97: {  	[tilespmem:s18], [sflag:$0x3] =	stream.linear.gather [spmem:s6], $0x4000, $0x38;
	[tilespmem:$0x1FC00] =	vst v63  }
0x98: {  	_ =	swait.ge [sflag:s19], $0x4000  }
0x99: {  	[sflag:s19] =	ssyncset.done $0x0  }
0x9a: {  	[sflag:s19] =	ssyncadd.s32 $0xFFFFC000  }
0x9b: {  	[hbm4b:s13+s3] =	stream.linear.scatter [tilespmem:s18], [sflag:$0x3], $0x4000, $0x38;
	[tilespmem:$0x1FC00] =	vst v63  }
0x9c: {  	_ =	swait.ge [sflag:s19], $0x4000  }
0x9d: {  	[sflag:s19] =	ssyncset.done $0x0  }
0x9e: {  	[sflag:s19] =	ssyncadd.s32 $0xFFFFC000  }
0x9f: {  	[tilespmem:s18], [sflag:$0x3] =	stream.linear.gather [spmem:s7], $0x4000, $0x38;
	[tilespmem:$0x1FC00] =	vst v63  }
0xa0: {  	_ =	swait.ge [sflag:s19], $0x4000  }
0xa1: {  	[sflag:s19] =	ssyncset.done $0x0  }
0xa2: {  	[sflag:s19] =	ssyncadd.s32 $0xFFFFC000  }
0xa3: {  	[hbm4b:s14+s3] =	stream.linear.scatter [tilespmem:s18], [sflag:$0x3], $0x4000, $0x38;
	[tilespmem:$0x1FC00] =	vst v63  }
0xa4: {  	_ =	swait.ge [sflag:s19], $0x4000  }
0xa5: {  	[sflag:s19] =	ssyncset.done $0x0  }
0xa6: {  	[sflag:s19] =	ssyncadd.s32 $0xFFFFC000  }
0xa7: {  	[tilespmem:s18], [sflag:$0x3] =	stream.linear.gather [spmem:s8], $0x4000, $0x38;
	[tilespmem:$0x1FC00] =	vst v63  }
0xa8: {  	_ =	swait.ge [sflag:s19], $0x4000  }
0xa9: {  	[sflag:s19] =	ssyncset.done $0x0  }
0xaa: {  	[sflag:s19] =	ssyncadd.s32 $0xFFFFC000  }
0xab: {  	[hbm4b:s15+s3] =	stream.linear.scatter [tilespmem:s18], [sflag:$0x3], $0x4000, $0x38;
	[tilespmem:$0x1FC00] =	vst v63  }
0xac: {  	_ =	swait.ge [sflag:s19], $0x4000  }
0xad: {  	[sflag:s19] =	ssyncset.done $0x0  }
0xae: {  	[sflag:s19] =	ssyncadd.s32 $0xFFFFC000  }
0xaf: {  	[tilespmem:s18], [sflag:$0x3] =	stream.linear.gather [spmem:s9], $0x3C00, $0x38;
	[tilespmem:$0x1FC00] =	vst v63  }
0xb0: {  	s26 =	sadd.s32 $0x1, s26;
	_ =	swait.ge [sflag:s19], $0x3C00  }
0xb1: {  	p0 =	sne.s32 s26, s17;
	[sflag:s19] =	ssyncset.done $0x0  }
.Ltmp3:
0xb2: {  	[sflag:s19] =	ssyncadd.s32 $0xFFFFC400;
	(pc) =	sbr.rel @p0 .LBB2_1-.Ltmp3, $4  }
0xb3: {  	[hbm4b:s16+s3] =	stream.linear.scatter [tilespmem:s18], [sflag:$0x3], $0x3C00, $0x38;
	[tilespmem:$0x1FC00] =	vst v63  }
0xb4: {  	_ =	swait.ge [sflag:s19], $0x3C00  }
0xb5: {  	[sflag:s19] =	ssyncset.done $0x0  }
0xb6: {  	[sflag:s19] =	ssyncadd.s32 $0xFFFFC400  }
0xb7: {  	_ =	sfence.sel $0x180000  }
0xb8: {  	[bflag:$0x0] =	sbarrier.arrive $0xFFFF  }
0xb9: {  	_ =	strace $0x9000004D  }
0xba: {  	[bflag:$0x2] =	sbarrier.arrive $0xFFFF  }
0xbb: {  	p0 =	sne.s32 s0, $0x0;
	s0 =	rddreg [dreg:$0x2]  }
0xbc: {  	s0 =	sadd.s32 @!p0 $0x100000, s0  }
0xbd: {  	[sflag:s0] =	ssyncadd.tile.s32 @!p0 $0x1;
	_ =	shalt  }
.Lfunc_end2:
_tile_overlayer_lowered:
.L_overlay_start_2:
0xbe: {  	(tag) =	ssettag $0x2  }
0xbf: {  	s0 =	rddreg [dreg:$0x0];
	s2 =	stileid.u32  }
0xc0: {  	s1 =	rddreg [dreg:$0x1];
	p0 =	sne.s32 s2, $0x0  }
0xc1: {  	s3 =	rddreg [dreg:$0x2];
	[bflag:$0x3] =	sbarrier.arrive $0xFFFF;
	s2 =	simm.s32 @!p0 $0x1C03  }
0xc2: {  	[timem:s3], [sflag:s2] =	dma.local @!p0 [hbm:s0], s1  }
0xc3: {  	s0 =	simm.s32 @!p0 $0x3  }
0xc4: {  	_ =	swait.ge @!p0 [sflag:s0], s1  }
0xc5: {  	s1 =	ssub.s32 @!p0 $0x0, s1;
	[sflag:s0] =	ssyncset.done @!p0 $0x0  }
0xc6: {  	[sflag:s0] =	ssyncadd.s32 @!p0 s1  }
0xc7: {  	[bflag:$0x3] =	sbarrier.arrive $0xFFFF  }
0xc8: {  	_ =	shalt  }

// kernel: kernel.21.cloned.1.call-start
scs
__scs_entry_jumppad:
0x0: {  	(pc) =	sbr.rel $0x88, $3  }
0x1: {  	(tag) =	ssettag $0x0;
	lr =	simm.s32 $0x1  }
0x2: {  	[smem:$0x3F86] =	sst lr;
	_ =	strace $0xD0000000  }
0x3: {  	_ = 	snop  }
0x4: {  	_ = 	snop  }
0x5: {  	_ = 	snop  }
0x6: {  	_ = 	snop  }
0x7: {  	_ = 	snop  }
__scs_overlays_trampoline_lowered:
0x8: {  	[smem:$0x3F95] =	sst s0  }
0x9: {  	[smem:$0x3F96] =	sst s1  }
0xa: {  	[smem:$0x3F97] =	sst s2  }
0xb: {  	[smem:$0x3F98] =	sst s3  }
0xc: {  	[smem:$0x3F99] =	sst s4  }
0xd: {  	[smem:$0x3F9A] =	sst s5  }
0xe: {  	[smem:$0x3F9B] =	sst s6  }
0xf: {  	[smem:$0x3F9C] =	sst s7  }
0x10: {  	[smem:$0x3F9D] =	sst s8  }
0x11: {  	[smem:$0x3F9E] =	sst s9;
	s0 =	simm.s32 @!p0 $0x0  }
0x12: {  	s1 =	sld [smem:$0x3F84];
	s0 =	simm.s32 @p0 $0x1  }
0x13: {  	[smem:$0x3F9F] =	sst s0;
	s0 =	simm.s32 @!p1 $0x0  }
0x14: {  	s2 =	sld [smem:$0x3F83];
	s0 =	simm.s32 @p1 $0x1  }
0x15: {  	[smem:$0x3FA0] =	sst s0;
	s0 =	simm.s32 @!p2 $0x0  }
0x16: {  	s3 =	sld [smem:$0x3FDB];
	s0 =	simm.s32 @p2 $0x1  }
0x17: {  	s4 =	simm.s32 $0x1BF5;
	[smem:$0x3FA2] =	sst s0  }
0x18: {  	s0 =	sld [smem:$0x3F85];
	_ =	swait.ge [sflag:s4], $0x0  }
0x19: {  	s7 =	sld [smem:$0x3F86]  }
0x1a: {  	s8 =	sadd.s32 $0xFFFFE003, lr  }
0x1b: {  	s9 =	sadd.s32 $0xFFFFFEF7, lr;
	s5 =	simm.s32 $0xFFFFFFFF;
	p2 =	slt.u32 s8, $0xFFFFF086  }
0x1c: {  	p1 =	slt.u32 s9, $0xF7A;
	s5 =	simm.s32 @!p2 $0x0  }
0x1d: {  	s5 =	simm.s32 @p1 $0x1;
	p0 =	seq.s32 s7, s2  }
0x1e: {  	s7 =	smul.u32 @!p0 $0xF7A, s2;
	p2 =	seq.s32 @!p0 s5, $0x0  }
0x1f: {  	s9 =	smul.u32 $0xF7A, s1;
	s8 =	simm.s32 @!p0 $0x1BF5;
	p2 =	por !p2, p0  }
0x20: {  	[sflag:s8] =	ssyncset.s32 @!p0 $0xFFFFF086;
	s6 =	sadd.s32 @!p0 s3, s7;
	s7 =	simm.s32 @!p0 $0x108  }
0x21: {  	s3 =	sadd.s32 s3, s9;
	s6 =	sadd.s32 @!p0 $0x88, s6;
	s7 =	simm.s32 @p2 $0x1082  }
0x22: {  	[simem:s7], [sflag:s8] =	dma.local @!p0 [hbm:s6], $0xF7A  }
0x23: {  	s9 =	sor.u32 $0xD0000000, s2;
	s6 =	simm.s32 $0x108;
	_ =	swait.ge @!p0 [sflag:s8], $0x0  }
0x24: {  	s3 =	sadd.s32 $0x88, s3;
	s6 =	simm.s32 @!p1 $0x1082;
	[sflag:s4] =	ssyncset.s32 $0xFFFFF086  }
0x25: {  	[simem:s6], [sflag:s4] =	dma.local [hbm:s3], $0xF7A  }
0x26: {  	[smem:$0x3F86] =	sst s1;
	(tag) =	ssettag s2;
	_ =	strace s9  }
0x27: {  	s1 =	sld [smem:$0x3F96]  }
0x28: {  	s2 =	sld [smem:$0x3F97]  }
0x29: {  	s4 =	sld [smem:$0x3F99]  }
0x2a: {  	p0 =	seq.s32 s5, $0x0;
	s5 =	sld [smem:$0x3F9A]  }
0x2b: {  	s6 =	sld [smem:$0x3F9B]  }
0x2c: {  	s7 =	sld [smem:$0x3F9C]  }
0x2d: {  	s3 =	simm.s32 $0x108;
	s8 =	sld [smem:$0x3F9D]  }
0x2e: {  	s3 =	simm.s32 @!p0 $0x1082;
	s9 =	sld [smem:$0x3F9E]  }
0x2f: {  	lr =	sadd.s32 s0, s3;
	s0 =	sld [smem:$0x3F95]  }
0x30: {  	s3 =	sld [smem:$0x3F98]  }
0x31: {  	[smem:$0x3FA1] =	sst s10  }
0x32: {  	s10 =	sld [smem:$0x3F9F];
	_ =	sdelay $0x3  }
0x33: {  	p0 =	seq.s32 s10, $0x1;
	s10 =	sld [smem:$0x3FA1];
	_ =	sdelay $0x3  }
0x34: {  	[smem:$0x3FA1] =	sst s10  }
0x35: {  	s10 =	sld [smem:$0x3FA0];
	_ =	sdelay $0x3  }
0x36: {  	p1 =	seq.s32 s10, $0x1;
	s10 =	sld [smem:$0x3FA1];
	_ =	sdelay $0x3  }
0x37: {  	[smem:$0x3FA1] =	sst s10  }
0x38: {  	s10 =	sld [smem:$0x3FA2]  }
0x39: {  	_ = 	snop;
	(pc) =	sbr.ind lr, $3  }
0x3a: {  	_ = 	snop  }
0x3b: {  	_ = 	snop  }
0x3c: {  	p2 =	seq.s32 s10, $0x1;
	s10 =	sld [smem:$0x3FA1]  }
0x3d: {  	_ =	shalt  }
0x3e: {  	_ =	shalt  }
0x3f: {  	_ =	shalt  }
0x40: {  	_ =	shalt  }
0x41: {  	_ =	shalt  }
0x42: {  	_ =	shalt  }
0x43: {  	_ =	shalt  }
0x44: {  	_ =	shalt  }
0x45: {  	_ =	shalt  }
0x46: {  	_ =	shalt  }
0x47: {  	_ =	shalt  }
0x48: {  	_ =	shalt  }
0x49: {  	_ =	shalt  }
0x4a: {  	_ =	shalt  }
0x4b: {  	_ =	shalt  }
0x4c: {  	_ =	shalt  }
0x4d: {  	_ =	shalt  }
0x4e: {  	_ =	shalt  }
0x4f: {  	_ =	shalt  }
0x50: {  	_ =	shalt  }
0x51: {  	_ =	shalt  }
0x52: {  	_ =	shalt  }
0x53: {  	_ =	shalt  }
0x54: {  	_ =	shalt  }
0x55: {  	_ =	shalt  }
0x56: {  	_ =	shalt  }
0x57: {  	_ =	shalt  }
0x58: {  	_ =	shalt  }
0x59: {  	_ =	shalt  }
0x5a: {  	_ =	shalt  }
0x5b: {  	_ =	shalt  }
0x5c: {  	_ =	shalt  }
0x5d: {  	_ =	shalt  }
0x5e: {  	_ =	shalt  }
0x5f: {  	_ =	shalt  }
0x60: {  	_ =	shalt  }
0x61: {  	_ =	shalt  }
0x62: {  	_ =	shalt  }
0x63: {  	_ =	shalt  }
0x64: {  	_ =	shalt  }
0x65: {  	_ =	shalt  }
0x66: {  	_ =	shalt  }
0x67: {  	_ =	shalt  }
0x68: {  	_ =	shalt  }
0x69: {  	_ =	shalt  }
0x6a: {  	_ =	shalt  }
0x6b: {  	_ =	shalt  }
0x6c: {  	_ =	shalt  }
0x6d: {  	_ =	shalt  }
0x6e: {  	_ =	shalt  }
0x6f: {  	_ =	shalt  }
0x70: {  	_ =	shalt  }
0x71: {  	_ =	shalt  }
0x72: {  	_ =	shalt  }
0x73: {  	_ =	shalt  }
0x74: {  	_ =	shalt  }
0x75: {  	_ =	shalt  }
0x76: {  	_ =	shalt  }
0x77: {  	_ =	shalt  }
0x78: {  	_ =	shalt  }
0x79: {  	_ =	shalt  }
0x7a: {  	_ =	shalt  }
0x7b: {  	_ =	shalt  }
0x7c: {  	_ =	shalt  }
0x7d: {  	_ =	shalt  }
0x7e: {  	_ =	shalt  }
0x7f: {  	_ =	shalt  }
0x80: {  	_ =	shalt  }
0x81: {  	_ =	shalt  }
0x82: {  	_ =	shalt  }
0x83: {  	_ =	shalt  }
0x84: {  	_ =	shalt  }
0x85: {  	_ =	shalt  }
0x86: {  	_ =	shalt  }
0x87: {  	_ =	shalt  }
.Lfunc_end0:
.L_simem_size_0:
called_computation.6_lowered:
.L_overlay_start_0:
0x88: {  	s2 =	sld [smem:$0x3FD9]  }
0x89: {  	s3 =	sld [smem:$0x3FFE];
	_ =	sdelay $0x1  }
0x8a: {  	s1 =	srdreg.scid  }
0x8b: {  	s0 =	sand.u32 $0x1, s1  }
0x8c: {  	s17 =	sshll.u32 s0, $0xA;
	s2 =	sadd.s32 s3, s2  }
0x8d: {  	s2 =	sadd.s32 s2, s17  }
0x8e: {  	[smem:$0x3FAD] =	sst s2  }
0x8f: {  	_ = 	snop  }
0x90: {  	(tm) =	ssettm $0x1  }
0x91: {  	s18 =	sld [smem:$0x3FFB];
	_ =	sdelay $0x3  }
0x92: {  	_ =	strace s18  }
0x93: {  	s2 =	sld [smem:$0x3FFC];
	_ =	sdelay $0x3  }
0x94: {  	_ =	strace s2  }
0x95: {  	s2 =	sld [smem:$0x3FFD];
	_ =	sdelay $0x3  }
0x96: {  	_ =	strace s2  }
0x97: {  	_ =	strace $0x8FFFFFFF  }
0x98: {  	s19 =	sld [smem:$0x3FDB];
	_ =	sdelay $0x1  }
0x99: {  	s20 =	simm.s32 $_scs_section_size  }
0x9a: {  	s4 =	simm.s32 $_size__tile_overlayer_lowered;
	s5 =	simm.s32 $_tile_overlayer_lowered  }
0x9b: {  	s6 =	simm.s32 $0x1BFF;
	s21 =	sshll.u32 s5, $0x1;
	s3 =	sadd.s32 s20, s19  }
0x9c: {  	s22 =	simm.s32 $0x0;
	s4 =	sshll.u32 s4, $0x1;
	s5 =	sadd.s32 s21, s3  }
0x9d: {  	[timem:s22], [sflag:s6] =	dma.local [hbm:s5], s4  }
0x9e: {  	_ =	swait.ge [sflag:s6], s4  }
0x9f: {  	s4 =	ssub.s32 $0x0, s4;
	[sflag:s6] =	ssyncset.done $0x0  }
0xa0: {  	[sflag:s6] =	ssyncadd.s32 s4;
	_ =	sdelay $0x1  }
0xa1: {  	s23 =	simm.s32 $0x1B8B  }
0xa2: {  	_ =	swait.ge [sflag:s23], $0x1  }
0xa3: {  	[sflag:s23] =	ssyncset.done $0x0  }
0xa4: {  	[sflag:s23] =	ssyncadd.s32 $0xFFFFFFFF  }
0xa5: {  	s4 =	sld [smem:$0x0]  }
0xa6: {  	s5 =	sand.u32 $0xFFFFFFFE, s1  }
0xa7: {  	p0 =	sne.s32 s1, s5  }
0xa8: {  	s5 =	sshll.u32 @p0 s5, $0xE  }
0xa9: {  	s5 =	sadd.s32 @p0 $0x11B8D, s5;
	s6 =	sshll.u32 @p0 s4, $0x11  }
0xaa: {  	s5 =	sor.u32 @p0 s6, s5  }
0xab: {  	[sflag:s5] =	ssyncadd.remote.s32 @p0 $0x1;
	_ =	sdelay $0x1  }
0xac: {  	s5 =	simm.s32 @p0 $0x1B8D  }
0xad: {  	_ =	swait.eq @p0 [sflag:s5], $0x1  }
0xae: {  	[sflag:s5] =	ssyncadd.s32 @p0 $0xFFFFFFFF  }
0xaf: {  	s6 =	sshll.u32 @!p0 s1, $0xE  }
0xb0: {  	s6 =	sor.u32 @!p0 $0x4000, s6;
	s5 =	simm.s32 @!p0 $0x1B8D  }
0xb1: {  	s4 =	sshll.u32 @!p0 s4, $0x11;
	s6 =	sadd.s32 @!p0 $0x11B8D, s6;
	_ =	swait.eq @!p0 [sflag:s5], $0x1  }
0xb2: {  	s4 =	sor.u32 @!p0 s4, s6;
	[sflag:s5] =	ssyncadd.s32 @!p0 $0xFFFFFFFF  }
0xb3: {  	s25 =	simm.s32 $0x1B8E;
	s24 =	sld [smem:$0x3FFE];
	[sflag:s4] =	ssyncadd.remote.s32 @!p0 $0x1  }
0xb4: {  	s26 =	simm.s32 $execute0_lowered;
	[smem:$0x3FD2] =	sst s25  }
0xb5: {  	s5 =	sshll.u32 s26, $0x1;
	_ =	strace $0x80000058;
	[dreg:$0x1] =	wrdreg $0xFFFFFFFF  }
0xb6: {  	s28 =	simm.s32 $_size_execute0_lowered;
	s3 =	sadd.s32 s3, s5;
	[dreg:$0x0] =	wrdreg $0x0  }
0xb7: {  	s5 =	sshll.u32 s28, $0x1;
	[dreg:$0x2] =	wrdreg s3  }
0xb8: {  	[dreg:$0x3] =	wrdreg s5  }
0xb9: {  	[dreg:$0x4] =	wrdreg $0xC0  }
0xba: {  	_ =	task [dreg:s22], $0x5FFFF  }
0xbb: {  	[dreg:$0x1] =	wrdreg $0xFFFFFFFF  }
0xbc: {  	[dreg:$0x0] =	wrdreg $0x60  }
0xbd: {  	[dreg:$0x2] =	wrdreg s24  }
0xbe: {  	[dreg:$0x3] =	wrdreg $0xC0000  }
0xbf: {  	[dreg:$0x4] =	wrdreg $0xB  }
0xc0: {  	_ =	task.clear_ibuf [dreg:s22], $0x5FFFF;
	_ =	strace $0x90000058  }
0xc1: {  	s29 =	simm.s32 $0xB;
	_ =	strace $0x8000005A  }
0xc2: {  	_ =	swait.ge [sflag:s29], $0x1  }
0xc3: {  	[sflag:s29] =	ssyncadd.s32 $0xFFFFFFFF  }
0xc4: {  	_ =	strace $0x9000005A  }
0xc5: {  	_ =	sfence  }
0xc6: {  	s30 =	sld [smem:$0x0];
	_ =	sdelay $0x2  }
0xc7: {  	s31 =	sshll.u32 s1, $0xD;
	s1 =	sshrl.u32 s1, $0x2  }
0xc8: {  	s4 =	sand.u32 $0x4000, s31;
	s1 =	sadd.s32 s1, s30  }
0xc9: {  	s0 =	sor.u32 s4, s0;
	s1 =	sshll.u32 s1, $0x11  }
0xca: {  	s0 =	sor.u32 s1, s0  }
0xcb: {  	s0 =	sadd.s32 $0x8F2B, s0  }
0xcc: {  	[sflag:s0] =	ssyncadd.remote.s32 $0x1  }
0xcd: {  	_ =	sfence.sel $0xFFFF  }
0xce: {  	[dreg:$0x0] =	wrdreg $0xFFFFFFFF;
	(pc) =	sbr.abs _section_cstart, $3  }
0xcf: {  	[dreg:$0x1] =	wrdreg $0xFFFFFFFF  }
0xd0: {  	_ =	task.clear_ibuf [dreg:s22], $0x2FFFF;
	_ =	strace $0x9FFFFFFF  }
0xd1: {  	(tm) =	ssettm $0x7FFFFFFF  }
tec
execute0_lowered:
.L_overlay_start_1:
0x0: {  	(tag) =	ssettag $0x1  }
0x1: {  	s6 =	rddreg [dreg:$0x0];
	s0 =	stileid.u32  }
0x2: {  	s1 =	srdreg.scid;
	s2 =	rddreg [dreg:$0x1];
	s3 =	simm.s32 $0x0  }
0x3: {  	s18 =	simm.s32 $0x4000;
	s19 =	simm.s32 $0x3;
	s20 =	simm.s32 $0x2000  }
0x4: {  	s21 =	simm.s32 $0x80;
	s22 =	simm.s32 $0x8000;
	s23 =	simm.s32 $0x1  }
0x5: {  	s25 =	simm.s32 $0x3D00;
	s26 =	simm.s32 $0x0;
	s5 =	smul.u32 $0x278, s0  }
0x6: {  	s12 =	sand.u32 $0x1, s1;
	[smem:$0x7FF] =	sst s3;
	s9 =	smul.u32 $0x4F000, s0  }
0x7: {  	s8 =	sshll.u32 s0, $0xA;
	s4 =	sadd.s32 $0x108E00, s6;
	s7 =	smul.u32 $0x2780, s12  }
0x8: {  	_ =	strace $0x80000059;
	s11 =	sadd.s32 s8, s6;
	s29 =	ssub.s32 $0x2, s12  }
0x9: {  	s24 =	smul.u32 $0x2710, s12;
	s30 =	sshrl.u32 s9, $0x2;
	s10 =	sshrl.u32 s29, $0x1  }
0xa: {  	s5 =	sadd.s32 s5, s7;
	s17 =	ssub.s32 s29, s10;
	s10 =	sadd.s32 $0xB2C00, s11  }
0xb: {  	s11 =	sadd.s32 $0xB6C00, s11;
	v0 =	vmov s24;
	s24 =	simm.s32 $0x2;
	s31 =	sshll.u32 s5, $0x4  }
0xc: {  	s5 =	sadd.s32 s30, s2;
	s17 =	smax.u32 s17, $0x1;
	s16 =	sadd.s32 s31, s6  }
0xd: {  	s6 =	sadd.s32 $0x4000, s5;
	s7 =	sadd.s32 $0x8000, s5;
	s8 =	sadd.s32 $0xC000, s5  }
0xe: {  	s9 =	sadd.s32 $0x10000, s5;
	s12 =	sadd.s32 $0x157000, s16;
	s13 =	sadd.s32 $0x157800, s16  }
0xf: {  	v1 =	vimm.f32 $0.0e+00;
	s14 =	sadd.s32 $0x158000, s16;
	s15 =	sadd.s32 $0x158800, s16;
	s16 =	sadd.s32 $0x159000, s16  }
.LBB2_1:
0x10: {  	s28 =	simm.s32 $0x0;
	s29 =	simm.s32 $0x200  }
.LBB2_2:
0x11: {  	p0 =	sne.s32 s29, $0xFE00;
	[tilespmem:s28+$0x4070] =	vst v1  }
0x12: {  	[tilespmem:s28+$0x4000] =	vst v1  }
0x13: {  	[tilespmem:s28+$0x4010] =	vst v1  }
.Ltmp0:
0x14: {  	[tilespmem:s28+$0x4020] =	vst v1;
	(pc) =	sbr.rel @p0 .LBB2_2-.Ltmp0, $4  }
0x15: {  	[tilespmem:s28+$0x4030] =	vst v1  }
0x16: {  	[tilespmem:s28+$0x4040] =	vst v1  }
0x17: {  	[tilespmem:s28+$0x4050] =	vst v1  }
0x18: {  	[tilespmem:s28+$0x4060] =	vst v1;
	s28 =	sshra.s32 s29, $0x2;
	s29 =	sadd.s32 $0x200, s29  }
0x19: {  	[tilespmem:s28+$0x4070] =	vst v1  }
0x1a: {  	[tilespmem:s28+$0x4000] =	vst v1  }
0x1b: {  	[tilespmem:s28+$0x4010] =	vst v1  }
0x1c: {  	[tilespmem:s28+$0x4020] =	vst v1  }
0x1d: {  	[tilespmem:s28+$0x4030] =	vst v1  }
0x1e: {  	[tilespmem:s28+$0x4040] =	vst v1  }
0x1f: {  	[tilespmem:s28+$0x4050] =	vst v1  }
0x20: {  	[tilespmem:s28+$0x4060] =	vst v1  }
0x21: {  	[spmem:s5] =	stream.linear.scatter [tilespmem:s18], [sflag:$0x3], $0x4000, $0x38;
	[tilespmem:$0x1FC00] =	vst v63  }
0x22: {  	_ =	swait.ge [sflag:s19], $0x4000  }
0x23: {  	[sflag:s19] =	ssyncset.done $0x0  }
0x24: {  	[sflag:s19] =	ssyncadd.s32 $0xFFFFC000  }
0x25: {  	[spmem:s6] =	stream.linear.scatter [tilespmem:s18], [sflag:$0x3], $0x4000, $0x38;
	[tilespmem:$0x1FC00] =	vst v63  }
0x26: {  	_ =	swait.ge [sflag:s19], $0x4000  }
0x27: {  	[sflag:s19] =	ssyncset.done $0x0  }
0x28: {  	[sflag:s19] =	ssyncadd.s32 $0xFFFFC000  }
0x29: {  	[spmem:s7] =	stream.linear.scatter [tilespmem:s18], [sflag:$0x3], $0x4000, $0x38;
	[tilespmem:$0x1FC00] =	vst v63  }
0x2a: {  	_ =	swait.ge [sflag:s19], $0x4000  }
0x2b: {  	[sflag:s19] =	ssyncset.done $0x0  }
0x2c: {  	[sflag:s19] =	ssyncadd.s32 $0xFFFFC000  }
0x2d: {  	[spmem:s8] =	stream.linear.scatter [tilespmem:s18], [sflag:$0x3], $0x4000, $0x38;
	[tilespmem:$0x1FC00] =	vst v63  }
0x2e: {  	_ =	swait.ge [sflag:s19], $0x4000  }
0x2f: {  	[sflag:s19] =	ssyncset.done $0x0  }
0x30: {  	[sflag:s19] =	ssyncadd.s32 $0xFFFFC000  }
0x31: {  	[spmem:s9] =	stream.linear.scatter [tilespmem:s18], [sflag:$0x3], $0x3C00, $0x38;
	[tilespmem:$0x1FC00] =	vst v63  }
0x32: {  	_ =	swait.ge [sflag:s19], $0x3C00  }
0x33: {  	[sflag:s19] =	ssyncset.done $0x0  }
0x34: {  	s28 =	simm.s32 $0x0;
	[sflag:s19] =	ssyncadd.s32 $0xFFFFC400  }
0x35: {  	[tilespmem:s28], [sflag:$0x3] =	stream.linear.gather [hbm4b:s10+s28], $0x1D80, $0x38;
	[tilespmem:$0x1FC00] =	vst v63  }
0x36: {  	_ =	swait.ge [sflag:s19], $0x1D80  }
0x37: {  	[sflag:s19] =	ssyncset.done $0x0  }
0x38: {  	[sflag:s19] =	ssyncadd.s32 $0xFFFFE280  }
0x39: {  	[tilespmem:s20], [sflag:$0x3] =	stream.linear.gather [hbm4b:s11+s28], $0x1D80, $0x38;
	[tilespmem:$0x1FC00] =	vst v63  }
0x3a: {  	_ =	swait.ge [sflag:s19], $0x1D80  }
0x3b: {  	[sflag:s19] =	ssyncset.done $0x0  }
0x3c: {  	s28 =	simm.s32 $0x0;
	[sflag:s19] =	ssyncadd.s32 $0xFFFFE280  }
0x3d: {  	v4 =	vld [tilespmem:s28+$0x0]  }
0x3e: {  	v6 =	vld [tilespmem:s28+$0x10]  }
0x3f: {  	v5 =	vld [tilespmem:s28+$0x20]  }
0x40: {  	v3 =	vld [tilespmem:s28+$0x30]  }
0x41: {  	v2 =	vld [tilespmem:s28+$0x40]  }
0x42: {  	v7 =	vadd.s32 v0, v4;
	v4 =	vld [tilespmem:s28+$0x50]  }
0x43: {  	s29 =	simm.s32 $0x200;
	[tilespmem:s28+$0x0] =	vst v7;
	v7 =	vadd.s32 v0, v6;
	v6 =	vld [tilespmem:s28+$0x60]  }
.LBB2_4:
0x44: {  	s30 =	sshra.s32 s29, $0x2;
	p0 =	sne.s32 s29, $0x7400;
	[tilespmem:s28+$0x10] =	vst v7;
	v5 =	vadd.s32 v0, v5;
	v7 =	vld [tilespmem:s28+$0x70]  }
0x45: {  	v8 =	vld [tilespmem:s30+$0x0];
	[tilespmem:s28+$0x20] =	vst v5;
	v3 =	vadd.s32 v0, v3  }
0x46: {  	v9 =	vld [tilespmem:s30+$0x10];
	[tilespmem:s28+$0x30] =	vst v3;
	v2 =	vadd.s32 v0, v2  }
.Ltmp1:
0x47: {  	v5 =	vld [tilespmem:s30+$0x20];
	[tilespmem:s28+$0x40] =	vst v2;
	v2 =	vadd.s32 v0, v4;
	(pc) =	sbr.rel @p0 .LBB2_4-.Ltmp1, $4  }
0x48: {  	v3 =	vld [tilespmem:s30+$0x30];
	[tilespmem:s28+$0x50] =	vst v2;
	v4 =	vadd.s32 v0, v6  }
0x49: {  	v2 =	vld [tilespmem:s30+$0x40];
	[tilespmem:s28+$0x60] =	vst v4;
	v6 =	vadd.s32 v0, v7  }
0x4a: {  	v7 =	vadd.s32 v0, v8;
	v4 =	vld [tilespmem:s30+$0x50];
	[tilespmem:s28+$0x70] =	vst v6;
	s28 =	smov.u32 s30  }
0x4b: {  	s29 =	sadd.s32 $0x200, s29;
	[tilespmem:s28+$0x0] =	vst v7;
	v7 =	vadd.s32 v0, v9;
	v6 =	vld [tilespmem:s28+$0x60]  }
0x4c: {  	[tilespmem:s28+$0x10] =	vst v7;
	v5 =	vadd.s32 v0, v5;
	v63 =	vld [tilespmem:s28+$0x70]  }
0x4d: {  	[tilespmem:s28+$0x20] =	vst v5;
	v3 =	vadd.s32 v0, v3  }
0x4e: {  	[tilespmem:s28+$0x30] =	vst v3;
	v2 =	vadd.s32 v0, v2  }
0x4f: {  	[tilespmem:s28+$0x40] =	vst v2;
	v2 =	vadd.s32 v0, v4  }
0x50: {  	[tilespmem:s28+$0x50] =	vst v2;
	v2 =	vadd.s32 v0, v6  }
0x51: {  	[tilespmem:s28+$0x60] =	vst v2;
	v2 =	vadd.s32 v0, v63  }
0x52: {  	[tilespmem:s28+$0x70] =	vst v2  }
0x53: {  	s28 =	simm.s32 $0x0;
	[bflag:$0x0] =	sbarrier.arrive $0xFFFF  }
0x54: {  	[tilespmem:s18], [sflag:$0x1] =	stream.indirect.gather [hbm4b:s4+s21], $0x80, s28, s21, $0xb8;
	[tilespmem:$0x1FC00] =	vst v63  }
0x55: {  	s28 =	simm.s32 $0x80  }
0x56: {  	[tilespmem:s22], [sflag:$0x2] =	stream.indirect.gather [hbm4b:s4+s21], $0x80, s28, s21, $0xb8;
	[tilespmem:$0x1FC00] =	vst v63  }
0x57: {  	_ =	swait.ge [sflag:s23], $0x4000  }
0x58: {  	[sflag:s23] =	ssyncset.done $0x0  }
0x59: {  	s28 =	simm.s32 $0x2000;
	[sflag:s23] =	ssyncadd.s32 $0xFFFFC000  }
0x5a: {  	[spmem:s2] =	stream.indirect.scatter.add.f32 [tilespmem:s18], [sflag:$0x3], $0x80, s28, s21, $0xb8;
	[tilespmem:$0x1FC00] =	vst v63  }
0x5b: {  	_ =	swait.ge [sflag:s19], $0x4000  }
0x5c: {  	[sflag:s19] =	ssyncset.done $0x0  }
0x5d: {  	s28 =	simm.s32 $0x100;
	[sflag:s19] =	ssyncadd.s32 $0xFFFFC000  }
0x5e: {  	[tilespmem:s18], [sflag:$0x1] =	stream.indirect.gather [hbm4b:s4+s21], $0x80, s28, s21, $0xb8;
	[tilespmem:$0x1FC00] =	vst v63  }
0x5f: {  	_ =	swait.ge [sflag:s24], $0x4000  }
0x60: {  	[sflag:s24] =	ssyncset.done $0x0  }
0x61: {  	s28 =	simm.s32 $0x2080;
	[sflag:s24] =	ssyncadd.s32 $0xFFFFC000  }
0x62: {  	[spmem:s2] =	stream.indirect.scatter.add.f32 [tilespmem:s22], [sflag:$0x3], $0x80, s28, s21, $0xb8;
	[tilespmem:$0x1FC00] =	vst v63  }
0x63: {  	_ =	swait.ge [sflag:s19], $0x4000  }
0x64: {  	s29 =	simm.s32 $0x800;
	s28 =	simm.s32 $0x100;
	[sflag:s19] =	ssyncset.done $0x0  }
.LBB2_6:
0x65: {  	s30 =	sadd.s32 $0x80, s28  }
0x66: {  	[sflag:s19] =	ssyncadd.s32 $0xFFFFC000;
	s31 =	smov.u32 s29;
	s1 =	sadd.s32 $0x400, s29  }
0x67: {  	[tilespmem:s22], [sflag:$0x2] =	stream.indirect.gather [hbm4b:s4+s21], $0x80, s30, s21, $0xb8;
	[tilespmem:$0x1FC00] =	vst v63  }
0x68: {  	p0 =	sne.s32 s29, $0x7000;
	_ =	swait.ge [sflag:s23], $0x4000  }
0x69: {  	[sflag:s23] =	ssyncset.done $0x0  }
0x6a: {  	s29 =	sadd.s32 $0x2000, s28;
	[sflag:s23] =	ssyncadd.s32 $0xFFFFC000  }
0x6b: {  	[spmem:s2] =	stream.indirect.scatter.add.f32 [tilespmem:s18], [sflag:$0x3], $0x80, s29, s21, $0xb8;
	[tilespmem:$0x1FC00] =	vst v63  }
0x6c: {  	_ =	swait.ge [sflag:s19], $0x4000  }
0x6d: {  	[sflag:s19] =	ssyncset.done $0x0  }
0x6e: {  	s29 =	sadd.s32 $0x100, s28;
	[sflag:s19] =	ssyncadd.s32 $0xFFFFC000  }
0x6f: {  	[tilespmem:s18], [sflag:$0x1] =	stream.indirect.gather [hbm4b:s4+s21], $0x80, s29, s21, $0xb8;
	[tilespmem:$0x1FC00] =	vst v63  }
0x70: {  	_ =	swait.ge [sflag:s24], $0x4000  }
.Ltmp2:
0x71: {  	[sflag:s24] =	ssyncset.done $0x0;
	(pc) =	sbr.rel @p0 .LBB2_6-.Ltmp2, $4  }
0x72: {  	s28 =	sadd.s32 $0x2080, s28;
	[sflag:s24] =	ssyncadd.s32 $0xFFFFC000  }
0x73: {  	[spmem:s2] =	stream.indirect.scatter.add.f32 [tilespmem:s22], [sflag:$0x3], $0x80, s28, s21, $0xb8;
	[tilespmem:$0x1FC00] =	vst v63  }
0x74: {  	_ =	swait.ge [sflag:s19], $0x4000  }
0x75: {  	s29 =	smov.u32 s1;
	s28 =	sshra.s32 s31, $0x2;
	[sflag:s19] =	ssyncset.done $0x0  }
0x76: {  	s1 =	sadd.s32 $0x80, s28;
	[sflag:s19] =	ssyncadd.s32 $0xFFFFC000  }
0x77: {  	[tilespmem:s22], [sflag:$0x2] =	stream.indirect.gather [hbm4b:s4+s21], $0x80, s1, s21, $0xb8;
	[tilespmem:$0x1FC00] =	vst v63  }
0x78: {  	_ =	swait.ge [sflag:s23], $0x4000  }
0x79: {  	[sflag:s23] =	ssyncset.done $0x0  }
0x7a: {  	s29 =	sadd.s32 $0x2000, s28;
	[sflag:s23] =	ssyncadd.s32 $0xFFFFC000  }
0x7b: {  	[spmem:s2] =	stream.indirect.scatter.add.f32 [tilespmem:s18], [sflag:$0x3], $0x80, s29, s21, $0xb8;
	[tilespmem:$0x1FC00] =	vst v63  }
0x7c: {  	_ =	swait.ge [sflag:s19], $0x4000  }
0x7d: {  	[sflag:s19] =	ssyncset.done $0x0  }
0x7e: {  	s30 =	sadd.s32 $0x100, s28;
	[sflag:s19] =	ssyncadd.s32 $0xFFFFC000  }
0x7f: {  	[tilespmem:s18], [sflag:$0x1] =	stream.indirect.gather [hbm4b:s4+s21], $0x80, s30, s21, $0xb8;
	[tilespmem:$0x1FC00] =	vst v63  }
0x80: {  	_ =	swait.ge [sflag:s24], $0x4000  }
0x81: {  	[sflag:s24] =	ssyncset.done $0x0  }
0x82: {  	s31 =	sadd.s32 $0x2080, s28;
	[sflag:s24] =	ssyncadd.s32 $0xFFFFC000  }
0x83: {  	[spmem:s2] =	stream.indirect.scatter.add.f32 [tilespmem:s22], [sflag:$0x3], $0x80, s31, s21, $0xb8;
	[tilespmem:$0x1FC00] =	vst v63  }
0x84: {  	_ =	swait.ge [sflag:s19], $0x4000  }
0x85: {  	[sflag:s19] =	ssyncset.done $0x0  }
0x86: {  	[sflag:s19] =	ssyncadd.s32 $0xFFFFC000  }
0x87: {  	_ =	swait.ge [sflag:s23], $0x4000  }
0x88: {  	[sflag:s23] =	ssyncset.done $0x0  }
0x89: {  	[sflag:s23] =	ssyncadd.s32 $0xFFFFC000  }
0x8a: {  	[spmem:s2] =	stream.indirect.scatter.add.f32 [tilespmem:s18], [sflag:$0x3], $0x80, s25, s21, $0xb8;
	[tilespmem:$0x1FC00] =	vst v63  }
0x8b: {  	_ =	swait.ge [sflag:s19], $0x4000  }
0x8c: {  	[sflag:s19] =	ssyncset.done $0x0  }
0x8d: {  	[sflag:s19] =	ssyncadd.s32 $0xFFFFC000  }
0x8e: {  	[bflag:$0x0] =	sbarrier.arrive $0xFFFF  }
0x8f: {  	[tilespmem:s18], [sflag:$0x3] =	stream.linear.gather [spmem:s5], $0x4000, $0x38;
	[tilespmem:$0x1FC00] =	vst v63  }
0x90: {  	_ =	swait.ge [sflag:s19], $0x4000  }
0x91: {  	[sflag:s19] =	ssyncset.done $0x0  }
0x92: {  	[sflag:s19] =	ssyncadd.s32 $0xFFFFC000  }
0x93: {  	[hbm4b:s12+s3] =	stream.linear.scatter [tilespmem:s18], [sflag:$0x3], $0x4000, $0x38;
	[tilespmem:$0x1FC00] =	vst v63  }
0x94: {  	_ =	swait.ge [sflag:s19], $0x4000  }
0x95: {  	[sflag:s19] =	ssyncset.done $0x0  }
0x96: {  	[sflag:s19] =	ssyncadd.s32 $0xFFFFC000  }
0x97: {  	[tilespmem:s18], [sflag:$0x3] =	stream.linear.gather [spmem:s6], $0x4000, $0x38;
	[tilespmem:$0x1FC00] =	vst v63  }
0x98: {  	_ =	swait.ge [sflag:s19], $0x4000  }
0x99: {  	[sflag:s19] =	ssyncset.done $0x0  }
0x9a: {  	[sflag:s19] =	ssyncadd.s32 $0xFFFFC000  }
0x9b: {  	[hbm4b:s13+s3] =	stream.linear.scatter [tilespmem:s18], [sflag:$0x3], $0x4000, $0x38;
	[tilespmem:$0x1FC00] =	vst v63  }
0x9c: {  	_ =	swait.ge [sflag:s19], $0x4000  }
0x9d: {  	[sflag:s19] =	ssyncset.done $0x0  }
0x9e: {  	[sflag:s19] =	ssyncadd.s32 $0xFFFFC000  }
0x9f: {  	[tilespmem:s18], [sflag:$0x3] =	stream.linear.gather [spmem:s7], $0x4000, $0x38;
	[tilespmem:$0x1FC00] =	vst v63  }
0xa0: {  	_ =	swait.ge [sflag:s19], $0x4000  }
0xa1: {  	[sflag:s19] =	ssyncset.done $0x0  }
0xa2: {  	[sflag:s19] =	ssyncadd.s32 $0xFFFFC000  }
0xa3: {  	[hbm4b:s14+s3] =	stream.linear.scatter [tilespmem:s18], [sflag:$0x3], $0x4000, $0x38;
	[tilespmem:$0x1FC00] =	vst v63  }
0xa4: {  	_ =	swait.ge [sflag:s19], $0x4000  }
0xa5: {  	[sflag:s19] =	ssyncset.done $0x0  }
0xa6: {  	[sflag:s19] =	ssyncadd.s32 $0xFFFFC000  }
0xa7: {  	[tilespmem:s18], [sflag:$0x3] =	stream.linear.gather [spmem:s8], $0x4000, $0x38;
	[tilespmem:$0x1FC00] =	vst v63  }
0xa8: {  	_ =	swait.ge [sflag:s19], $0x4000  }
0xa9: {  	[sflag:s19] =	ssyncset.done $0x0  }
0xaa: {  	[sflag:s19] =	ssyncadd.s32 $0xFFFFC000  }
0xab: {  	[hbm4b:s15+s3] =	stream.linear.scatter [tilespmem:s18], [sflag:$0x3], $0x4000, $0x38;
	[tilespmem:$0x1FC00] =	vst v63  }
0xac: {  	_ =	swait.ge [sflag:s19], $0x4000  }
0xad: {  	[sflag:s19] =	ssyncset.done $0x0  }
0xae: {  	[sflag:s19] =	ssyncadd.s32 $0xFFFFC000  }
0xaf: {  	[tilespmem:s18], [sflag:$0x3] =	stream.linear.gather [spmem:s9], $0x3C00, $0x38;
	[tilespmem:$0x1FC00] =	vst v63  }
0xb0: {  	s26 =	sadd.s32 $0x1, s26;
	_ =	swait.ge [sflag:s19], $0x3C00  }
0xb1: {  	p0 =	sne.s32 s26, s17;
	[sflag:s19] =	ssyncset.done $0x0  }
.Ltmp3:
0xb2: {  	[sflag:s19] =	ssyncadd.s32 $0xFFFFC400;
	(pc) =	sbr.rel @p0 .LBB2_1-.Ltmp3, $4  }
0xb3: {  	[hbm4b:s16+s3] =	stream.linear.scatter [tilespmem:s18], [sflag:$0x3], $0x3C00, $0x38;
	[tilespmem:$0x1FC00] =	vst v63  }
0xb4: {  	_ =	swait.ge [sflag:s19], $0x3C00  }
0xb5: {  	[sflag:s19] =	ssyncset.done $0x0  }
0xb6: {  	[sflag:s19] =	ssyncadd.s32 $0xFFFFC400  }
0xb7: {  	_ =	sfence.sel $0x180000  }
0xb8: {  	[bflag:$0x0] =	sbarrier.arrive $0xFFFF  }
0xb9: {  	_ =	strace $0x90000059  }
0xba: {  	[bflag:$0x2] =	sbarrier.arrive $0xFFFF  }
0xbb: {  	p0 =	sne.s32 s0, $0x0;
	s0 =	rddreg [dreg:$0x2]  }
0xbc: {  	s0 =	sadd.s32 @!p0 $0x100000, s0  }
0xbd: {  	[sflag:s0] =	ssyncadd.tile.s32 @!p0 $0x1;
	_ =	shalt  }
.Lfunc_end2:
_tile_overlayer_lowered:
.L_overlay_start_2:
0xbe: {  	(tag) =	ssettag $0x2  }
0xbf: {  	s0 =	rddreg [dreg:$0x0];
	s2 =	stileid.u32  }
0xc0: {  	s1 =	rddreg [dreg:$0x1];
	p0 =	sne.s32 s2, $0x0  }
0xc1: {  	s3 =	rddreg [dreg:$0x2];
	[bflag:$0x3] =	sbarrier.arrive $0xFFFF;
	s2 =	simm.s32 @!p0 $0x1C03  }
0xc2: {  	[timem:s3], [sflag:s2] =	dma.local @!p0 [hbm:s0], s1  }
0xc3: {  	s0 =	simm.s32 @!p0 $0x3  }
0xc4: {  	_ =	swait.ge @!p0 [sflag:s0], s1  }
0xc5: {  	s1 =	ssub.s32 @!p0 $0x0, s1;
	[sflag:s0] =	ssyncset.done @!p0 $0x0  }
0xc6: {  	[sflag:s0] =	ssyncadd.s32 @!p0 s1  }
0xc7: {  	[bflag:$0x3] =	sbarrier.arrive $0xFFFF  }
0xc8: {  	_ =	shalt  }

// kernel: kernel.24.cloned.1.call-start
scs
__scs_entry_jumppad:
0x0: {  	(pc) =	sbr.rel $0x88, $3  }
0x1: {  	(tag) =	ssettag $0x0;
	lr =	simm.s32 $0x1  }
0x2: {  	[smem:$0x3F86] =	sst lr;
	_ =	strace $0xD0000000  }
0x3: {  	_ = 	snop  }
0x4: {  	_ = 	snop  }
0x5: {  	_ = 	snop  }
0x6: {  	_ = 	snop  }
0x7: {  	_ = 	snop  }
__scs_overlays_trampoline_lowered:
0x8: {  	[smem:$0x3F95] =	sst s0  }
0x9: {  	[smem:$0x3F96] =	sst s1  }
0xa: {  	[smem:$0x3F97] =	sst s2  }
0xb: {  	[smem:$0x3F98] =	sst s3  }
0xc: {  	[smem:$0x3F99] =	sst s4  }
0xd: {  	[smem:$0x3F9A] =	sst s5  }
0xe: {  	[smem:$0x3F9B] =	sst s6  }
0xf: {  	[smem:$0x3F9C] =	sst s7  }
0x10: {  	[smem:$0x3F9D] =	sst s8  }
0x11: {  	[smem:$0x3F9E] =	sst s9;
	s0 =	simm.s32 @!p0 $0x0  }
0x12: {  	s1 =	sld [smem:$0x3F84];
	s0 =	simm.s32 @p0 $0x1  }
0x13: {  	[smem:$0x3F9F] =	sst s0;
	s0 =	simm.s32 @!p1 $0x0  }
0x14: {  	s2 =	sld [smem:$0x3F83];
	s0 =	simm.s32 @p1 $0x1  }
0x15: {  	[smem:$0x3FA0] =	sst s0;
	s0 =	simm.s32 @!p2 $0x0  }
0x16: {  	s3 =	sld [smem:$0x3FDB];
	s0 =	simm.s32 @p2 $0x1  }
0x17: {  	s4 =	simm.s32 $0x1BF5;
	[smem:$0x3FA2] =	sst s0  }
0x18: {  	s0 =	sld [smem:$0x3F85];
	_ =	swait.ge [sflag:s4], $0x0  }
0x19: {  	s7 =	sld [smem:$0x3F86]  }
0x1a: {  	s8 =	sadd.s32 $0xFFFFE003, lr  }
0x1b: {  	s9 =	sadd.s32 $0xFFFFFEF7, lr;
	s5 =	simm.s32 $0xFFFFFFFF;
	p2 =	slt.u32 s8, $0xFFFFF086  }
0x1c: {  	p1 =	slt.u32 s9, $0xF7A;
	s5 =	simm.s32 @!p2 $0x0  }
0x1d: {  	s5 =	simm.s32 @p1 $0x1;
	p0 =	seq.s32 s7, s2  }
0x1e: {  	s7 =	smul.u32 @!p0 $0xF7A, s2;
	p2 =	seq.s32 @!p0 s5, $0x0  }
0x1f: {  	s9 =	smul.u32 $0xF7A, s1;
	s8 =	simm.s32 @!p0 $0x1BF5;
	p2 =	por !p2, p0  }
0x20: {  	[sflag:s8] =	ssyncset.s32 @!p0 $0xFFFFF086;
	s6 =	sadd.s32 @!p0 s3, s7;
	s7 =	simm.s32 @!p0 $0x108  }
0x21: {  	s3 =	sadd.s32 s3, s9;
	s6 =	sadd.s32 @!p0 $0x88, s6;
	s7 =	simm.s32 @p2 $0x1082  }
0x22: {  	[simem:s7], [sflag:s8] =	dma.local @!p0 [hbm:s6], $0xF7A  }
0x23: {  	s9 =	sor.u32 $0xD0000000, s2;
	s6 =	simm.s32 $0x108;
	_ =	swait.ge @!p0 [sflag:s8], $0x0  }
0x24: {  	s3 =	sadd.s32 $0x88, s3;
	s6 =	simm.s32 @!p1 $0x1082;
	[sflag:s4] =	ssyncset.s32 $0xFFFFF086  }
0x25: {  	[simem:s6], [sflag:s4] =	dma.local [hbm:s3], $0xF7A  }
0x26: {  	[smem:$0x3F86] =	sst s1;
	(tag) =	ssettag s2;
	_ =	strace s9  }
0x27: {  	s1 =	sld [smem:$0x3F96]  }
0x28: {  	s2 =	sld [smem:$0x3F97]  }
0x29: {  	s4 =	sld [smem:$0x3F99]  }
0x2a: {  	p0 =	seq.s32 s5, $0x0;
	s5 =	sld [smem:$0x3F9A]  }
0x2b: {  	s6 =	sld [smem:$0x3F9B]  }
0x2c: {  	s7 =	sld [smem:$0x3F9C]  }
0x2d: {  	s3 =	simm.s32 $0x108;
	s8 =	sld [smem:$0x3F9D]  }
0x2e: {  	s3 =	simm.s32 @!p0 $0x1082;
	s9 =	sld [smem:$0x3F9E]  }
0x2f: {  	lr =	sadd.s32 s0, s3;
	s0 =	sld [smem:$0x3F95]  }
0x30: {  	s3 =	sld [smem:$0x3F98]  }
0x31: {  	[smem:$0x3FA1] =	sst s10  }
0x32: {  	s10 =	sld [smem:$0x3F9F];
	_ =	sdelay $0x3  }
0x33: {  	p0 =	seq.s32 s10, $0x1;
	s10 =	sld [smem:$0x3FA1];
	_ =	sdelay $0x3  }
0x34: {  	[smem:$0x3FA1] =	sst s10  }
0x35: {  	s10 =	sld [smem:$0x3FA0];
	_ =	sdelay $0x3  }
0x36: {  	p1 =	seq.s32 s10, $0x1;
	s10 =	sld [smem:$0x3FA1];
	_ =	sdelay $0x3  }
0x37: {  	[smem:$0x3FA1] =	sst s10  }
0x38: {  	s10 =	sld [smem:$0x3FA2]  }
0x39: {  	_ = 	snop;
	(pc) =	sbr.ind lr, $3  }
0x3a: {  	_ = 	snop  }
0x3b: {  	_ = 	snop  }
0x3c: {  	p2 =	seq.s32 s10, $0x1;
	s10 =	sld [smem:$0x3FA1]  }
0x3d: {  	_ =	shalt  }
0x3e: {  	_ =	shalt  }
0x3f: {  	_ =	shalt  }
0x40: {  	_ =	shalt  }
0x41: {  	_ =	shalt  }
0x42: {  	_ =	shalt  }
0x43: {  	_ =	shalt  }
0x44: {  	_ =	shalt  }
0x45: {  	_ =	shalt  }
0x46: {  	_ =	shalt  }
0x47: {  	_ =	shalt  }
0x48: {  	_ =	shalt  }
0x49: {  	_ =	shalt  }
0x4a: {  	_ =	shalt  }
0x4b: {  	_ =	shalt  }
0x4c: {  	_ =	shalt  }
0x4d: {  	_ =	shalt  }
0x4e: {  	_ =	shalt  }
0x4f: {  	_ =	shalt  }
0x50: {  	_ =	shalt  }
0x51: {  	_ =	shalt  }
0x52: {  	_ =	shalt  }
0x53: {  	_ =	shalt  }
0x54: {  	_ =	shalt  }
0x55: {  	_ =	shalt  }
0x56: {  	_ =	shalt  }
0x57: {  	_ =	shalt  }
0x58: {  	_ =	shalt  }
0x59: {  	_ =	shalt  }
0x5a: {  	_ =	shalt  }
0x5b: {  	_ =	shalt  }
0x5c: {  	_ =	shalt  }
0x5d: {  	_ =	shalt  }
0x5e: {  	_ =	shalt  }
0x5f: {  	_ =	shalt  }
0x60: {  	_ =	shalt  }
0x61: {  	_ =	shalt  }
0x62: {  	_ =	shalt  }
0x63: {  	_ =	shalt  }
0x64: {  	_ =	shalt  }
0x65: {  	_ =	shalt  }
0x66: {  	_ =	shalt  }
0x67: {  	_ =	shalt  }
0x68: {  	_ =	shalt  }
0x69: {  	_ =	shalt  }
0x6a: {  	_ =	shalt  }
0x6b: {  	_ =	shalt  }
0x6c: {  	_ =	shalt  }
0x6d: {  	_ =	shalt  }
0x6e: {  	_ =	shalt  }
0x6f: {  	_ =	shalt  }
0x70: {  	_ =	shalt  }
0x71: {  	_ =	shalt  }
0x72: {  	_ =	shalt  }
0x73: {  	_ =	shalt  }
0x74: {  	_ =	shalt  }
0x75: {  	_ =	shalt  }
0x76: {  	_ =	shalt  }
0x77: {  	_ =	shalt  }
0x78: {  	_ =	shalt  }
0x79: {  	_ =	shalt  }
0x7a: {  	_ =	shalt  }
0x7b: {  	_ =	shalt  }
0x7c: {  	_ =	shalt  }
0x7d: {  	_ =	shalt  }
0x7e: {  	_ =	shalt  }
0x7f: {  	_ =	shalt  }
0x80: {  	_ =	shalt  }
0x81: {  	_ =	shalt  }
0x82: {  	_ =	shalt  }
0x83: {  	_ =	shalt  }
0x84: {  	_ =	shalt  }
0x85: {  	_ =	shalt  }
0x86: {  	_ =	shalt  }
0x87: {  	_ =	shalt  }
.Lfunc_end0:
.L_simem_size_0:
called_computation.7_lowered:
.L_overlay_start_0:
0x88: {  	s2 =	sld [smem:$0x3FD9]  }
0x89: {  	s3 =	sld [smem:$0x3FFE];
	_ =	sdelay $0x1  }
0x8a: {  	s1 =	srdreg.scid  }
0x8b: {  	s0 =	sand.u32 $0x1, s1  }
0x8c: {  	s16 =	sshll.u32 s0, $0xA;
	s2 =	sadd.s32 s3, s2  }
0x8d: {  	s2 =	sadd.s32 s2, s16  }
0x8e: {  	[smem:$0x3FAD] =	sst s2  }
0x8f: {  	_ = 	snop  }
0x90: {  	(tm) =	ssettm $0x1  }
0x91: {  	s17 =	sld [smem:$0x3FFB];
	_ =	sdelay $0x3  }
0x92: {  	_ =	strace s17  }
0x93: {  	s2 =	sld [smem:$0x3FFC];
	_ =	sdelay $0x3  }
0x94: {  	_ =	strace s2  }
0x95: {  	s2 =	sld [smem:$0x3FFD];
	_ =	sdelay $0x3  }
0x96: {  	_ =	strace s2  }
0x97: {  	_ =	strace $0x8FFFFFFF  }
0x98: {  	s18 =	sld [smem:$0x3FDB];
	_ =	sdelay $0x1  }
0x99: {  	s19 =	simm.s32 $_scs_section_size  }
0x9a: {  	s4 =	simm.s32 $_size__tile_overlayer_lowered;
	s5 =	simm.s32 $_tile_overlayer_lowered  }
0x9b: {  	s22 =	simm.s32 $0x1BFF;
	s21 =	sshll.u32 s5, $0x1;
	s2 =	sadd.s32 s19, s18  }
0x9c: {  	s6 =	simm.s32 $0x0;
	s20 =	sshll.u32 s4, $0x1;
	s4 =	sadd.s32 s21, s2  }
0x9d: {  	[timem:s6], [sflag:s22] =	dma.local [hbm:s4], s20  }
0x9e: {  	_ =	swait.ge [sflag:s22], s20  }
0x9f: {  	s3 =	ssub.s32 $0x0, s20;
	[sflag:s22] =	ssyncset.done $0x0  }
0xa0: {  	[sflag:s22] =	ssyncadd.s32 s3;
	_ =	sdelay $0x1  }
0xa1: {  	s23 =	simm.s32 $0x1B8B  }
0xa2: {  	_ =	swait.ge [sflag:s23], $0x1  }
0xa3: {  	[sflag:s23] =	ssyncset.done $0x0  }
0xa4: {  	s25 =	simm.s32 $0x1B8E;
	s24 =	sld [smem:$0x3FFE];
	[sflag:s23] =	ssyncadd.s32 $0xFFFFFFFF  }
0xa5: {  	s26 =	simm.s32 $execute0_lowered;
	[smem:$0x3FD2] =	sst s25  }
0xa6: {  	s4 =	sshll.u32 s26, $0x1;
	_ =	strace $0x8000005B;
	[dreg:$0x1] =	wrdreg $0xFFFFFFFF  }
0xa7: {  	s28 =	simm.s32 $_size_execute0_lowered;
	s2 =	sadd.s32 s2, s4;
	[dreg:$0x0] =	wrdreg $0x0  }
0xa8: {  	s4 =	sshll.u32 s28, $0x1;
	[dreg:$0x2] =	wrdreg s2  }
0xa9: {  	[dreg:$0x3] =	wrdreg s4  }
0xaa: {  	[dreg:$0x4] =	wrdreg $0xC0  }
0xab: {  	_ =	task [dreg:s6], $0x5FFFF  }
0xac: {  	[dreg:$0x1] =	wrdreg $0xFFFFFFFF  }
0xad: {  	[dreg:$0x0] =	wrdreg $0x60  }
0xae: {  	[dreg:$0x2] =	wrdreg s24  }
0xaf: {  	[dreg:$0x3] =	wrdreg $0x9  }
0xb0: {  	_ =	task.clear_ibuf [dreg:s6], $0x4FFFF;
	_ =	strace $0x9000005B  }
0xb1: {  	s29 =	simm.s32 $0x9;
	_ =	strace $0x8000005D  }
0xb2: {  	_ =	swait.ge [sflag:s29], $0x1  }
0xb3: {  	[sflag:s29] =	ssyncadd.s32 $0xFFFFFFFF  }
0xb4: {  	_ =	strace $0x9000005D  }
0xb5: {  	_ =	sfence  }
0xb6: {  	s30 =	sld [smem:$0x0];
	_ =	sdelay $0x2  }
0xb7: {  	s31 =	sshll.u32 s1, $0xD;
	s1 =	sshrl.u32 s1, $0x2  }
0xb8: {  	s3 =	sand.u32 $0x4000, s31;
	s1 =	sadd.s32 s1, s30  }
0xb9: {  	s0 =	sor.u32 s3, s0;
	s1 =	sshll.u32 s1, $0x11  }
0xba: {  	s0 =	sor.u32 s1, s0  }
0xbb: {  	s0 =	sadd.s32 $0x8F2B, s0  }
0xbc: {  	[sflag:s0] =	ssyncadd.remote.s32 $0x1  }
0xbd: {  	_ =	sfence.sel $0xFFFF  }
0xbe: {  	[dreg:$0x0] =	wrdreg $0xFFFFFFFF;
	(pc) =	sbr.abs _section_cstart, $3  }
0xbf: {  	[dreg:$0x1] =	wrdreg $0xFFFFFFFF  }
0xc0: {  	_ =	task.clear_ibuf [dreg:s6], $0x2FFFF;
	_ =	strace $0x9FFFFFFF  }
0xc1: {  	(tm) =	ssettm $0x7FFFFFFF  }
tec
execute0_lowered:
.L_overlay_start_1:
0x0: {  	(tag) =	ssettag $0x1  }
0x1: {  	s0 =	rddreg [dreg:$0x0];
	s1 =	srdreg.scid;
	s2 =	simm.s32 $0x0  }
0x2: {  	s4 =	stileid.u32;
	s10 =	simm.s32 $0x2;
	s29 =	simm.s32 $0x9000  }
0x3: {  	s30 =	simm.s32 $0x9800;
	s31 =	simm.s32 $0xA000;
	s11 =	simm.s32 $0xB800  }
0x4: {  	s7 =	simm.s32 $0xC800;
	s9 =	simm.s32 $0xD000;
	s12 =	simm.s32 $0xD800  }
0x5: {  	s13 =	simm.s32 $0xE000;
	s14 =	simm.s32 $0xE800;
	s15 =	simm.s32 $0xF000  }
0x6: {  	s16 =	simm.s32 $0xF800;
	s17 =	simm.s32 $0x10000;
	s18 =	simm.s32 $0x10800  }
0x7: {  	s19 =	simm.s32 $0x1;
	s20 =	simm.s32 $0x11000;
	s1 =	sand.u32 $0x1, s1  }
0x8: {  	s21 =	simm.s32 $0x0;
	s28 =	simm.s32 $0x0;
	s23 =	sshll.u32 s1, $0x4  }
0x9: {  	[smem:$0x7FF] =	sst s2;
	s3 =	sadd.s32 $0x8C00, s0;
	s2 =	sor.u32 s4, s23  }
0xa: {  	_ =	strace $0x8000005C;
	s1 =	ssub.s32 $0x2, s1;
	s5 =	sshll.u32 s2, $0x8  }
0xb: {  	s4 =	sadd.s32 $0x58E00, s0;
	s24 =	sshrl.u32 s1, $0x1;
	s6 =	sadd.s32 s5, s0  }
0xc: {  	s8 =	smul.u32 $0x500, s2;
	s5 =	sadd.s32 $0xB1200, s0;
	s25 =	sadd.s32 $0xAF200, s6  }
0xd: {  	v2 =	vlaneseq.u32;
	s0 =	ssub.s32 s1, s24;
	s26 =	sadd.s32 $0x56E00, s6;
	[dreg:$0x2] =	wrdreg s25  }
0xe: {  	vm0 =	vmmov $0xffff;
	v1 =	vshrl.u32 v2, $0x3;
	s1 =	simm.s32 $0xB000;
	s0 =	smax.u32 s0, $0x1;
	[dreg:$0x3] =	wrdreg s26  }
0xf: {  	v0 =	vand.u32 $0x7, v2;
	v2 =	vor.u32 $0x8, v2;
	v1 =	vmul.u32 $0x8, v1;
	s6 =	simm.s32 $0xC000;
	[dreg:$0x4] =	wrdreg s0;
	s0 =	simm.s32 $0xA800  }
.LBB2_1:
0x10: {  	[dreg:$0x5] =	wrdreg s21  }
0x11: {  	s2 =	simm.s32 $0x0;
	s25 =	rddreg [dreg:$0x2]  }
0x12: {  	[tilespmem:s2], [sflag:$0x2] =	stream.linear.gather [hbm4b:s25+s2], $0x500, $0x38;
	[tilespmem:$0x15000] =	vst v63  }
0x13: {  	_ =	swait.ge [sflag:s10], $0x500  }
0x14: {  	[sflag:s10] =	ssyncset.done $0x0  }
0x15: {  	s22 =	simm.s32 $0x800;
	s26 =	rddreg [dreg:$0x3];
	[sflag:s10] =	ssyncadd.s32 $0xFFFFFB00  }
0x16: {  	[tilespmem:s22], [sflag:$0x2] =	stream.linear.gather [hbm4b:s26+s2], $0x500, $0x38;
	[tilespmem:$0x15000] =	vst v63  }
0x17: {  	_ =	swait.ge [sflag:s10], $0x500  }
0x18: {  	[sflag:s10] =	ssyncset.done $0x0  }
0x19: {  	s21 =	simm.s32 $0x0;
	[sflag:s10] =	ssyncadd.s32 $0xFFFFFB00  }
.LBB2_2:
0x1a: {  	s22 =	sshll.u32 s21, $0x7  }
0x1b: {  	v3 =	vld [tilespmem:s22+$0x0];
	_ =	sdelay $0x4  }
0x1c: {  	v4 =	vshll.u32 v3, $0x1  }
0x1d: {  	v3 =	vand.u32 $0x7, v3;
	v4 =	vand.u32 $0xFFFFFFF0, v4  }
0x1e: {  	v3 =	vor.u32 v3, v4  }
0x1f: {  	v4 =	vperm.xlane v3, v0;
	_ =	sdelay $0x1  }
0x20: {  	v3 =	vperm.xlane v3, v2;
	v4 =	vadd.s32 v1, v4;
	_ =	sdelay $0x1  }
0x21: {  	v3 =	vadd.s32 v1, v3;
	_ =	sdelay $0x1  }
0x22: {  	s23 =	simm.s32 $0x0;
	s2 =	simm.s32 $0x1000  }
0x23: {  	[tilespmem:s2], [sflag:$0x1] =	stream.indirect_vreg.gather [hbm4b:s3+s23], $0x80, v4, vm0, $0xb8;
	[tilespmem:$0x15000] =	vst v63  }
0x24: {  	s25 =	simm.s32 $0x1800  }
0x25: {  	[tilespmem:s25], [sflag:$0x1] =	stream.indirect_vreg.gather [hbm4b:s3+s23], $0x80, v3, vm0, $0xb8;
	[tilespmem:$0x15000] =	vst v63  }
0x26: {  	v3 =	vld [tilespmem:s22+$0x10];
	_ =	sdelay $0x4  }
0x27: {  	v4 =	vshll.u32 v3, $0x1  }
0x28: {  	v3 =	vand.u32 $0x7, v3;
	v4 =	vand.u32 $0xFFFFFFF0, v4  }
0x29: {  	v3 =	vor.u32 v3, v4  }
0x2a: {  	v4 =	vperm.xlane v3, v0;
	_ =	sdelay $0x1  }
0x2b: {  	v3 =	vperm.xlane v3, v2;
	v4 =	vadd.s32 v1, v4;
	_ =	sdelay $0x1  }
0x2c: {  	v3 =	vadd.s32 v1, v3;
	_ =	sdelay $0x1  }
0x2d: {  	s26 =	simm.s32 $0x2000  }
0x2e: {  	[tilespmem:s26], [sflag:$0x1] =	stream.indirect_vreg.gather [hbm4b:s3+s23], $0x80, v4, vm0, $0xb8;
	[tilespmem:$0x15000] =	vst v63  }
0x2f: {  	s24 =	simm.s32 $0x2800  }
0x30: {  	[tilespmem:s24], [sflag:$0x1] =	stream.indirect_vreg.gather [hbm4b:s3+s23], $0x80, v3, vm0, $0xb8;
	[tilespmem:$0x15000] =	vst v63  }
0x31: {  	v3 =	vld [tilespmem:s22+$0x20];
	_ =	sdelay $0x4  }
0x32: {  	v4 =	vshll.u32 v3, $0x1  }
0x33: {  	v3 =	vand.u32 $0x7, v3;
	v4 =	vand.u32 $0xFFFFFFF0, v4  }
0x34: {  	v3 =	vor.u32 v3, v4  }
0x35: {  	v4 =	vperm.xlane v3, v0;
	_ =	sdelay $0x1  }
0x36: {  	v3 =	vperm.xlane v3, v2;
	v4 =	vadd.s32 v1, v4;
	_ =	sdelay $0x1  }
0x37: {  	v3 =	vadd.s32 v1, v3;
	_ =	sdelay $0x1  }
0x38: {  	s25 =	simm.s32 $0x3000  }
0x39: {  	[tilespmem:s25], [sflag:$0x1] =	stream.indirect_vreg.gather [hbm4b:s3+s23], $0x80, v4, vm0, $0xb8;
	[tilespmem:$0x15000] =	vst v63  }
0x3a: {  	s26 =	simm.s32 $0x3800  }
0x3b: {  	[tilespmem:s26], [sflag:$0x1] =	stream.indirect_vreg.gather [hbm4b:s3+s23], $0x80, v3, vm0, $0xb8;
	[tilespmem:$0x15000] =	vst v63  }
0x3c: {  	v3 =	vld [tilespmem:s22+$0x30];
	_ =	sdelay $0x4  }
0x3d: {  	v4 =	vshll.u32 v3, $0x1  }
0x3e: {  	v3 =	vand.u32 $0x7, v3;
	v4 =	vand.u32 $0xFFFFFFF0, v4  }
0x3f: {  	v3 =	vor.u32 v3, v4  }
0x40: {  	v4 =	vperm.xlane v3, v0;
	_ =	sdelay $0x1  }
0x41: {  	v3 =	vperm.xlane v3, v2;
	v4 =	vadd.s32 v1, v4;
	_ =	sdelay $0x1  }
0x42: {  	v3 =	vadd.s32 v1, v3;
	_ =	sdelay $0x1  }
0x43: {  	s24 =	simm.s32 $0x4000  }
0x44: {  	[tilespmem:s24], [sflag:$0x1] =	stream.indirect_vreg.gather [hbm4b:s3+s23], $0x80, v4, vm0, $0xb8;
	[tilespmem:$0x15000] =	vst v63  }
0x45: {  	s25 =	simm.s32 $0x4800  }
0x46: {  	[tilespmem:s25], [sflag:$0x1] =	stream.indirect_vreg.gather [hbm4b:s3+s23], $0x80, v3, vm0, $0xb8;
	[tilespmem:$0x15000] =	vst v63  }
0x47: {  	v3 =	vld [tilespmem:s22+$0x40];
	_ =	sdelay $0x4  }
0x48: {  	v4 =	vshll.u32 v3, $0x1  }
0x49: {  	v3 =	vand.u32 $0x7, v3;
	v4 =	vand.u32 $0xFFFFFFF0, v4  }
0x4a: {  	v3 =	vor.u32 v3, v4  }
0x4b: {  	v4 =	vperm.xlane v3, v0;
	_ =	sdelay $0x1  }
0x4c: {  	v3 =	vperm.xlane v3, v2;
	v4 =	vadd.s32 v1, v4;
	_ =	sdelay $0x1  }
0x4d: {  	v3 =	vadd.s32 v1, v3;
	_ =	sdelay $0x1  }
0x4e: {  	s26 =	simm.s32 $0x5000  }
0x4f: {  	[tilespmem:s26], [sflag:$0x1] =	stream.indirect_vreg.gather [hbm4b:s3+s23], $0x80, v4, vm0, $0xb8;
	[tilespmem:$0x15000] =	vst v63  }
0x50: {  	s24 =	simm.s32 $0x5800  }
0x51: {  	[tilespmem:s24], [sflag:$0x1] =	stream.indirect_vreg.gather [hbm4b:s3+s23], $0x80, v3, vm0, $0xb8;
	[tilespmem:$0x15000] =	vst v63  }
0x52: {  	v3 =	vld [tilespmem:s22+$0x50];
	_ =	sdelay $0x4  }
0x53: {  	v4 =	vshll.u32 v3, $0x1  }
0x54: {  	v3 =	vand.u32 $0x7, v3;
	v4 =	vand.u32 $0xFFFFFFF0, v4  }
0x55: {  	v3 =	vor.u32 v3, v4  }
0x56: {  	v4 =	vperm.xlane v3, v0;
	_ =	sdelay $0x1  }
0x57: {  	v3 =	vperm.xlane v3, v2;
	v4 =	vadd.s32 v1, v4;
	_ =	sdelay $0x1  }
0x58: {  	v3 =	vadd.s32 v1, v3;
	_ =	sdelay $0x1  }
0x59: {  	s25 =	simm.s32 $0x6000  }
0x5a: {  	[tilespmem:s25], [sflag:$0x1] =	stream.indirect_vreg.gather [hbm4b:s3+s23], $0x80, v4, vm0, $0xb8;
	[tilespmem:$0x15000] =	vst v63  }
0x5b: {  	s26 =	simm.s32 $0x6800  }
0x5c: {  	[tilespmem:s26], [sflag:$0x1] =	stream.indirect_vreg.gather [hbm4b:s3+s23], $0x80, v3, vm0, $0xb8;
	[tilespmem:$0x15000] =	vst v63  }
0x5d: {  	v3 =	vld [tilespmem:s22+$0x60];
	_ =	sdelay $0x4  }
0x5e: {  	v4 =	vshll.u32 v3, $0x1  }
0x5f: {  	v3 =	vand.u32 $0x7, v3;
	v4 =	vand.u32 $0xFFFFFFF0, v4  }
0x60: {  	v3 =	vor.u32 v3, v4  }
0x61: {  	v4 =	vperm.xlane v3, v0;
	_ =	sdelay $0x1  }
0x62: {  	v3 =	vperm.xlane v3, v2;
	v4 =	vadd.s32 v1, v4;
	_ =	sdelay $0x1  }
0x63: {  	v3 =	vadd.s32 v1, v3;
	_ =	sdelay $0x1  }
0x64: {  	s24 =	simm.s32 $0x7000  }
0x65: {  	[tilespmem:s24], [sflag:$0x1] =	stream.indirect_vreg.gather [hbm4b:s3+s23], $0x80, v4, vm0, $0xb8;
	[tilespmem:$0x15000] =	vst v63  }
0x66: {  	s25 =	simm.s32 $0x7800  }
0x67: {  	[tilespmem:s25], [sflag:$0x1] =	stream.indirect_vreg.gather [hbm4b:s3+s23], $0x80, v3, vm0, $0xb8;
	[tilespmem:$0x15000] =	vst v63  }
0x68: {  	v3 =	vld [tilespmem:s22+$0x70];
	_ =	sdelay $0x4  }
0x69: {  	v4 =	vshll.u32 v3, $0x1  }
0x6a: {  	v3 =	vand.u32 $0x7, v3;
	v4 =	vand.u32 $0xFFFFFFF0, v4  }
0x6b: {  	v3 =	vor.u32 v3, v4  }
0x6c: {  	v4 =	vperm.xlane v3, v0;
	_ =	sdelay $0x1  }
0x6d: {  	v3 =	vperm.xlane v3, v2;
	v4 =	vadd.s32 v1, v4;
	_ =	sdelay $0x1  }
0x6e: {  	v3 =	vadd.s32 v1, v3;
	_ =	sdelay $0x1  }
0x6f: {  	s26 =	simm.s32 $0x8000  }
0x70: {  	[tilespmem:s26], [sflag:$0x1] =	stream.indirect_vreg.gather [hbm4b:s3+s23], $0x80, v4, vm0, $0xb8;
	[tilespmem:$0x15000] =	vst v63  }
0x71: {  	s24 =	simm.s32 $0x8800  }
0x72: {  	[tilespmem:s24], [sflag:$0x1] =	stream.indirect_vreg.gather [hbm4b:s3+s23], $0x80, v3, vm0, $0xb8;
	[tilespmem:$0x15000] =	vst v63  }
0x73: {  	v3 =	vld [tilespmem:s22+$0x800];
	_ =	sdelay $0x4  }
0x74: {  	v4 =	vshll.u32 v3, $0x1  }
0x75: {  	v3 =	vand.u32 $0x7, v3;
	v4 =	vand.u32 $0xFFFFFFF0, v4  }
0x76: {  	v3 =	vor.u32 v3, v4  }
0x77: {  	v4 =	vperm.xlane v3, v0;
	_ =	sdelay $0x1  }
0x78: {  	v3 =	vperm.xlane v3, v2;
	v4 =	vadd.s32 v1, v4;
	_ =	sdelay $0x1  }
0x79: {  	v3 =	vadd.s32 v1, v3;
	_ =	sdelay $0x2  }
0x7a: {  	[tilespmem:s29], [sflag:$0x1] =	stream.indirect_vreg.gather [hbm4b:s4+s23], $0x80, v4, vm0, $0xb8;
	[tilespmem:$0x15000] =	vst v63  }
0x7b: {  	_ = 	snop  }
0x7c: {  	[tilespmem:s30], [sflag:$0x1] =	stream.indirect_vreg.gather [hbm4b:s4+s23], $0x80, v3, vm0, $0xb8;
	[tilespmem:$0x15000] =	vst v63  }
0x7d: {  	v3 =	vld [tilespmem:s22+$0x810];
	_ =	sdelay $0x4  }
0x7e: {  	v4 =	vshll.u32 v3, $0x1  }
0x7f: {  	v3 =	vand.u32 $0x7, v3;
	v4 =	vand.u32 $0xFFFFFFF0, v4  }
0x80: {  	v3 =	vor.u32 v3, v4  }
0x81: {  	v4 =	vperm.xlane v3, v0;
	_ =	sdelay $0x1  }
0x82: {  	v3 =	vperm.xlane v3, v2;
	v4 =	vadd.s32 v1, v4;
	_ =	sdelay $0x1  }
0x83: {  	v3 =	vadd.s32 v1, v3;
	_ =	sdelay $0x2  }
0x84: {  	[tilespmem:s31], [sflag:$0x1] =	stream.indirect_vreg.gather [hbm4b:s4+s23], $0x80, v4, vm0, $0xb8;
	[tilespmem:$0x15000] =	vst v63  }
0x85: {  	_ = 	snop  }
0x86: {  	[tilespmem:s0], [sflag:$0x1] =	stream.indirect_vreg.gather [hbm4b:s4+s23], $0x80, v3, vm0, $0xb8;
	[tilespmem:$0x15000] =	vst v63  }
0x87: {  	v3 =	vld [tilespmem:s22+$0x820];
	_ =	sdelay $0x4  }
0x88: {  	v4 =	vshll.u32 v3, $0x1  }
0x89: {  	v3 =	vand.u32 $0x7, v3;
	v4 =	vand.u32 $0xFFFFFFF0, v4  }
0x8a: {  	v3 =	vor.u32 v3, v4  }
0x8b: {  	v4 =	vperm.xlane v3, v0;
	_ =	sdelay $0x1  }
0x8c: {  	v3 =	vperm.xlane v3, v2;
	v4 =	vadd.s32 v1, v4;
	_ =	sdelay $0x1  }
0x8d: {  	v3 =	vadd.s32 v1, v3;
	_ =	sdelay $0x2  }
0x8e: {  	[tilespmem:s1], [sflag:$0x1] =	stream.indirect_vreg.gather [hbm4b:s4+s23], $0x80, v4, vm0, $0xb8;
	[tilespmem:$0x15000] =	vst v63  }
0x8f: {  	_ = 	snop  }
0x90: {  	[tilespmem:s11], [sflag:$0x1] =	stream.indirect_vreg.gather [hbm4b:s4+s23], $0x80, v3, vm0, $0xb8;
	[tilespmem:$0x15000] =	vst v63  }
0x91: {  	v3 =	vld [tilespmem:s22+$0x830];
	_ =	sdelay $0x4  }
0x92: {  	v4 =	vshll.u32 v3, $0x1  }
0x93: {  	v3 =	vand.u32 $0x7, v3;
	v4 =	vand.u32 $0xFFFFFFF0, v4  }
0x94: {  	v3 =	vor.u32 v3, v4  }
0x95: {  	v4 =	vperm.xlane v3, v0;
	_ =	sdelay $0x1  }
0x96: {  	v3 =	vperm.xlane v3, v2;
	v4 =	vadd.s32 v1, v4;
	_ =	sdelay $0x1  }
0x97: {  	v3 =	vadd.s32 v1, v3;
	_ =	sdelay $0x2  }
0x98: {  	[tilespmem:s6], [sflag:$0x1] =	stream.indirect_vreg.gather [hbm4b:s4+s23], $0x80, v4, vm0, $0xb8;
	[tilespmem:$0x15000] =	vst v63  }
0x99: {  	_ = 	snop  }
0x9a: {  	[tilespmem:s7], [sflag:$0x1] =	stream.indirect_vreg.gather [hbm4b:s4+s23], $0x80, v3, vm0, $0xb8;
	[tilespmem:$0x15000] =	vst v63  }
0x9b: {  	v3 =	vld [tilespmem:s22+$0x840];
	_ =	sdelay $0x4  }
0x9c: {  	v4 =	vshll.u32 v3, $0x1  }
0x9d: {  	v3 =	vand.u32 $0x7, v3;
	v4 =	vand.u32 $0xFFFFFFF0, v4  }
0x9e: {  	v3 =	vor.u32 v3, v4  }
0x9f: {  	v4 =	vperm.xlane v3, v0;
	_ =	sdelay $0x1  }
0xa0: {  	v3 =	vperm.xlane v3, v2;
	v4 =	vadd.s32 v1, v4;
	_ =	sdelay $0x1  }
0xa1: {  	v3 =	vadd.s32 v1, v3;
	_ =	sdelay $0x2  }
0xa2: {  	[tilespmem:s9], [sflag:$0x1] =	stream.indirect_vreg.gather [hbm4b:s4+s23], $0x80, v4, vm0, $0xb8;
	[tilespmem:$0x15000] =	vst v63  }
0xa3: {  	_ = 	snop  }
0xa4: {  	[tilespmem:s12], [sflag:$0x1] =	stream.indirect_vreg.gather [hbm4b:s4+s23], $0x80, v3, vm0, $0xb8;
	[tilespmem:$0x15000] =	vst v63  }
0xa5: {  	v3 =	vld [tilespmem:s22+$0x850];
	_ =	sdelay $0x4  }
0xa6: {  	v4 =	vshll.u32 v3, $0x1  }
0xa7: {  	v3 =	vand.u32 $0x7, v3;
	v4 =	vand.u32 $0xFFFFFFF0, v4  }
0xa8: {  	v3 =	vor.u32 v3, v4  }
0xa9: {  	v4 =	vperm.xlane v3, v0;
	_ =	sdelay $0x1  }
0xaa: {  	v3 =	vperm.xlane v3, v2;
	v4 =	vadd.s32 v1, v4;
	_ =	sdelay $0x1  }
0xab: {  	v3 =	vadd.s32 v1, v3;
	_ =	sdelay $0x2  }
0xac: {  	[tilespmem:s13], [sflag:$0x1] =	stream.indirect_vreg.gather [hbm4b:s4+s23], $0x80, v4, vm0, $0xb8;
	[tilespmem:$0x15000] =	vst v63  }
0xad: {  	_ = 	snop  }
0xae: {  	[tilespmem:s14], [sflag:$0x1] =	stream.indirect_vreg.gather [hbm4b:s4+s23], $0x80, v3, vm0, $0xb8;
	[tilespmem:$0x15000] =	vst v63  }
0xaf: {  	v3 =	vld [tilespmem:s22+$0x860];
	_ =	sdelay $0x4  }
0xb0: {  	v4 =	vshll.u32 v3, $0x1  }
0xb1: {  	v3 =	vand.u32 $0x7, v3;
	v4 =	vand.u32 $0xFFFFFFF0, v4  }
0xb2: {  	v3 =	vor.u32 v3, v4  }
0xb3: {  	v4 =	vperm.xlane v3, v0;
	_ =	sdelay $0x1  }
0xb4: {  	v3 =	vperm.xlane v3, v2;
	v4 =	vadd.s32 v1, v4;
	_ =	sdelay $0x1  }
0xb5: {  	v3 =	vadd.s32 v1, v3;
	_ =	sdelay $0x2  }
0xb6: {  	[tilespmem:s15], [sflag:$0x1] =	stream.indirect_vreg.gather [hbm4b:s4+s23], $0x80, v4, vm0, $0xb8;
	[tilespmem:$0x15000] =	vst v63  }
0xb7: {  	_ = 	snop  }
0xb8: {  	[tilespmem:s16], [sflag:$0x1] =	stream.indirect_vreg.gather [hbm4b:s4+s23], $0x80, v3, vm0, $0xb8;
	[tilespmem:$0x15000] =	vst v63  }
0xb9: {  	v3 =	vld [tilespmem:s22+$0x870];
	_ =	sdelay $0x4  }
0xba: {  	v4 =	vshll.u32 v3, $0x1  }
0xbb: {  	v3 =	vand.u32 $0x7, v3;
	v4 =	vand.u32 $0xFFFFFFF0, v4  }
0xbc: {  	v3 =	vor.u32 v3, v4  }
0xbd: {  	v4 =	vperm.xlane v3, v0;
	_ =	sdelay $0x1  }
0xbe: {  	v3 =	vperm.xlane v3, v2;
	v4 =	vadd.s32 v1, v4;
	_ =	sdelay $0x1  }
0xbf: {  	v3 =	vadd.s32 v1, v3;
	_ =	sdelay $0x2  }
0xc0: {  	[tilespmem:s17], [sflag:$0x1] =	stream.indirect_vreg.gather [hbm4b:s4+s23], $0x80, v4, vm0, $0xb8;
	[tilespmem:$0x15000] =	vst v63  }
0xc1: {  	_ = 	snop  }
0xc2: {  	[tilespmem:s18], [sflag:$0x1] =	stream.indirect_vreg.gather [hbm4b:s4+s23], $0x80, v3, vm0, $0xb8;
	[tilespmem:$0x15000] =	vst v63  }
0xc3: {  	_ =	swait.ge [sflag:s19], $0x8000  }
0xc4: {  	[sflag:s19] =	ssyncset.done $0x0  }
0xc5: {  	[sflag:s19] =	ssyncadd.s32 $0xFFFF8000  }
0xc6: {  	_ =	swait.ge [sflag:s19], $0x8000  }
0xc7: {  	s25 =	sand.u32 $0x7800, s23;
	s23 =	sand.u32 $0x380, s23;
	[sflag:s19] =	ssyncset.done $0x0  }
0xc8: {  	s2 =	sor.u32 s23, s25;
	[sflag:s19] =	ssyncadd.s32 $0xFFFF8000  }
0xc9: {  	v3 =	vld [tilespmem:s2+$0x9000]  }
0xca: {  	v4 =	vld [tilespmem:s2+$0x1000]  }
0xcb: {  	v5 =	vld [tilespmem:s2+$0x1010]  }
0xcc: {  	v6 =	vld [tilespmem:s2+$0x9010]  }
0xcd: {  	v7 =	vld [tilespmem:s2+$0x1020]  }
0xce: {  	v8 =	vld [tilespmem:s2+$0x9020]  }
0xcf: {  	v9 =	vld [tilespmem:s2+$0x1030]  }
0xd0: {  	v10 =	vld [tilespmem:s2+$0x9030]  }
0xd1: {  	v3 =	vmul.f32 v3, v4;
	v4 =	vmul.f32 v6, v5;
	v5 =	vld [tilespmem:s2+$0x1040]  }
0xd2: {  	v6 =	vld [tilespmem:s2+$0x9040]  }
0xd3: {  	v52 =	vld [tilespmem:s2+$0x9050];
	v3 =	vadd.f32 v4, v3;
	v4 =	vmul.f32 v8, v7  }
0xd4: {  	v7 =	vld [tilespmem:s2+$0x1050]  }
0xd5: {  	v53 =	vld [tilespmem:s2+$0x1060];
	v3 =	vadd.f32 v4, v3;
	v4 =	vmul.f32 v10, v9  }
0xd6: {  	v54 =	vld [tilespmem:s2+$0x9060]  }
0xd7: {  	v3 =	vadd.f32 v4, v3;
	v4 =	vmul.f32 v6, v5;
	v5 =	vld [tilespmem:s2+$0x1070]  }
0xd8: {  	v6 =	vld [tilespmem:s2+$0x9070]  }
0xd9: {  	v55 =	vld [tilespmem:s2+$0x9400];
	v3 =	vadd.f32 v4, v3;
	v4 =	vmul.f32 v52, v7  }
0xda: {  	v7 =	vld [tilespmem:s2+$0x1400]  }
0xdb: {  	v56 =	vld [tilespmem:s2+$0x1410];
	v3 =	vadd.f32 v4, v3;
	v4 =	vmul.f32 v54, v53  }
0xdc: {  	v57 =	vld [tilespmem:s2+$0x9410]  }
0xdd: {  	v3 =	vadd.f32 v4, v3;
	v4 =	vmul.f32 v6, v5;
	v5 =	vld [tilespmem:s2+$0x1420]  }
0xde: {  	v6 =	vld [tilespmem:s2+$0x9420]  }
0xdf: {  	v58 =	vld [tilespmem:s2+$0x9430];
	v3 =	vadd.f32 v4, v3;
	v4 =	vmul.f32 v55, v7  }
0xe0: {  	v7 =	vld [tilespmem:s2+$0x1430]  }
0xe1: {  	v59 =	vld [tilespmem:s2+$0x1440];
	v3 =	vadd.f32 v4, v3;
	v4 =	vmul.f32 v57, v56  }
0xe2: {  	v60 =	vld [tilespmem:s2+$0x9440]  }
0xe3: {  	v3 =	vadd.f32 v4, v3;
	v4 =	vmul.f32 v6, v5;
	v5 =	vld [tilespmem:s2+$0x1450]  }
0xe4: {  	v6 =	vld [tilespmem:s2+$0x9450]  }
0xe5: {  	v61 =	vld [tilespmem:s2+$0x9460];
	v3 =	vadd.f32 v4, v3;
	v4 =	vmul.f32 v58, v7  }
0xe6: {  	v7 =	vld [tilespmem:s2+$0x1460]  }
0xe7: {  	v62 =	vld [tilespmem:s2+$0x1470];
	v3 =	vadd.f32 v4, v3;
	v4 =	vmul.f32 v60, v59  }
0xe8: {  	v63 =	vld [tilespmem:s2+$0x9470]  }
0xe9: {  	v3 =	vadd.f32 v4, v3;
	v4 =	vmul.f32 v6, v5;
	_ =	sdelay $0x1  }
0xea: {  	v3 =	vadd.f32 v4, v3;
	v4 =	vmul.f32 v61, v7;
	_ =	sdelay $0x1  }
0xeb: {  	v3 =	vadd.f32 v4, v3;
	v4 =	vmul.f32 v63, v62;
	_ =	sdelay $0x1  }
0xec: {  	s26 =	simm.s32 $0x100;
	s24 =	simm.s32 $0x80;
	v3 =	vadd.f32 v4, v3  }
0xed: {  	s23 =	simm.s32 $0x11000;
	s25 =	sand.u32 $0x380, s24;
	s2 =	sand.u32 $0x7800, s26  }
0xee: {  	s2 =	sor.u32 s25, s2;
	[tilespmem:s23+$0x0] =	vst v3  }
0xef: {  	v3 =	vld [tilespmem:s2+$0x9000]  }
0xf0: {  	s25 =	simm.s32 $0x200;
	v4 =	vld [tilespmem:s2+$0x1000]  }
.LBB2_3:
0xf1: {  	p0 =	sne.s32 s25, $0x7F00;
	v5 =	vld [tilespmem:s2+$0x1010]  }
0xf2: {  	v6 =	vld [tilespmem:s2+$0x9010]  }
0xf3: {  	v7 =	vld [tilespmem:s2+$0x1020]  }
0xf4: {  	v8 =	vld [tilespmem:s2+$0x9020]  }
0xf5: {  	v9 =	vld [tilespmem:s2+$0x1030]  }
0xf6: {  	v10 =	vld [tilespmem:s2+$0x9030]  }
0xf7: {  	v3 =	vmul.f32 v3, v4;
	v4 =	vmul.f32 v6, v5;
	v5 =	vld [tilespmem:s2+$0x1040]  }
0xf8: {  	v6 =	vld [tilespmem:s2+$0x9040]  }
0xf9: {  	v3 =	vadd.f32 v4, v3;
	v4 =	vmul.f32 v8, v7;
	v7 =	vld [tilespmem:s2+$0x1050]  }
0xfa: {  	v8 =	vld [tilespmem:s2+$0x9050]  }
0xfb: {  	v3 =	vadd.f32 v4, v3;
	v4 =	vmul.f32 v10, v9;
	v9 =	vld [tilespmem:s2+$0x1060]  }
0xfc: {  	v10 =	vld [tilespmem:s2+$0x9060]  }
0xfd: {  	v3 =	vadd.f32 v4, v3;
	v4 =	vmul.f32 v6, v5;
	v5 =	vld [tilespmem:s2+$0x1070]  }
0xfe: {  	v6 =	vld [tilespmem:s2+$0x9070]  }
0xff: {  	v3 =	vadd.f32 v4, v3;
	v4 =	vmul.f32 v8, v7;
	v7 =	vld [tilespmem:s2+$0x1400]  }
0x100: {  	v8 =	vld [tilespmem:s2+$0x9400]  }
0x101: {  	v3 =	vadd.f32 v4, v3;
	v4 =	vmul.f32 v10, v9;
	v9 =	vld [tilespmem:s2+$0x1410]  }
0x102: {  	v10 =	vld [tilespmem:s2+$0x9410]  }
0x103: {  	v3 =	vadd.f32 v4, v3;
	v4 =	vmul.f32 v6, v5;
	v5 =	vld [tilespmem:s2+$0x1420]  }
0x104: {  	v6 =	vld [tilespmem:s2+$0x9420]  }
0x105: {  	v3 =	vadd.f32 v4, v3;
	v4 =	vmul.f32 v8, v7;
	v7 =	vld [tilespmem:s2+$0x1430]  }
0x106: {  	v8 =	vld [tilespmem:s2+$0x9430]  }
0x107: {  	v3 =	vadd.f32 v4, v3;
	v4 =	vmul.f32 v10, v9;
	v9 =	vld [tilespmem:s2+$0x1440]  }
0x108: {  	v10 =	vld [tilespmem:s2+$0x9440]  }
0x109: {  	v3 =	vadd.f32 v4, v3;
	v4 =	vmul.f32 v6, v5;
	v5 =	vld [tilespmem:s2+$0x1450]  }
0x10a: {  	v6 =	vld [tilespmem:s2+$0x9450]  }
0x10b: {  	v3 =	vadd.f32 v4, v3;
	v4 =	vmul.f32 v8, v7;
	v7 =	vld [tilespmem:s2+$0x1460]  }
0x10c: {  	v8 =	vld [tilespmem:s2+$0x9460]  }
0x10d: {  	v3 =	vadd.f32 v4, v3;
	v4 =	vmul.f32 v10, v9;
	v9 =	vld [tilespmem:s2+$0x1470]  }
0x10e: {  	v10 =	vld [tilespmem:s2+$0x9470]  }
0x10f: {  	v3 =	vadd.f32 v4, v3;
	v4 =	vmul.f32 v6, v5;
	_ =	sdelay $0x1  }
0x110: {  	v3 =	vadd.f32 v4, v3;
	v4 =	vmul.f32 v8, v7;
	_ =	sdelay $0x1  }
0x111: {  	v3 =	vadd.f32 v4, v3;
	v4 =	vmul.f32 v10, v9;
	_ =	sdelay $0x1  }
.Ltmp0:
0x112: {  	s24 =	sadd.s32 $0x80, s24;
	v3 =	vadd.f32 v4, v3;
	(pc) =	sbr.rel @p0 .LBB2_3-.Ltmp0, $4  }
0x113: {  	s23 =	sadd.s32 $0x80, s23;
	s26 =	sand.u32 $0x380, s24;
	s2 =	sand.u32 $0x7800, s25  }
0x114: {  	s2 =	sor.u32 s26, s2;
	[tilespmem:s23+$0x0] =	vst v3  }
0x115: {  	v3 =	vld [tilespmem:s2+$0x9000]  }
0x116: {  	s25 =	sadd.s32 $0x100, s25;
	v4 =	vld [tilespmem:s2+$0x1000]  }
0x117: {  	v5 =	vld [tilespmem:s2+$0x1010]  }
0x118: {  	v6 =	vld [tilespmem:s2+$0x9010]  }
0x119: {  	v7 =	vld [tilespmem:s2+$0x1020]  }
0x11a: {  	v8 =	vld [tilespmem:s2+$0x9020]  }
0x11b: {  	v9 =	vld [tilespmem:s2+$0x1030]  }
0x11c: {  	v10 =	vld [tilespmem:s2+$0x9030]  }
0x11d: {  	v26 =	vld [tilespmem:s2+$0x1040];
	v3 =	vmul.f32 v3, v4;
	v25 =	vmul.f32 v6, v5  }
0x11e: {  	v27 =	vld [tilespmem:s2+$0x9040]  }
0x11f: {  	v29 =	vld [tilespmem:s2+$0x1050];
	v28 =	vmul.f32 v8, v7;
	v3 =	vadd.f32 v25, v3  }
0x120: {  	v30 =	vld [tilespmem:s2+$0x9050]  }
0x121: {  	v32 =	vld [tilespmem:s2+$0x1060];
	v31 =	vmul.f32 v10, v9;
	v3 =	vadd.f32 v28, v3  }
0x122: {  	v33 =	vld [tilespmem:s2+$0x9060]  }
0x123: {  	v35 =	vld [tilespmem:s2+$0x1070];
	v34 =	vmul.f32 v27, v26;
	v3 =	vadd.f32 v31, v3  }
0x124: {  	v36 =	vld [tilespmem:s2+$0x9070]  }
0x125: {  	v38 =	vld [tilespmem:s2+$0x1400];
	v37 =	vmul.f32 v30, v29;
	v3 =	vadd.f32 v34, v3  }
0x126: {  	v39 =	vld [tilespmem:s2+$0x9400]  }
0x127: {  	v41 =	vld [tilespmem:s2+$0x1410];
	v40 =	vmul.f32 v33, v32;
	v3 =	vadd.f32 v37, v3  }
0x128: {  	v42 =	vld [tilespmem:s2+$0x9410]  }
0x129: {  	v44 =	vld [tilespmem:s2+$0x1420];
	v43 =	vmul.f32 v36, v35;
	v3 =	vadd.f32 v40, v3  }
0x12a: {  	v45 =	vld [tilespmem:s2+$0x9420]  }
0x12b: {  	v47 =	vld [tilespmem:s2+$0x1430];
	v46 =	vmul.f32 v39, v38;
	v3 =	vadd.f32 v43, v3  }
0x12c: {  	v48 =	vld [tilespmem:s2+$0x9430]  }
0x12d: {  	v50 =	vld [tilespmem:s2+$0x1440];
	v49 =	vmul.f32 v42, v41;
	v3 =	vadd.f32 v46, v3  }
0x12e: {  	v51 =	vld [tilespmem:s2+$0x9440]  }
0x12f: {  	v53 =	vld [tilespmem:s2+$0x1450];
	v52 =	vmul.f32 v45, v44;
	v3 =	vadd.f32 v49, v3  }
0x130: {  	v54 =	vld [tilespmem:s2+$0x9450]  }
0x131: {  	v56 =	vld [tilespmem:s2+$0x1460];
	v55 =	vmul.f32 v48, v47;
	v3 =	vadd.f32 v52, v3  }
0x132: {  	v57 =	vld [tilespmem:s2+$0x9460]  }
0x133: {  	v59 =	vld [tilespmem:s2+$0x1470];
	v58 =	vmul.f32 v51, v50;
	v3 =	vadd.f32 v55, v3  }
0x134: {  	v60 =	vld [tilespmem:s2+$0x9470]  }
0x135: {  	v61 =	vmul.f32 v54, v53;
	v3 =	vadd.f32 v58, v3;
	_ =	sdelay $0x1  }
0x136: {  	v62 =	vmul.f32 v57, v56;
	v3 =	vadd.f32 v61, v3;
	_ =	sdelay $0x1  }
0x137: {  	v63 =	vmul.f32 v60, v59;
	v3 =	vadd.f32 v62, v3;
	_ =	sdelay $0x1  }
0x138: {  	s25 =	sadd.s32 s8, s22;
	s21 =	sadd.s32 $0x1, s21;
	v3 =	vadd.f32 v63, v3  }
0x139: {  	s26 =	sadd.s32 $0x80, s23;
	s2 =	sshll.u32 s25, $0x4;
	p0 =	sne.s32 s21, $0xA  }
.Ltmp1:
0x13a: {  	s2 =	sadd.s32 s5, s2;
	[tilespmem:s26+$0x0] =	vst v3;
	(pc) =	sbr.rel @p0 .LBB2_2-.Ltmp1, $4  }
0x13b: {  	[hbm4b:s2+s28] =	stream.linear.scatter [tilespmem:s20], [sflag:$0x2], $0x4000, $0x38;
	[tilespmem:$0x15000] =	vst v63  }
0x13c: {  	_ =	swait.ge [sflag:s10], $0x4000  }
0x13d: {  	[sflag:s10] =	ssyncset.done $0x0  }
0x13e: {  	[sflag:s10] =	ssyncadd.s32 $0xFFFFC000  }
0x13f: {  	s21 =	rddreg [dreg:$0x5]  }
0x140: {  	s2 =	rddreg [dreg:$0x4];
	s21 =	sadd.s32 $0x1, s21  }
0x141: {  	p0 =	sne.s32 s21, s2  }
.Ltmp2:
0x142: {  	_ = 	snop;
	(pc) =	sbr.rel @p0 .LBB2_1-.Ltmp2, $1  }
0x143: {  	_ =	sdelay $0x3  }
0x144: {  	_ =	sfence.sel $0x180000  }
0x145: {  	[bflag:$0x0] =	sbarrier.arrive $0xFFFF  }
0x146: {  	_ =	strace $0x9000005C  }
0x147: {  	s0 =	stileid.u32;
	[bflag:$0x2] =	sbarrier.arrive $0xFFFF  }
0x148: {  	p0 =	sne.s32 s0, $0x0;
	s0 =	rddreg [dreg:$0x1]  }
0x149: {  	s0 =	sadd.s32 @!p0 $0x100000, s0  }
0x14a: {  	[sflag:s0] =	ssyncadd.tile.s32 @!p0 $0x1;
	_ =	shalt  }
.Lfunc_end2:
_tile_overlayer_lowered:
.L_overlay_start_2:
0x14b: {  	(tag) =	ssettag $0x2  }
0x14c: {  	s0 =	rddreg [dreg:$0x0];
	s2 =	stileid.u32  }
0x14d: {  	s1 =	rddreg [dreg:$0x1];
	p0 =	sne.s32 s2, $0x0  }
0x14e: {  	s3 =	rddreg [dreg:$0x2];
	[bflag:$0x3] =	sbarrier.arrive $0xFFFF;
	s2 =	simm.s32 @!p0 $0x1C02  }
0x14f: {  	[timem:s3], [sflag:s2] =	dma.local @!p0 [hbm:s0], s1  }
0x150: {  	s0 =	simm.s32 @!p0 $0x2  }
0x151: {  	_ =	swait.ge @!p0 [sflag:s0], s1  }
0x152: {  	s1 =	ssub.s32 @!p0 $0x0, s1;
	[sflag:s0] =	ssyncset.done @!p0 $0x0  }
0x153: {  	[sflag:s0] =	ssyncadd.s32 @!p0 s1  }
0x154: {  	[bflag:$0x3] =	sbarrier.arrive $0xFFFF  }
0x155: {  	_ =	shalt  }

</sc_bundles>
